<compile_context>
chip_gen: v7x
topology: tpu7x:2x2x1
jax: 0.10.2.dev20260603
libtpu: 0.0.44.dev20260713+nightly
codegen_flags: <defaults>
</compile_context>

<pallas_src>
import functools

import jax
import jax.numpy as jnp
from jax import lax
from jax.experimental import pallas as pl
from jax.experimental.pallas import tpu as pltpu
from jax.experimental.pallas import tpu_sc as plsc

HID = 64
HEADS = 4
C = HID // HEADS
NG = 256

NCORE = 2
NSUB = 16
NW = NCORE * NSUB
EB = 80
AW = 2 * C


def _make_edge_kernel(N, E):
    E2 = 2 * E
    CH = E2 // NW
    mesh = plsc.VectorSubcoreMesh(core_axis_name="c", subcore_axis_name="s")

    @functools.partial(
        pl.kernel,
        out_type=jax.ShapeDtypeStruct((HEADS * NCORE * N, AW), jnp.float32),
        mesh=mesh,
        scratch_types=[
            pltpu.VMEM_SHARED((N, AW), jnp.float32),
            [pltpu.VMEM((EB,), jnp.int32)] * 2,
            [pltpu.VMEM((EB,), jnp.int32)] * 2,
            [pltpu.VMEM((EB,), jnp.int32)] * 2,
            [pltpu.VMEM((EB,), jnp.int32)] * 2,
            [pltpu.VMEM((EB,), jnp.int32)] * 2,
            [pltpu.VMEM((EB,), jnp.int32)] * 2,
            [pltpu.VMEM((EB, C), jnp.float32)] * 2,
            [pltpu.VMEM((EB, C), jnp.float32)] * 2,
            [pltpu.VMEM((EB, C), jnp.float32)] * 2,
            [pltpu.VMEM((EB, C), jnp.float32)] * 2,
            pltpu.VMEM((EB, AW), jnp.float32),
            [pltpu.SemaphoreType.DMA] * 2,
            [pltpu.SemaphoreType.DMA] * 2,
        ],
        compiler_params=pltpu.CompilerParams(
            needs_layout_passes=False, use_tc_tiling_on_sc=False),
    )
    def edge_kernel(q4, k4, v4, e4, srcall, dstall, zrows,
                    out_nd,
                    acc, srcb, dstb, srca, dsta, dsts, eidx,
                    qb, kb, vb, eb, ob, sem_i, sem_g):
        cid = lax.axis_index("c")
        sid = lax.axis_index("s")
        wid = cid * NSUB + sid
        weo = wid * CH
        iota = lax.iota(jnp.int32, 16)
        iota4 = iota * 4
        zvec = jnp.zeros((C,), jnp.float32)
        NB = CH // EB
        ebase = weo - cid * E

        @pl.loop(0, HEADS)
        def _head(h):
            @pl.when(sid == 0)
            def _():
                pltpu.sync_copy(zrows, acc)

            @pl.loop(0, EB)
            def _z(i):
                ob[i, pl.ds(C, C)] = zvec

            plsc.subcore_barrier()

            def issue_idx(bi, d):
                off = weo + bi * EB
                pltpu.async_copy(srcall.at[pl.ds(off, EB)], srcb[d], sem_i[d])
                pltpu.async_copy(dstall.at[pl.ds(off, EB)], dstb[d], sem_i[d])

            def wait_idx(d):
                pltpu.make_async_copy(srcall.at[pl.ds(0, EB)], srcb[d], sem_i[d]).wait()
                pltpu.make_async_copy(dstall.at[pl.ds(0, EB)], dstb[d], sem_i[d]).wait()

            def adj_issue_gathers(bi, d):
                e0 = (ebase + bi * EB) * 4 + h

                @pl.loop(0, EB, step=16)
                def _adj(i):
                    sl = pl.ds(i, 16)
                    srca[d][sl] = srcb[d][sl] * 4 + h
                    dsta[d][sl] = dstb[d][sl] * 4 + h
                    dsts[d][sl] = dstb[d][sl]
                    eidx[d][sl] = (e0 + i * 4) + iota4

                pltpu.async_copy(q4.at[dsta[d]], qb[d], sem_g[d])
                pltpu.async_copy(k4.at[srca[d]], kb[d], sem_g[d])
                pltpu.async_copy(v4.at[srca[d]], vb[d], sem_g[d])
                pltpu.async_copy(e4.at[eidx[d]], eb[d], sem_g[d])

            def wait_gathers(d):
                pltpu.make_async_copy(q4.at[dsta[d]], qb[d], sem_g[d]).wait()
                pltpu.make_async_copy(k4.at[srca[d]], kb[d], sem_g[d]).wait()
                pltpu.make_async_copy(v4.at[srca[d]], vb[d], sem_g[d]).wait()
                pltpu.make_async_copy(e4.at[eidx[d]], eb[d], sem_g[d]).wait()

            def compute_scatter(d):
                @pl.loop(0, EB, step=16)
                def _group(gi):
                    rows = gi + iota
                    alpha = None
                    ecols = []
                    for c in range(C):
                        colc = jnp.full((16,), c, jnp.int32)
                        qc = plsc.load_gather(qb[d], [rows, colc])
                        kc = plsc.load_gather(kb[d], [rows, colc])
                        ec = plsc.load_gather(eb[d], [rows, colc])
                        ecols.append(ec)
                        term = qc * (kc + ec)
                        alpha = term if alpha is None else alpha + term
                    w = jnp.exp(alpha * 0.25)
                    for c in range(C):
                        colc = jnp.full((16,), c, jnp.int32)
                        vc = plsc.load_gather(vb[d], [rows, colc])
                        plsc.store_scatter(ob, [rows, colc], w * (vc + ecols[c]))
                    hcol = jnp.full((16,), C, jnp.int32) + h
                    plsc.store_scatter(ob, [rows, hcol], w)

                pltpu.sync_copy(ob, acc.at[dsts[d]], add=True)

            issue_idx(0, 0)
            issue_idx(1, 1)
            wait_idx(0)
            adj_issue_gathers(0, 0)
            issue_idx(2, 0)

            @pl.loop(0, NB - 1, step=2)
            def _block(b):
                wait_idx(1)
                adj_issue_gathers(b + 1, 1)

                @pl.when(b < NB - 3)
                def _():
                    issue_idx(b + 3, 1)

                wait_gathers(0)
                compute_scatter(0)
                wait_idx(0)
                adj_issue_gathers(b + 2, 0)

                @pl.when(b < NB - 3)
                def _():
                    issue_idx(b + 4, 0)

                wait_gathers(1)
                compute_scatter(1)

            wait_gathers(0)
            compute_scatter(0)

            plsc.subcore_barrier()

            @pl.when(sid == 0)
            def _():
                pltpu.sync_copy(acc, out_nd.at[pl.ds((h * NCORE + cid) * N, N)])

            plsc.subcore_barrier()

    return edge_kernel


def kernel(x, edge_index, edge_attr, batch, params):
    p = params
    N = x.shape[0]
    E = edge_attr.shape[0]

    nf = jax.nn.relu(jax.nn.relu(x @ p['nW0'] + p['nb0']) @ p['nW1'] + p['nb1'])
    ef = jax.nn.relu(jax.nn.relu(edge_attr @ p['eW0'] + p['eb0']) @ p['eW1'] + p['eb1'])
    e = ef @ p['We']

    q = nf @ p['Wq'] + p['bq']
    k = nf @ p['Wk'] + p['bk']
    v = nf @ p['Wv'] + p['bv']

    q4 = q.reshape(HEADS * N, C)
    k4 = k.reshape(HEADS * N, C)
    v4 = v.reshape(HEADS * N, C)
    e4 = e.reshape(HEADS * E, C)

    srcall = jnp.concatenate([edge_index[0], edge_index[1]], axis=0)
    dstall = jnp.concatenate([edge_index[1], edge_index[0]], axis=0)
    zrows = jnp.zeros((N, AW), jnp.float32)

    out_nd = _make_edge_kernel(N, E)(
        q4, k4, v4, e4, srcall, dstall, zrows)

    nd = out_nd.reshape(HEADS, NCORE, N, AW).sum(axis=1)
    numer = nd[..., :C]
    denom = jnp.stack([nd[h, :, C + h] for h in range(HEADS)])[..., None]
    out = (numer / (denom + 1e-16)).transpose(1, 0, 2).reshape(N, HID)

    out = out + nf @ p['Wskip'] + p['bskip']
    mu = out.mean(axis=-1, keepdims=True)
    var = ((out - mu) ** 2).mean(axis=-1, keepdims=True)
    nfn = (out - mu) / jnp.sqrt(var + 1e-5) * p['ln_g'] + p['ln_b']
    nf2 = nfn + nf

    ones = jnp.ones((N,), jnp.float32)
    cnt = jax.ops.segment_sum(ones, batch, num_segments=NG)
    gf = jax.ops.segment_sum(nf2, batch, num_segments=NG) / jnp.clip(cnt, 1.0)[:, None]
    cls = (jax.nn.relu(gf @ p['cW0'] + p['cb0']) @ p['cW1'] + p['cb1']).squeeze(-1)
    reg = (jax.nn.relu(gf @ p['rW0'] + p['rb0']) @ p['rW1'] + p['rb1']).squeeze(-1)
    return (cls, reg)

# --- scband reference (transcript-rebuilt; emitter-appended) ---
"""Pipeline reference for scband-vtx-net-3504693313655 (READ-ONLY COPY).

The authoritative reference and input builder live on the scoring server;
editing this copy changes nothing except your own understanding.
"""

import jax, jax.numpy as jnp
import numpy as np

N = 50000
E = 800000
NIN = 16
EIN = 4
HID = 64
HEADS = 4
C = HID // HEADS
NG = 256

def _init(k, shape, scale=0.1):
    return jax.random.normal(k, shape, dtype=jnp.float32) * scale

def setup_inputs(seed: int = 0):
    key = jax.random.key(seed)
    ks = jax.random.split(key, 24)
    x = jax.random.normal(ks[0], (N, NIN), dtype=jnp.float32)
    edge_index = jax.random.randint(ks[1], (2, E), 0, N)
    edge_attr = jax.random.normal(ks[2], (E, EIN), dtype=jnp.float32)
    batch = jnp.sort(jax.random.randint(ks[3], (N,), 0, NG))
    p = {
        'nW0': _init(ks[4], (NIN, HID)), 'nb0': jnp.zeros((HID,), jnp.float32),
        'nW1': _init(ks[5], (HID, HID)), 'nb1': jnp.zeros((HID,), jnp.float32),
        'eW0': _init(ks[6], (EIN, HID)), 'eb0': jnp.zeros((HID,), jnp.float32),
        'eW1': _init(ks[7], (HID, HID)), 'eb1': jnp.zeros((HID,), jnp.float32),
        'Wq': _init(ks[8], (HID, HID)), 'bq': jnp.zeros((HID,), jnp.float32),
        'Wk': _init(ks[9], (HID, HID)), 'bk': jnp.zeros((HID,), jnp.float32),
        'Wv': _init(ks[10], (HID, HID)), 'bv': jnp.zeros((HID,), jnp.float32),
        'We': _init(ks[11], (HID, HID)),
        'Wskip': _init(ks[12], (HID, HID)), 'bskip': jnp.zeros((HID,), jnp.float32),
        'ln_g': jnp.ones((HID,), jnp.float32), 'ln_b': jnp.zeros((HID,), jnp.float32),
        'cW0': _init(ks[13], (HID, HID)), 'cb0': jnp.zeros((HID,), jnp.float32),
        'cW1': _init(ks[14], (HID, 1)), 'cb1': jnp.zeros((1,), jnp.float32),
        'rW0': _init(ks[15], (HID, HID)), 'rb0': jnp.zeros((HID,), jnp.float32),
        'rW1': _init(ks[16], (HID, 1)), 'rb1': jnp.zeros((1,), jnp.float32),
    }
    return {'x': x, 'edge_index': edge_index, 'edge_attr': edge_attr, 'batch': batch, 'params': p}

def _forward(x, edge_attr, params, edge_index, batch):
    p = params
    src = jnp.concatenate([edge_index[0], edge_index[1]], axis=0)
    dst = jnp.concatenate([edge_index[1], edge_index[0]], axis=0)
    ea = jnp.concatenate([edge_attr, edge_attr], axis=0)
    nf = jax.nn.relu(jax.nn.relu(x @ p['nW0'] + p['nb0']) @ p['nW1'] + p['nb1'])
    ef = jax.nn.relu(jax.nn.relu(ea @ p['eW0'] + p['eb0']) @ p['eW1'] + p['eb1'])
    x0 = nf
    e0 = ef
    q = (nf @ p['Wq'] + p['bq']).reshape(N, HEADS, C)
    k = (nf @ p['Wk'] + p['bk']).reshape(N, HEADS, C)
    v = (nf @ p['Wv'] + p['bv']).reshape(N, HEADS, C)
    e = (ef @ p['We']).reshape(-1, HEADS, C)
    kj = k[src] + e
    vj = v[src] + e
    alpha = jnp.sum(q[dst] * kj, axis=-1) / jnp.sqrt(float(C))
    amax = jax.ops.segment_max(alpha, dst, num_segments=N)
    amax = jnp.where(jnp.isfinite(amax), amax, 0.0)
    ex = jnp.exp(alpha - amax[dst])
    denom = jax.ops.segment_sum(ex, dst, num_segments=N)
    attn = ex / (denom[dst] + 1e-16)
    out = jax.ops.segment_sum(vj * attn[..., None], dst, num_segments=N).reshape(N, HID)
    out = out + nf @ p['Wskip'] + p['bskip']
    mu = out.mean(axis=-1, keepdims=True)
    var = ((out - mu) ** 2).mean(axis=-1, keepdims=True)
    nfn = (out - mu) / jnp.sqrt(var + 1e-5) * p['ln_g'] + p['ln_b']
    ef_new = nfn[dst] - nfn[src]
    nf2 = nfn + x0
    ef2 = ef_new + e0
    ones = jnp.ones((N,), jnp.float32)
    cnt = jax.ops.segment_sum(ones, batch, num_segments=NG)
    gf = jax.ops.segment_sum(nf2, batch, num_segments=NG) / jnp.clip(cnt, 1.0)[:, None]
    cls = (jax.nn.relu(gf @ p['cW0'] + p['cb0']) @ p['cW1'] + p['cb1']).squeeze(-1)
    reg = (jax.nn.relu(gf @ p['rW0'] + p['rb0']) @ p['rW1'] + p['rb1']).squeeze(-1)
    return (cls, reg)

def reference(x, edge_index, edge_attr, batch, params):
    return _forward(x, edge_attr, params, edge_index, batch)

if __name__ == "__main__":
    import jax
    _d = setup_inputs()
    print(jax.jit(kernel)(*tuple(_d.values())))

</pallas_src>

<mosaic_0001>
#map = affine_map<(d0, d1) -> (0, 0)>
#map1 = affine_map<(d0, d1) -> (0)>
module attributes {stable_mosaic.version = 14 : i64} {
  func.func @edge_kernel(%arg0: i32, %arg1: i32, %arg2: memref<200000x16xf32, #tpu.memory_space<hbm>>, %arg3: memref<200000x16xf32, #tpu.memory_space<hbm>>, %arg4: memref<200000x16xf32, #tpu.memory_space<hbm>>, %arg5: memref<3200000x16xf32, #tpu.memory_space<hbm>>, %arg6: memref<1600000xi32, #tpu.memory_space<hbm>>, %arg7: memref<1600000xi32, #tpu.memory_space<hbm>>, %arg8: memref<50000x32xf32, #tpu.memory_space<hbm>>, %arg9: memref<400000x32xf32, #tpu.memory_space<hbm>>, %arg10: memref<50000x32xf32, #tpu.memory_space<vmem_shared>>, %arg11: memref<80xi32, #tpu.memory_space<vmem>>, %arg12: memref<80xi32, #tpu.memory_space<vmem>>, %arg13: memref<80xi32, #tpu.memory_space<vmem>>, %arg14: memref<80xi32, #tpu.memory_space<vmem>>, %arg15: memref<80xi32, #tpu.memory_space<vmem>>, %arg16: memref<80xi32, #tpu.memory_space<vmem>>, %arg17: memref<80xi32, #tpu.memory_space<vmem>>, %arg18: memref<80xi32, #tpu.memory_space<vmem>>, %arg19: memref<80xi32, #tpu.memory_space<vmem>>, %arg20: memref<80xi32, #tpu.memory_space<vmem>>, %arg21: memref<80xi32, #tpu.memory_space<vmem>>, %arg22: memref<80xi32, #tpu.memory_space<vmem>>, %arg23: memref<80x16xf32, #tpu.memory_space<vmem>>, %arg24: memref<80x16xf32, #tpu.memory_space<vmem>>, %arg25: memref<80x16xf32, #tpu.memory_space<vmem>>, %arg26: memref<80x16xf32, #tpu.memory_space<vmem>>, %arg27: memref<80x16xf32, #tpu.memory_space<vmem>>, %arg28: memref<80x16xf32, #tpu.memory_space<vmem>>, %arg29: memref<80x16xf32, #tpu.memory_space<vmem>>, %arg30: memref<80x16xf32, #tpu.memory_space<vmem>>, %arg31: memref<80x32xf32, #tpu.memory_space<vmem>>, %arg32: memref<!tpu.dma_semaphore, #tpu.memory_space<semaphore_mem>>, %arg33: memref<!tpu.dma_semaphore, #tpu.memory_space<semaphore_mem>>, %arg34: memref<!tpu.dma_semaphore, #tpu.memory_space<semaphore_mem>>, %arg35: memref<!tpu.dma_semaphore, #tpu.memory_space<semaphore_mem>>) attributes {dimension_semantics = [#tpu.dimension_semantics<core_parallel>, #tpu.dimension_semantics<subcore_parallel>], iteration_bounds = array<i64: 2, 16>, scalar_prefetch = 0 : i64, scratch_operands = 26 : i64, tpu.core_type = #tpu.core_type<sc_vector_subcore>, window_params = [{transform_indices = #map}, {transform_indices = #map}, {transform_indices = #map}, {transform_indices = #map}, {transform_indices = #map1}, {transform_indices = #map1}, {transform_indices = #map}, {transform_indices = #map}]} {
    %mul3A = arith.constant 16 : i32
    %mul3A_0 = arith.muli %arg0, %mul3A : i32
    %add3A = arith.addi %mul3A_0, %arg1 : i32
    %mul3A_1 = arith.constant 50000 : i32
    %mul3A_2 = arith.muli %add3A, %mul3A_1 : i32
    %iota3A = tpu.iota {dimensions = array<i32: 0>} : vector<16xi32>
    %mul3A_3 = arith.constant 4 : i32
    %mul3A_4 = vector.broadcast %mul3A_3 : i32 to vector<16xi32>
    %mul3A_5 = arith.muli %iota3A, %mul3A_4 : vector<16xi32>
    %broadcast_in_dim3A = arith.constant 0.000000e+00 : f32
    %broadcast_in_dim3A_6 = vector.broadcast %broadcast_in_dim3A : f32 to vector<16xf32>
    %mul3A_7 = arith.constant 800000 : i32
    %mul3A_8 = arith.muli %arg0, %mul3A_7 : i32
    %sub3A = arith.subi %mul3A_2, %mul3A_8 : i32
    %scan3A = arith.constant 0 : i32
    %scan3A_9 = arith.constant 4 : i32
    %scan3A_10 = arith.addi %scan3A, %scan3A_9 : i32
    %scan3A_11 = arith.constant 1 : i32
    scf.for %scan3A_13 = %scan3A to %scan3A_10 step %scan3A_11  : i32 {
      %mul3A_14 = arith.constant 1 : i32
      %mul3A_15 = arith.muli %scan3A_13, %mul3A_14 : i32
      %add3A_16 = arith.constant 0 : i32
      %add3A_17 = arith.addi %add3A_16, %mul3A_15 : i32
      %eq3A = arith.constant 0 : i32
      %eq3A_18 = arith.cmpi eq, %arg1, %eq3A : i32
      %convert_element_type3A = arith.extui %eq3A_18 : i1 to i32
      %cond3A = arith.constant 0 : i32
      %cond3A_19 = arith.cmpi ne, %convert_element_type3A, %cond3A : i32
      scf.if %cond3A_19 {
        "tpu.region"() ({
          %run_scoped3A = tpu.sem_alloc : memref<!tpu.dma_semaphore, #tpu.memory_space<semaphore_mem>>
          tpu.enqueue_dma source(%arg8 : memref<50000x32xf32, #tpu.memory_space<hbm>>) target(%arg10 : memref<50000x32xf32, #tpu.memory_space<vmem_shared>>) target_semaphore(%run_scoped3A : memref<!tpu.dma_semaphore, #tpu.memory_space<semaphore_mem>>)
          tpu.wait_dma2 semaphore(%run_scoped3A : memref<!tpu.dma_semaphore, #tpu.memory_space<semaphore_mem>>) src(%arg8 : memref<50000x32xf32, #tpu.memory_space<hbm>>) dst(%arg10 : memref<50000x32xf32, #tpu.memory_space<vmem_shared>>)
          tpu.yield
        }) : () -> ()
      } else {
      }
      %scan3A_20 = arith.constant 0 : i32
      %scan3A_21 = arith.constant 80 : i32
      %scan3A_22 = arith.addi %scan3A_20, %scan3A_21 : i32
      %scan3A_23 = arith.constant 1 : i32
      scf.for %scan3A_100 = %scan3A_20 to %scan3A_22 step %scan3A_23  : i32 {
        %mul3A_101 = arith.constant 1 : i32
        %mul3A_102 = arith.muli %scan3A_100, %mul3A_101 : i32
        %add3A_103 = arith.constant 0 : i32
        %add3A_104 = arith.addi %add3A_103, %mul3A_102 : i32
        %swap3A = arith.index_cast %add3A_104 : i32 to index
        %swap3A_105 = arith.constant 16 : index
        %swap3A_106 = tpu.vector_load %arg31[%swap3A, %swap3A_105] {strides = array<i32>} : memref<80x32xf32, #tpu.memory_space<vmem>>, vector<16xf32>,
        tpu.vector_store %arg31[%swap3A, %swap3A_105], %broadcast_in_dim3A_6 {strides = array<i32>} : memref<80x32xf32, #tpu.memory_space<vmem>>, vector<16xf32>,
      }
      %scan3A_24 = arith.constant 80 : i32
      %barrier3A = arith.constant 0 : index
      tpu.barrier barrier_id(%barrier3A)
      %add3A_25 = arith.constant 0 : i32
      %add3A_26 = arith.addi %mul3A_2, %add3A_25 : i32
      %dma_start3A = tpu.memref_slice %arg6[%add3A_26] : memref<1600000xi32, #tpu.memory_space<hbm>> -> memref<80xi32, #tpu.memory_space<hbm>>
      %dma_start3A_27 = tpu.memref_slice %arg6[%add3A_26] : memref<1600000xi32, #tpu.memory_space<hbm>> -> memref<80xi32, #tpu.memory_space<hbm>>
      tpu.enqueue_dma source(%dma_start3A_27 : memref<80xi32, #tpu.memory_space<hbm>>) target(%arg11 : memref<80xi32, #tpu.memory_space<vmem>>) target_semaphore(%arg32 : memref<!tpu.dma_semaphore, #tpu.memory_space<semaphore_mem>>)
      %dma_start3A_28 = tpu.memref_slice %arg7[%add3A_26] : memref<1600000xi32, #tpu.memory_space<hbm>> -> memref<80xi32, #tpu.memory_space<hbm>>
      %dma_start3A_29 = tpu.memref_slice %arg7[%add3A_26] : memref<1600000xi32, #tpu.memory_space<hbm>> -> memref<80xi32, #tpu.memory_space<hbm>>
      tpu.enqueue_dma source(%dma_start3A_29 : memref<80xi32, #tpu.memory_space<hbm>>) target(%arg13 : memref<80xi32, #tpu.memory_space<vmem>>) target_semaphore(%arg32 : memref<!tpu.dma_semaphore, #tpu.memory_space<semaphore_mem>>)
      %add3A_30 = arith.constant 80 : i32
      %add3A_31 = arith.addi %mul3A_2, %add3A_30 : i32
      %dma_start3A_32 = tpu.memref_slice %arg6[%add3A_31] : memref<1600000xi32, #tpu.memory_space<hbm>> -> memref<80xi32, #tpu.memory_space<hbm>>
      %dma_start3A_33 = tpu.memref_slice %arg6[%add3A_31] : memref<1600000xi32, #tpu.memory_space<hbm>> -> memref<80xi32, #tpu.memory_space<hbm>>
      tpu.enqueue_dma source(%dma_start3A_33 : memref<80xi32, #tpu.memory_space<hbm>>) target(%arg12 : memref<80xi32, #tpu.memory_space<vmem>>) target_semaphore(%arg33 : memref<!tpu.dma_semaphore, #tpu.memory_space<semaphore_mem>>)
      %dma_start3A_34 = tpu.memref_slice %arg7[%add3A_31] : memref<1600000xi32, #tpu.memory_space<hbm>> -> memref<80xi32, #tpu.memory_space<hbm>>
      %dma_start3A_35 = tpu.memref_slice %arg7[%add3A_31] : memref<1600000xi32, #tpu.memory_space<hbm>> -> memref<80xi32, #tpu.memory_space<hbm>>
      tpu.enqueue_dma source(%dma_start3A_35 : memref<80xi32, #tpu.memory_space<hbm>>) target(%arg14 : memref<80xi32, #tpu.memory_space<vmem>>) target_semaphore(%arg33 : memref<!tpu.dma_semaphore, #tpu.memory_space<semaphore_mem>>)
      %dma_wait3A = arith.constant 0 : i32
      %dma_wait3A_36 = tpu.memref_slice %arg6[%dma_wait3A] : memref<1600000xi32, #tpu.memory_space<hbm>> -> memref<80xi32, #tpu.memory_space<hbm>>
      %dma_wait3A_37 = arith.constant 0 : i32
      %dma_wait3A_38 = tpu.memref_slice %arg6[%dma_wait3A_37] : memref<1600000xi32, #tpu.memory_space<hbm>> -> memref<80xi32, #tpu.memory_space<hbm>>
      tpu.wait_dma2 semaphore(%arg32 : memref<!tpu.dma_semaphore, #tpu.memory_space<semaphore_mem>>) src(%dma_wait3A_38 : memref<80xi32, #tpu.memory_space<hbm>>) dst(%arg11 : memref<80xi32, #tpu.memory_space<vmem>>)
      %dma_wait3A_39 = arith.constant 0 : i32
      %dma_wait3A_40 = tpu.memref_slice %arg7[%dma_wait3A_39] : memref<1600000xi32, #tpu.memory_space<hbm>> -> memref<80xi32, #tpu.memory_space<hbm>>
      %dma_wait3A_41 = arith.constant 0 : i32
      %dma_wait3A_42 = tpu.memref_slice %arg7[%dma_wait3A_41] : memref<1600000xi32, #tpu.memory_space<hbm>> -> memref<80xi32, #tpu.memory_space<hbm>>
      tpu.wait_dma2 semaphore(%arg32 : memref<!tpu.dma_semaphore, #tpu.memory_space<semaphore_mem>>) src(%dma_wait3A_42 : memref<80xi32, #tpu.memory_space<hbm>>) dst(%arg13 : memref<80xi32, #tpu.memory_space<vmem>>)
      %add3A_43 = arith.constant 0 : i32
      %add3A_44 = arith.addi %sub3A, %add3A_43 : i32
      %mul3A_45 = arith.constant 4 : i32
      %mul3A_46 = arith.muli %add3A_44, %mul3A_45 : i32
      %add3A_47 = arith.addi %mul3A_46, %add3A_17 : i32
      %scan3A_48 = arith.constant 0 : i32
      %scan3A_49 = arith.constant 5 : i32
      %scan3A_50 = arith.addi %scan3A_48, %scan3A_49 : i32
      %scan3A_51 = arith.constant 1 : i32
      scf.for %scan3A_100 = %scan3A_48 to %scan3A_50 step %scan3A_51  : i32 {
        %mul3A_101 = arith.constant 16 : i32
        %mul3A_102 = arith.muli %scan3A_100, %mul3A_101 : i32
        %add3A_103 = arith.constant 0 : i32
        %add3A_104 = arith.addi %add3A_103, %mul3A_102 : i32
        %get3A = arith.index_cast %add3A_104 : i32 to index
        %get3A_105 = tpu.vector_load %arg11[%get3A] {strides = array<i32>} : memref<80xi32, #tpu.memory_space<vmem>>, vector<16xi32>,
        %mul3A_106 = arith.constant 4 : i32
        %mul3A_107 = vector.broadcast %mul3A_106 : i32 to vector<16xi32>
        %mul3A_108 = arith.muli %get3A_105, %mul3A_107 : vector<16xi32>
        %add3A_109 = vector.broadcast %add3A_17 : i32 to vector<16xi32>
        %add3A_110 = arith.addi %mul3A_108, %add3A_109 : vector<16xi32>
        %swap3A = arith.index_cast %add3A_104 : i32 to index
        %swap3A_111 = tpu.vector_load %arg15[%swap3A] {strides = array<i32>} : memref<80xi32, #tpu.memory_space<vmem>>, vector<16xi32>,
        tpu.vector_store %arg15[%swap3A], %add3A_110 {strides = array<i32>} : memref<80xi32, #tpu.memory_space<vmem>>, vector<16xi32>,
        %get3A_112 = arith.index_cast %add3A_104 : i32 to index
        %get3A_113 = tpu.vector_load %arg13[%get3A_112] {strides = array<i32>} : memref<80xi32, #tpu.memory_space<vmem>>, vector<16xi32>,
        %mul3A_114 = arith.constant 4 : i32
        %mul3A_115 = vector.broadcast %mul3A_114 : i32 to vector<16xi32>
        %mul3A_116 = arith.muli %get3A_113, %mul3A_115 : vector<16xi32>
        %add3A_117 = vector.broadcast %add3A_17 : i32 to vector<16xi32>
        %add3A_118 = arith.addi %mul3A_116, %add3A_117 : vector<16xi32>
        %swap3A_119 = arith.index_cast %add3A_104 : i32 to index
        %swap3A_120 = tpu.vector_load %arg17[%swap3A_119] {strides = array<i32>} : memref<80xi32, #tpu.memory_space<vmem>>, vector<16xi32>,
        tpu.vector_store %arg17[%swap3A_119], %add3A_118 {strides = array<i32>} : memref<80xi32, #tpu.memory_space<vmem>>, vector<16xi32>,
        %get3A_121 = arith.index_cast %add3A_104 : i32 to index
        %get3A_122 = tpu.vector_load %arg13[%get3A_121] {strides = array<i32>} : memref<80xi32, #tpu.memory_space<vmem>>, vector<16xi32>,
        %swap3A_123 = arith.index_cast %add3A_104 : i32 to index
        %swap3A_124 = tpu.vector_load %arg19[%swap3A_123] {strides = array<i32>} : memref<80xi32, #tpu.memory_space<vmem>>, vector<16xi32>,
        tpu.vector_store %arg19[%swap3A_123], %get3A_122 {strides = array<i32>} : memref<80xi32, #tpu.memory_space<vmem>>, vector<16xi32>,
        %mul3A_125 = arith.constant 4 : i32
        %mul3A_126 = arith.muli %add3A_104, %mul3A_125 : i32
        %add3A_127 = arith.addi %add3A_47, %mul3A_126 : i32
        %add3A_128 = vector.broadcast %add3A_127 : i32 to vector<16xi32>
        %add3A_129 = arith.addi %add3A_128, %mul3A_5 : vector<16xi32>
        %swap3A_130 = arith.index_cast %add3A_104 : i32 to index
        %swap3A_131 = tpu.vector_load %arg21[%swap3A_130] {strides = array<i32>} : memref<80xi32, #tpu.memory_space<vmem>>, vector<16xi32>,
        tpu.vector_store %arg21[%swap3A_130], %add3A_129 {strides = array<i32>} : memref<80xi32, #tpu.memory_space<vmem>>, vector<16xi32>,
      }
      %scan3A_52 = arith.constant 5 : i32
      %dma_start3A_53 = arith.constant 0 : i32
      %dma_start3A_54 = arith.constant 0 : i32
      %dma_start3A_55 = tpu.memref_slice %arg2[%dma_start3A_53, %dma_start3A_54] : memref<200000x16xf32, #tpu.memory_space<hbm>> -> memref<200000x16xf32, #tpu.memory_space<hbm>>
      tpu.enqueue_indirect_dma source(%dma_start3A_55 : memref<200000x16xf32, #tpu.memory_space<hbm>>) target(%arg23 : memref<80x16xf32, #tpu.memory_space<vmem>>) offsets(%arg17 : memref<80xi32, #tpu.memory_space<vmem>>) semaphore(%arg34 : memref<!tpu.dma_semaphore, #tpu.memory_space<semaphore_mem>>)
      %dma_start3A_56 = arith.constant 0 : i32
      %dma_start3A_57 = arith.constant 0 : i32
      %dma_start3A_58 = tpu.memref_slice %arg3[%dma_start3A_56, %dma_start3A_57] : memref<200000x16xf32, #tpu.memory_space<hbm>> -> memref<200000x16xf32, #tpu.memory_space<hbm>>
      tpu.enqueue_indirect_dma source(%dma_start3A_58 : memref<200000x16xf32, #tpu.memory_space<hbm>>) target(%arg25 : memref<80x16xf32, #tpu.memory_space<vmem>>) offsets(%arg15 : memref<80xi32, #tpu.memory_space<vmem>>) semaphore(%arg34 : memref<!tpu.dma_semaphore, #tpu.memory_space<semaphore_mem>>)
      %dma_start3A_59 = arith.constant 0 : i32
      %dma_start3A_60 = arith.constant 0 : i32
      %dma_start3A_61 = tpu.memref_slice %arg4[%dma_start3A_59, %dma_start3A_60] : memref<200000x16xf32, #tpu.memory_space<hbm>> -> memref<200000x16xf32, #tpu.memory_space<hbm>>
      tpu.enqueue_indirect_dma source(%dma_start3A_61 : memref<200000x16xf32, #tpu.memory_space<hbm>>) target(%arg27 : memref<80x16xf32, #tpu.memory_space<vmem>>) offsets(%arg15 : memref<80xi32, #tpu.memory_space<vmem>>) semaphore(%arg34 : memref<!tpu.dma_semaphore, #tpu.memory_space<semaphore_mem>>)
      %dma_start3A_62 = arith.constant 0 : i32
      %dma_start3A_63 = arith.constant 0 : i32
      %dma_start3A_64 = tpu.memref_slice %arg5[%dma_start3A_62, %dma_start3A_63] : memref<3200000x16xf32, #tpu.memory_space<hbm>> -> memref<3200000x16xf32, #tpu.memory_space<hbm>>
      tpu.enqueue_indirect_dma source(%dma_start3A_64 : memref<3200000x16xf32, #tpu.memory_space<hbm>>) target(%arg29 : memref<80x16xf32, #tpu.memory_space<vmem>>) offsets(%arg21 : memref<80xi32, #tpu.memory_space<vmem>>) semaphore(%arg34 : memref<!tpu.dma_semaphore, #tpu.memory_space<semaphore_mem>>)
      %add3A_65 = arith.constant 160 : i32
      %add3A_66 = arith.addi %mul3A_2, %add3A_65 : i32
      %dma_start3A_67 = tpu.memref_slice %arg6[%add3A_66] : memref<1600000xi32, #tpu.memory_space<hbm>> -> memref<80xi32, #tpu.memory_space<hbm>>
      %dma_start3A_68 = tpu.memref_slice %arg6[%add3A_66] : memref<1600000xi32, #tpu.memory_space<hbm>> -> memref<80xi32, #tpu.memory_space<hbm>>
      tpu.enqueue_dma source(%dma_start3A_68 : memref<80xi32, #tpu.memory_space<hbm>>) target(%arg11 : memref<80xi32, #tpu.memory_space<vmem>>) target_semaphore(%arg32 : memref<!tpu.dma_semaphore, #tpu.memory_space<semaphore_mem>>)
      %dma_start3A_69 = tpu.memref_slice %arg7[%add3A_66] : memref<1600000xi32, #tpu.memory_space<hbm>> -> memref<80xi32, #tpu.memory_space<hbm>>
      %dma_start3A_70 = tpu.memref_slice %arg7[%add3A_66] : memref<1600000xi32, #tpu.memory_space<hbm>> -> memref<80xi32, #tpu.memory_space<hbm>>
      tpu.enqueue_dma source(%dma_start3A_70 : memref<80xi32, #tpu.memory_space<hbm>>) target(%arg13 : memref<80xi32, #tpu.memory_space<vmem>>) target_semaphore(%arg32 : memref<!tpu.dma_semaphore, #tpu.memory_space<semaphore_mem>>)
      %scan3A_71 = arith.constant 0 : i32
      %scan3A_72 = arith.constant 312 : i32
      %scan3A_73 = arith.addi %scan3A_71, %scan3A_72 : i32
      %scan3A_74 = arith.constant 1 : i32
      scf.for %scan3A_100 = %scan3A_71 to %scan3A_73 step %scan3A_74  : i32 {
        %mul3A_101 = arith.constant 2 : i32
        %mul3A_102 = arith.muli %scan3A_100, %mul3A_101 : i32
        %add3A_103 = arith.constant 0 : i32
        %add3A_104 = arith.addi %add3A_103, %mul3A_102 : i32
        %dma_wait3A_105 = arith.constant 0 : i32
        %dma_wait3A_106 = tpu.memref_slice %arg6[%dma_wait3A_105] : memref<1600000xi32, #tpu.memory_space<hbm>> -> memref<80xi32, #tpu.memory_space<hbm>>
        %dma_wait3A_107 = arith.constant 0 : i32
        %dma_wait3A_108 = tpu.memref_slice %arg6[%dma_wait3A_107] : memref<1600000xi32, #tpu.memory_space<hbm>> -> memref<80xi32, #tpu.memory_space<hbm>>
        tpu.wait_dma2 semaphore(%arg33 : memref<!tpu.dma_semaphore, #tpu.memory_space<semaphore_mem>>) src(%dma_wait3A_108 : memref<80xi32, #tpu.memory_space<hbm>>) dst(%arg12 : memref<80xi32, #tpu.memory_space<vmem>>)
        %dma_wait3A_109 = arith.constant 0 : i32
        %dma_wait3A_110 = tpu.memref_slice %arg7[%dma_wait3A_109] : memref<1600000xi32, #tpu.memory_space<hbm>> -> memref<80xi32, #tpu.memory_space<hbm>>
        %dma_wait3A_111 = arith.constant 0 : i32
        %dma_wait3A_112 = tpu.memref_slice %arg7[%dma_wait3A_111] : memref<1600000xi32, #tpu.memory_space<hbm>> -> memref<80xi32, #tpu.memory_space<hbm>>
        tpu.wait_dma2 semaphore(%arg33 : memref<!tpu.dma_semaphore, #tpu.memory_space<semaphore_mem>>) src(%dma_wait3A_112 : memref<80xi32, #tpu.memory_space<hbm>>) dst(%arg14 : memref<80xi32, #tpu.memory_space<vmem>>)
        %add3A_113 = arith.constant 1 : i32
        %add3A_114 = arith.addi %add3A_104, %add3A_113 : i32
        %mul3A_115 = arith.constant 80 : i32
        %mul3A_116 = arith.muli %add3A_114, %mul3A_115 : i32
        %add3A_117 = arith.addi %sub3A, %mul3A_116 : i32
        %mul3A_118 = arith.constant 4 : i32
        %mul3A_119 = arith.muli %add3A_117, %mul3A_118 : i32
        %add3A_120 = arith.addi %mul3A_119, %add3A_17 : i32
        %scan3A_121 = arith.constant 0 : i32
        %scan3A_122 = arith.constant 5 : i32
        %scan3A_123 = arith.addi %scan3A_121, %scan3A_122 : i32
        %scan3A_124 = arith.constant 1 : i32
        scf.for %scan3A_214 = %scan3A_121 to %scan3A_123 step %scan3A_124  : i32 {
          %mul3A_215 = arith.constant 16 : i32
          %mul3A_216 = arith.muli %scan3A_214, %mul3A_215 : i32
          %add3A_217 = arith.constant 0 : i32
          %add3A_218 = arith.addi %add3A_217, %mul3A_216 : i32
          %get3A = arith.index_cast %add3A_218 : i32 to index
          %get3A_219 = tpu.vector_load %arg12[%get3A] {strides = array<i32>} : memref<80xi32, #tpu.memory_space<vmem>>, vector<16xi32>,
          %mul3A_220 = arith.constant 4 : i32
          %mul3A_221 = vector.broadcast %mul3A_220 : i32 to vector<16xi32>
          %mul3A_222 = arith.muli %get3A_219, %mul3A_221 : vector<16xi32>
          %add3A_223 = vector.broadcast %add3A_17 : i32 to vector<16xi32>
          %add3A_224 = arith.addi %mul3A_222, %add3A_223 : vector<16xi32>
          %swap3A = arith.index_cast %add3A_218 : i32 to index
          %swap3A_225 = tpu.vector_load %arg16[%swap3A] {strides = array<i32>} : memref<80xi32, #tpu.memory_space<vmem>>, vector<16xi32>,
          tpu.vector_store %arg16[%swap3A], %add3A_224 {strides = array<i32>} : memref<80xi32, #tpu.memory_space<vmem>>, vector<16xi32>,
          %get3A_226 = arith.index_cast %add3A_218 : i32 to index
          %get3A_227 = tpu.vector_load %arg14[%get3A_226] {strides = array<i32>} : memref<80xi32, #tpu.memory_space<vmem>>, vector<16xi32>,
          %mul3A_228 = arith.constant 4 : i32
          %mul3A_229 = vector.broadcast %mul3A_228 : i32 to vector<16xi32>
          %mul3A_230 = arith.muli %get3A_227, %mul3A_229 : vector<16xi32>
          %add3A_231 = vector.broadcast %add3A_17 : i32 to vector<16xi32>
          %add3A_232 = arith.addi %mul3A_230, %add3A_231 : vector<16xi32>
          %swap3A_233 = arith.index_cast %add3A_218 : i32 to index
          %swap3A_234 = tpu.vector_load %arg18[%swap3A_233] {strides = array<i32>} : memref<80xi32, #tpu.memory_space<vmem>>, vector<16xi32>,
          tpu.vector_store %arg18[%swap3A_233], %add3A_232 {strides = array<i32>} : memref<80xi32, #tpu.memory_space<vmem>>, vector<16xi32>,
          %get3A_235 = arith.index_cast %add3A_218 : i32 to index
          %get3A_236 = tpu.vector_load %arg14[%get3A_235] {strides = array<i32>} : memref<80xi32, #tpu.memory_space<vmem>>, vector<16xi32>,
          %swap3A_237 = arith.index_cast %add3A_218 : i32 to index
          %swap3A_238 = tpu.vector_load %arg20[%swap3A_237] {strides = array<i32>} : memref<80xi32, #tpu.memory_space<vmem>>, vector<16xi32>,
          tpu.vector_store %arg20[%swap3A_237], %get3A_236 {strides = array<i32>} : memref<80xi32, #tpu.memory_space<vmem>>, vector<16xi32>,
          %mul3A_239 = arith.constant 4 : i32
          %mul3A_240 = arith.muli %add3A_218, %mul3A_239 : i32
          %add3A_241 = arith.addi %add3A_120, %mul3A_240 : i32
          %add3A_242 = vector.broadcast %add3A_241 : i32 to vector<16xi32>
          %add3A_243 = arith.addi %add3A_242, %mul3A_5 : vector<16xi32>
          %swap3A_244 = arith.index_cast %add3A_218 : i32 to index
          %swap3A_245 = tpu.vector_load %arg22[%swap3A_244] {strides = array<i32>} : memref<80xi32, #tpu.memory_space<vmem>>, vector<16xi32>,
          tpu.vector_store %arg22[%swap3A_244], %add3A_243 {strides = array<i32>} : memref<80xi32, #tpu.memory_space<vmem>>, vector<16xi32>,
        }
        %scan3A_125 = arith.constant 5 : i32
        %dma_start3A_126 = arith.constant 0 : i32
        %dma_start3A_127 = arith.constant 0 : i32
        %dma_start3A_128 = tpu.memref_slice %arg2[%dma_start3A_126, %dma_start3A_127] : memref<200000x16xf32, #tpu.memory_space<hbm>> -> memref<200000x16xf32, #tpu.memory_space<hbm>>
        tpu.enqueue_indirect_dma source(%dma_start3A_128 : memref<200000x16xf32, #tpu.memory_space<hbm>>) target(%arg24 : memref<80x16xf32, #tpu.memory_space<vmem>>) offsets(%arg18 : memref<80xi32, #tpu.memory_space<vmem>>) semaphore(%arg35 : memref<!tpu.dma_semaphore, #tpu.memory_space<semaphore_mem>>)
        %dma_start3A_129 = arith.constant 0 : i32
        %dma_start3A_130 = arith.constant 0 : i32
        %dma_start3A_131 = tpu.memref_slice %arg3[%dma_start3A_129, %dma_start3A_130] : memref<200000x16xf32, #tpu.memory_space<hbm>> -> memref<200000x16xf32, #tpu.memory_space<hbm>>
        tpu.enqueue_indirect_dma source(%dma_start3A_131 : memref<200000x16xf32, #tpu.memory_space<hbm>>) target(%arg26 : memref<80x16xf32, #tpu.memory_space<vmem>>) offsets(%arg16 : memref<80xi32, #tpu.memory_space<vmem>>) semaphore(%arg35 : memref<!tpu.dma_semaphore, #tpu.memory_space<semaphore_mem>>)
        %dma_start3A_132 = arith.constant 0 : i32
        %dma_start3A_133 = arith.constant 0 : i32
        %dma_start3A_134 = tpu.memref_slice %arg4[%dma_start3A_132, %dma_start3A_133] : memref<200000x16xf32, #tpu.memory_space<hbm>> -> memref<200000x16xf32, #tpu.memory_space<hbm>>
        tpu.enqueue_indirect_dma source(%dma_start3A_134 : memref<200000x16xf32, #tpu.memory_space<hbm>>) target(%arg28 : memref<80x16xf32, #tpu.memory_space<vmem>>) offsets(%arg16 : memref<80xi32, #tpu.memory_space<vmem>>) semaphore(%arg35 : memref<!tpu.dma_semaphore, #tpu.memory_space<semaphore_mem>>)
        %dma_start3A_135 = arith.constant 0 : i32
        %dma_start3A_136 = arith.constant 0 : i32
        %dma_start3A_137 = tpu.memref_slice %arg5[%dma_start3A_135, %dma_start3A_136] : memref<3200000x16xf32, #tpu.memory_space<hbm>> -> memref<3200000x16xf32, #tpu.memory_space<hbm>>
        tpu.enqueue_indirect_dma source(%dma_start3A_137 : memref<3200000x16xf32, #tpu.memory_space<hbm>>) target(%arg30 : memref<80x16xf32, #tpu.memory_space<vmem>>) offsets(%arg22 : memref<80xi32, #tpu.memory_space<vmem>>) semaphore(%arg35 : memref<!tpu.dma_semaphore, #tpu.memory_space<semaphore_mem>>)
        %lt3A = arith.constant 622 : i32
        %lt3A_138 = arith.cmpi slt, %add3A_104, %lt3A : i32
        %convert_element_type3A_139 = arith.extui %lt3A_138 : i1 to i32
        %cond3A_140 = arith.constant 0 : i32
        %cond3A_141 = arith.cmpi ne, %convert_element_type3A_139, %cond3A_140 : i32
        scf.if %cond3A_141 {
          %add3A_214 = arith.constant 3 : i32
          %add3A_215 = arith.addi %add3A_104, %add3A_214 : i32
          %mul3A_216 = arith.constant 80 : i32
          %mul3A_217 = arith.muli %add3A_215, %mul3A_216 : i32
          %add3A_218 = arith.addi %mul3A_2, %mul3A_217 : i32
          %dma_start3A_219 = tpu.memref_slice %arg6[%add3A_218] : memref<1600000xi32, #tpu.memory_space<hbm>> -> memref<80xi32, #tpu.memory_space<hbm>>
          %dma_start3A_220 = tpu.memref_slice %arg6[%add3A_218] : memref<1600000xi32, #tpu.memory_space<hbm>> -> memref<80xi32, #tpu.memory_space<hbm>>
          tpu.enqueue_dma source(%dma_start3A_220 : memref<80xi32, #tpu.memory_space<hbm>>) target(%arg12 : memref<80xi32, #tpu.memory_space<vmem>>) target_semaphore(%arg33 : memref<!tpu.dma_semaphore, #tpu.memory_space<semaphore_mem>>)
          %dma_start3A_221 = tpu.memref_slice %arg7[%add3A_218] : memref<1600000xi32, #tpu.memory_space<hbm>> -> memref<80xi32, #tpu.memory_space<hbm>>
          %dma_start3A_222 = tpu.memref_slice %arg7[%add3A_218] : memref<1600000xi32, #tpu.memory_space<hbm>> -> memref<80xi32, #tpu.memory_space<hbm>>
          tpu.enqueue_dma source(%dma_start3A_222 : memref<80xi32, #tpu.memory_space<hbm>>) target(%arg14 : memref<80xi32, #tpu.memory_space<vmem>>) target_semaphore(%arg33 : memref<!tpu.dma_semaphore, #tpu.memory_space<semaphore_mem>>)
        } else {
        }
        %dma_wait3A_142 = arith.constant 0 : i32
        %dma_wait3A_143 = arith.constant 0 : i32
        %dma_wait3A_144 = tpu.memref_slice %arg2[%dma_wait3A_142, %dma_wait3A_143] : memref<200000x16xf32, #tpu.memory_space<hbm>> -> memref<200000x16xf32, #tpu.memory_space<hbm>>
        tpu.wait_indirect_dma semaphore(%arg34 : memref<!tpu.dma_semaphore, #tpu.memory_space<semaphore_mem>>) src(%dma_wait3A_144 : memref<200000x16xf32, #tpu.memory_space<hbm>>) dst(%arg23 : memref<80x16xf32, #tpu.memory_space<vmem>>)
        %dma_wait3A_145 = arith.constant 0 : i32
        %dma_wait3A_146 = arith.constant 0 : i32
        %dma_wait3A_147 = tpu.memref_slice %arg3[%dma_wait3A_145, %dma_wait3A_146] : memref<200000x16xf32, #tpu.memory_space<hbm>> -> memref<200000x16xf32, #tpu.memory_space<hbm>>
        tpu.wait_indirect_dma semaphore(%arg34 : memref<!tpu.dma_semaphore, #tpu.memory_space<semaphore_mem>>) src(%dma_wait3A_147 : memref<200000x16xf32, #tpu.memory_space<hbm>>) dst(%arg25 : memref<80x16xf32, #tpu.memory_space<vmem>>)
        %dma_wait3A_148 = arith.constant 0 : i32
        %dma_wait3A_149 = arith.constant 0 : i32
        %dma_wait3A_150 = tpu.memref_slice %arg4[%dma_wait3A_148, %dma_wait3A_149] : memref<200000x16xf32, #tpu.memory_space<hbm>> -> memref<200000x16xf32, #tpu.memory_space<hbm>>
        tpu.wait_indirect_dma semaphore(%arg34 : memref<!tpu.dma_semaphore, #tpu.memory_space<semaphore_mem>>) src(%dma_wait3A_150 : memref<200000x16xf32, #tpu.memory_space<hbm>>) dst(%arg27 : memref<80x16xf32, #tpu.memory_space<vmem>>)
        %dma_wait3A_151 = arith.constant 0 : i32
        %dma_wait3A_152 = arith.constant 0 : i32
        %dma_wait3A_153 = tpu.memref_slice %arg5[%dma_wait3A_151, %dma_wait3A_152] : memref<3200000x16xf32, #tpu.memory_space<hbm>> -> memref<3200000x16xf32, #tpu.memory_space<hbm>>
        tpu.wait_indirect_dma semaphore(%arg34 : memref<!tpu.dma_semaphore, #tpu.memory_space<semaphore_mem>>) src(%dma_wait3A_153 : memref<3200000x16xf32, #tpu.memory_space<hbm>>) dst(%arg29 : memref<80x16xf32, #tpu.memory_space<vmem>>)
        %scan3A_154 = arith.constant 0 : i32
        %scan3A_155 = arith.constant 5 : i32
        %scan3A_156 = arith.addi %scan3A_154, %scan3A_155 : i32
        %scan3A_157 = arith.constant 1 : i32
        scf.for %scan3A_214 = %scan3A_154 to %scan3A_156 step %scan3A_157  : i32 {
          %mul3A_215 = arith.constant 16 : i32
          %mul3A_216 = arith.muli %scan3A_214, %mul3A_215 : i32
          %add3A_217 = arith.constant 0 : i32
          %add3A_218 = arith.addi %add3A_217, %mul3A_216 : i32
          %add3A_219 = vector.broadcast %add3A_218 : i32 to vector<16xi32>
          %add3A_220 = arith.addi %add3A_219, %iota3A : vector<16xi32>
          %broadcast_in_dim3A_221 = arith.constant 0 : i32
          %broadcast_in_dim3A_222 = vector.broadcast %broadcast_in_dim3A_221 : i32 to vector<16xi32>
          %gather3A = tpu.vector_load_idx %arg23[%add3A_220, %broadcast_in_dim3A_222] : memref<80x16xf32, #tpu.memory_space<vmem>>[vector<16xi32>, vector<16xi32>], vector<16xf32>,
          %gather3A_223 = tpu.vector_load_idx %arg25[%add3A_220, %broadcast_in_dim3A_222] : memref<80x16xf32, #tpu.memory_space<vmem>>[vector<16xi32>, vector<16xi32>], vector<16xf32>,
          %gather3A_224 = tpu.vector_load_idx %arg29[%add3A_220, %broadcast_in_dim3A_222] : memref<80x16xf32, #tpu.memory_space<vmem>>[vector<16xi32>, vector<16xi32>], vector<16xf32>,
          %add3A_225 = arith.addf %gather3A_223, %gather3A_224 : vector<16xf32>
          %mul3A_226 = arith.mulf %gather3A, %add3A_225 : vector<16xf32>
          %broadcast_in_dim3A_227 = arith.constant 1 : i32
          %broadcast_in_dim3A_228 = vector.broadcast %broadcast_in_dim3A_227 : i32 to vector<16xi32>
          %gather3A_229 = tpu.vector_load_idx %arg23[%add3A_220, %broadcast_in_dim3A_228] : memref<80x16xf32, #tpu.memory_space<vmem>>[vector<16xi32>, vector<16xi32>], vector<16xf32>,
          %gather3A_230 = tpu.vector_load_idx %arg25[%add3A_220, %broadcast_in_dim3A_228] : memref<80x16xf32, #tpu.memory_space<vmem>>[vector<16xi32>, vector<16xi32>], vector<16xf32>,
          %gather3A_231 = tpu.vector_load_idx %arg29[%add3A_220, %broadcast_in_dim3A_228] : memref<80x16xf32, #tpu.memory_space<vmem>>[vector<16xi32>, vector<16xi32>], vector<16xf32>,
          %add3A_232 = arith.addf %gather3A_230, %gather3A_231 : vector<16xf32>
          %mul3A_233 = arith.mulf %gather3A_229, %add3A_232 : vector<16xf32>
          %add3A_234 = arith.addf %mul3A_226, %mul3A_233 : vector<16xf32>
          %broadcast_in_dim3A_235 = arith.constant 2 : i32
          %broadcast_in_dim3A_236 = vector.broadcast %broadcast_in_dim3A_235 : i32 to vector<16xi32>
          %gather3A_237 = tpu.vector_load_idx %arg23[%add3A_220, %broadcast_in_dim3A_236] : memref<80x16xf32, #tpu.memory_space<vmem>>[vector<16xi32>, vector<16xi32>], vector<16xf32>,
          %gather3A_238 = tpu.vector_load_idx %arg25[%add3A_220, %broadcast_in_dim3A_236] : memref<80x16xf32, #tpu.memory_space<vmem>>[vector<16xi32>, vector<16xi32>], vector<16xf32>,
          %gather3A_239 = tpu.vector_load_idx %arg29[%add3A_220, %broadcast_in_dim3A_236] : memref<80x16xf32, #tpu.memory_space<vmem>>[vector<16xi32>, vector<16xi32>], vector<16xf32>,
          %add3A_240 = arith.addf %gather3A_238, %gather3A_239 : vector<16xf32>
          %mul3A_241 = arith.mulf %gather3A_237, %add3A_240 : vector<16xf32>
          %add3A_242 = arith.addf %add3A_234, %mul3A_241 : vector<16xf32>
          %broadcast_in_dim3A_243 = arith.constant 3 : i32
          %broadcast_in_dim3A_244 = vector.broadcast %broadcast_in_dim3A_243 : i32 to vector<16xi32>
          %gather3A_245 = tpu.vector_load_idx %arg23[%add3A_220, %broadcast_in_dim3A_244] : memref<80x16xf32, #tpu.memory_space<vmem>>[vector<16xi32>, vector<16xi32>], vector<16xf32>,
          %gather3A_246 = tpu.vector_load_idx %arg25[%add3A_220, %broadcast_in_dim3A_244] : memref<80x16xf32, #tpu.memory_space<vmem>>[vector<16xi32>, vector<16xi32>], vector<16xf32>,
          %gather3A_247 = tpu.vector_load_idx %arg29[%add3A_220, %broadcast_in_dim3A_244] : memref<80x16xf32, #tpu.memory_space<vmem>>[vector<16xi32>, vector<16xi32>], vector<16xf32>,
          %add3A_248 = arith.addf %gather3A_246, %gather3A_247 : vector<16xf32>
          %mul3A_249 = arith.mulf %gather3A_245, %add3A_248 : vector<16xf32>
          %add3A_250 = arith.addf %add3A_242, %mul3A_249 : vector<16xf32>
          %broadcast_in_dim3A_251 = arith.constant 4 : i32
          %broadcast_in_dim3A_252 = vector.broadcast %broadcast_in_dim3A_251 : i32 to vector<16xi32>
          %gather3A_253 = tpu.vector_load_idx %arg23[%add3A_220, %broadcast_in_dim3A_252] : memref<80x16xf32, #tpu.memory_space<vmem>>[vector<16xi32>, vector<16xi32>], vector<16xf32>,
          %gather3A_254 = tpu.vector_load_idx %arg25[%add3A_220, %broadcast_in_dim3A_252] : memref<80x16xf32, #tpu.memory_space<vmem>>[vector<16xi32>, vector<16xi32>], vector<16xf32>,
          %gather3A_255 = tpu.vector_load_idx %arg29[%add3A_220, %broadcast_in_dim3A_252] : memref<80x16xf32, #tpu.memory_space<vmem>>[vector<16xi32>, vector<16xi32>], vector<16xf32>,
          %add3A_256 = arith.addf %gather3A_254, %gather3A_255 : vector<16xf32>
          %mul3A_257 = arith.mulf %gather3A_253, %add3A_256 : vector<16xf32>
          %add3A_258 = arith.addf %add3A_250, %mul3A_257 : vector<16xf32>
          %broadcast_in_dim3A_259 = arith.constant 5 : i32
          %broadcast_in_dim3A_260 = vector.broadcast %broadcast_in_dim3A_259 : i32 to vector<16xi32>
          %gather3A_261 = tpu.vector_load_idx %arg23[%add3A_220, %broadcast_in_dim3A_260] : memref<80x16xf32, #tpu.memory_space<vmem>>[vector<16xi32>, vector<16xi32>], vector<16xf32>,
          %gather3A_262 = tpu.vector_load_idx %arg25[%add3A_220, %broadcast_in_dim3A_260] : memref<80x16xf32, #tpu.memory_space<vmem>>[vector<16xi32>, vector<16xi32>], vector<16xf32>,
          %gather3A_263 = tpu.vector_load_idx %arg29[%add3A_220, %broadcast_in_dim3A_260] : memref<80x16xf32, #tpu.memory_space<vmem>>[vector<16xi32>, vector<16xi32>], vector<16xf32>,
          %add3A_264 = arith.addf %gather3A_262, %gather3A_263 : vector<16xf32>
          %mul3A_265 = arith.mulf %gather3A_261, %add3A_264 : vector<16xf32>
          %add3A_266 = arith.addf %add3A_258, %mul3A_265 : vector<16xf32>
          %broadcast_in_dim3A_267 = arith.constant 6 : i32
          %broadcast_in_dim3A_268 = vector.broadcast %broadcast_in_dim3A_267 : i32 to vector<16xi32>
          %gather3A_269 = tpu.vector_load_idx %arg23[%add3A_220, %broadcast_in_dim3A_268] : memref<80x16xf32, #tpu.memory_space<vmem>>[vector<16xi32>, vector<16xi32>], vector<16xf32>,
          %gather3A_270 = tpu.vector_load_idx %arg25[%add3A_220, %broadcast_in_dim3A_268] : memref<80x16xf32, #tpu.memory_space<vmem>>[vector<16xi32>, vector<16xi32>], vector<16xf32>,
          %gather3A_271 = tpu.vector_load_idx %arg29[%add3A_220, %broadcast_in_dim3A_268] : memref<80x16xf32, #tpu.memory_space<vmem>>[vector<16xi32>, vector<16xi32>], vector<16xf32>,
          %add3A_272 = arith.addf %gather3A_270, %gather3A_271 : vector<16xf32>
          %mul3A_273 = arith.mulf %gather3A_269, %add3A_272 : vector<16xf32>
          %add3A_274 = arith.addf %add3A_266, %mul3A_273 : vector<16xf32>
          %broadcast_in_dim3A_275 = arith.constant 7 : i32
          %broadcast_in_dim3A_276 = vector.broadcast %broadcast_in_dim3A_275 : i32 to vector<16xi32>
          %gather3A_277 = tpu.vector_load_idx %arg23[%add3A_220, %broadcast_in_dim3A_276] : memref<80x16xf32, #tpu.memory_space<vmem>>[vector<16xi32>, vector<16xi32>], vector<16xf32>,
          %gather3A_278 = tpu.vector_load_idx %arg25[%add3A_220, %broadcast_in_dim3A_276] : memref<80x16xf32, #tpu.memory_space<vmem>>[vector<16xi32>, vector<16xi32>], vector<16xf32>,
          %gather3A_279 = tpu.vector_load_idx %arg29[%add3A_220, %broadcast_in_dim3A_276] : memref<80x16xf32, #tpu.memory_space<vmem>>[vector<16xi32>, vector<16xi32>], vector<16xf32>,
          %add3A_280 = arith.addf %gather3A_278, %gather3A_279 : vector<16xf32>
          %mul3A_281 = arith.mulf %gather3A_277, %add3A_280 : vector<16xf32>
          %add3A_282 = arith.addf %add3A_274, %mul3A_281 : vector<16xf32>
          %broadcast_in_dim3A_283 = arith.constant 8 : i32
          %broadcast_in_dim3A_284 = vector.broadcast %broadcast_in_dim3A_283 : i32 to vector<16xi32>
          %gather3A_285 = tpu.vector_load_idx %arg23[%add3A_220, %broadcast_in_dim3A_284] : memref<80x16xf32, #tpu.memory_space<vmem>>[vector<16xi32>, vector<16xi32>], vector<16xf32>,
          %gather3A_286 = tpu.vector_load_idx %arg25[%add3A_220, %broadcast_in_dim3A_284] : memref<80x16xf32, #tpu.memory_space<vmem>>[vector<16xi32>, vector<16xi32>], vector<16xf32>,
          %gather3A_287 = tpu.vector_load_idx %arg29[%add3A_220, %broadcast_in_dim3A_284] : memref<80x16xf32, #tpu.memory_space<vmem>>[vector<16xi32>, vector<16xi32>], vector<16xf32>,
          %add3A_288 = arith.addf %gather3A_286, %gather3A_287 : vector<16xf32>
          %mul3A_289 = arith.mulf %gather3A_285, %add3A_288 : vector<16xf32>
          %add3A_290 = arith.addf %add3A_282, %mul3A_289 : vector<16xf32>
          %broadcast_in_dim3A_291 = arith.constant 9 : i32
          %broadcast_in_dim3A_292 = vector.broadcast %broadcast_in_dim3A_291 : i32 to vector<16xi32>
          %gather3A_293 = tpu.vector_load_idx %arg23[%add3A_220, %broadcast_in_dim3A_292] : memref<80x16xf32, #tpu.memory_space<vmem>>[vector<16xi32>, vector<16xi32>], vector<16xf32>,
          %gather3A_294 = tpu.vector_load_idx %arg25[%add3A_220, %broadcast_in_dim3A_292] : memref<80x16xf32, #tpu.memory_space<vmem>>[vector<16xi32>, vector<16xi32>], vector<16xf32>,
          %gather3A_295 = tpu.vector_load_idx %arg29[%add3A_220, %broadcast_in_dim3A_292] : memref<80x16xf32, #tpu.memory_space<vmem>>[vector<16xi32>, vector<16xi32>], vector<16xf32>,
          %add3A_296 = arith.addf %gather3A_294, %gather3A_295 : vector<16xf32>
          %mul3A_297 = arith.mulf %gather3A_293, %add3A_296 : vector<16xf32>
          %add3A_298 = arith.addf %add3A_290, %mul3A_297 : vector<16xf32>
          %broadcast_in_dim3A_299 = arith.constant 10 : i32
          %broadcast_in_dim3A_300 = vector.broadcast %broadcast_in_dim3A_299 : i32 to vector<16xi32>
          %gather3A_301 = tpu.vector_load_idx %arg23[%add3A_220, %broadcast_in_dim3A_300] : memref<80x16xf32, #tpu.memory_space<vmem>>[vector<16xi32>, vector<16xi32>], vector<16xf32>,
          %gather3A_302 = tpu.vector_load_idx %arg25[%add3A_220, %broadcast_in_dim3A_300] : memref<80x16xf32, #tpu.memory_space<vmem>>[vector<16xi32>, vector<16xi32>], vector<16xf32>,
          %gather3A_303 = tpu.vector_load_idx %arg29[%add3A_220, %broadcast_in_dim3A_300] : memref<80x16xf32, #tpu.memory_space<vmem>>[vector<16xi32>, vector<16xi32>], vector<16xf32>,
          %add3A_304 = arith.addf %gather3A_302, %gather3A_303 : vector<16xf32>
          %mul3A_305 = arith.mulf %gather3A_301, %add3A_304 : vector<16xf32>
          %add3A_306 = arith.addf %add3A_298, %mul3A_305 : vector<16xf32>
          %broadcast_in_dim3A_307 = arith.constant 11 : i32
          %broadcast_in_dim3A_308 = vector.broadcast %broadcast_in_dim3A_307 : i32 to vector<16xi32>
          %gather3A_309 = tpu.vector_load_idx %arg23[%add3A_220, %broadcast_in_dim3A_308] : memref<80x16xf32, #tpu.memory_space<vmem>>[vector<16xi32>, vector<16xi32>], vector<16xf32>,
          %gather3A_310 = tpu.vector_load_idx %arg25[%add3A_220, %broadcast_in_dim3A_308] : memref<80x16xf32, #tpu.memory_space<vmem>>[vector<16xi32>, vector<16xi32>], vector<16xf32>,
          %gather3A_311 = tpu.vector_load_idx %arg29[%add3A_220, %broadcast_in_dim3A_308] : memref<80x16xf32, #tpu.memory_space<vmem>>[vector<16xi32>, vector<16xi32>], vector<16xf32>,
          %add3A_312 = arith.addf %gather3A_310, %gather3A_311 : vector<16xf32>
          %mul3A_313 = arith.mulf %gather3A_309, %add3A_312 : vector<16xf32>
          %add3A_314 = arith.addf %add3A_306, %mul3A_313 : vector<16xf32>
          %broadcast_in_dim3A_315 = arith.constant 12 : i32
          %broadcast_in_dim3A_316 = vector.broadcast %broadcast_in_dim3A_315 : i32 to vector<16xi32>
          %gather3A_317 = tpu.vector_load_idx %arg23[%add3A_220, %broadcast_in_dim3A_316] : memref<80x16xf32, #tpu.memory_space<vmem>>[vector<16xi32>, vector<16xi32>], vector<16xf32>,
          %gather3A_318 = tpu.vector_load_idx %arg25[%add3A_220, %broadcast_in_dim3A_316] : memref<80x16xf32, #tpu.memory_space<vmem>>[vector<16xi32>, vector<16xi32>], vector<16xf32>,
          %gather3A_319 = tpu.vector_load_idx %arg29[%add3A_220, %broadcast_in_dim3A_316] : memref<80x16xf32, #tpu.memory_space<vmem>>[vector<16xi32>, vector<16xi32>], vector<16xf32>,
          %add3A_320 = arith.addf %gather3A_318, %gather3A_319 : vector<16xf32>
          %mul3A_321 = arith.mulf %gather3A_317, %add3A_320 : vector<16xf32>
          %add3A_322 = arith.addf %add3A_314, %mul3A_321 : vector<16xf32>
          %broadcast_in_dim3A_323 = arith.constant 13 : i32
          %broadcast_in_dim3A_324 = vector.broadcast %broadcast_in_dim3A_323 : i32 to vector<16xi32>
          %gather3A_325 = tpu.vector_load_idx %arg23[%add3A_220, %broadcast_in_dim3A_324] : memref<80x16xf32, #tpu.memory_space<vmem>>[vector<16xi32>, vector<16xi32>], vector<16xf32>,
          %gather3A_326 = tpu.vector_load_idx %arg25[%add3A_220, %broadcast_in_dim3A_324] : memref<80x16xf32, #tpu.memory_space<vmem>>[vector<16xi32>, vector<16xi32>], vector<16xf32>,
          %gather3A_327 = tpu.vector_load_idx %arg29[%add3A_220, %broadcast_in_dim3A_324] : memref<80x16xf32, #tpu.memory_space<vmem>>[vector<16xi32>, vector<16xi32>], vector<16xf32>,
          %add3A_328 = arith.addf %gather3A_326, %gather3A_327 : vector<16xf32>
          %mul3A_329 = arith.mulf %gather3A_325, %add3A_328 : vector<16xf32>
          %add3A_330 = arith.addf %add3A_322, %mul3A_329 : vector<16xf32>
          %broadcast_in_dim3A_331 = arith.constant 14 : i32
          %broadcast_in_dim3A_332 = vector.broadcast %broadcast_in_dim3A_331 : i32 to vector<16xi32>
          %gather3A_333 = tpu.vector_load_idx %arg23[%add3A_220, %broadcast_in_dim3A_332] : memref<80x16xf32, #tpu.memory_space<vmem>>[vector<16xi32>, vector<16xi32>], vector<16xf32>,
          %gather3A_334 = tpu.vector_load_idx %arg25[%add3A_220, %broadcast_in_dim3A_332] : memref<80x16xf32, #tpu.memory_space<vmem>>[vector<16xi32>, vector<16xi32>], vector<16xf32>,
          %gather3A_335 = tpu.vector_load_idx %arg29[%add3A_220, %broadcast_in_dim3A_332] : memref<80x16xf32, #tpu.memory_space<vmem>>[vector<16xi32>, vector<16xi32>], vector<16xf32>,
          %add3A_336 = arith.addf %gather3A_334, %gather3A_335 : vector<16xf32>
          %mul3A_337 = arith.mulf %gather3A_333, %add3A_336 : vector<16xf32>
          %add3A_338 = arith.addf %add3A_330, %mul3A_337 : vector<16xf32>
          %broadcast_in_dim3A_339 = arith.constant 15 : i32
          %broadcast_in_dim3A_340 = vector.broadcast %broadcast_in_dim3A_339 : i32 to vector<16xi32>
          %gather3A_341 = tpu.vector_load_idx %arg23[%add3A_220, %broadcast_in_dim3A_340] : memref<80x16xf32, #tpu.memory_space<vmem>>[vector<16xi32>, vector<16xi32>], vector<16xf32>,
          %gather3A_342 = tpu.vector_load_idx %arg25[%add3A_220, %broadcast_in_dim3A_340] : memref<80x16xf32, #tpu.memory_space<vmem>>[vector<16xi32>, vector<16xi32>], vector<16xf32>,
          %gather3A_343 = tpu.vector_load_idx %arg29[%add3A_220, %broadcast_in_dim3A_340] : memref<80x16xf32, #tpu.memory_space<vmem>>[vector<16xi32>, vector<16xi32>], vector<16xf32>,
          %add3A_344 = arith.addf %gather3A_342, %gather3A_343 : vector<16xf32>
          %mul3A_345 = arith.mulf %gather3A_341, %add3A_344 : vector<16xf32>
          %add3A_346 = arith.addf %add3A_338, %mul3A_345 : vector<16xf32>
          %mul3A_347 = arith.constant 2.500000e-01 : f32
          %mul3A_348 = vector.broadcast %mul3A_347 : f32 to vector<16xf32>
          %mul3A_349 = arith.mulf %add3A_346, %mul3A_348 : vector<16xf32>
          %exp3A = math.exp %mul3A_349 : vector<16xf32>
          %broadcast_in_dim3A_350 = arith.constant 0 : i32
          %broadcast_in_dim3A_351 = vector.broadcast %broadcast_in_dim3A_350 : i32 to vector<16xi32>
          %gather3A_352 = tpu.vector_load_idx %arg27[%add3A_220, %broadcast_in_dim3A_351] : memref<80x16xf32, #tpu.memory_space<vmem>>[vector<16xi32>, vector<16xi32>], vector<16xf32>,
          %add3A_353 = arith.addf %gather3A_352, %gather3A_224 : vector<16xf32>
          %mul3A_354 = arith.mulf %exp3A, %add3A_353 : vector<16xf32>
          tpu.vector_store_idx %arg31[%add3A_220, %broadcast_in_dim3A_351], %mul3A_354 : memref<80x32xf32, #tpu.memory_space<vmem>>[vector<16xi32>, vector<16xi32>], vector<16xf32>,
          %broadcast_in_dim3A_355 = arith.constant 1 : i32
          %broadcast_in_dim3A_356 = vector.broadcast %broadcast_in_dim3A_355 : i32 to vector<16xi32>
          %gather3A_357 = tpu.vector_load_idx %arg27[%add3A_220, %broadcast_in_dim3A_356] : memref<80x16xf32, #tpu.memory_space<vmem>>[vector<16xi32>, vector<16xi32>], vector<16xf32>,
          %add3A_358 = arith.addf %gather3A_357, %gather3A_231 : vector<16xf32>
          %mul3A_359 = arith.mulf %exp3A, %add3A_358 : vector<16xf32>
          tpu.vector_store_idx %arg31[%add3A_220, %broadcast_in_dim3A_356], %mul3A_359 : memref<80x32xf32, #tpu.memory_space<vmem>>[vector<16xi32>, vector<16xi32>], vector<16xf32>,
          %broadcast_in_dim3A_360 = arith.constant 2 : i32
          %broadcast_in_dim3A_361 = vector.broadcast %broadcast_in_dim3A_360 : i32 to vector<16xi32>
          %gather3A_362 = tpu.vector_load_idx %arg27[%add3A_220, %broadcast_in_dim3A_361] : memref<80x16xf32, #tpu.memory_space<vmem>>[vector<16xi32>, vector<16xi32>], vector<16xf32>,
          %add3A_363 = arith.addf %gather3A_362, %gather3A_239 : vector<16xf32>
          %mul3A_364 = arith.mulf %exp3A, %add3A_363 : vector<16xf32>
          tpu.vector_store_idx %arg31[%add3A_220, %broadcast_in_dim3A_361], %mul3A_364 : memref<80x32xf32, #tpu.memory_space<vmem>>[vector<16xi32>, vector<16xi32>], vector<16xf32>,
          %broadcast_in_dim3A_365 = arith.constant 3 : i32
          %broadcast_in_dim3A_366 = vector.broadcast %broadcast_in_dim3A_365 : i32 to vector<16xi32>
          %gather3A_367 = tpu.vector_load_idx %arg27[%add3A_220, %broadcast_in_dim3A_366] : memref<80x16xf32, #tpu.memory_space<vmem>>[vector<16xi32>, vector<16xi32>], vector<16xf32>,
          %add3A_368 = arith.addf %gather3A_367, %gather3A_247 : vector<16xf32>
          %mul3A_369 = arith.mulf %exp3A, %add3A_368 : vector<16xf32>
          tpu.vector_store_idx %arg31[%add3A_220, %broadcast_in_dim3A_366], %mul3A_369 : memref<80x32xf32, #tpu.memory_space<vmem>>[vector<16xi32>, vector<16xi32>], vector<16xf32>,
          %broadcast_in_dim3A_370 = arith.constant 4 : i32
          %broadcast_in_dim3A_371 = vector.broadcast %broadcast_in_dim3A_370 : i32 to vector<16xi32>
          %gather3A_372 = tpu.vector_load_idx %arg27[%add3A_220, %broadcast_in_dim3A_371] : memref<80x16xf32, #tpu.memory_space<vmem>>[vector<16xi32>, vector<16xi32>], vector<16xf32>,
          %add3A_373 = arith.addf %gather3A_372, %gather3A_255 : vector<16xf32>
          %mul3A_374 = arith.mulf %exp3A, %add3A_373 : vector<16xf32>
          tpu.vector_store_idx %arg31[%add3A_220, %broadcast_in_dim3A_371], %mul3A_374 : memref<80x32xf32, #tpu.memory_space<vmem>>[vector<16xi32>, vector<16xi32>], vector<16xf32>,
          %broadcast_in_dim3A_375 = arith.constant 5 : i32
          %broadcast_in_dim3A_376 = vector.broadcast %broadcast_in_dim3A_375 : i32 to vector<16xi32>
          %gather3A_377 = tpu.vector_load_idx %arg27[%add3A_220, %broadcast_in_dim3A_376] : memref<80x16xf32, #tpu.memory_space<vmem>>[vector<16xi32>, vector<16xi32>], vector<16xf32>,
          %add3A_378 = arith.addf %gather3A_377, %gather3A_263 : vector<16xf32>
          %mul3A_379 = arith.mulf %exp3A, %add3A_378 : vector<16xf32>
          tpu.vector_store_idx %arg31[%add3A_220, %broadcast_in_dim3A_376], %mul3A_379 : memref<80x32xf32, #tpu.memory_space<vmem>>[vector<16xi32>, vector<16xi32>], vector<16xf32>,
          %broadcast_in_dim3A_380 = arith.constant 6 : i32
          %broadcast_in_dim3A_381 = vector.broadcast %broadcast_in_dim3A_380 : i32 to vector<16xi32>
          %gather3A_382 = tpu.vector_load_idx %arg27[%add3A_220, %broadcast_in_dim3A_381] : memref<80x16xf32, #tpu.memory_space<vmem>>[vector<16xi32>, vector<16xi32>], vector<16xf32>,
          %add3A_383 = arith.addf %gather3A_382, %gather3A_271 : vector<16xf32>
          %mul3A_384 = arith.mulf %exp3A, %add3A_383 : vector<16xf32>
          tpu.vector_store_idx %arg31[%add3A_220, %broadcast_in_dim3A_381], %mul3A_384 : memref<80x32xf32, #tpu.memory_space<vmem>>[vector<16xi32>, vector<16xi32>], vector<16xf32>,
          %broadcast_in_dim3A_385 = arith.constant 7 : i32
          %broadcast_in_dim3A_386 = vector.broadcast %broadcast_in_dim3A_385 : i32 to vector<16xi32>
          %gather3A_387 = tpu.vector_load_idx %arg27[%add3A_220, %broadcast_in_dim3A_386] : memref<80x16xf32, #tpu.memory_space<vmem>>[vector<16xi32>, vector<16xi32>], vector<16xf32>,
          %add3A_388 = arith.addf %gather3A_387, %gather3A_279 : vector<16xf32>
          %mul3A_389 = arith.mulf %exp3A, %add3A_388 : vector<16xf32>
          tpu.vector_store_idx %arg31[%add3A_220, %broadcast_in_dim3A_386], %mul3A_389 : memref<80x32xf32, #tpu.memory_space<vmem>>[vector<16xi32>, vector<16xi32>], vector<16xf32>,
          %broadcast_in_dim3A_390 = arith.constant 8 : i32
          %broadcast_in_dim3A_391 = vector.broadcast %broadcast_in_dim3A_390 : i32 to vector<16xi32>
          %gather3A_392 = tpu.vector_load_idx %arg27[%add3A_220, %broadcast_in_dim3A_391] : memref<80x16xf32, #tpu.memory_space<vmem>>[vector<16xi32>, vector<16xi32>], vector<16xf32>,
          %add3A_393 = arith.addf %gather3A_392, %gather3A_287 : vector<16xf32>
          %mul3A_394 = arith.mulf %exp3A, %add3A_393 : vector<16xf32>
          tpu.vector_store_idx %arg31[%add3A_220, %broadcast_in_dim3A_391], %mul3A_394 : memref<80x32xf32, #tpu.memory_space<vmem>>[vector<16xi32>, vector<16xi32>], vector<16xf32>,
          %broadcast_in_dim3A_395 = arith.constant 9 : i32
          %broadcast_in_dim3A_396 = vector.broadcast %broadcast_in_dim3A_395 : i32 to vector<16xi32>
          %gather3A_397 = tpu.vector_load_idx %arg27[%add3A_220, %broadcast_in_dim3A_396] : memref<80x16xf32, #tpu.memory_space<vmem>>[vector<16xi32>, vector<16xi32>], vector<16xf32>,
          %add3A_398 = arith.addf %gather3A_397, %gather3A_295 : vector<16xf32>
          %mul3A_399 = arith.mulf %exp3A, %add3A_398 : vector<16xf32>
          tpu.vector_store_idx %arg31[%add3A_220, %broadcast_in_dim3A_396], %mul3A_399 : memref<80x32xf32, #tpu.memory_space<vmem>>[vector<16xi32>, vector<16xi32>], vector<16xf32>,
          %broadcast_in_dim3A_400 = arith.constant 10 : i32
          %broadcast_in_dim3A_401 = vector.broadcast %broadcast_in_dim3A_400 : i32 to vector<16xi32>
          %gather3A_402 = tpu.vector_load_idx %arg27[%add3A_220, %broadcast_in_dim3A_401] : memref<80x16xf32, #tpu.memory_space<vmem>>[vector<16xi32>, vector<16xi32>], vector<16xf32>,
          %add3A_403 = arith.addf %gather3A_402, %gather3A_303 : vector<16xf32>
          %mul3A_404 = arith.mulf %exp3A, %add3A_403 : vector<16xf32>
          tpu.vector_store_idx %arg31[%add3A_220, %broadcast_in_dim3A_401], %mul3A_404 : memref<80x32xf32, #tpu.memory_space<vmem>>[vector<16xi32>, vector<16xi32>], vector<16xf32>,
          %broadcast_in_dim3A_405 = arith.constant 11 : i32
          %broadcast_in_dim3A_406 = vector.broadcast %broadcast_in_dim3A_405 : i32 to vector<16xi32>
          %gather3A_407 = tpu.vector_load_idx %arg27[%add3A_220, %broadcast_in_dim3A_406] : memref<80x16xf32, #tpu.memory_space<vmem>>[vector<16xi32>, vector<16xi32>], vector<16xf32>,
          %add3A_408 = arith.addf %gather3A_407, %gather3A_311 : vector<16xf32>
          %mul3A_409 = arith.mulf %exp3A, %add3A_408 : vector<16xf32>
          tpu.vector_store_idx %arg31[%add3A_220, %broadcast_in_dim3A_406], %mul3A_409 : memref<80x32xf32, #tpu.memory_space<vmem>>[vector<16xi32>, vector<16xi32>], vector<16xf32>,
          %broadcast_in_dim3A_410 = arith.constant 12 : i32
          %broadcast_in_dim3A_411 = vector.broadcast %broadcast_in_dim3A_410 : i32 to vector<16xi32>
          %gather3A_412 = tpu.vector_load_idx %arg27[%add3A_220, %broadcast_in_dim3A_411] : memref<80x16xf32, #tpu.memory_space<vmem>>[vector<16xi32>, vector<16xi32>], vector<16xf32>,
          %add3A_413 = arith.addf %gather3A_412, %gather3A_319 : vector<16xf32>
          %mul3A_414 = arith.mulf %exp3A, %add3A_413 : vector<16xf32>
          tpu.vector_store_idx %arg31[%add3A_220, %broadcast_in_dim3A_411], %mul3A_414 : memref<80x32xf32, #tpu.memory_space<vmem>>[vector<16xi32>, vector<16xi32>], vector<16xf32>,
          %broadcast_in_dim3A_415 = arith.constant 13 : i32
          %broadcast_in_dim3A_416 = vector.broadcast %broadcast_in_dim3A_415 : i32 to vector<16xi32>
          %gather3A_417 = tpu.vector_load_idx %arg27[%add3A_220, %broadcast_in_dim3A_416] : memref<80x16xf32, #tpu.memory_space<vmem>>[vector<16xi32>, vector<16xi32>], vector<16xf32>,
          %add3A_418 = arith.addf %gather3A_417, %gather3A_327 : vector<16xf32>
          %mul3A_419 = arith.mulf %exp3A, %add3A_418 : vector<16xf32>
          tpu.vector_store_idx %arg31[%add3A_220, %broadcast_in_dim3A_416], %mul3A_419 : memref<80x32xf32, #tpu.memory_space<vmem>>[vector<16xi32>, vector<16xi32>], vector<16xf32>,
          %broadcast_in_dim3A_420 = arith.constant 14 : i32
          %broadcast_in_dim3A_421 = vector.broadcast %broadcast_in_dim3A_420 : i32 to vector<16xi32>
          %gather3A_422 = tpu.vector_load_idx %arg27[%add3A_220, %broadcast_in_dim3A_421] : memref<80x16xf32, #tpu.memory_space<vmem>>[vector<16xi32>, vector<16xi32>], vector<16xf32>,
          %add3A_423 = arith.addf %gather3A_422, %gather3A_335 : vector<16xf32>
          %mul3A_424 = arith.mulf %exp3A, %add3A_423 : vector<16xf32>
          tpu.vector_store_idx %arg31[%add3A_220, %broadcast_in_dim3A_421], %mul3A_424 : memref<80x32xf32, #tpu.memory_space<vmem>>[vector<16xi32>, vector<16xi32>], vector<16xf32>,
          %broadcast_in_dim3A_425 = arith.constant 15 : i32
          %broadcast_in_dim3A_426 = vector.broadcast %broadcast_in_dim3A_425 : i32 to vector<16xi32>
          %gather3A_427 = tpu.vector_load_idx %arg27[%add3A_220, %broadcast_in_dim3A_426] : memref<80x16xf32, #tpu.memory_space<vmem>>[vector<16xi32>, vector<16xi32>], vector<16xf32>,
          %add3A_428 = arith.addf %gather3A_427, %gather3A_343 : vector<16xf32>
          %mul3A_429 = arith.mulf %exp3A, %add3A_428 : vector<16xf32>
          tpu.vector_store_idx %arg31[%add3A_220, %broadcast_in_dim3A_426], %mul3A_429 : memref<80x32xf32, #tpu.memory_space<vmem>>[vector<16xi32>, vector<16xi32>], vector<16xf32>,
          %broadcast_in_dim3A_430 = arith.constant 16 : i32
          %broadcast_in_dim3A_431 = vector.broadcast %broadcast_in_dim3A_430 : i32 to vector<16xi32>
          %add3A_432 = vector.broadcast %add3A_17 : i32 to vector<16xi32>
          %add3A_433 = arith.addi %broadcast_in_dim3A_431, %add3A_432 : vector<16xi32>
          tpu.vector_store_idx %arg31[%add3A_220, %add3A_433], %exp3A : memref<80x32xf32, #tpu.memory_space<vmem>>[vector<16xi32>, vector<16xi32>], vector<16xf32>,
        }
        %scan3A_158 = arith.constant 5 : i32
        "tpu.region"() ({
          %run_scoped3A = tpu.sem_alloc : memref<!tpu.dma_semaphore, #tpu.memory_space<semaphore_mem>>
          %dma_start3A_214 = arith.constant 0 : i32
          %dma_start3A_215 = arith.constant 0 : i32
          %dma_start3A_216 = tpu.memref_slice %arg10[%dma_start3A_214, %dma_start3A_215] : memref<50000x32xf32, #tpu.memory_space<vmem_shared>> -> memref<50000x32xf32, #tpu.memory_space<vmem_shared>>
          tpu.enqueue_indirect_dma source(%arg31 : memref<80x32xf32, #tpu.memory_space<vmem>>) target(%dma_start3A_216 : memref<50000x32xf32, #tpu.memory_space<vmem_shared>>) offsets(%arg19 : memref<80xi32, #tpu.memory_space<vmem>>) semaphore(%run_scoped3A : memref<!tpu.dma_semaphore, #tpu.memory_space<semaphore_mem>>) {add = true}
          %dma_wait3A_217 = arith.constant 0 : i32
          %dma_wait3A_218 = arith.constant 0 : i32
          %dma_wait3A_219 = tpu.memref_slice %arg10[%dma_wait3A_217, %dma_wait3A_218] : memref<50000x32xf32, #tpu.memory_space<vmem_shared>> -> memref<50000x32xf32, #tpu.memory_space<vmem_shared>>
          tpu.wait_indirect_dma semaphore(%run_scoped3A : memref<!tpu.dma_semaphore, #tpu.memory_space<semaphore_mem>>) src(%arg31 : memref<80x32xf32, #tpu.memory_space<vmem>>) dst(%dma_wait3A_219 : memref<50000x32xf32, #tpu.memory_space<vmem_shared>>)
          tpu.yield
        }) : () -> ()
        %dma_wait3A_159 = arith.constant 0 : i32
        %dma_wait3A_160 = tpu.memref_slice %arg6[%dma_wait3A_159] : memref<1600000xi32, #tpu.memory_space<hbm>> -> memref<80xi32, #tpu.memory_space<hbm>>
        %dma_wait3A_161 = arith.constant 0 : i32
        %dma_wait3A_162 = tpu.memref_slice %arg6[%dma_wait3A_161] : memref<1600000xi32, #tpu.memory_space<hbm>> -> memref<80xi32, #tpu.memory_space<hbm>>
        tpu.wait_dma2 semaphore(%arg32 : memref<!tpu.dma_semaphore, #tpu.memory_space<semaphore_mem>>) src(%dma_wait3A_162 : memref<80xi32, #tpu.memory_space<hbm>>) dst(%arg11 : memref<80xi32, #tpu.memory_space<vmem>>)
        %dma_wait3A_163 = arith.constant 0 : i32
        %dma_wait3A_164 = tpu.memref_slice %arg7[%dma_wait3A_163] : memref<1600000xi32, #tpu.memory_space<hbm>> -> memref<80xi32, #tpu.memory_space<hbm>>
        %dma_wait3A_165 = arith.constant 0 : i32
        %dma_wait3A_166 = tpu.memref_slice %arg7[%dma_wait3A_165] : memref<1600000xi32, #tpu.memory_space<hbm>> -> memref<80xi32, #tpu.memory_space<hbm>>
        tpu.wait_dma2 semaphore(%arg32 : memref<!tpu.dma_semaphore, #tpu.memory_space<semaphore_mem>>) src(%dma_wait3A_166 : memref<80xi32, #tpu.memory_space<hbm>>) dst(%arg13 : memref<80xi32, #tpu.memory_space<vmem>>)
        %add3A_167 = arith.constant 2 : i32
        %add3A_168 = arith.addi %add3A_104, %add3A_167 : i32
        %mul3A_169 = arith.constant 80 : i32
        %mul3A_170 = arith.muli %add3A_168, %mul3A_169 : i32
        %add3A_171 = arith.addi %sub3A, %mul3A_170 : i32
        %mul3A_172 = arith.constant 4 : i32
        %mul3A_173 = arith.muli %add3A_171, %mul3A_172 : i32
        %add3A_174 = arith.addi %mul3A_173, %add3A_17 : i32
        %scan3A_175 = arith.constant 0 : i32
        %scan3A_176 = arith.constant 5 : i32
        %scan3A_177 = arith.addi %scan3A_175, %scan3A_176 : i32
        %scan3A_178 = arith.constant 1 : i32
        scf.for %scan3A_214 = %scan3A_175 to %scan3A_177 step %scan3A_178  : i32 {
          %mul3A_215 = arith.constant 16 : i32
          %mul3A_216 = arith.muli %scan3A_214, %mul3A_215 : i32
          %add3A_217 = arith.constant 0 : i32
          %add3A_218 = arith.addi %add3A_217, %mul3A_216 : i32
          %get3A = arith.index_cast %add3A_218 : i32 to index
          %get3A_219 = tpu.vector_load %arg11[%get3A] {strides = array<i32>} : memref<80xi32, #tpu.memory_space<vmem>>, vector<16xi32>,
          %mul3A_220 = arith.constant 4 : i32
          %mul3A_221 = vector.broadcast %mul3A_220 : i32 to vector<16xi32>
          %mul3A_222 = arith.muli %get3A_219, %mul3A_221 : vector<16xi32>
          %add3A_223 = vector.broadcast %add3A_17 : i32 to vector<16xi32>
          %add3A_224 = arith.addi %mul3A_222, %add3A_223 : vector<16xi32>
          %swap3A = arith.index_cast %add3A_218 : i32 to index
          %swap3A_225 = tpu.vector_load %arg15[%swap3A] {strides = array<i32>} : memref<80xi32, #tpu.memory_space<vmem>>, vector<16xi32>,
          tpu.vector_store %arg15[%swap3A], %add3A_224 {strides = array<i32>} : memref<80xi32, #tpu.memory_space<vmem>>, vector<16xi32>,
          %get3A_226 = arith.index_cast %add3A_218 : i32 to index
          %get3A_227 = tpu.vector_load %arg13[%get3A_226] {strides = array<i32>} : memref<80xi32, #tpu.memory_space<vmem>>, vector<16xi32>,
          %mul3A_228 = arith.constant 4 : i32
          %mul3A_229 = vector.broadcast %mul3A_228 : i32 to vector<16xi32>
          %mul3A_230 = arith.muli %get3A_227, %mul3A_229 : vector<16xi32>
          %add3A_231 = vector.broadcast %add3A_17 : i32 to vector<16xi32>
          %add3A_232 = arith.addi %mul3A_230, %add3A_231 : vector<16xi32>
          %swap3A_233 = arith.index_cast %add3A_218 : i32 to index
          %swap3A_234 = tpu.vector_load %arg17[%swap3A_233] {strides = array<i32>} : memref<80xi32, #tpu.memory_space<vmem>>, vector<16xi32>,
          tpu.vector_store %arg17[%swap3A_233], %add3A_232 {strides = array<i32>} : memref<80xi32, #tpu.memory_space<vmem>>, vector<16xi32>,
          %get3A_235 = arith.index_cast %add3A_218 : i32 to index
          %get3A_236 = tpu.vector_load %arg13[%get3A_235] {strides = array<i32>} : memref<80xi32, #tpu.memory_space<vmem>>, vector<16xi32>,
          %swap3A_237 = arith.index_cast %add3A_218 : i32 to index
          %swap3A_238 = tpu.vector_load %arg19[%swap3A_237] {strides = array<i32>} : memref<80xi32, #tpu.memory_space<vmem>>, vector<16xi32>,
          tpu.vector_store %arg19[%swap3A_237], %get3A_236 {strides = array<i32>} : memref<80xi32, #tpu.memory_space<vmem>>, vector<16xi32>,
          %mul3A_239 = arith.constant 4 : i32
          %mul3A_240 = arith.muli %add3A_218, %mul3A_239 : i32
          %add3A_241 = arith.addi %add3A_174, %mul3A_240 : i32
          %add3A_242 = vector.broadcast %add3A_241 : i32 to vector<16xi32>
          %add3A_243 = arith.addi %add3A_242, %mul3A_5 : vector<16xi32>
          %swap3A_244 = arith.index_cast %add3A_218 : i32 to index
          %swap3A_245 = tpu.vector_load %arg21[%swap3A_244] {strides = array<i32>} : memref<80xi32, #tpu.memory_space<vmem>>, vector<16xi32>,
          tpu.vector_store %arg21[%swap3A_244], %add3A_243 {strides = array<i32>} : memref<80xi32, #tpu.memory_space<vmem>>, vector<16xi32>,
        }
        %scan3A_179 = arith.constant 5 : i32
        %dma_start3A_180 = arith.constant 0 : i32
        %dma_start3A_181 = arith.constant 0 : i32
        %dma_start3A_182 = tpu.memref_slice %arg2[%dma_start3A_180, %dma_start3A_181] : memref<200000x16xf32, #tpu.memory_space<hbm>> -> memref<200000x16xf32, #tpu.memory_space<hbm>>
        tpu.enqueue_indirect_dma source(%dma_start3A_182 : memref<200000x16xf32, #tpu.memory_space<hbm>>) target(%arg23 : memref<80x16xf32, #tpu.memory_space<vmem>>) offsets(%arg17 : memref<80xi32, #tpu.memory_space<vmem>>) semaphore(%arg34 : memref<!tpu.dma_semaphore, #tpu.memory_space<semaphore_mem>>)
        %dma_start3A_183 = arith.constant 0 : i32
        %dma_start3A_184 = arith.constant 0 : i32
        %dma_start3A_185 = tpu.memref_slice %arg3[%dma_start3A_183, %dma_start3A_184] : memref<200000x16xf32, #tpu.memory_space<hbm>> -> memref<200000x16xf32, #tpu.memory_space<hbm>>
        tpu.enqueue_indirect_dma source(%dma_start3A_185 : memref<200000x16xf32, #tpu.memory_space<hbm>>) target(%arg25 : memref<80x16xf32, #tpu.memory_space<vmem>>) offsets(%arg15 : memref<80xi32, #tpu.memory_space<vmem>>) semaphore(%arg34 : memref<!tpu.dma_semaphore, #tpu.memory_space<semaphore_mem>>)
        %dma_start3A_186 = arith.constant 0 : i32
        %dma_start3A_187 = arith.constant 0 : i32
        %dma_start3A_188 = tpu.memref_slice %arg4[%dma_start3A_186, %dma_start3A_187] : memref<200000x16xf32, #tpu.memory_space<hbm>> -> memref<200000x16xf32, #tpu.memory_space<hbm>>
        tpu.enqueue_indirect_dma source(%dma_start3A_188 : memref<200000x16xf32, #tpu.memory_space<hbm>>) target(%arg27 : memref<80x16xf32, #tpu.memory_space<vmem>>) offsets(%arg15 : memref<80xi32, #tpu.memory_space<vmem>>) semaphore(%arg34 : memref<!tpu.dma_semaphore, #tpu.memory_space<semaphore_mem>>)
        %dma_start3A_189 = arith.constant 0 : i32
        %dma_start3A_190 = arith.constant 0 : i32
        %dma_start3A_191 = tpu.memref_slice %arg5[%dma_start3A_189, %dma_start3A_190] : memref<3200000x16xf32, #tpu.memory_space<hbm>> -> memref<3200000x16xf32, #tpu.memory_space<hbm>>
        tpu.enqueue_indirect_dma source(%dma_start3A_191 : memref<3200000x16xf32, #tpu.memory_space<hbm>>) target(%arg29 : memref<80x16xf32, #tpu.memory_space<vmem>>) offsets(%arg21 : memref<80xi32, #tpu.memory_space<vmem>>) semaphore(%arg34 : memref<!tpu.dma_semaphore, #tpu.memory_space<semaphore_mem>>)
        %lt3A_192 = arith.constant 622 : i32
        %lt3A_193 = arith.cmpi slt, %add3A_104, %lt3A_192 : i32
        %convert_element_type3A_194 = arith.extui %lt3A_193 : i1 to i32
        %cond3A_195 = arith.constant 0 : i32
        %cond3A_196 = arith.cmpi ne, %convert_element_type3A_194, %cond3A_195 : i32
        scf.if %cond3A_196 {
          %add3A_214 = arith.constant 4 : i32
          %add3A_215 = arith.addi %add3A_104, %add3A_214 : i32
          %mul3A_216 = arith.constant 80 : i32
          %mul3A_217 = arith.muli %add3A_215, %mul3A_216 : i32
          %add3A_218 = arith.addi %mul3A_2, %mul3A_217 : i32
          %dma_start3A_219 = tpu.memref_slice %arg6[%add3A_218] : memref<1600000xi32, #tpu.memory_space<hbm>> -> memref<80xi32, #tpu.memory_space<hbm>>
          %dma_start3A_220 = tpu.memref_slice %arg6[%add3A_218] : memref<1600000xi32, #tpu.memory_space<hbm>> -> memref<80xi32, #tpu.memory_space<hbm>>
          tpu.enqueue_dma source(%dma_start3A_220 : memref<80xi32, #tpu.memory_space<hbm>>) target(%arg11 : memref<80xi32, #tpu.memory_space<vmem>>) target_semaphore(%arg32 : memref<!tpu.dma_semaphore, #tpu.memory_space<semaphore_mem>>)
          %dma_start3A_221 = tpu.memref_slice %arg7[%add3A_218] : memref<1600000xi32, #tpu.memory_space<hbm>> -> memref<80xi32, #tpu.memory_space<hbm>>
          %dma_start3A_222 = tpu.memref_slice %arg7[%add3A_218] : memref<1600000xi32, #tpu.memory_space<hbm>> -> memref<80xi32, #tpu.memory_space<hbm>>
          tpu.enqueue_dma source(%dma_start3A_222 : memref<80xi32, #tpu.memory_space<hbm>>) target(%arg13 : memref<80xi32, #tpu.memory_space<vmem>>) target_semaphore(%arg32 : memref<!tpu.dma_semaphore, #tpu.memory_space<semaphore_mem>>)
        } else {
        }
        %dma_wait3A_197 = arith.constant 0 : i32
        %dma_wait3A_198 = arith.constant 0 : i32
        %dma_wait3A_199 = tpu.memref_slice %arg2[%dma_wait3A_197, %dma_wait3A_198] : memref<200000x16xf32, #tpu.memory_space<hbm>> -> memref<200000x16xf32, #tpu.memory_space<hbm>>
        tpu.wait_indirect_dma semaphore(%arg35 : memref<!tpu.dma_semaphore, #tpu.memory_space<semaphore_mem>>) src(%dma_wait3A_199 : memref<200000x16xf32, #tpu.memory_space<hbm>>) dst(%arg24 : memref<80x16xf32, #tpu.memory_space<vmem>>)
        %dma_wait3A_200 = arith.constant 0 : i32
        %dma_wait3A_201 = arith.constant 0 : i32
        %dma_wait3A_202 = tpu.memref_slice %arg3[%dma_wait3A_200, %dma_wait3A_201] : memref<200000x16xf32, #tpu.memory_space<hbm>> -> memref<200000x16xf32, #tpu.memory_space<hbm>>
        tpu.wait_indirect_dma semaphore(%arg35 : memref<!tpu.dma_semaphore, #tpu.memory_space<semaphore_mem>>) src(%dma_wait3A_202 : memref<200000x16xf32, #tpu.memory_space<hbm>>) dst(%arg26 : memref<80x16xf32, #tpu.memory_space<vmem>>)
        %dma_wait3A_203 = arith.constant 0 : i32
        %dma_wait3A_204 = arith.constant 0 : i32
        %dma_wait3A_205 = tpu.memref_slice %arg4[%dma_wait3A_203, %dma_wait3A_204] : memref<200000x16xf32, #tpu.memory_space<hbm>> -> memref<200000x16xf32, #tpu.memory_space<hbm>>
        tpu.wait_indirect_dma semaphore(%arg35 : memref<!tpu.dma_semaphore, #tpu.memory_space<semaphore_mem>>) src(%dma_wait3A_205 : memref<200000x16xf32, #tpu.memory_space<hbm>>) dst(%arg28 : memref<80x16xf32, #tpu.memory_space<vmem>>)
        %dma_wait3A_206 = arith.constant 0 : i32
        %dma_wait3A_207 = arith.constant 0 : i32
        %dma_wait3A_208 = tpu.memref_slice %arg5[%dma_wait3A_206, %dma_wait3A_207] : memref<3200000x16xf32, #tpu.memory_space<hbm>> -> memref<3200000x16xf32, #tpu.memory_space<hbm>>
        tpu.wait_indirect_dma semaphore(%arg35 : memref<!tpu.dma_semaphore, #tpu.memory_space<semaphore_mem>>) src(%dma_wait3A_208 : memref<3200000x16xf32, #tpu.memory_space<hbm>>) dst(%arg30 : memref<80x16xf32, #tpu.memory_space<vmem>>)
        %scan3A_209 = arith.constant 0 : i32
        %scan3A_210 = arith.constant 5 : i32
        %scan3A_211 = arith.addi %scan3A_209, %scan3A_210 : i32
        %scan3A_212 = arith.constant 1 : i32
        scf.for %scan3A_214 = %scan3A_209 to %scan3A_211 step %scan3A_212  : i32 {
          %mul3A_215 = arith.constant 16 : i32
          %mul3A_216 = arith.muli %scan3A_214, %mul3A_215 : i32
          %add3A_217 = arith.constant 0 : i32
          %add3A_218 = arith.addi %add3A_217, %mul3A_216 : i32
          %add3A_219 = vector.broadcast %add3A_218 : i32 to vector<16xi32>
          %add3A_220 = arith.addi %add3A_219, %iota3A : vector<16xi32>
          %broadcast_in_dim3A_221 = arith.constant 0 : i32
          %broadcast_in_dim3A_222 = vector.broadcast %broadcast_in_dim3A_221 : i32 to vector<16xi32>
          %gather3A = tpu.vector_load_idx %arg24[%add3A_220, %broadcast_in_dim3A_222] : memref<80x16xf32, #tpu.memory_space<vmem>>[vector<16xi32>, vector<16xi32>], vector<16xf32>,
          %gather3A_223 = tpu.vector_load_idx %arg26[%add3A_220, %broadcast_in_dim3A_222] : memref<80x16xf32, #tpu.memory_space<vmem>>[vector<16xi32>, vector<16xi32>], vector<16xf32>,
          %gather3A_224 = tpu.vector_load_idx %arg30[%add3A_220, %broadcast_in_dim3A_222] : memref<80x16xf32, #tpu.memory_space<vmem>>[vector<16xi32>, vector<16xi32>], vector<16xf32>,
          %add3A_225 = arith.addf %gather3A_223, %gather3A_224 : vector<16xf32>
          %mul3A_226 = arith.mulf %gather3A, %add3A_225 : vector<16xf32>
          %broadcast_in_dim3A_227 = arith.constant 1 : i32
          %broadcast_in_dim3A_228 = vector.broadcast %broadcast_in_dim3A_227 : i32 to vector<16xi32>
          %gather3A_229 = tpu.vector_load_idx %arg24[%add3A_220, %broadcast_in_dim3A_228] : memref<80x16xf32, #tpu.memory_space<vmem>>[vector<16xi32>, vector<16xi32>], vector<16xf32>,
          %gather3A_230 = tpu.vector_load_idx %arg26[%add3A_220, %broadcast_in_dim3A_228] : memref<80x16xf32, #tpu.memory_space<vmem>>[vector<16xi32>, vector<16xi32>], vector<16xf32>,
          %gather3A_231 = tpu.vector_load_idx %arg30[%add3A_220, %broadcast_in_dim3A_228] : memref<80x16xf32, #tpu.memory_space<vmem>>[vector<16xi32>, vector<16xi32>], vector<16xf32>,
          %add3A_232 = arith.addf %gather3A_230, %gather3A_231 : vector<16xf32>
          %mul3A_233 = arith.mulf %gather3A_229, %add3A_232 : vector<16xf32>
          %add3A_234 = arith.addf %mul3A_226, %mul3A_233 : vector<16xf32>
          %broadcast_in_dim3A_235 = arith.constant 2 : i32
          %broadcast_in_dim3A_236 = vector.broadcast %broadcast_in_dim3A_235 : i32 to vector<16xi32>
          %gather3A_237 = tpu.vector_load_idx %arg24[%add3A_220, %broadcast_in_dim3A_236] : memref<80x16xf32, #tpu.memory_space<vmem>>[vector<16xi32>, vector<16xi32>], vector<16xf32>,
          %gather3A_238 = tpu.vector_load_idx %arg26[%add3A_220, %broadcast_in_dim3A_236] : memref<80x16xf32, #tpu.memory_space<vmem>>[vector<16xi32>, vector<16xi32>], vector<16xf32>,
          %gather3A_239 = tpu.vector_load_idx %arg30[%add3A_220, %broadcast_in_dim3A_236] : memref<80x16xf32, #tpu.memory_space<vmem>>[vector<16xi32>, vector<16xi32>], vector<16xf32>,
          %add3A_240 = arith.addf %gather3A_238, %gather3A_239 : vector<16xf32>
          %mul3A_241 = arith.mulf %gather3A_237, %add3A_240 : vector<16xf32>
          %add3A_242 = arith.addf %add3A_234, %mul3A_241 : vector<16xf32>
          %broadcast_in_dim3A_243 = arith.constant 3 : i32
          %broadcast_in_dim3A_244 = vector.broadcast %broadcast_in_dim3A_243 : i32 to vector<16xi32>
          %gather3A_245 = tpu.vector_load_idx %arg24[%add3A_220, %broadcast_in_dim3A_244] : memref<80x16xf32, #tpu.memory_space<vmem>>[vector<16xi32>, vector<16xi32>], vector<16xf32>,
          %gather3A_246 = tpu.vector_load_idx %arg26[%add3A_220, %broadcast_in_dim3A_244] : memref<80x16xf32, #tpu.memory_space<vmem>>[vector<16xi32>, vector<16xi32>], vector<16xf32>,
          %gather3A_247 = tpu.vector_load_idx %arg30[%add3A_220, %broadcast_in_dim3A_244] : memref<80x16xf32, #tpu.memory_space<vmem>>[vector<16xi32>, vector<16xi32>], vector<16xf32>,
          %add3A_248 = arith.addf %gather3A_246, %gather3A_247 : vector<16xf32>
          %mul3A_249 = arith.mulf %gather3A_245, %add3A_248 : vector<16xf32>
          %add3A_250 = arith.addf %add3A_242, %mul3A_249 : vector<16xf32>
          %broadcast_in_dim3A_251 = arith.constant 4 : i32
          %broadcast_in_dim3A_252 = vector.broadcast %broadcast_in_dim3A_251 : i32 to vector<16xi32>
          %gather3A_253 = tpu.vector_load_idx %arg24[%add3A_220, %broadcast_in_dim3A_252] : memref<80x16xf32, #tpu.memory_space<vmem>>[vector<16xi32>, vector<16xi32>], vector<16xf32>,
          %gather3A_254 = tpu.vector_load_idx %arg26[%add3A_220, %broadcast_in_dim3A_252] : memref<80x16xf32, #tpu.memory_space<vmem>>[vector<16xi32>, vector<16xi32>], vector<16xf32>,
          %gather3A_255 = tpu.vector_load_idx %arg30[%add3A_220, %broadcast_in_dim3A_252] : memref<80x16xf32, #tpu.memory_space<vmem>>[vector<16xi32>, vector<16xi32>], vector<16xf32>,
          %add3A_256 = arith.addf %gather3A_254, %gather3A_255 : vector<16xf32>
          %mul3A_257 = arith.mulf %gather3A_253, %add3A_256 : vector<16xf32>
          %add3A_258 = arith.addf %add3A_250, %mul3A_257 : vector<16xf32>
          %broadcast_in_dim3A_259 = arith.constant 5 : i32
          %broadcast_in_dim3A_260 = vector.broadcast %broadcast_in_dim3A_259 : i32 to vector<16xi32>
          %gather3A_261 = tpu.vector_load_idx %arg24[%add3A_220, %broadcast_in_dim3A_260] : memref<80x16xf32, #tpu.memory_space<vmem>>[vector<16xi32>, vector<16xi32>], vector<16xf32>,
          %gather3A_262 = tpu.vector_load_idx %arg26[%add3A_220, %broadcast_in_dim3A_260] : memref<80x16xf32, #tpu.memory_space<vmem>>[vector<16xi32>, vector<16xi32>], vector<16xf32>,
          %gather3A_263 = tpu.vector_load_idx %arg30[%add3A_220, %broadcast_in_dim3A_260] : memref<80x16xf32, #tpu.memory_space<vmem>>[vector<16xi32>, vector<16xi32>], vector<16xf32>,
          %add3A_264 = arith.addf %gather3A_262, %gather3A_263 : vector<16xf32>
          %mul3A_265 = arith.mulf %gather3A_261, %add3A_264 : vector<16xf32>
          %add3A_266 = arith.addf %add3A_258, %mul3A_265 : vector<16xf32>
          %broadcast_in_dim3A_267 = arith.constant 6 : i32
          %broadcast_in_dim3A_268 = vector.broadcast %broadcast_in_dim3A_267 : i32 to vector<16xi32>
          %gather3A_269 = tpu.vector_load_idx %arg24[%add3A_220, %broadcast_in_dim3A_268] : memref<80x16xf32, #tpu.memory_space<vmem>>[vector<16xi32>, vector<16xi32>], vector<16xf32>,
          %gather3A_270 = tpu.vector_load_idx %arg26[%add3A_220, %broadcast_in_dim3A_268] : memref<80x16xf32, #tpu.memory_space<vmem>>[vector<16xi32>, vector<16xi32>], vector<16xf32>,
          %gather3A_271 = tpu.vector_load_idx %arg30[%add3A_220, %broadcast_in_dim3A_268] : memref<80x16xf32, #tpu.memory_space<vmem>>[vector<16xi32>, vector<16xi32>], vector<16xf32>,
          %add3A_272 = arith.addf %gather3A_270, %gather3A_271 : vector<16xf32>
          %mul3A_273 = arith.mulf %gather3A_269, %add3A_272 : vector<16xf32>
          %add3A_274 = arith.addf %add3A_266, %mul3A_273 : vector<16xf32>
          %broadcast_in_dim3A_275 = arith.constant 7 : i32
          %broadcast_in_dim3A_276 = vector.broadcast %broadcast_in_dim3A_275 : i32 to vector<16xi32>
          %gather3A_277 = tpu.vector_load_idx %arg24[%add3A_220, %broadcast_in_dim3A_276] : memref<80x16xf32, #tpu.memory_space<vmem>>[vector<16xi32>, vector<16xi32>], vector<16xf32>,
          %gather3A_278 = tpu.vector_load_idx %arg26[%add3A_220, %broadcast_in_dim3A_276] : memref<80x16xf32, #tpu.memory_space<vmem>>[vector<16xi32>, vector<16xi32>], vector<16xf32>,
          %gather3A_279 = tpu.vector_load_idx %arg30[%add3A_220, %broadcast_in_dim3A_276] : memref<80x16xf32, #tpu.memory_space<vmem>>[vector<16xi32>, vector<16xi32>], vector<16xf32>,
          %add3A_280 = arith.addf %gather3A_278, %gather3A_279 : vector<16xf32>
          %mul3A_281 = arith.mulf %gather3A_277, %add3A_280 : vector<16xf32>
          %add3A_282 = arith.addf %add3A_274, %mul3A_281 : vector<16xf32>
          %broadcast_in_dim3A_283 = arith.constant 8 : i32
          %broadcast_in_dim3A_284 = vector.broadcast %broadcast_in_dim3A_283 : i32 to vector<16xi32>
          %gather3A_285 = tpu.vector_load_idx %arg24[%add3A_220, %broadcast_in_dim3A_284] : memref<80x16xf32, #tpu.memory_space<vmem>>[vector<16xi32>, vector<16xi32>], vector<16xf32>,
          %gather3A_286 = tpu.vector_load_idx %arg26[%add3A_220, %broadcast_in_dim3A_284] : memref<80x16xf32, #tpu.memory_space<vmem>>[vector<16xi32>, vector<16xi32>], vector<16xf32>,
          %gather3A_287 = tpu.vector_load_idx %arg30[%add3A_220, %broadcast_in_dim3A_284] : memref<80x16xf32, #tpu.memory_space<vmem>>[vector<16xi32>, vector<16xi32>], vector<16xf32>,
          %add3A_288 = arith.addf %gather3A_286, %gather3A_287 : vector<16xf32>
          %mul3A_289 = arith.mulf %gather3A_285, %add3A_288 : vector<16xf32>
          %add3A_290 = arith.addf %add3A_282, %mul3A_289 : vector<16xf32>
          %broadcast_in_dim3A_291 = arith.constant 9 : i32
          %broadcast_in_dim3A_292 = vector.broadcast %broadcast_in_dim3A_291 : i32 to vector<16xi32>
          %gather3A_293 = tpu.vector_load_idx %arg24[%add3A_220, %broadcast_in_dim3A_292] : memref<80x16xf32, #tpu.memory_space<vmem>>[vector<16xi32>, vector<16xi32>], vector<16xf32>,
          %gather3A_294 = tpu.vector_load_idx %arg26[%add3A_220, %broadcast_in_dim3A_292] : memref<80x16xf32, #tpu.memory_space<vmem>>[vector<16xi32>, vector<16xi32>], vector<16xf32>,
          %gather3A_295 = tpu.vector_load_idx %arg30[%add3A_220, %broadcast_in_dim3A_292] : memref<80x16xf32, #tpu.memory_space<vmem>>[vector<16xi32>, vector<16xi32>], vector<16xf32>,
          %add3A_296 = arith.addf %gather3A_294, %gather3A_295 : vector<16xf32>
          %mul3A_297 = arith.mulf %gather3A_293, %add3A_296 : vector<16xf32>
          %add3A_298 = arith.addf %add3A_290, %mul3A_297 : vector<16xf32>
          %broadcast_in_dim3A_299 = arith.constant 10 : i32
          %broadcast_in_dim3A_300 = vector.broadcast %broadcast_in_dim3A_299 : i32 to vector<16xi32>
          %gather3A_301 = tpu.vector_load_idx %arg24[%add3A_220, %broadcast_in_dim3A_300] : memref<80x16xf32, #tpu.memory_space<vmem>>[vector<16xi32>, vector<16xi32>], vector<16xf32>,
          %gather3A_302 = tpu.vector_load_idx %arg26[%add3A_220, %broadcast_in_dim3A_300] : memref<80x16xf32, #tpu.memory_space<vmem>>[vector<16xi32>, vector<16xi32>], vector<16xf32>,
          %gather3A_303 = tpu.vector_load_idx %arg30[%add3A_220, %broadcast_in_dim3A_300] : memref<80x16xf32, #tpu.memory_space<vmem>>[vector<16xi32>, vector<16xi32>], vector<16xf32>,
          %add3A_304 = arith.addf %gather3A_302, %gather3A_303 : vector<16xf32>
          %mul3A_305 = arith.mulf %gather3A_301, %add3A_304 : vector<16xf32>
          %add3A_306 = arith.addf %add3A_298, %mul3A_305 : vector<16xf32>
          %broadcast_in_dim3A_307 = arith.constant 11 : i32
          %broadcast_in_dim3A_308 = vector.broadcast %broadcast_in_dim3A_307 : i32 to vector<16xi32>
          %gather3A_309 = tpu.vector_load_idx %arg24[%add3A_220, %broadcast_in_dim3A_308] : memref<80x16xf32, #tpu.memory_space<vmem>>[vector<16xi32>, vector<16xi32>], vector<16xf32>,
          %gather3A_310 = tpu.vector_load_idx %arg26[%add3A_220, %broadcast_in_dim3A_308] : memref<80x16xf32, #tpu.memory_space<vmem>>[vector<16xi32>, vector<16xi32>], vector<16xf32>,
          %gather3A_311 = tpu.vector_load_idx %arg30[%add3A_220, %broadcast_in_dim3A_308] : memref<80x16xf32, #tpu.memory_space<vmem>>[vector<16xi32>, vector<16xi32>], vector<16xf32>,
          %add3A_312 = arith.addf %gather3A_310, %gather3A_311 : vector<16xf32>
          %mul3A_313 = arith.mulf %gather3A_309, %add3A_312 : vector<16xf32>
          %add3A_314 = arith.addf %add3A_306, %mul3A_313 : vector<16xf32>
          %broadcast_in_dim3A_315 = arith.constant 12 : i32
          %broadcast_in_dim3A_316 = vector.broadcast %broadcast_in_dim3A_315 : i32 to vector<16xi32>
          %gather3A_317 = tpu.vector_load_idx %arg24[%add3A_220, %broadcast_in_dim3A_316] : memref<80x16xf32, #tpu.memory_space<vmem>>[vector<16xi32>, vector<16xi32>], vector<16xf32>,
          %gather3A_318 = tpu.vector_load_idx %arg26[%add3A_220, %broadcast_in_dim3A_316] : memref<80x16xf32, #tpu.memory_space<vmem>>[vector<16xi32>, vector<16xi32>], vector<16xf32>,
          %gather3A_319 = tpu.vector_load_idx %arg30[%add3A_220, %broadcast_in_dim3A_316] : memref<80x16xf32, #tpu.memory_space<vmem>>[vector<16xi32>, vector<16xi32>], vector<16xf32>,
          %add3A_320 = arith.addf %gather3A_318, %gather3A_319 : vector<16xf32>
          %mul3A_321 = arith.mulf %gather3A_317, %add3A_320 : vector<16xf32>
          %add3A_322 = arith.addf %add3A_314, %mul3A_321 : vector<16xf32>
          %broadcast_in_dim3A_323 = arith.constant 13 : i32
          %broadcast_in_dim3A_324 = vector.broadcast %broadcast_in_dim3A_323 : i32 to vector<16xi32>
          %gather3A_325 = tpu.vector_load_idx %arg24[%add3A_220, %broadcast_in_dim3A_324] : memref<80x16xf32, #tpu.memory_space<vmem>>[vector<16xi32>, vector<16xi32>], vector<16xf32>,
          %gather3A_326 = tpu.vector_load_idx %arg26[%add3A_220, %broadcast_in_dim3A_324] : memref<80x16xf32, #tpu.memory_space<vmem>>[vector<16xi32>, vector<16xi32>], vector<16xf32>,
          %gather3A_327 = tpu.vector_load_idx %arg30[%add3A_220, %broadcast_in_dim3A_324] : memref<80x16xf32, #tpu.memory_space<vmem>>[vector<16xi32>, vector<16xi32>], vector<16xf32>,
          %add3A_328 = arith.addf %gather3A_326, %gather3A_327 : vector<16xf32>
          %mul3A_329 = arith.mulf %gather3A_325, %add3A_328 : vector<16xf32>
          %add3A_330 = arith.addf %add3A_322, %mul3A_329 : vector<16xf32>
          %broadcast_in_dim3A_331 = arith.constant 14 : i32
          %broadcast_in_dim3A_332 = vector.broadcast %broadcast_in_dim3A_331 : i32 to vector<16xi32>
          %gather3A_333 = tpu.vector_load_idx %arg24[%add3A_220, %broadcast_in_dim3A_332] : memref<80x16xf32, #tpu.memory_space<vmem>>[vector<16xi32>, vector<16xi32>], vector<16xf32>,
          %gather3A_334 = tpu.vector_load_idx %arg26[%add3A_220, %broadcast_in_dim3A_332] : memref<80x16xf32, #tpu.memory_space<vmem>>[vector<16xi32>, vector<16xi32>], vector<16xf32>,
          %gather3A_335 = tpu.vector_load_idx %arg30[%add3A_220, %broadcast_in_dim3A_332] : memref<80x16xf32, #tpu.memory_space<vmem>>[vector<16xi32>, vector<16xi32>], vector<16xf32>,
          %add3A_336 = arith.addf %gather3A_334, %gather3A_335 : vector<16xf32>
          %mul3A_337 = arith.mulf %gather3A_333, %add3A_336 : vector<16xf32>
          %add3A_338 = arith.addf %add3A_330, %mul3A_337 : vector<16xf32>
          %broadcast_in_dim3A_339 = arith.constant 15 : i32
          %broadcast_in_dim3A_340 = vector.broadcast %broadcast_in_dim3A_339 : i32 to vector<16xi32>
          %gather3A_341 = tpu.vector_load_idx %arg24[%add3A_220, %broadcast_in_dim3A_340] : memref<80x16xf32, #tpu.memory_space<vmem>>[vector<16xi32>, vector<16xi32>], vector<16xf32>,
          %gather3A_342 = tpu.vector_load_idx %arg26[%add3A_220, %broadcast_in_dim3A_340] : memref<80x16xf32, #tpu.memory_space<vmem>>[vector<16xi32>, vector<16xi32>], vector<16xf32>,
          %gather3A_343 = tpu.vector_load_idx %arg30[%add3A_220, %broadcast_in_dim3A_340] : memref<80x16xf32, #tpu.memory_space<vmem>>[vector<16xi32>, vector<16xi32>], vector<16xf32>,
          %add3A_344 = arith.addf %gather3A_342, %gather3A_343 : vector<16xf32>
          %mul3A_345 = arith.mulf %gather3A_341, %add3A_344 : vector<16xf32>
          %add3A_346 = arith.addf %add3A_338, %mul3A_345 : vector<16xf32>
          %mul3A_347 = arith.constant 2.500000e-01 : f32
          %mul3A_348 = vector.broadcast %mul3A_347 : f32 to vector<16xf32>
          %mul3A_349 = arith.mulf %add3A_346, %mul3A_348 : vector<16xf32>
          %exp3A = math.exp %mul3A_349 : vector<16xf32>
          %broadcast_in_dim3A_350 = arith.constant 0 : i32
          %broadcast_in_dim3A_351 = vector.broadcast %broadcast_in_dim3A_350 : i32 to vector<16xi32>
          %gather3A_352 = tpu.vector_load_idx %arg28[%add3A_220, %broadcast_in_dim3A_351] : memref<80x16xf32, #tpu.memory_space<vmem>>[vector<16xi32>, vector<16xi32>], vector<16xf32>,
          %add3A_353 = arith.addf %gather3A_352, %gather3A_224 : vector<16xf32>
          %mul3A_354 = arith.mulf %exp3A, %add3A_353 : vector<16xf32>
          tpu.vector_store_idx %arg31[%add3A_220, %broadcast_in_dim3A_351], %mul3A_354 : memref<80x32xf32, #tpu.memory_space<vmem>>[vector<16xi32>, vector<16xi32>], vector<16xf32>,
          %broadcast_in_dim3A_355 = arith.constant 1 : i32
          %broadcast_in_dim3A_356 = vector.broadcast %broadcast_in_dim3A_355 : i32 to vector<16xi32>
          %gather3A_357 = tpu.vector_load_idx %arg28[%add3A_220, %broadcast_in_dim3A_356] : memref<80x16xf32, #tpu.memory_space<vmem>>[vector<16xi32>, vector<16xi32>], vector<16xf32>,
          %add3A_358 = arith.addf %gather3A_357, %gather3A_231 : vector<16xf32>
          %mul3A_359 = arith.mulf %exp3A, %add3A_358 : vector<16xf32>
          tpu.vector_store_idx %arg31[%add3A_220, %broadcast_in_dim3A_356], %mul3A_359 : memref<80x32xf32, #tpu.memory_space<vmem>>[vector<16xi32>, vector<16xi32>], vector<16xf32>,
          %broadcast_in_dim3A_360 = arith.constant 2 : i32
          %broadcast_in_dim3A_361 = vector.broadcast %broadcast_in_dim3A_360 : i32 to vector<16xi32>
          %gather3A_362 = tpu.vector_load_idx %arg28[%add3A_220, %broadcast_in_dim3A_361] : memref<80x16xf32, #tpu.memory_space<vmem>>[vector<16xi32>, vector<16xi32>], vector<16xf32>,
          %add3A_363 = arith.addf %gather3A_362, %gather3A_239 : vector<16xf32>
          %mul3A_364 = arith.mulf %exp3A, %add3A_363 : vector<16xf32>
          tpu.vector_store_idx %arg31[%add3A_220, %broadcast_in_dim3A_361], %mul3A_364 : memref<80x32xf32, #tpu.memory_space<vmem>>[vector<16xi32>, vector<16xi32>], vector<16xf32>,
          %broadcast_in_dim3A_365 = arith.constant 3 : i32
          %broadcast_in_dim3A_366 = vector.broadcast %broadcast_in_dim3A_365 : i32 to vector<16xi32>
          %gather3A_367 = tpu.vector_load_idx %arg28[%add3A_220, %broadcast_in_dim3A_366] : memref<80x16xf32, #tpu.memory_space<vmem>>[vector<16xi32>, vector<16xi32>], vector<16xf32>,
          %add3A_368 = arith.addf %gather3A_367, %gather3A_247 : vector<16xf32>
          %mul3A_369 = arith.mulf %exp3A, %add3A_368 : vector<16xf32>
          tpu.vector_store_idx %arg31[%add3A_220, %broadcast_in_dim3A_366], %mul3A_369 : memref<80x32xf32, #tpu.memory_space<vmem>>[vector<16xi32>, vector<16xi32>], vector<16xf32>,
          %broadcast_in_dim3A_370 = arith.constant 4 : i32
          %broadcast_in_dim3A_371 = vector.broadcast %broadcast_in_dim3A_370 : i32 to vector<16xi32>
          %gather3A_372 = tpu.vector_load_idx %arg28[%add3A_220, %broadcast_in_dim3A_371] : memref<80x16xf32, #tpu.memory_space<vmem>>[vector<16xi32>, vector<16xi32>], vector<16xf32>,
          %add3A_373 = arith.addf %gather3A_372, %gather3A_255 : vector<16xf32>
          %mul3A_374 = arith.mulf %exp3A, %add3A_373 : vector<16xf32>
          tpu.vector_store_idx %arg31[%add3A_220, %broadcast_in_dim3A_371], %mul3A_374 : memref<80x32xf32, #tpu.memory_space<vmem>>[vector<16xi32>, vector<16xi32>], vector<16xf32>,
          %broadcast_in_dim3A_375 = arith.constant 5 : i32
          %broadcast_in_dim3A_376 = vector.broadcast %broadcast_in_dim3A_375 : i32 to vector<16xi32>
          %gather3A_377 = tpu.vector_load_idx %arg28[%add3A_220, %broadcast_in_dim3A_376] : memref<80x16xf32, #tpu.memory_space<vmem>>[vector<16xi32>, vector<16xi32>], vector<16xf32>,
          %add3A_378 = arith.addf %gather3A_377, %gather3A_263 : vector<16xf32>
          %mul3A_379 = arith.mulf %exp3A, %add3A_378 : vector<16xf32>
          tpu.vector_store_idx %arg31[%add3A_220, %broadcast_in_dim3A_376], %mul3A_379 : memref<80x32xf32, #tpu.memory_space<vmem>>[vector<16xi32>, vector<16xi32>], vector<16xf32>,
          %broadcast_in_dim3A_380 = arith.constant 6 : i32
          %broadcast_in_dim3A_381 = vector.broadcast %broadcast_in_dim3A_380 : i32 to vector<16xi32>
          %gather3A_382 = tpu.vector_load_idx %arg28[%add3A_220, %broadcast_in_dim3A_381] : memref<80x16xf32, #tpu.memory_space<vmem>>[vector<16xi32>, vector<16xi32>], vector<16xf32>,
          %add3A_383 = arith.addf %gather3A_382, %gather3A_271 : vector<16xf32>
          %mul3A_384 = arith.mulf %exp3A, %add3A_383 : vector<16xf32>
          tpu.vector_store_idx %arg31[%add3A_220, %broadcast_in_dim3A_381], %mul3A_384 : memref<80x32xf32, #tpu.memory_space<vmem>>[vector<16xi32>, vector<16xi32>], vector<16xf32>,
          %broadcast_in_dim3A_385 = arith.constant 7 : i32
          %broadcast_in_dim3A_386 = vector.broadcast %broadcast_in_dim3A_385 : i32 to vector<16xi32>
          %gather3A_387 = tpu.vector_load_idx %arg28[%add3A_220, %broadcast_in_dim3A_386] : memref<80x16xf32, #tpu.memory_space<vmem>>[vector<16xi32>, vector<16xi32>], vector<16xf32>,
          %add3A_388 = arith.addf %gather3A_387, %gather3A_279 : vector<16xf32>
          %mul3A_389 = arith.mulf %exp3A, %add3A_388 : vector<16xf32>
          tpu.vector_store_idx %arg31[%add3A_220, %broadcast_in_dim3A_386], %mul3A_389 : memref<80x32xf32, #tpu.memory_space<vmem>>[vector<16xi32>, vector<16xi32>], vector<16xf32>,
          %broadcast_in_dim3A_390 = arith.constant 8 : i32
          %broadcast_in_dim3A_391 = vector.broadcast %broadcast_in_dim3A_390 : i32 to vector<16xi32>
          %gather3A_392 = tpu.vector_load_idx %arg28[%add3A_220, %broadcast_in_dim3A_391] : memref<80x16xf32, #tpu.memory_space<vmem>>[vector<16xi32>, vector<16xi32>], vector<16xf32>,
          %add3A_393 = arith.addf %gather3A_392, %gather3A_287 : vector<16xf32>
          %mul3A_394 = arith.mulf %exp3A, %add3A_393 : vector<16xf32>
          tpu.vector_store_idx %arg31[%add3A_220, %broadcast_in_dim3A_391], %mul3A_394 : memref<80x32xf32, #tpu.memory_space<vmem>>[vector<16xi32>, vector<16xi32>], vector<16xf32>,
          %broadcast_in_dim3A_395 = arith.constant 9 : i32
          %broadcast_in_dim3A_396 = vector.broadcast %broadcast_in_dim3A_395 : i32 to vector<16xi32>
          %gather3A_397 = tpu.vector_load_idx %arg28[%add3A_220, %broadcast_in_dim3A_396] : memref<80x16xf32, #tpu.memory_space<vmem>>[vector<16xi32>, vector<16xi32>], vector<16xf32>,
          %add3A_398 = arith.addf %gather3A_397, %gather3A_295 : vector<16xf32>
          %mul3A_399 = arith.mulf %exp3A, %add3A_398 : vector<16xf32>
          tpu.vector_store_idx %arg31[%add3A_220, %broadcast_in_dim3A_396], %mul3A_399 : memref<80x32xf32, #tpu.memory_space<vmem>>[vector<16xi32>, vector<16xi32>], vector<16xf32>,
          %broadcast_in_dim3A_400 = arith.constant 10 : i32
          %broadcast_in_dim3A_401 = vector.broadcast %broadcast_in_dim3A_400 : i32 to vector<16xi32>
          %gather3A_402 = tpu.vector_load_idx %arg28[%add3A_220, %broadcast_in_dim3A_401] : memref<80x16xf32, #tpu.memory_space<vmem>>[vector<16xi32>, vector<16xi32>], vector<16xf32>,
          %add3A_403 = arith.addf %gather3A_402, %gather3A_303 : vector<16xf32>
          %mul3A_404 = arith.mulf %exp3A, %add3A_403 : vector<16xf32>
          tpu.vector_store_idx %arg31[%add3A_220, %broadcast_in_dim3A_401], %mul3A_404 : memref<80x32xf32, #tpu.memory_space<vmem>>[vector<16xi32>, vector<16xi32>], vector<16xf32>,
          %broadcast_in_dim3A_405 = arith.constant 11 : i32
          %broadcast_in_dim3A_406 = vector.broadcast %broadcast_in_dim3A_405 : i32 to vector<16xi32>
          %gather3A_407 = tpu.vector_load_idx %arg28[%add3A_220, %broadcast_in_dim3A_406] : memref<80x16xf32, #tpu.memory_space<vmem>>[vector<16xi32>, vector<16xi32>], vector<16xf32>,
          %add3A_408 = arith.addf %gather3A_407, %gather3A_311 : vector<16xf32>
          %mul3A_409 = arith.mulf %exp3A, %add3A_408 : vector<16xf32>
          tpu.vector_store_idx %arg31[%add3A_220, %broadcast_in_dim3A_406], %mul3A_409 : memref<80x32xf32, #tpu.memory_space<vmem>>[vector<16xi32>, vector<16xi32>], vector<16xf32>,
          %broadcast_in_dim3A_410 = arith.constant 12 : i32
          %broadcast_in_dim3A_411 = vector.broadcast %broadcast_in_dim3A_410 : i32 to vector<16xi32>
          %gather3A_412 = tpu.vector_load_idx %arg28[%add3A_220, %broadcast_in_dim3A_411] : memref<80x16xf32, #tpu.memory_space<vmem>>[vector<16xi32>, vector<16xi32>], vector<16xf32>,
          %add3A_413 = arith.addf %gather3A_412, %gather3A_319 : vector<16xf32>
          %mul3A_414 = arith.mulf %exp3A, %add3A_413 : vector<16xf32>
          tpu.vector_store_idx %arg31[%add3A_220, %broadcast_in_dim3A_411], %mul3A_414 : memref<80x32xf32, #tpu.memory_space<vmem>>[vector<16xi32>, vector<16xi32>], vector<16xf32>,
          %broadcast_in_dim3A_415 = arith.constant 13 : i32
          %broadcast_in_dim3A_416 = vector.broadcast %broadcast_in_dim3A_415 : i32 to vector<16xi32>
          %gather3A_417 = tpu.vector_load_idx %arg28[%add3A_220, %broadcast_in_dim3A_416] : memref<80x16xf32, #tpu.memory_space<vmem>>[vector<16xi32>, vector<16xi32>], vector<16xf32>,
          %add3A_418 = arith.addf %gather3A_417, %gather3A_327 : vector<16xf32>
          %mul3A_419 = arith.mulf %exp3A, %add3A_418 : vector<16xf32>
          tpu.vector_store_idx %arg31[%add3A_220, %broadcast_in_dim3A_416], %mul3A_419 : memref<80x32xf32, #tpu.memory_space<vmem>>[vector<16xi32>, vector<16xi32>], vector<16xf32>,
          %broadcast_in_dim3A_420 = arith.constant 14 : i32
          %broadcast_in_dim3A_421 = vector.broadcast %broadcast_in_dim3A_420 : i32 to vector<16xi32>
          %gather3A_422 = tpu.vector_load_idx %arg28[%add3A_220, %broadcast_in_dim3A_421] : memref<80x16xf32, #tpu.memory_space<vmem>>[vector<16xi32>, vector<16xi32>], vector<16xf32>,
          %add3A_423 = arith.addf %gather3A_422, %gather3A_335 : vector<16xf32>
          %mul3A_424 = arith.mulf %exp3A, %add3A_423 : vector<16xf32>
          tpu.vector_store_idx %arg31[%add3A_220, %broadcast_in_dim3A_421], %mul3A_424 : memref<80x32xf32, #tpu.memory_space<vmem>>[vector<16xi32>, vector<16xi32>], vector<16xf32>,
          %broadcast_in_dim3A_425 = arith.constant 15 : i32
          %broadcast_in_dim3A_426 = vector.broadcast %broadcast_in_dim3A_425 : i32 to vector<16xi32>
          %gather3A_427 = tpu.vector_load_idx %arg28[%add3A_220, %broadcast_in_dim3A_426] : memref<80x16xf32, #tpu.memory_space<vmem>>[vector<16xi32>, vector<16xi32>], vector<16xf32>,
          %add3A_428 = arith.addf %gather3A_427, %gather3A_343 : vector<16xf32>
          %mul3A_429 = arith.mulf %exp3A, %add3A_428 : vector<16xf32>
          tpu.vector_store_idx %arg31[%add3A_220, %broadcast_in_dim3A_426], %mul3A_429 : memref<80x32xf32, #tpu.memory_space<vmem>>[vector<16xi32>, vector<16xi32>], vector<16xf32>,
          %broadcast_in_dim3A_430 = arith.constant 16 : i32
          %broadcast_in_dim3A_431 = vector.broadcast %broadcast_in_dim3A_430 : i32 to vector<16xi32>
          %add3A_432 = vector.broadcast %add3A_17 : i32 to vector<16xi32>
          %add3A_433 = arith.addi %broadcast_in_dim3A_431, %add3A_432 : vector<16xi32>
          tpu.vector_store_idx %arg31[%add3A_220, %add3A_433], %exp3A : memref<80x32xf32, #tpu.memory_space<vmem>>[vector<16xi32>, vector<16xi32>], vector<16xf32>,
        }
        %scan3A_213 = arith.constant 5 : i32
        "tpu.region"() ({
          %run_scoped3A = tpu.sem_alloc : memref<!tpu.dma_semaphore, #tpu.memory_space<semaphore_mem>>
          %dma_start3A_214 = arith.constant 0 : i32
          %dma_start3A_215 = arith.constant 0 : i32
          %dma_start3A_216 = tpu.memref_slice %arg10[%dma_start3A_214, %dma_start3A_215] : memref<50000x32xf32, #tpu.memory_space<vmem_shared>> -> memref<50000x32xf32, #tpu.memory_space<vmem_shared>>
          tpu.enqueue_indirect_dma source(%arg31 : memref<80x32xf32, #tpu.memory_space<vmem>>) target(%dma_start3A_216 : memref<50000x32xf32, #tpu.memory_space<vmem_shared>>) offsets(%arg20 : memref<80xi32, #tpu.memory_space<vmem>>) semaphore(%run_scoped3A : memref<!tpu.dma_semaphore, #tpu.memory_space<semaphore_mem>>) {add = true}
          %dma_wait3A_217 = arith.constant 0 : i32
          %dma_wait3A_218 = arith.constant 0 : i32
          %dma_wait3A_219 = tpu.memref_slice %arg10[%dma_wait3A_217, %dma_wait3A_218] : memref<50000x32xf32, #tpu.memory_space<vmem_shared>> -> memref<50000x32xf32, #tpu.memory_space<vmem_shared>>
          tpu.wait_indirect_dma semaphore(%run_scoped3A : memref<!tpu.dma_semaphore, #tpu.memory_space<semaphore_mem>>) src(%arg31 : memref<80x32xf32, #tpu.memory_space<vmem>>) dst(%dma_wait3A_219 : memref<50000x32xf32, #tpu.memory_space<vmem_shared>>)
          tpu.yield
        }) : () -> ()
      }
      %scan3A_75 = arith.constant 312 : i32
      %dma_wait3A_76 = arith.constant 0 : i32
      %dma_wait3A_77 = arith.constant 0 : i32
      %dma_wait3A_78 = tpu.memref_slice %arg2[%dma_wait3A_76, %dma_wait3A_77] : memref<200000x16xf32, #tpu.memory_space<hbm>> -> memref<200000x16xf32, #tpu.memory_space<hbm>>
      tpu.wait_indirect_dma semaphore(%arg34 : memref<!tpu.dma_semaphore, #tpu.memory_space<semaphore_mem>>) src(%dma_wait3A_78 : memref<200000x16xf32, #tpu.memory_space<hbm>>) dst(%arg23 : memref<80x16xf32, #tpu.memory_space<vmem>>)
      %dma_wait3A_79 = arith.constant 0 : i32
      %dma_wait3A_80 = arith.constant 0 : i32
      %dma_wait3A_81 = tpu.memref_slice %arg3[%dma_wait3A_79, %dma_wait3A_80] : memref<200000x16xf32, #tpu.memory_space<hbm>> -> memref<200000x16xf32, #tpu.memory_space<hbm>>
      tpu.wait_indirect_dma semaphore(%arg34 : memref<!tpu.dma_semaphore, #tpu.memory_space<semaphore_mem>>) src(%dma_wait3A_81 : memref<200000x16xf32, #tpu.memory_space<hbm>>) dst(%arg25 : memref<80x16xf32, #tpu.memory_space<vmem>>)
      %dma_wait3A_82 = arith.constant 0 : i32
      %dma_wait3A_83 = arith.constant 0 : i32
      %dma_wait3A_84 = tpu.memref_slice %arg4[%dma_wait3A_82, %dma_wait3A_83] : memref<200000x16xf32, #tpu.memory_space<hbm>> -> memref<200000x16xf32, #tpu.memory_space<hbm>>
      tpu.wait_indirect_dma semaphore(%arg34 : memref<!tpu.dma_semaphore, #tpu.memory_space<semaphore_mem>>) src(%dma_wait3A_84 : memref<200000x16xf32, #tpu.memory_space<hbm>>) dst(%arg27 : memref<80x16xf32, #tpu.memory_space<vmem>>)
      %dma_wait3A_85 = arith.constant 0 : i32
      %dma_wait3A_86 = arith.constant 0 : i32
      %dma_wait3A_87 = tpu.memref_slice %arg5[%dma_wait3A_85, %dma_wait3A_86] : memref<3200000x16xf32, #tpu.memory_space<hbm>> -> memref<3200000x16xf32, #tpu.memory_space<hbm>>
      tpu.wait_indirect_dma semaphore(%arg34 : memref<!tpu.dma_semaphore, #tpu.memory_space<semaphore_mem>>) src(%dma_wait3A_87 : memref<3200000x16xf32, #tpu.memory_space<hbm>>) dst(%arg29 : memref<80x16xf32, #tpu.memory_space<vmem>>)
      %scan3A_88 = arith.constant 0 : i32
      %scan3A_89 = arith.constant 5 : i32
      %scan3A_90 = arith.addi %scan3A_88, %scan3A_89 : i32
      %scan3A_91 = arith.constant 1 : i32
      scf.for %scan3A_100 = %scan3A_88 to %scan3A_90 step %scan3A_91  : i32 {
        %mul3A_101 = arith.constant 16 : i32
        %mul3A_102 = arith.muli %scan3A_100, %mul3A_101 : i32
        %add3A_103 = arith.constant 0 : i32
        %add3A_104 = arith.addi %add3A_103, %mul3A_102 : i32
        %add3A_105 = vector.broadcast %add3A_104 : i32 to vector<16xi32>
        %add3A_106 = arith.addi %add3A_105, %iota3A : vector<16xi32>
        %broadcast_in_dim3A_107 = arith.constant 0 : i32
        %broadcast_in_dim3A_108 = vector.broadcast %broadcast_in_dim3A_107 : i32 to vector<16xi32>
        %gather3A = tpu.vector_load_idx %arg23[%add3A_106, %broadcast_in_dim3A_108] : memref<80x16xf32, #tpu.memory_space<vmem>>[vector<16xi32>, vector<16xi32>], vector<16xf32>,
        %gather3A_109 = tpu.vector_load_idx %arg25[%add3A_106, %broadcast_in_dim3A_108] : memref<80x16xf32, #tpu.memory_space<vmem>>[vector<16xi32>, vector<16xi32>], vector<16xf32>,
        %gather3A_110 = tpu.vector_load_idx %arg29[%add3A_106, %broadcast_in_dim3A_108] : memref<80x16xf32, #tpu.memory_space<vmem>>[vector<16xi32>, vector<16xi32>], vector<16xf32>,
        %add3A_111 = arith.addf %gather3A_109, %gather3A_110 : vector<16xf32>
        %mul3A_112 = arith.mulf %gather3A, %add3A_111 : vector<16xf32>
        %broadcast_in_dim3A_113 = arith.constant 1 : i32
        %broadcast_in_dim3A_114 = vector.broadcast %broadcast_in_dim3A_113 : i32 to vector<16xi32>
        %gather3A_115 = tpu.vector_load_idx %arg23[%add3A_106, %broadcast_in_dim3A_114] : memref<80x16xf32, #tpu.memory_space<vmem>>[vector<16xi32>, vector<16xi32>], vector<16xf32>,
        %gather3A_116 = tpu.vector_load_idx %arg25[%add3A_106, %broadcast_in_dim3A_114] : memref<80x16xf32, #tpu.memory_space<vmem>>[vector<16xi32>, vector<16xi32>], vector<16xf32>,
        %gather3A_117 = tpu.vector_load_idx %arg29[%add3A_106, %broadcast_in_dim3A_114] : memref<80x16xf32, #tpu.memory_space<vmem>>[vector<16xi32>, vector<16xi32>], vector<16xf32>,
        %add3A_118 = arith.addf %gather3A_116, %gather3A_117 : vector<16xf32>
        %mul3A_119 = arith.mulf %gather3A_115, %add3A_118 : vector<16xf32>
        %add3A_120 = arith.addf %mul3A_112, %mul3A_119 : vector<16xf32>
        %broadcast_in_dim3A_121 = arith.constant 2 : i32
        %broadcast_in_dim3A_122 = vector.broadcast %broadcast_in_dim3A_121 : i32 to vector<16xi32>
        %gather3A_123 = tpu.vector_load_idx %arg23[%add3A_106, %broadcast_in_dim3A_122] : memref<80x16xf32, #tpu.memory_space<vmem>>[vector<16xi32>, vector<16xi32>], vector<16xf32>,
        %gather3A_124 = tpu.vector_load_idx %arg25[%add3A_106, %broadcast_in_dim3A_122] : memref<80x16xf32, #tpu.memory_space<vmem>>[vector<16xi32>, vector<16xi32>], vector<16xf32>,
        %gather3A_125 = tpu.vector_load_idx %arg29[%add3A_106, %broadcast_in_dim3A_122] : memref<80x16xf32, #tpu.memory_space<vmem>>[vector<16xi32>, vector<16xi32>], vector<16xf32>,
        %add3A_126 = arith.addf %gather3A_124, %gather3A_125 : vector<16xf32>
        %mul3A_127 = arith.mulf %gather3A_123, %add3A_126 : vector<16xf32>
        %add3A_128 = arith.addf %add3A_120, %mul3A_127 : vector<16xf32>
        %broadcast_in_dim3A_129 = arith.constant 3 : i32
        %broadcast_in_dim3A_130 = vector.broadcast %broadcast_in_dim3A_129 : i32 to vector<16xi32>
        %gather3A_131 = tpu.vector_load_idx %arg23[%add3A_106, %broadcast_in_dim3A_130] : memref<80x16xf32, #tpu.memory_space<vmem>>[vector<16xi32>, vector<16xi32>], vector<16xf32>,
        %gather3A_132 = tpu.vector_load_idx %arg25[%add3A_106, %broadcast_in_dim3A_130] : memref<80x16xf32, #tpu.memory_space<vmem>>[vector<16xi32>, vector<16xi32>], vector<16xf32>,
        %gather3A_133 = tpu.vector_load_idx %arg29[%add3A_106, %broadcast_in_dim3A_130] : memref<80x16xf32, #tpu.memory_space<vmem>>[vector<16xi32>, vector<16xi32>], vector<16xf32>,
        %add3A_134 = arith.addf %gather3A_132, %gather3A_133 : vector<16xf32>
        %mul3A_135 = arith.mulf %gather3A_131, %add3A_134 : vector<16xf32>
        %add3A_136 = arith.addf %add3A_128, %mul3A_135 : vector<16xf32>
        %broadcast_in_dim3A_137 = arith.constant 4 : i32
        %broadcast_in_dim3A_138 = vector.broadcast %broadcast_in_dim3A_137 : i32 to vector<16xi32>
        %gather3A_139 = tpu.vector_load_idx %arg23[%add3A_106, %broadcast_in_dim3A_138] : memref<80x16xf32, #tpu.memory_space<vmem>>[vector<16xi32>, vector<16xi32>], vector<16xf32>,
        %gather3A_140 = tpu.vector_load_idx %arg25[%add3A_106, %broadcast_in_dim3A_138] : memref<80x16xf32, #tpu.memory_space<vmem>>[vector<16xi32>, vector<16xi32>], vector<16xf32>,
        %gather3A_141 = tpu.vector_load_idx %arg29[%add3A_106, %broadcast_in_dim3A_138] : memref<80x16xf32, #tpu.memory_space<vmem>>[vector<16xi32>, vector<16xi32>], vector<16xf32>,
        %add3A_142 = arith.addf %gather3A_140, %gather3A_141 : vector<16xf32>
        %mul3A_143 = arith.mulf %gather3A_139, %add3A_142 : vector<16xf32>
        %add3A_144 = arith.addf %add3A_136, %mul3A_143 : vector<16xf32>
        %broadcast_in_dim3A_145 = arith.constant 5 : i32
        %broadcast_in_dim3A_146 = vector.broadcast %broadcast_in_dim3A_145 : i32 to vector<16xi32>
        %gather3A_147 = tpu.vector_load_idx %arg23[%add3A_106, %broadcast_in_dim3A_146] : memref<80x16xf32, #tpu.memory_space<vmem>>[vector<16xi32>, vector<16xi32>], vector<16xf32>,
        %gather3A_148 = tpu.vector_load_idx %arg25[%add3A_106, %broadcast_in_dim3A_146] : memref<80x16xf32, #tpu.memory_space<vmem>>[vector<16xi32>, vector<16xi32>], vector<16xf32>,
        %gather3A_149 = tpu.vector_load_idx %arg29[%add3A_106, %broadcast_in_dim3A_146] : memref<80x16xf32, #tpu.memory_space<vmem>>[vector<16xi32>, vector<16xi32>], vector<16xf32>,
        %add3A_150 = arith.addf %gather3A_148, %gather3A_149 : vector<16xf32>
        %mul3A_151 = arith.mulf %gather3A_147, %add3A_150 : vector<16xf32>
        %add3A_152 = arith.addf %add3A_144, %mul3A_151 : vector<16xf32>
        %broadcast_in_dim3A_153 = arith.constant 6 : i32
        %broadcast_in_dim3A_154 = vector.broadcast %broadcast_in_dim3A_153 : i32 to vector<16xi32>
        %gather3A_155 = tpu.vector_load_idx %arg23[%add3A_106, %broadcast_in_dim3A_154] : memref<80x16xf32, #tpu.memory_space<vmem>>[vector<16xi32>, vector<16xi32>], vector<16xf32>,
        %gather3A_156 = tpu.vector_load_idx %arg25[%add3A_106, %broadcast_in_dim3A_154] : memref<80x16xf32, #tpu.memory_space<vmem>>[vector<16xi32>, vector<16xi32>], vector<16xf32>,
        %gather3A_157 = tpu.vector_load_idx %arg29[%add3A_106, %broadcast_in_dim3A_154] : memref<80x16xf32, #tpu.memory_space<vmem>>[vector<16xi32>, vector<16xi32>], vector<16xf32>,
        %add3A_158 = arith.addf %gather3A_156, %gather3A_157 : vector<16xf32>
        %mul3A_159 = arith.mulf %gather3A_155, %add3A_158 : vector<16xf32>
        %add3A_160 = arith.addf %add3A_152, %mul3A_159 : vector<16xf32>
        %broadcast_in_dim3A_161 = arith.constant 7 : i32
        %broadcast_in_dim3A_162 = vector.broadcast %broadcast_in_dim3A_161 : i32 to vector<16xi32>
        %gather3A_163 = tpu.vector_load_idx %arg23[%add3A_106, %broadcast_in_dim3A_162] : memref<80x16xf32, #tpu.memory_space<vmem>>[vector<16xi32>, vector<16xi32>], vector<16xf32>,
        %gather3A_164 = tpu.vector_load_idx %arg25[%add3A_106, %broadcast_in_dim3A_162] : memref<80x16xf32, #tpu.memory_space<vmem>>[vector<16xi32>, vector<16xi32>], vector<16xf32>,
        %gather3A_165 = tpu.vector_load_idx %arg29[%add3A_106, %broadcast_in_dim3A_162] : memref<80x16xf32, #tpu.memory_space<vmem>>[vector<16xi32>, vector<16xi32>], vector<16xf32>,
        %add3A_166 = arith.addf %gather3A_164, %gather3A_165 : vector<16xf32>
        %mul3A_167 = arith.mulf %gather3A_163, %add3A_166 : vector<16xf32>
        %add3A_168 = arith.addf %add3A_160, %mul3A_167 : vector<16xf32>
        %broadcast_in_dim3A_169 = arith.constant 8 : i32
        %broadcast_in_dim3A_170 = vector.broadcast %broadcast_in_dim3A_169 : i32 to vector<16xi32>
        %gather3A_171 = tpu.vector_load_idx %arg23[%add3A_106, %broadcast_in_dim3A_170] : memref<80x16xf32, #tpu.memory_space<vmem>>[vector<16xi32>, vector<16xi32>], vector<16xf32>,
        %gather3A_172 = tpu.vector_load_idx %arg25[%add3A_106, %broadcast_in_dim3A_170] : memref<80x16xf32, #tpu.memory_space<vmem>>[vector<16xi32>, vector<16xi32>], vector<16xf32>,
        %gather3A_173 = tpu.vector_load_idx %arg29[%add3A_106, %broadcast_in_dim3A_170] : memref<80x16xf32, #tpu.memory_space<vmem>>[vector<16xi32>, vector<16xi32>], vector<16xf32>,
        %add3A_174 = arith.addf %gather3A_172, %gather3A_173 : vector<16xf32>
        %mul3A_175 = arith.mulf %gather3A_171, %add3A_174 : vector<16xf32>
        %add3A_176 = arith.addf %add3A_168, %mul3A_175 : vector<16xf32>
        %broadcast_in_dim3A_177 = arith.constant 9 : i32
        %broadcast_in_dim3A_178 = vector.broadcast %broadcast_in_dim3A_177 : i32 to vector<16xi32>
        %gather3A_179 = tpu.vector_load_idx %arg23[%add3A_106, %broadcast_in_dim3A_178] : memref<80x16xf32, #tpu.memory_space<vmem>>[vector<16xi32>, vector<16xi32>], vector<16xf32>,
        %gather3A_180 = tpu.vector_load_idx %arg25[%add3A_106, %broadcast_in_dim3A_178] : memref<80x16xf32, #tpu.memory_space<vmem>>[vector<16xi32>, vector<16xi32>], vector<16xf32>,
        %gather3A_181 = tpu.vector_load_idx %arg29[%add3A_106, %broadcast_in_dim3A_178] : memref<80x16xf32, #tpu.memory_space<vmem>>[vector<16xi32>, vector<16xi32>], vector<16xf32>,
        %add3A_182 = arith.addf %gather3A_180, %gather3A_181 : vector<16xf32>
        %mul3A_183 = arith.mulf %gather3A_179, %add3A_182 : vector<16xf32>
        %add3A_184 = arith.addf %add3A_176, %mul3A_183 : vector<16xf32>
        %broadcast_in_dim3A_185 = arith.constant 10 : i32
        %broadcast_in_dim3A_186 = vector.broadcast %broadcast_in_dim3A_185 : i32 to vector<16xi32>
        %gather3A_187 = tpu.vector_load_idx %arg23[%add3A_106, %broadcast_in_dim3A_186] : memref<80x16xf32, #tpu.memory_space<vmem>>[vector<16xi32>, vector<16xi32>], vector<16xf32>,
        %gather3A_188 = tpu.vector_load_idx %arg25[%add3A_106, %broadcast_in_dim3A_186] : memref<80x16xf32, #tpu.memory_space<vmem>>[vector<16xi32>, vector<16xi32>], vector<16xf32>,
        %gather3A_189 = tpu.vector_load_idx %arg29[%add3A_106, %broadcast_in_dim3A_186] : memref<80x16xf32, #tpu.memory_space<vmem>>[vector<16xi32>, vector<16xi32>], vector<16xf32>,
        %add3A_190 = arith.addf %gather3A_188, %gather3A_189 : vector<16xf32>
        %mul3A_191 = arith.mulf %gather3A_187, %add3A_190 : vector<16xf32>
        %add3A_192 = arith.addf %add3A_184, %mul3A_191 : vector<16xf32>
        %broadcast_in_dim3A_193 = arith.constant 11 : i32
        %broadcast_in_dim3A_194 = vector.broadcast %broadcast_in_dim3A_193 : i32 to vector<16xi32>
        %gather3A_195 = tpu.vector_load_idx %arg23[%add3A_106, %broadcast_in_dim3A_194] : memref<80x16xf32, #tpu.memory_space<vmem>>[vector<16xi32>, vector<16xi32>], vector<16xf32>,
        %gather3A_196 = tpu.vector_load_idx %arg25[%add3A_106, %broadcast_in_dim3A_194] : memref<80x16xf32, #tpu.memory_space<vmem>>[vector<16xi32>, vector<16xi32>], vector<16xf32>,
        %gather3A_197 = tpu.vector_load_idx %arg29[%add3A_106, %broadcast_in_dim3A_194] : memref<80x16xf32, #tpu.memory_space<vmem>>[vector<16xi32>, vector<16xi32>], vector<16xf32>,
        %add3A_198 = arith.addf %gather3A_196, %gather3A_197 : vector<16xf32>
        %mul3A_199 = arith.mulf %gather3A_195, %add3A_198 : vector<16xf32>
        %add3A_200 = arith.addf %add3A_192, %mul3A_199 : vector<16xf32>
        %broadcast_in_dim3A_201 = arith.constant 12 : i32
        %broadcast_in_dim3A_202 = vector.broadcast %broadcast_in_dim3A_201 : i32 to vector<16xi32>
        %gather3A_203 = tpu.vector_load_idx %arg23[%add3A_106, %broadcast_in_dim3A_202] : memref<80x16xf32, #tpu.memory_space<vmem>>[vector<16xi32>, vector<16xi32>], vector<16xf32>,
        %gather3A_204 = tpu.vector_load_idx %arg25[%add3A_106, %broadcast_in_dim3A_202] : memref<80x16xf32, #tpu.memory_space<vmem>>[vector<16xi32>, vector<16xi32>], vector<16xf32>,
        %gather3A_205 = tpu.vector_load_idx %arg29[%add3A_106, %broadcast_in_dim3A_202] : memref<80x16xf32, #tpu.memory_space<vmem>>[vector<16xi32>, vector<16xi32>], vector<16xf32>,
        %add3A_206 = arith.addf %gather3A_204, %gather3A_205 : vector<16xf32>
        %mul3A_207 = arith.mulf %gather3A_203, %add3A_206 : vector<16xf32>
        %add3A_208 = arith.addf %add3A_200, %mul3A_207 : vector<16xf32>
        %broadcast_in_dim3A_209 = arith.constant 13 : i32
        %broadcast_in_dim3A_210 = vector.broadcast %broadcast_in_dim3A_209 : i32 to vector<16xi32>
        %gather3A_211 = tpu.vector_load_idx %arg23[%add3A_106, %broadcast_in_dim3A_210] : memref<80x16xf32, #tpu.memory_space<vmem>>[vector<16xi32>, vector<16xi32>], vector<16xf32>,
        %gather3A_212 = tpu.vector_load_idx %arg25[%add3A_106, %broadcast_in_dim3A_210] : memref<80x16xf32, #tpu.memory_space<vmem>>[vector<16xi32>, vector<16xi32>], vector<16xf32>,
        %gather3A_213 = tpu.vector_load_idx %arg29[%add3A_106, %broadcast_in_dim3A_210] : memref<80x16xf32, #tpu.memory_space<vmem>>[vector<16xi32>, vector<16xi32>], vector<16xf32>,
        %add3A_214 = arith.addf %gather3A_212, %gather3A_213 : vector<16xf32>
        %mul3A_215 = arith.mulf %gather3A_211, %add3A_214 : vector<16xf32>
        %add3A_216 = arith.addf %add3A_208, %mul3A_215 : vector<16xf32>
        %broadcast_in_dim3A_217 = arith.constant 14 : i32
        %broadcast_in_dim3A_218 = vector.broadcast %broadcast_in_dim3A_217 : i32 to vector<16xi32>
        %gather3A_219 = tpu.vector_load_idx %arg23[%add3A_106, %broadcast_in_dim3A_218] : memref<80x16xf32, #tpu.memory_space<vmem>>[vector<16xi32>, vector<16xi32>], vector<16xf32>,
        %gather3A_220 = tpu.vector_load_idx %arg25[%add3A_106, %broadcast_in_dim3A_218] : memref<80x16xf32, #tpu.memory_space<vmem>>[vector<16xi32>, vector<16xi32>], vector<16xf32>,
        %gather3A_221 = tpu.vector_load_idx %arg29[%add3A_106, %broadcast_in_dim3A_218] : memref<80x16xf32, #tpu.memory_space<vmem>>[vector<16xi32>, vector<16xi32>], vector<16xf32>,
        %add3A_222 = arith.addf %gather3A_220, %gather3A_221 : vector<16xf32>
        %mul3A_223 = arith.mulf %gather3A_219, %add3A_222 : vector<16xf32>
        %add3A_224 = arith.addf %add3A_216, %mul3A_223 : vector<16xf32>
        %broadcast_in_dim3A_225 = arith.constant 15 : i32
        %broadcast_in_dim3A_226 = vector.broadcast %broadcast_in_dim3A_225 : i32 to vector<16xi32>
        %gather3A_227 = tpu.vector_load_idx %arg23[%add3A_106, %broadcast_in_dim3A_226] : memref<80x16xf32, #tpu.memory_space<vmem>>[vector<16xi32>, vector<16xi32>], vector<16xf32>,
        %gather3A_228 = tpu.vector_load_idx %arg25[%add3A_106, %broadcast_in_dim3A_226] : memref<80x16xf32, #tpu.memory_space<vmem>>[vector<16xi32>, vector<16xi32>], vector<16xf32>,
        %gather3A_229 = tpu.vector_load_idx %arg29[%add3A_106, %broadcast_in_dim3A_226] : memref<80x16xf32, #tpu.memory_space<vmem>>[vector<16xi32>, vector<16xi32>], vector<16xf32>,
        %add3A_230 = arith.addf %gather3A_228, %gather3A_229 : vector<16xf32>
        %mul3A_231 = arith.mulf %gather3A_227, %add3A_230 : vector<16xf32>
        %add3A_232 = arith.addf %add3A_224, %mul3A_231 : vector<16xf32>
        %mul3A_233 = arith.constant 2.500000e-01 : f32
        %mul3A_234 = vector.broadcast %mul3A_233 : f32 to vector<16xf32>
        %mul3A_235 = arith.mulf %add3A_232, %mul3A_234 : vector<16xf32>
        %exp3A = math.exp %mul3A_235 : vector<16xf32>
        %broadcast_in_dim3A_236 = arith.constant 0 : i32
        %broadcast_in_dim3A_237 = vector.broadcast %broadcast_in_dim3A_236 : i32 to vector<16xi32>
        %gather3A_238 = tpu.vector_load_idx %arg27[%add3A_106, %broadcast_in_dim3A_237] : memref<80x16xf32, #tpu.memory_space<vmem>>[vector<16xi32>, vector<16xi32>], vector<16xf32>,
        %add3A_239 = arith.addf %gather3A_238, %gather3A_110 : vector<16xf32>
        %mul3A_240 = arith.mulf %exp3A, %add3A_239 : vector<16xf32>
        tpu.vector_store_idx %arg31[%add3A_106, %broadcast_in_dim3A_237], %mul3A_240 : memref<80x32xf32, #tpu.memory_space<vmem>>[vector<16xi32>, vector<16xi32>], vector<16xf32>,
        %broadcast_in_dim3A_241 = arith.constant 1 : i32
        %broadcast_in_dim3A_242 = vector.broadcast %broadcast_in_dim3A_241 : i32 to vector<16xi32>
        %gather3A_243 = tpu.vector_load_idx %arg27[%add3A_106, %broadcast_in_dim3A_242] : memref<80x16xf32, #tpu.memory_space<vmem>>[vector<16xi32>, vector<16xi32>], vector<16xf32>,
        %add3A_244 = arith.addf %gather3A_243, %gather3A_117 : vector<16xf32>
        %mul3A_245 = arith.mulf %exp3A, %add3A_244 : vector<16xf32>
        tpu.vector_store_idx %arg31[%add3A_106, %broadcast_in_dim3A_242], %mul3A_245 : memref<80x32xf32, #tpu.memory_space<vmem>>[vector<16xi32>, vector<16xi32>], vector<16xf32>,
        %broadcast_in_dim3A_246 = arith.constant 2 : i32
        %broadcast_in_dim3A_247 = vector.broadcast %broadcast_in_dim3A_246 : i32 to vector<16xi32>
        %gather3A_248 = tpu.vector_load_idx %arg27[%add3A_106, %broadcast_in_dim3A_247] : memref<80x16xf32, #tpu.memory_space<vmem>>[vector<16xi32>, vector<16xi32>], vector<16xf32>,
        %add3A_249 = arith.addf %gather3A_248, %gather3A_125 : vector<16xf32>
        %mul3A_250 = arith.mulf %exp3A, %add3A_249 : vector<16xf32>
        tpu.vector_store_idx %arg31[%add3A_106, %broadcast_in_dim3A_247], %mul3A_250 : memref<80x32xf32, #tpu.memory_space<vmem>>[vector<16xi32>, vector<16xi32>], vector<16xf32>,
        %broadcast_in_dim3A_251 = arith.constant 3 : i32
        %broadcast_in_dim3A_252 = vector.broadcast %broadcast_in_dim3A_251 : i32 to vector<16xi32>
        %gather3A_253 = tpu.vector_load_idx %arg27[%add3A_106, %broadcast_in_dim3A_252] : memref<80x16xf32, #tpu.memory_space<vmem>>[vector<16xi32>, vector<16xi32>], vector<16xf32>,
        %add3A_254 = arith.addf %gather3A_253, %gather3A_133 : vector<16xf32>
        %mul3A_255 = arith.mulf %exp3A, %add3A_254 : vector<16xf32>
        tpu.vector_store_idx %arg31[%add3A_106, %broadcast_in_dim3A_252], %mul3A_255 : memref<80x32xf32, #tpu.memory_space<vmem>>[vector<16xi32>, vector<16xi32>], vector<16xf32>,
        %broadcast_in_dim3A_256 = arith.constant 4 : i32
        %broadcast_in_dim3A_257 = vector.broadcast %broadcast_in_dim3A_256 : i32 to vector<16xi32>
        %gather3A_258 = tpu.vector_load_idx %arg27[%add3A_106, %broadcast_in_dim3A_257] : memref<80x16xf32, #tpu.memory_space<vmem>>[vector<16xi32>, vector<16xi32>], vector<16xf32>,
        %add3A_259 = arith.addf %gather3A_258, %gather3A_141 : vector<16xf32>
        %mul3A_260 = arith.mulf %exp3A, %add3A_259 : vector<16xf32>
        tpu.vector_store_idx %arg31[%add3A_106, %broadcast_in_dim3A_257], %mul3A_260 : memref<80x32xf32, #tpu.memory_space<vmem>>[vector<16xi32>, vector<16xi32>], vector<16xf32>,
        %broadcast_in_dim3A_261 = arith.constant 5 : i32
        %broadcast_in_dim3A_262 = vector.broadcast %broadcast_in_dim3A_261 : i32 to vector<16xi32>
        %gather3A_263 = tpu.vector_load_idx %arg27[%add3A_106, %broadcast_in_dim3A_262] : memref<80x16xf32, #tpu.memory_space<vmem>>[vector<16xi32>, vector<16xi32>], vector<16xf32>,
        %add3A_264 = arith.addf %gather3A_263, %gather3A_149 : vector<16xf32>
        %mul3A_265 = arith.mulf %exp3A, %add3A_264 : vector<16xf32>
        tpu.vector_store_idx %arg31[%add3A_106, %broadcast_in_dim3A_262], %mul3A_265 : memref<80x32xf32, #tpu.memory_space<vmem>>[vector<16xi32>, vector<16xi32>], vector<16xf32>,
        %broadcast_in_dim3A_266 = arith.constant 6 : i32
        %broadcast_in_dim3A_267 = vector.broadcast %broadcast_in_dim3A_266 : i32 to vector<16xi32>
        %gather3A_268 = tpu.vector_load_idx %arg27[%add3A_106, %broadcast_in_dim3A_267] : memref<80x16xf32, #tpu.memory_space<vmem>>[vector<16xi32>, vector<16xi32>], vector<16xf32>,
        %add3A_269 = arith.addf %gather3A_268, %gather3A_157 : vector<16xf32>
        %mul3A_270 = arith.mulf %exp3A, %add3A_269 : vector<16xf32>
        tpu.vector_store_idx %arg31[%add3A_106, %broadcast_in_dim3A_267], %mul3A_270 : memref<80x32xf32, #tpu.memory_space<vmem>>[vector<16xi32>, vector<16xi32>], vector<16xf32>,
        %broadcast_in_dim3A_271 = arith.constant 7 : i32
        %broadcast_in_dim3A_272 = vector.broadcast %broadcast_in_dim3A_271 : i32 to vector<16xi32>
        %gather3A_273 = tpu.vector_load_idx %arg27[%add3A_106, %broadcast_in_dim3A_272] : memref<80x16xf32, #tpu.memory_space<vmem>>[vector<16xi32>, vector<16xi32>], vector<16xf32>,
        %add3A_274 = arith.addf %gather3A_273, %gather3A_165 : vector<16xf32>
        %mul3A_275 = arith.mulf %exp3A, %add3A_274 : vector<16xf32>
        tpu.vector_store_idx %arg31[%add3A_106, %broadcast_in_dim3A_272], %mul3A_275 : memref<80x32xf32, #tpu.memory_space<vmem>>[vector<16xi32>, vector<16xi32>], vector<16xf32>,
        %broadcast_in_dim3A_276 = arith.constant 8 : i32
        %broadcast_in_dim3A_277 = vector.broadcast %broadcast_in_dim3A_276 : i32 to vector<16xi32>
        %gather3A_278 = tpu.vector_load_idx %arg27[%add3A_106, %broadcast_in_dim3A_277] : memref<80x16xf32, #tpu.memory_space<vmem>>[vector<16xi32>, vector<16xi32>], vector<16xf32>,
        %add3A_279 = arith.addf %gather3A_278, %gather3A_173 : vector<16xf32>
        %mul3A_280 = arith.mulf %exp3A, %add3A_279 : vector<16xf32>
        tpu.vector_store_idx %arg31[%add3A_106, %broadcast_in_dim3A_277], %mul3A_280 : memref<80x32xf32, #tpu.memory_space<vmem>>[vector<16xi32>, vector<16xi32>], vector<16xf32>,
        %broadcast_in_dim3A_281 = arith.constant 9 : i32
        %broadcast_in_dim3A_282 = vector.broadcast %broadcast_in_dim3A_281 : i32 to vector<16xi32>
        %gather3A_283 = tpu.vector_load_idx %arg27[%add3A_106, %broadcast_in_dim3A_282] : memref<80x16xf32, #tpu.memory_space<vmem>>[vector<16xi32>, vector<16xi32>], vector<16xf32>,
        %add3A_284 = arith.addf %gather3A_283, %gather3A_181 : vector<16xf32>
        %mul3A_285 = arith.mulf %exp3A, %add3A_284 : vector<16xf32>
        tpu.vector_store_idx %arg31[%add3A_106, %broadcast_in_dim3A_282], %mul3A_285 : memref<80x32xf32, #tpu.memory_space<vmem>>[vector<16xi32>, vector<16xi32>], vector<16xf32>,
        %broadcast_in_dim3A_286 = arith.constant 10 : i32
        %broadcast_in_dim3A_287 = vector.broadcast %broadcast_in_dim3A_286 : i32 to vector<16xi32>
        %gather3A_288 = tpu.vector_load_idx %arg27[%add3A_106, %broadcast_in_dim3A_287] : memref<80x16xf32, #tpu.memory_space<vmem>>[vector<16xi32>, vector<16xi32>], vector<16xf32>,
        %add3A_289 = arith.addf %gather3A_288, %gather3A_189 : vector<16xf32>
        %mul3A_290 = arith.mulf %exp3A, %add3A_289 : vector<16xf32>
        tpu.vector_store_idx %arg31[%add3A_106, %broadcast_in_dim3A_287], %mul3A_290 : memref<80x32xf32, #tpu.memory_space<vmem>>[vector<16xi32>, vector<16xi32>], vector<16xf32>,
        %broadcast_in_dim3A_291 = arith.constant 11 : i32
        %broadcast_in_dim3A_292 = vector.broadcast %broadcast_in_dim3A_291 : i32 to vector<16xi32>
        %gather3A_293 = tpu.vector_load_idx %arg27[%add3A_106, %broadcast_in_dim3A_292] : memref<80x16xf32, #tpu.memory_space<vmem>>[vector<16xi32>, vector<16xi32>], vector<16xf32>,
        %add3A_294 = arith.addf %gather3A_293, %gather3A_197 : vector<16xf32>
        %mul3A_295 = arith.mulf %exp3A, %add3A_294 : vector<16xf32>
        tpu.vector_store_idx %arg31[%add3A_106, %broadcast_in_dim3A_292], %mul3A_295 : memref<80x32xf32, #tpu.memory_space<vmem>>[vector<16xi32>, vector<16xi32>], vector<16xf32>,
        %broadcast_in_dim3A_296 = arith.constant 12 : i32
        %broadcast_in_dim3A_297 = vector.broadcast %broadcast_in_dim3A_296 : i32 to vector<16xi32>
        %gather3A_298 = tpu.vector_load_idx %arg27[%add3A_106, %broadcast_in_dim3A_297] : memref<80x16xf32, #tpu.memory_space<vmem>>[vector<16xi32>, vector<16xi32>], vector<16xf32>,
        %add3A_299 = arith.addf %gather3A_298, %gather3A_205 : vector<16xf32>
        %mul3A_300 = arith.mulf %exp3A, %add3A_299 : vector<16xf32>
        tpu.vector_store_idx %arg31[%add3A_106, %broadcast_in_dim3A_297], %mul3A_300 : memref<80x32xf32, #tpu.memory_space<vmem>>[vector<16xi32>, vector<16xi32>], vector<16xf32>,
        %broadcast_in_dim3A_301 = arith.constant 13 : i32
        %broadcast_in_dim3A_302 = vector.broadcast %broadcast_in_dim3A_301 : i32 to vector<16xi32>
        %gather3A_303 = tpu.vector_load_idx %arg27[%add3A_106, %broadcast_in_dim3A_302] : memref<80x16xf32, #tpu.memory_space<vmem>>[vector<16xi32>, vector<16xi32>], vector<16xf32>,
        %add3A_304 = arith.addf %gather3A_303, %gather3A_213 : vector<16xf32>
        %mul3A_305 = arith.mulf %exp3A, %add3A_304 : vector<16xf32>
        tpu.vector_store_idx %arg31[%add3A_106, %broadcast_in_dim3A_302], %mul3A_305 : memref<80x32xf32, #tpu.memory_space<vmem>>[vector<16xi32>, vector<16xi32>], vector<16xf32>,
        %broadcast_in_dim3A_306 = arith.constant 14 : i32
        %broadcast_in_dim3A_307 = vector.broadcast %broadcast_in_dim3A_306 : i32 to vector<16xi32>
        %gather3A_308 = tpu.vector_load_idx %arg27[%add3A_106, %broadcast_in_dim3A_307] : memref<80x16xf32, #tpu.memory_space<vmem>>[vector<16xi32>, vector<16xi32>], vector<16xf32>,
        %add3A_309 = arith.addf %gather3A_308, %gather3A_221 : vector<16xf32>
        %mul3A_310 = arith.mulf %exp3A, %add3A_309 : vector<16xf32>
        tpu.vector_store_idx %arg31[%add3A_106, %broadcast_in_dim3A_307], %mul3A_310 : memref<80x32xf32, #tpu.memory_space<vmem>>[vector<16xi32>, vector<16xi32>], vector<16xf32>,
        %broadcast_in_dim3A_311 = arith.constant 15 : i32
        %broadcast_in_dim3A_312 = vector.broadcast %broadcast_in_dim3A_311 : i32 to vector<16xi32>
        %gather3A_313 = tpu.vector_load_idx %arg27[%add3A_106, %broadcast_in_dim3A_312] : memref<80x16xf32, #tpu.memory_space<vmem>>[vector<16xi32>, vector<16xi32>], vector<16xf32>,
        %add3A_314 = arith.addf %gather3A_313, %gather3A_229 : vector<16xf32>
        %mul3A_315 = arith.mulf %exp3A, %add3A_314 : vector<16xf32>
        tpu.vector_store_idx %arg31[%add3A_106, %broadcast_in_dim3A_312], %mul3A_315 : memref<80x32xf32, #tpu.memory_space<vmem>>[vector<16xi32>, vector<16xi32>], vector<16xf32>,
        %broadcast_in_dim3A_316 = arith.constant 16 : i32
        %broadcast_in_dim3A_317 = vector.broadcast %broadcast_in_dim3A_316 : i32 to vector<16xi32>
        %add3A_318 = vector.broadcast %add3A_17 : i32 to vector<16xi32>
        %add3A_319 = arith.addi %broadcast_in_dim3A_317, %add3A_318 : vector<16xi32>
        tpu.vector_store_idx %arg31[%add3A_106, %add3A_319], %exp3A : memref<80x32xf32, #tpu.memory_space<vmem>>[vector<16xi32>, vector<16xi32>], vector<16xf32>,
      }
      %scan3A_92 = arith.constant 5 : i32
      "tpu.region"() ({
        %run_scoped3A = tpu.sem_alloc : memref<!tpu.dma_semaphore, #tpu.memory_space<semaphore_mem>>
        %dma_start3A_100 = arith.constant 0 : i32
        %dma_start3A_101 = arith.constant 0 : i32
        %dma_start3A_102 = tpu.memref_slice %arg10[%dma_start3A_100, %dma_start3A_101] : memref<50000x32xf32, #tpu.memory_space<vmem_shared>> -> memref<50000x32xf32, #tpu.memory_space<vmem_shared>>
        tpu.enqueue_indirect_dma source(%arg31 : memref<80x32xf32, #tpu.memory_space<vmem>>) target(%dma_start3A_102 : memref<50000x32xf32, #tpu.memory_space<vmem_shared>>) offsets(%arg19 : memref<80xi32, #tpu.memory_space<vmem>>) semaphore(%run_scoped3A : memref<!tpu.dma_semaphore, #tpu.memory_space<semaphore_mem>>) {add = true}
        %dma_wait3A_103 = arith.constant 0 : i32
        %dma_wait3A_104 = arith.constant 0 : i32
        %dma_wait3A_105 = tpu.memref_slice %arg10[%dma_wait3A_103, %dma_wait3A_104] : memref<50000x32xf32, #tpu.memory_space<vmem_shared>> -> memref<50000x32xf32, #tpu.memory_space<vmem_shared>>
        tpu.wait_indirect_dma semaphore(%run_scoped3A : memref<!tpu.dma_semaphore, #tpu.memory_space<semaphore_mem>>) src(%arg31 : memref<80x32xf32, #tpu.memory_space<vmem>>) dst(%dma_wait3A_105 : memref<50000x32xf32, #tpu.memory_space<vmem_shared>>)
        tpu.yield
      }) : () -> ()
      %barrier3A_93 = arith.constant 0 : index
      tpu.barrier barrier_id(%barrier3A_93)
      %eq3A_94 = arith.constant 0 : i32
      %eq3A_95 = arith.cmpi eq, %arg1, %eq3A_94 : i32
      %convert_element_type3A_96 = arith.extui %eq3A_95 : i1 to i32
      %cond3A_97 = arith.constant 0 : i32
      %cond3A_98 = arith.cmpi ne, %convert_element_type3A_96, %cond3A_97 : i32
      scf.if %cond3A_98 {
        %mul3A_100 = arith.constant 2 : i32
        %mul3A_101 = arith.muli %add3A_17, %mul3A_100 : i32
        %add3A_102 = arith.addi %mul3A_101, %arg0 : i32
        %mul3A_103 = arith.constant 50000 : i32
        %mul3A_104 = arith.muli %add3A_102, %mul3A_103 : i32
        "tpu.region"() ({
          %run_scoped3A = tpu.sem_alloc : memref<!tpu.dma_semaphore, #tpu.memory_space<semaphore_mem>>
          %dma_start3A_105 = arith.constant 0 : i32
          %dma_start3A_106 = tpu.memref_slice %arg9[%mul3A_104, %dma_start3A_105] : memref<400000x32xf32, #tpu.memory_space<hbm>> -> memref<50000x32xf32, #tpu.memory_space<hbm>>
          tpu.enqueue_dma source(%arg10 : memref<50000x32xf32, #tpu.memory_space<vmem_shared>>) target(%dma_start3A_106 : memref<50000x32xf32, #tpu.memory_space<hbm>>) target_semaphore(%run_scoped3A : memref<!tpu.dma_semaphore, #tpu.memory_space<semaphore_mem>>)
          %dma_wait3A_107 = arith.constant 0 : i32
          %dma_wait3A_108 = tpu.memref_slice %arg9[%mul3A_104, %dma_wait3A_107] : memref<400000x32xf32, #tpu.memory_space<hbm>> -> memref<50000x32xf32, #tpu.memory_space<hbm>>
          tpu.wait_dma2 semaphore(%run_scoped3A : memref<!tpu.dma_semaphore, #tpu.memory_space<semaphore_mem>>) src(%arg10 : memref<50000x32xf32, #tpu.memory_space<vmem_shared>>) dst(%dma_wait3A_108 : memref<50000x32xf32, #tpu.memory_space<hbm>>)
          tpu.yield
        }) : () -> ()
      } else {
      }
      %barrier3A_99 = arith.constant 0 : index
      tpu.barrier barrier_id(%barrier3A_99)
    }
    %scan3A_12 = arith.constant 4 : i32
    return
  }
}

</mosaic_0001>

<sc_bundles>
// kernel: kernel.3.cloned.1.call-start
scs
__scs_entry_jumppad:
0x0: {  	(pc) =	sbr.rel $0x88, $3  }
0x1: {  	(tag) =	ssettag $0x0;
	lr =	simm.s32 $0x1  }
0x2: {  	[smem:$0x3F82] =	sst lr;
	_ =	strace $0xD0000000  }
0x3: {  	_ = 	snop  }
0x4: {  	_ = 	snop  }
0x5: {  	_ = 	snop  }
0x6: {  	_ = 	snop  }
0x7: {  	_ = 	snop  }
__scs_overlays_trampoline_lowered:
0x8: {  	[smem:$0x3F91] =	sst s0  }
0x9: {  	[smem:$0x3F92] =	sst s1  }
0xa: {  	[smem:$0x3F93] =	sst s2  }
0xb: {  	[smem:$0x3F94] =	sst s3  }
0xc: {  	[smem:$0x3F95] =	sst s4  }
0xd: {  	[smem:$0x3F96] =	sst s5  }
0xe: {  	[smem:$0x3F97] =	sst s6  }
0xf: {  	[smem:$0x3F98] =	sst s7  }
0x10: {  	[smem:$0x3F99] =	sst s8  }
0x11: {  	[smem:$0x3F9A] =	sst s9;
	s0 =	simm.s32 @!p0 $0x0  }
0x12: {  	s1 =	sld [smem:$0x3F80];
	s0 =	simm.s32 @p0 $0x1  }
0x13: {  	[smem:$0x3F9B] =	sst s0;
	s0 =	simm.s32 @!p1 $0x0  }
0x14: {  	s2 =	sld [smem:$0x3F7F];
	s0 =	simm.s32 @p1 $0x1  }
0x15: {  	[smem:$0x3F9C] =	sst s0;
	s0 =	simm.s32 @!p2 $0x0  }
0x16: {  	s3 =	sld [smem:$0x3FDB];
	s0 =	simm.s32 @p2 $0x1  }
0x17: {  	s4 =	simm.s32 $0x1BF5;
	[smem:$0x3F9E] =	sst s0  }
0x18: {  	s0 =	sld [smem:$0x3F81];
	_ =	swait.ge [sflag:s4], $0x0  }
0x19: {  	s7 =	sld [smem:$0x3F82]  }
0x1a: {  	s8 =	sadd.s32 $0xFFFFE003, lr  }
0x1b: {  	s9 =	sadd.s32 $0xFFFFFEF7, lr;
	s5 =	simm.s32 $0xFFFFFFFF;
	p2 =	slt.u32 s8, $0xFFFFF086  }
0x1c: {  	p1 =	slt.u32 s9, $0xF7A;
	s5 =	simm.s32 @!p2 $0x0  }
0x1d: {  	s5 =	simm.s32 @p1 $0x1;
	p0 =	seq.s32 s7, s2  }
0x1e: {  	s7 =	smul.u32 @!p0 $0xF7A, s2;
	p2 =	seq.s32 @!p0 s5, $0x0  }
0x1f: {  	s9 =	smul.u32 $0xF7A, s1;
	s8 =	simm.s32 @!p0 $0x1BF5;
	p2 =	por !p2, p0  }
0x20: {  	[sflag:s8] =	ssyncset.s32 @!p0 $0xFFFFF086;
	s6 =	sadd.s32 @!p0 s3, s7;
	s7 =	simm.s32 @!p0 $0x108  }
0x21: {  	s3 =	sadd.s32 s3, s9;
	s6 =	sadd.s32 @!p0 $0x88, s6;
	s7 =	simm.s32 @p2 $0x1082  }
0x22: {  	[simem:s7], [sflag:s8] =	dma.local @!p0 [hbm:s6], $0xF7A  }
0x23: {  	s9 =	sor.u32 $0xD0000000, s2;
	s6 =	simm.s32 $0x108;
	_ =	swait.ge @!p0 [sflag:s8], $0x0  }
0x24: {  	s3 =	sadd.s32 $0x88, s3;
	s6 =	simm.s32 @!p1 $0x1082;
	[sflag:s4] =	ssyncset.s32 $0xFFFFF086  }
0x25: {  	[simem:s6], [sflag:s4] =	dma.local [hbm:s3], $0xF7A  }
0x26: {  	[smem:$0x3F82] =	sst s1;
	(tag) =	ssettag s2;
	_ =	strace s9  }
0x27: {  	s1 =	sld [smem:$0x3F92]  }
0x28: {  	s2 =	sld [smem:$0x3F93]  }
0x29: {  	s4 =	sld [smem:$0x3F95]  }
0x2a: {  	p0 =	seq.s32 s5, $0x0;
	s5 =	sld [smem:$0x3F96]  }
0x2b: {  	s6 =	sld [smem:$0x3F97]  }
0x2c: {  	s7 =	sld [smem:$0x3F98]  }
0x2d: {  	s3 =	simm.s32 $0x108;
	s8 =	sld [smem:$0x3F99]  }
0x2e: {  	s3 =	simm.s32 @!p0 $0x1082;
	s9 =	sld [smem:$0x3F9A]  }
0x2f: {  	lr =	sadd.s32 s0, s3;
	s0 =	sld [smem:$0x3F91]  }
0x30: {  	s3 =	sld [smem:$0x3F94]  }
0x31: {  	[smem:$0x3F9D] =	sst s10  }
0x32: {  	s10 =	sld [smem:$0x3F9B];
	_ =	sdelay $0x3  }
0x33: {  	p0 =	seq.s32 s10, $0x1;
	s10 =	sld [smem:$0x3F9D];
	_ =	sdelay $0x3  }
0x34: {  	[smem:$0x3F9D] =	sst s10  }
0x35: {  	s10 =	sld [smem:$0x3F9C];
	_ =	sdelay $0x3  }
0x36: {  	p1 =	seq.s32 s10, $0x1;
	s10 =	sld [smem:$0x3F9D];
	_ =	sdelay $0x3  }
0x37: {  	[smem:$0x3F9D] =	sst s10  }
0x38: {  	s10 =	sld [smem:$0x3F9E]  }
0x39: {  	_ = 	snop;
	(pc) =	sbr.ind lr, $3  }
0x3a: {  	_ = 	snop  }
0x3b: {  	_ = 	snop  }
0x3c: {  	p2 =	seq.s32 s10, $0x1;
	s10 =	sld [smem:$0x3F9D]  }
0x3d: {  	_ =	shalt  }
0x3e: {  	_ =	shalt  }
0x3f: {  	_ =	shalt  }
0x40: {  	_ =	shalt  }
0x41: {  	_ =	shalt  }
0x42: {  	_ =	shalt  }
0x43: {  	_ =	shalt  }
0x44: {  	_ =	shalt  }
0x45: {  	_ =	shalt  }
0x46: {  	_ =	shalt  }
0x47: {  	_ =	shalt  }
0x48: {  	_ =	shalt  }
0x49: {  	_ =	shalt  }
0x4a: {  	_ =	shalt  }
0x4b: {  	_ =	shalt  }
0x4c: {  	_ =	shalt  }
0x4d: {  	_ =	shalt  }
0x4e: {  	_ =	shalt  }
0x4f: {  	_ =	shalt  }
0x50: {  	_ =	shalt  }
0x51: {  	_ =	shalt  }
0x52: {  	_ =	shalt  }
0x53: {  	_ =	shalt  }
0x54: {  	_ =	shalt  }
0x55: {  	_ =	shalt  }
0x56: {  	_ =	shalt  }
0x57: {  	_ =	shalt  }
0x58: {  	_ =	shalt  }
0x59: {  	_ =	shalt  }
0x5a: {  	_ =	shalt  }
0x5b: {  	_ =	shalt  }
0x5c: {  	_ =	shalt  }
0x5d: {  	_ =	shalt  }
0x5e: {  	_ =	shalt  }
0x5f: {  	_ =	shalt  }
0x60: {  	_ =	shalt  }
0x61: {  	_ =	shalt  }
0x62: {  	_ =	shalt  }
0x63: {  	_ =	shalt  }
0x64: {  	_ =	shalt  }
0x65: {  	_ =	shalt  }
0x66: {  	_ =	shalt  }
0x67: {  	_ =	shalt  }
0x68: {  	_ =	shalt  }
0x69: {  	_ =	shalt  }
0x6a: {  	_ =	shalt  }
0x6b: {  	_ =	shalt  }
0x6c: {  	_ =	shalt  }
0x6d: {  	_ =	shalt  }
0x6e: {  	_ =	shalt  }
0x6f: {  	_ =	shalt  }
0x70: {  	_ =	shalt  }
0x71: {  	_ =	shalt  }
0x72: {  	_ =	shalt  }
0x73: {  	_ =	shalt  }
0x74: {  	_ =	shalt  }
0x75: {  	_ =	shalt  }
0x76: {  	_ =	shalt  }
0x77: {  	_ =	shalt  }
0x78: {  	_ =	shalt  }
0x79: {  	_ =	shalt  }
0x7a: {  	_ =	shalt  }
0x7b: {  	_ =	shalt  }
0x7c: {  	_ =	shalt  }
0x7d: {  	_ =	shalt  }
0x7e: {  	_ =	shalt  }
0x7f: {  	_ =	shalt  }
0x80: {  	_ =	shalt  }
0x81: {  	_ =	shalt  }
0x82: {  	_ =	shalt  }
0x83: {  	_ =	shalt  }
0x84: {  	_ =	shalt  }
0x85: {  	_ =	shalt  }
0x86: {  	_ =	shalt  }
0x87: {  	_ =	shalt  }
.Lfunc_end0:
.L_simem_size_0:
called_computation.2_lowered:
.L_overlay_start_0:
0x88: {  	s2 =	sld [smem:$0x3FD9]  }
0x89: {  	s3 =	sld [smem:$0x3FFE];
	_ =	sdelay $0x1  }
0x8a: {  	s1 =	srdreg.scid  }
0x8b: {  	s0 =	sand.u32 $0x1, s1  }
0x8c: {  	s16 =	sshll.u32 s0, $0xA;
	s2 =	sadd.s32 s3, s2  }
0x8d: {  	s2 =	sadd.s32 s2, s16  }
0x8e: {  	[smem:$0x3FA9] =	sst s2  }
0x8f: {  	_ = 	snop  }
0x90: {  	(tm) =	ssettm $0x1  }
0x91: {  	s17 =	sld [smem:$0x3FFB];
	_ =	sdelay $0x3  }
0x92: {  	_ =	strace s17  }
0x93: {  	s2 =	sld [smem:$0x3FFC];
	_ =	sdelay $0x3  }
0x94: {  	_ =	strace s2  }
0x95: {  	s2 =	sld [smem:$0x3FFD];
	_ =	sdelay $0x3  }
0x96: {  	_ =	strace s2  }
0x97: {  	_ =	strace $0x8FFFFFFF  }
0x98: {  	s18 =	sld [smem:$0x3FDB];
	_ =	sdelay $0x1  }
0x99: {  	s19 =	simm.s32 $_scs_section_size  }
0x9a: {  	s4 =	simm.s32 $_size__tile_overlayer_lowered;
	s5 =	simm.s32 $_tile_overlayer_lowered  }
0x9b: {  	s22 =	simm.s32 $0x1BFF;
	s21 =	sshll.u32 s5, $0x1;
	s2 =	sadd.s32 s19, s18  }
0x9c: {  	s6 =	simm.s32 $0x0;
	s20 =	sshll.u32 s4, $0x1;
	s4 =	sadd.s32 s21, s2  }
0x9d: {  	[timem:s6], [sflag:s22] =	dma.local [hbm:s4], s20  }
0x9e: {  	_ =	swait.ge [sflag:s22], s20  }
0x9f: {  	s3 =	ssub.s32 $0x0, s20;
	[sflag:s22] =	ssyncset.done $0x0  }
0xa0: {  	[sflag:s22] =	ssyncadd.s32 s3;
	_ =	sdelay $0x1  }
0xa1: {  	s23 =	simm.s32 $0x1B8B  }
0xa2: {  	_ =	swait.ge [sflag:s23], $0x1  }
0xa3: {  	[sflag:s23] =	ssyncset.done $0x0  }
0xa4: {  	s25 =	simm.s32 $0x1B8E;
	s24 =	sld [smem:$0x3FFE];
	[sflag:s23] =	ssyncadd.s32 $0xFFFFFFFF  }
0xa5: {  	s26 =	simm.s32 $execute0_lowered;
	[smem:$0x3FD2] =	sst s25  }
0xa6: {  	s4 =	sshll.u32 s26, $0x1;
	_ =	strace $0x80000046;
	[dreg:$0x1] =	wrdreg $0xFFFFFFFF  }
0xa7: {  	s28 =	simm.s32 $_size_execute0_lowered;
	s2 =	sadd.s32 s2, s4;
	[dreg:$0x0] =	wrdreg $0x0  }
0xa8: {  	s4 =	sshll.u32 s28, $0x1;
	[dreg:$0x2] =	wrdreg s2  }
0xa9: {  	[dreg:$0x3] =	wrdreg s4  }
0xaa: {  	[dreg:$0x4] =	wrdreg $0xC0  }
0xab: {  	_ =	task [dreg:s6], $0x5FFFF  }
0xac: {  	[dreg:$0x1] =	wrdreg $0xFFFFFFFF  }
0xad: {  	[dreg:$0x0] =	wrdreg $0x60  }
0xae: {  	[dreg:$0x2] =	wrdreg s24  }
0xaf: {  	[dreg:$0x3] =	wrdreg $0x0  }
0xb0: {  	[dreg:$0x4] =	wrdreg $0x9  }
0xb1: {  	_ =	task.clear_ibuf [dreg:s6], $0x5FFFF;
	_ =	strace $0x90000046  }
0xb2: {  	s29 =	simm.s32 $0x9;
	_ =	strace $0x80000048  }
0xb3: {  	_ =	swait.ge [sflag:s29], $0x1  }
0xb4: {  	[sflag:s29] =	ssyncadd.s32 $0xFFFFFFFF  }
0xb5: {  	_ =	strace $0x90000048  }
0xb6: {  	_ =	sfence  }
0xb7: {  	s30 =	sld [smem:$0x0];
	_ =	sdelay $0x2  }
0xb8: {  	s31 =	sshll.u32 s1, $0xD;
	s1 =	sshrl.u32 s1, $0x2  }
0xb9: {  	s3 =	sand.u32 $0x4000, s31;
	s1 =	sadd.s32 s1, s30  }
0xba: {  	s0 =	sor.u32 s3, s0;
	s1 =	sshll.u32 s1, $0x11  }
0xbb: {  	s0 =	sor.u32 s1, s0  }
0xbc: {  	s0 =	sadd.s32 $0x8F2B, s0  }
0xbd: {  	[sflag:s0] =	ssyncadd.remote.s32 $0x1  }
0xbe: {  	_ =	sfence.sel $0xFFFF  }
0xbf: {  	[dreg:$0x0] =	wrdreg $0xFFFFFFFF;
	(pc) =	sbr.abs _section_cstart, $3  }
0xc0: {  	[dreg:$0x1] =	wrdreg $0xFFFFFFFF  }
0xc1: {  	_ =	task.clear_ibuf [dreg:s6], $0x2FFFF;
	_ =	strace $0x9FFFFFFF  }
0xc2: {  	(tm) =	ssettm $0x7FFFFFFF  }
0xc3: {  	_ =	shalt  }
tec
execute0_lowered:
.L_overlay_start_1:
0x0: {  	(tag) =	ssettag $0x1  }
0x1: {  	s0 =	rddreg [dreg:$0x0]  }
0x2: {  	s1 =	rddreg [dreg:$0x1];
	s19 =	simm.s32 $0x0  }
0x3: {  	s2 =	srdreg.scid;
	s17 =	stileid.u32;
	s29 =	simm.s32 $0x1  }
0x4: {  	s30 =	simm.s32 $0x50;
	s14 =	simm.s32 $0x19960;
	s15 =	simm.s32 $0x1A360  }
0x5: {  	[smem:$0x7FF] =	sst s19;
	s4 =	sadd.s32 $0x62000, s0;
	s5 =	sadd.s32 $0x125800, s0  }
0x6: {  	s16 =	simm.s32 $0x4;
	s6 =	sadd.s32 $0x10C9800, s0;
	s8 =	sadd.s32 $0x1B8200, s0  }
0x7: {  	s7 =	sadd.s32 $0xC3C00, s0;
	s9 =	sadd.s32 $0x187400, s0;
	s12 =	sadd.s32 $0x1E9000, s0  }
0x8: {  	s11 =	sand.u32 $0x1, s2;
	s0 =	sadd.s32 $0x219E00, s0;
	_ =	strace $0x80000047  }
0x9: {  	s3 =	sshll.u32 s11, $0x4;
	s10 =	ssub.s32 $0x2, s11;
	[dreg:$0x4] =	wrdreg s11  }
0xa: {  	s11 =	smul.u32 $0xFFF3CB00, s11;
	s3 =	sor.u32 s17, s3;
	s18 =	sshrl.u32 s10, $0x1  }
0xb: {  	[dreg:$0x6] =	wrdreg s0;
	s3 =	smul.u32 $0xC350, s3;
	s0 =	ssub.s32 s10, s18  }
0xc: {  	p0 =	sne.s32 s17, $0x0;
	[dreg:$0x5] =	wrdreg s12;
	s0 =	smax.u32 s0, $0x1  }
0xd: {  	s20 =	sadd.s32 s11, s3;
	s31 =	sadd.s32 $0xF0, s3;
	[dreg:$0x12] =	wrdreg s0  }
0xe: {  	s21 =	sshrl.u32 s3, $0x3;
	s3 =	sadd.s32 $0x140, s3;
	[dreg:$0xf] =	wrdreg s31  }
0xf: {  	s2 =	simm.s32 $0x19460;
	s22 =	sadd.s32 s8, s21;
	[dreg:$0x11] =	wrdreg s3  }
0x10: {  	s17 =	simm.s32 $0x1AD60;
	s23 =	sadd.s32 s9, s21;
	[dreg:$0x7] =	wrdreg s22  }
0x11: {  	s18 =	simm.s32 $0x3;
	s25 =	sshll.u32 s20, $0x2;
	[dreg:$0x8] =	wrdreg s23  }
0x12: {  	s0 =	simm.s32 $0x18A60;
	s28 =	sadd.s32 $0x50, s20;
	[dreg:$0xb] =	wrdreg s25  }
0x13: {  	s24 =	sadd.s32 $0xA, s21;
	s10 =	sadd.s32 $0xA0, s20;
	[dreg:$0xe] =	wrdreg s28  }
0x14: {  	s11 =	sadd.s32 $0x14, s21;
	s13 =	sadd.s32 s8, s24;
	[dreg:$0x10] =	wrdreg s10  }
0x15: {  	s3 =	simm.s32 $0x1A860;
	s12 =	sadd.s32 s9, s24;
	[dreg:$0x9] =	wrdreg s13  }
0x16: {  	s26 =	sadd.s32 s8, s11;
	s11 =	sadd.s32 s9, s11;
	[dreg:$0xa] =	wrdreg s12  }
0x17: {  	s23 =	simm.s32 $0x187E0;
	s10 =	simm.s32 $0x2;
	[dreg:$0xc] =	wrdreg s26  }
0x18: {  	v0 =	vlaneseq.u32;
	s24 =	simm.s32 $0x1B260;
	[dreg:$0xd] =	wrdreg s11;
	s26 =	simm.s32 $0x19E60  }
0x19: {  	v1 =	vimm.f32 $0.0e+00;
	v2 =	vmul.u32 $0x4, v0;
	s12 =	simm.s32 $0x18F60;
	s13 =	simm.s32 $0x18830;
	s11 =	simm.s32 $0x5  }
.LBB2_1:
0x1a: {  	[dreg:$0x3] =	wrdreg s19;
	s31 =	simm.s32 $0x0  }
.LBB2_2:
0x1b: {  	s21 =	sshrl.u32 @!p0 s1, $0x3;
	s20 =	rddreg [dreg:$0x5]  }
0x1c: {  	s19 =	simm.s32 @!p0 $0x1C05;
	[dreg:$0x13] =	wrdreg s21  }
0x1d: {  	[spmem:s21], [sflag:s19] =	dma.local @!p0 [hbm:s20], $0x30D40  }
0x1e: {  	s19 =	simm.s32 @!p0 $0x5  }
0x1f: {  	_ =	swait.ge @!p0 [sflag:s19], $0x30D40  }
0x20: {  	[sflag:s19] =	ssyncset.done @!p0 $0x0  }
0x21: {  	s25 =	simm.s32 $0x10;
	[sflag:s19] =	ssyncadd.s32 @!p0 $0xFFFCF2C0;
	s19 =	simm.s32 $0xC0  }
.LBB2_3:
0x22: {  	p1 =	sne.s32 s19, $0x27C0;
	[tilespmem:s25+$0x1B260] =	vst v1;
	s25 =	smov.u32 s19;
	s19 =	sadd.s32 $0x80, s19  }
.Ltmp0:
0x23: {  	(pc) =	sbr.rel @p1 .LBB2_3-.Ltmp0, $2  }
0x24: {  	_ =	sdelay $0x2  }
0x25: {  	s25 =	sshra.s32 s25, $0x2  }
0x26: {  	[tilespmem:s25+$0x1B260] =	vst v1  }
0x27: {  	[bflag:$0x0] =	sbarrier.arrive $0xFFFF  }
0x28: {  	s28 =	simm.s32 $0x0;
	s20 =	simm.s32 $0x186A0;
	s19 =	rddreg [dreg:$0x7]  }
0x29: {  	[tilespmem:s20], [sflag:$0x1] =	stream.linear.gather [hbm4b:s19+s28], $0x50, $0x38;
	[tilespmem:$0x1BC60] =	vst v63  }
0x2a: {  	s21 =	simm.s32 $0x18740;
	s22 =	rddreg [dreg:$0x8]  }
0x2b: {  	[tilespmem:s21], [sflag:$0x1] =	stream.linear.gather [hbm4b:s22+s28], $0x50, $0x38;
	[tilespmem:$0x1BC60] =	vst v63  }
0x2c: {  	s25 =	rddreg [dreg:$0x9];
	s22 =	simm.s32 $0x186F0  }
0x2d: {  	[tilespmem:s22], [sflag:$0x2] =	stream.linear.gather [hbm4b:s25+s28], $0x50, $0x38;
	[tilespmem:$0x1BC60] =	vst v63  }
0x2e: {  	s22 =	rddreg [dreg:$0xa];
	s25 =	simm.s32 $0x18790  }
0x2f: {  	[tilespmem:s25], [sflag:$0x2] =	stream.linear.gather [hbm4b:s22+s28], $0x50, $0x38;
	[tilespmem:$0x1BC60] =	vst v63  }
0x30: {  	_ =	swait.ge [sflag:s29], $0x50  }
0x31: {  	[sflag:s29] =	ssyncset.done $0x0  }
0x32: {  	[sflag:s29] =	ssyncadd.s32 $0xFFFFFFB0  }
0x33: {  	_ =	swait.ge [sflag:s29], $0x50  }
0x34: {  	[sflag:s29] =	ssyncset.done $0x0  }
0x35: {  	[sflag:s29] =	ssyncadd.s32 $0xFFFFFFB0  }
0x36: {  	v3 =	vld [tilespmem:$0x186A0]  }
0x37: {  	v4 =	vld [tilespmem:$0x18740]  }
0x38: {  	v5 =	vld [tilespmem:$0x18740]  }
0x39: {  	v6 =	vld [tilespmem:$0x186B0]  }
0x3a: {  	v7 =	vld [tilespmem:$0x18750]  }
0x3b: {  	s25 =	rddreg [dreg:$0xb]  }
0x3c: {  	s19 =	sadd.s32 s25, s31  }
0x3d: {  	v3 =	vshll.u32 v3, $0x2;
	[tilespmem:$0x18920] =	vst v5;
	v5 =	vor.u32 s19, v2  }
0x3e: {  	v4 =	vshll.u32 v4, $0x2;
	v6 =	vshll.u32 v6, $0x2;
	v3 =	vadd.s32 s31, v3;
	[tilespmem:$0x189C0] =	vst v5  }
0x3f: {  	v5 =	vadd.s32 s31, v6;
	v6 =	vshll.u32 v7, $0x2;
	[tilespmem:$0x187E0] =	vst v3;
	v3 =	vadd.s32 s31, v4;
	v4 =	vld [tilespmem:$0x18750]  }
0x40: {  	[tilespmem:$0x187F0] =	vst v5;
	v5 =	vadd.s32 s31, v6;
	v6 =	vld [tilespmem:$0x18760]  }
0x41: {  	[tilespmem:$0x18880] =	vst v3;
	v3 =	vld [tilespmem:$0x186C0]  }
0x42: {  	[tilespmem:$0x18890] =	vst v5;
	v5 =	vld [tilespmem:$0x186D0]  }
0x43: {  	v8 =	vld [tilespmem:$0x18760]  }
0x44: {  	s22 =	sadd.s32 $0x40, s19;
	v7 =	vld [tilespmem:$0x18770];
	[tilespmem:$0x18930] =	vst v4  }
0x45: {  	v4 =	vor.u32 s22, v2;
	s22 =	sadd.s32 $0x80, s19;
	[tilespmem:$0x18940] =	vst v6  }
0x46: {  	v3 =	vshll.u32 v3, $0x2;
	[tilespmem:$0x189D0] =	vst v4;
	v6 =	vor.u32 s22, v2  }
0x47: {  	v5 =	vshll.u32 v5, $0x2;
	v3 =	vadd.s32 s31, v3;
	[tilespmem:$0x189E0] =	vst v6  }
0x48: {  	v63 =	vld [tilespmem:$0x18780];
	v4 =	vshll.u32 v8, $0x2;
	v5 =	vadd.s32 s31, v5;
	[tilespmem:$0x18800] =	vst v3  }
0x49: {  	v6 =	vshll.u32 v7, $0x2;
	v3 =	vadd.s32 s31, v4;
	v4 =	vld [tilespmem:$0x18770];
	[tilespmem:$0x18810] =	vst v5  }
0x4a: {  	v5 =	vadd.s32 s31, v6;
	[tilespmem:$0x188A0] =	vst v3;
	v3 =	vld [tilespmem:$0x186E0]  }
0x4b: {  	[tilespmem:$0x188B0] =	vst v5;
	v5 =	vld [tilespmem:$0x18780]  }
0x4c: {  	s22 =	sadd.s32 $0xC0, s19  }
0x4d: {  	v6 =	vor.u32 s22, v2  }
0x4e: {  	[tilespmem:$0x189F0] =	vst v6  }
0x4f: {  	[tilespmem:$0x18950] =	vst v4;
	v3 =	vshll.u32 v3, $0x2  }
0x50: {  	v4 =	vshll.u32 v63, $0x2;
	[tilespmem:$0x18960] =	vst v5;
	v3 =	vadd.s32 s31, v3  }
0x51: {  	s19 =	sadd.s32 $0x100, s19;
	[tilespmem:$0x18820] =	vst v3;
	v3 =	vadd.s32 s31, v4  }
0x52: {  	[tilespmem:$0x188C0] =	vst v3;
	v3 =	vor.u32 s19, v2  }
0x53: {  	s22 =	simm.s32 $0x18880;
	[tilespmem:$0x18A00] =	vst v3  }
0x54: {  	[tilespmem:s0], [sflag:$0x3] =	stream.indirect.gather [hbm4b:s4+s30], $0x10, s22, s30, $0xb8;
	[tilespmem:$0x1BC60] =	vst v63  }
0x55: {  	_ = 	snop  }
0x56: {  	[tilespmem:s2], [sflag:$0x3] =	stream.indirect.gather [hbm4b:s7+s30], $0x10, s23, s30, $0xb8;
	[tilespmem:$0x1BC60] =	vst v63  }
0x57: {  	_ = 	snop  }
0x58: {  	[tilespmem:s26], [sflag:$0x3] =	stream.indirect.gather [hbm4b:s5+s30], $0x10, s23, s30, $0xb8;
	[tilespmem:$0x1BC60] =	vst v63  }
0x59: {  	s25 =	simm.s32 $0x189C0  }
0x5a: {  	[tilespmem:s3], [sflag:$0x3] =	stream.indirect.gather [hbm4b:s6+s30], $0x10, s25, s30, $0xb8;
	[tilespmem:$0x1BC60] =	vst v63  }
0x5b: {  	s22 =	rddreg [dreg:$0xc]  }
0x5c: {  	v4 =	vmov s31;
	[tilespmem:s20], [sflag:$0x1] =	stream.linear.gather [hbm4b:s22+s28], $0x50, $0x38;
	[tilespmem:$0x1BC60] =	vst v63  }
0x5d: {  	v3 =	vand.u32 $0x7, v4;
	s25 =	rddreg [dreg:$0xd]  }
0x5e: {  	v3 =	vor.u32 $0x10, v3;
	[tilespmem:s21], [sflag:$0x1] =	stream.linear.gather [hbm4b:s25+s28], $0x50, $0x38;
	[tilespmem:$0x1BC60] =	vst v63  }
0x5f: {  	v3 =	vbroadcast v3, $0x0;
	s25 =	simm.s32 $0x0  }
.LBB2_5:
0x60: {  	_ =	swait.ge [sflag:s10], $0x50  }
0x61: {  	[sflag:s10] =	ssyncset.done $0x0  }
0x62: {  	[sflag:s10] =	ssyncadd.s32 $0xFFFFFFB0  }
0x63: {  	_ =	swait.ge [sflag:s10], $0x50  }
0x64: {  	[sflag:s10] =	ssyncset.done $0x0  }
0x65: {  	[sflag:s10] =	ssyncadd.s32 $0xFFFFFFB0  }
0x66: {  	v5 =	vld [tilespmem:$0x186F0]  }
0x67: {  	v6 =	vld [tilespmem:$0x18790]  }
0x68: {  	s28 =	smul.u32 $0xA0, s25;
	v7 =	vld [tilespmem:$0x18790]  }
0x69: {  	s19 =	rddreg [dreg:$0xe];
	v8 =	vld [tilespmem:$0x18700]  }
0x6a: {  	s19 =	sadd.s32 s28, s19;
	v9 =	vld [tilespmem:$0x187A0]  }
0x6b: {  	s19 =	sshll.u32 s19, $0x2  }
0x6c: {  	s19 =	sadd.s32 s31, s19  }
0x6d: {  	v5 =	vshll.u32 v5, $0x2;
	[tilespmem:$0x18970] =	vst v7;
	v7 =	vadd.s32 s19, v2  }
0x6e: {  	v6 =	vshll.u32 v6, $0x2;
	v8 =	vshll.u32 v8, $0x2;
	v5 =	vadd.s32 v4, v5;
	[tilespmem:$0x18A10] =	vst v7  }
0x6f: {  	v7 =	vadd.s32 v4, v8;
	v8 =	vshll.u32 v9, $0x2;
	[tilespmem:$0x18830] =	vst v5;
	v5 =	vadd.s32 v4, v6;
	v6 =	vld [tilespmem:$0x187A0]  }
0x70: {  	[tilespmem:$0x18840] =	vst v7;
	v7 =	vadd.s32 v4, v8;
	v8 =	vld [tilespmem:$0x187B0]  }
0x71: {  	[tilespmem:$0x188D0] =	vst v5;
	v5 =	vld [tilespmem:$0x18710]  }
0x72: {  	[tilespmem:$0x188E0] =	vst v7;
	v7 =	vld [tilespmem:$0x18720]  }
0x73: {  	v10 =	vld [tilespmem:$0x187B0]  }
0x74: {  	s20 =	sadd.s32 $0x40, s19;
	v9 =	vld [tilespmem:$0x187C0];
	[tilespmem:$0x18980] =	vst v6  }
0x75: {  	s21 =	sadd.s32 $0x80, s19;
	v6 =	vadd.s32 s20, v2;
	[tilespmem:$0x18990] =	vst v8  }
0x76: {  	v8 =	vadd.s32 s21, v2;
	v5 =	vshll.u32 v5, $0x2;
	[tilespmem:$0x18A20] =	vst v6  }
0x77: {  	v7 =	vshll.u32 v7, $0x2;
	[tilespmem:$0x18A30] =	vst v8;
	v5 =	vadd.s32 v4, v5  }
0x78: {  	v6 =	vshll.u32 v10, $0x2;
	v10 =	vld [tilespmem:$0x187D0];
	v7 =	vadd.s32 v4, v7;
	[tilespmem:$0x18850] =	vst v5  }
0x79: {  	v8 =	vshll.u32 v9, $0x2;
	v5 =	vadd.s32 v4, v6;
	v6 =	vld [tilespmem:$0x187C0];
	[tilespmem:$0x18860] =	vst v7  }
0x7a: {  	v7 =	vadd.s32 v4, v8;
	[tilespmem:$0x188F0] =	vst v5;
	v5 =	vld [tilespmem:$0x18730]  }
0x7b: {  	[tilespmem:$0x18900] =	vst v7;
	v7 =	vld [tilespmem:$0x187D0];
	_ =	sdelay $0x1  }
0x7c: {  	s22 =	sadd.s32 $0xC0, s19  }
0x7d: {  	[tilespmem:$0x189A0] =	vst v6;
	v6 =	vadd.s32 s22, v2  }
0x7e: {  	v5 =	vshll.u32 v5, $0x2;
	[tilespmem:$0x18A40] =	vst v6  }
0x7f: {  	v6 =	vshll.u32 v10, $0x2;
	[tilespmem:$0x189B0] =	vst v7;
	v5 =	vadd.s32 v4, v5  }
0x80: {  	s19 =	sadd.s32 $0x100, s19;
	[tilespmem:$0x18870] =	vst v5;
	v5 =	vadd.s32 v4, v6  }
0x81: {  	[tilespmem:$0x18910] =	vst v5;
	v5 =	vadd.s32 s19, v2  }
0x82: {  	s20 =	simm.s32 $0x188D0;
	[tilespmem:$0x18A50] =	vst v5  }
0x83: {  	[tilespmem:s12], [sflag:$0x4] =	stream.indirect.gather [hbm4b:s4+s30], $0x10, s20, s30, $0xb8;
	[tilespmem:$0x1BC60] =	vst v63  }
0x84: {  	p1 =	seq.s32 s25, $0x137;
	s19 =	rddreg [dreg:$0xf]  }
0x85: {  	[tilespmem:s14], [sflag:$0x4] =	stream.indirect.gather [hbm4b:s7+s30], $0x10, s13, s30, $0xb8;
	[tilespmem:$0x1BC60] =	vst v63  }
0x86: {  	s19 =	sadd.s32 @!p1 s28, s19  }
0x87: {  	[tilespmem:s15], [sflag:$0x4] =	stream.indirect.gather [hbm4b:s5+s30], $0x10, s13, s30, $0xb8;
	[tilespmem:$0x1BC60] =	vst v63  }
0x88: {  	s21 =	simm.s32 $0x18A10;
	s19 =	sshrl.u32 @!p1 s19, $0x3  }
0x89: {  	[tilespmem:s17], [sflag:$0x4] =	stream.indirect.gather [hbm4b:s6+s30], $0x10, s21, s30, $0xb8;
	[tilespmem:$0x1BC60] =	vst v63  }
0x8a: {  	s22 =	simm.s32 @!p1 $0x186F0;
	s20 =	sadd.s32 @!p1 s8, s19;
	s21 =	simm.s32 @!p1 $0x0  }
0x8b: {  	[tilespmem:s22], [sflag:$0x2] =	stream.linear.gather @!p1 [hbm4b:s20+s21], $0x50, $0x38;
	[tilespmem:$0x1BC60] =	vst v63  }
0x8c: {  	s19 =	sadd.s32 @!p1 s9, s19;
	s20 =	simm.s32 @!p1 $0x18790  }
0x8d: {  	[tilespmem:s20], [sflag:$0x2] =	stream.linear.gather @!p1 [hbm4b:s19+s21], $0x50, $0x38;
	[tilespmem:$0x1BC60] =	vst v63  }
0x8e: {  	_ =	swait.ge [sflag:s18], $0x500  }
0x8f: {  	[sflag:s18] =	ssyncset.done $0x0  }
0x90: {  	[sflag:s18] =	ssyncadd.s32 $0xFFFFFB00  }
0x91: {  	_ =	swait.ge [sflag:s18], $0x500  }
0x92: {  	[sflag:s18] =	ssyncset.done $0x0  }
0x93: {  	s22 =	simm.s32 $0x0;
	[sflag:s18] =	ssyncadd.s32 $0xFFFFFB00  }
0x94: {  	v8 =	vor.u32 s22, v0;
	_ =	swait.ge [sflag:s18], $0x500  }
0x95: {  	v9 =	vshll.u32 v8, $0x4;
	[sflag:s18] =	ssyncset.done $0x0  }
0x96: {  	[sflag:s18] =	ssyncadd.s32 $0xFFFFFB00  }
0x97: {  	_ =	swait.ge [sflag:s18], $0x500  }
0x98: {  	v10 =	vor.u32 $0x1, v9;
	[sflag:s18] =	ssyncset.done $0x0  }
0x99: {  	v11 =	vor.u32 $0x2, v9;
	[sflag:s18] =	ssyncadd.s32 $0xFFFFFB00  }
0x9a: {  	v5 =	vld.idx.msk [tilespmem:v9+s0+$0x0], $0xffff  }
0x9b: {  	v6 =	vld.idx.msk [tilespmem:v9+s2+$0x0], $0xffff  }
0x9c: {  	v12 =	vld.idx.msk [tilespmem:v9+s3+$0x0], $0xffff  }
0x9d: {  	v7 =	vld.idx.msk [tilespmem:v10+s2+$0x0], $0xffff  }
0x9e: {  	v14 =	vor.u32 $0x3, v9;
	v13 =	vld.idx.msk [tilespmem:v11+s2+$0x0], $0xffff  }
0x9f: {  	v15 =	vld.idx.msk [tilespmem:v11+s3+$0x0], $0xffff  }
0xa0: {  	v16 =	vld.idx.msk [tilespmem:v10+s3+$0x0], $0xffff  }
0xa1: {  	v18 =	vor.u32 $0x4, v9;
	v17 =	vld.idx.msk [tilespmem:v11+s0+$0x0], $0xffff  }
0xa2: {  	v19 =	vld.idx.msk [tilespmem:v10+s0+$0x0], $0xffff  }
0xa3: {  	v20 =	vld.idx.msk [tilespmem:v14+s2+$0x0], $0xffff  }
0xa4: {  	v21 =	vor.u32 $0x5, v9;
	v22 =	vld.idx.msk [tilespmem:v14+s3+$0x0], $0xffff  }
0xa5: {  	v23 =	vld.idx.msk [tilespmem:v14+s0+$0x0], $0xffff  }
0xa6: {  	v24 =	vld.idx.msk [tilespmem:v18+s0+$0x0], $0xffff  }
0xa7: {  	v26 =	vor.u32 $0x6, v9;
	v25 =	vld.idx.msk [tilespmem:v18+s3+$0x0], $0xffff  }
0xa8: {  	v27 =	vld.idx.msk [tilespmem:v18+s2+$0x0], $0xffff  }
0xa9: {  	v28 =	vld.idx.msk [tilespmem:v21+s3+$0x0], $0xffff  }
0xaa: {  	v29 =	vor.u32 $0x7, v9;
	v30 =	vld.idx.msk [tilespmem:v21+s2+$0x0], $0xffff  }
0xab: {  	v31 =	vld.idx.msk [tilespmem:v21+s0+$0x0], $0xffff  }
0xac: {  	v32 =	vld.idx.msk [tilespmem:v26+s0+$0x0], $0xffff  }
0xad: {  	v34 =	vor.u32 $0x8, v9;
	v33 =	vld.idx.msk [tilespmem:v26+s3+$0x0], $0xffff  }
0xae: {  	v35 =	vld.idx.msk [tilespmem:v26+s2+$0x0], $0xffff  }
0xaf: {  	v37 =	vor.u32 $0x9, v9;
	v36 =	vld.idx.msk [tilespmem:v29+s3+$0x0], $0xffff  }
0xb0: {  	v38 =	vld.idx.msk [tilespmem:v29+s2+$0x0], $0xffff;
	v6 =	vadd.f32 v12, v6;
	v7 =	vadd.f32 v16, v7  }
0xb1: {  	v39 =	vor.u32 $0xA, v9;
	v55 =	vld.idx.msk [tilespmem:v29+s0+$0x0], $0xffff  }
0xb2: {  	v56 =	vld.idx.msk [tilespmem:v34+s0+$0x0], $0xffff;
	v5 =	vmul.f32 v6, v5;
	v6 =	vadd.f32 v15, v13;
	v7 =	vmul.f32 v7, v19  }
0xb3: {  	v57 =	vld.idx.msk [tilespmem:v34+s2+$0x0], $0xffff  }
0xb4: {  	v40 =	vld.idx.msk [tilespmem:v37+s3+$0x0], $0xffff;
	v6 =	vmul.f32 v6, v17;
	v5 =	vadd.f32 v7, v5;
	v7 =	vadd.f32 v22, v20  }
0xb5: {  	v42 =	vor.u32 $0xC, v9;
	v58 =	vld.idx.msk [tilespmem:v37+s2+$0x0], $0xffff  }
0xb6: {  	v41 =	vld.idx.msk [tilespmem:v37+s0+$0x0], $0xffff;
	v5 =	vadd.f32 v6, v5;
	v6 =	vmul.f32 v7, v23;
	v7 =	vadd.f32 v25, v27  }
0xb7: {  	v59 =	vld.idx.msk [tilespmem:v39+s0+$0x0], $0xffff  }
0xb8: {  	v60 =	vld.idx.msk [tilespmem:v39+s2+$0x0], $0xffff;
	v5 =	vadd.f32 v6, v5;
	v6 =	vmul.f32 v7, v24;
	v7 =	vadd.f32 v28, v30  }
0xb9: {  	v17 =	vld.idx.msk [tilespmem:v34+s3+$0x0], $0xffff;
	v23 =	vor.u32 $0xB, v9  }
0xba: {  	v44 =	vld.idx.msk [tilespmem:v42+s0+$0x0], $0xffff;
	v5 =	vadd.f32 v6, v5;
	v6 =	vmul.f32 v7, v31;
	v7 =	vadd.f32 v33, v35  }
0xbb: {  	v45 =	vld.idx.msk [tilespmem:v42+s2+$0x0], $0xffff  }
0xbc: {  	v20 =	vld.idx.msk [tilespmem:v42+s3+$0x0], $0xffff;
	v5 =	vadd.f32 v6, v5;
	v6 =	vmul.f32 v7, v32;
	v32 =	vor.u32 $0xD, v9  }
0xbd: {  	v38 =	vadd.f32 v36, v38;
	v30 =	vld.idx.msk [tilespmem:v39+s3+$0x0], $0xffff  }
0xbe: {  	v61 =	vadd.f32 v17, v57;
	v35 =	vld.idx.msk [tilespmem:v23+s3+$0x0], $0xffff  }
0xbf: {  	v43 =	vld.idx.msk [tilespmem:v23+s0+$0x0], $0xffff;
	v5 =	vadd.f32 v6, v5;
	v6 =	vmul.f32 v38, v55;
	v38 =	vor.u32 $0xE, v9  }
0xc0: {  	v7 =	vld.idx.msk [tilespmem:v23+s2+$0x0], $0xffff  }
0xc1: {  	v62 =	vadd.f32 v40, v58;
	v13 =	vmul.f32 v61, v56;
	v6 =	vadd.f32 v6, v5;
	v27 =	vld.idx.msk [tilespmem:v32+s3+$0x0], $0xffff  }
0xc2: {  	v5 =	vor.u32 $0xF, v9;
	v46 =	vld.idx.msk [tilespmem:v32+s2+$0x0], $0xffff  }
0xc3: {  	v63 =	vmul.f32 v62, v41;
	v47 =	vadd.f32 v30, v60;
	v48 =	vld.idx.msk [tilespmem:v32+s0+$0x0], $0xffff;
	v6 =	vadd.f32 v13, v6  }
0xc4: {  	v49 =	vld.idx.msk [tilespmem:v38+s0+$0x0], $0xffff  }
0xc5: {  	v50 =	vmul.f32 v47, v59;
	v51 =	vadd.f32 v35, v7;
	v7 =	vld.idx.msk [tilespmem:v38+s3+$0x0], $0xffff;
	v6 =	vadd.f32 v63, v6  }
0xc6: {  	v52 =	vld.idx.msk [tilespmem:v38+s2+$0x0], $0xffff  }
0xc7: {  	v53 =	vadd.f32 v20, v45;
	v19 =	vmul.f32 v51, v43;
	v54 =	vld.idx.msk [tilespmem:v5+s2+$0x0], $0xffff;
	v13 =	vadd.f32 v50, v6  }
0xc8: {  	v6 =	vld.idx.msk [tilespmem:v5+s3+$0x0], $0xffff  }
0xc9: {  	v55 =	vmul.f32 v53, v44;
	v56 =	vadd.f32 v27, v46;
	v13 =	vadd.f32 v19, v13  }
0xca: {  	v57 =	vld.idx.msk [tilespmem:v5+s0+$0x0], $0xffff  }
0xcb: {  	v58 =	vmul.f32 v56, v48;
	v24 =	vadd.f32 v7, v52;
	v13 =	vadd.f32 v55, v13;
	_ =	sdelay $0x1  }
0xcc: {  	v59 =	vmul.f32 v24, v49;
	v60 =	vadd.f32 v6, v54;
	v13 =	vadd.f32 v58, v13;
	_ =	sdelay $0x1  }
0xcd: {  	v61 =	vmul.f32 v60, v57;
	v13 =	vadd.f32 v59, v13;
	_ =	sdelay $0x1  }
0xce: {  	v13 =	vadd.f32 v61, v13;
	_ =	sdelay $0x1  }
0xcf: {  	v13 =	vmul.f32 $2.500000000e-01, v13;
	_ =	sdelay $0x1  }
0xd0: {  	v13 =	vmul.f32 $1.442695020e+00, v13;
	_ =	sdelay $0x1  }
0xd1: {  	(erf) = vpow2.f32 v13;
	_ =	sdelay $0x2  }
0xd2: {  	v62 =	vld.idx.msk [tilespmem:v9+s26+$0x0], $0xffff;
	_ =	sdelay $0x3  }
0xd3: {  	v9 =	vshll.u32 v8, $0x5  }
0xd4: {  	v12 =	vadd.f32 v62, v12  }
0xd5: {  	v8 =	vpop (erf)  }
0xd6: {  	v12 =	vmul.f32 v8, v12;
	_ =	sdelay $0x1  }
0xd7: {  	[tilespmem:v9+s24+$0x0] =	vst.idx.msk $0xffff, v12  }
0xd8: {  	v10 =	vld.idx.msk [tilespmem:v10+s26+$0x0], $0xffff;
	_ =	sdelay $0x3  }
0xd9: {  	v63 =	vor.u32 $0x1, v9  }
0xda: {  	v10 =	vadd.f32 v10, v16;
	_ =	sdelay $0x1  }
0xdb: {  	v10 =	vmul.f32 v8, v10;
	_ =	sdelay $0x1  }
0xdc: {  	[tilespmem:v63+s24+$0x0] =	vst.idx.msk $0xffff, v10  }
0xdd: {  	v10 =	vld.idx.msk [tilespmem:v11+s26+$0x0], $0xffff;
	_ =	sdelay $0x3  }
0xde: {  	v11 =	vor.u32 $0x2, v9  }
0xdf: {  	v10 =	vadd.f32 v10, v15;
	_ =	sdelay $0x1  }
0xe0: {  	v10 =	vmul.f32 v10, v8;
	_ =	sdelay $0x1  }
0xe1: {  	[tilespmem:v11+s24+$0x0] =	vst.idx.msk $0xffff, v10  }
0xe2: {  	v10 =	vld.idx.msk [tilespmem:v14+s26+$0x0], $0xffff;
	_ =	sdelay $0x3  }
0xe3: {  	v11 =	vor.u32 $0x3, v9  }
0xe4: {  	v10 =	vadd.f32 v10, v22;
	_ =	sdelay $0x1  }
0xe5: {  	v10 =	vmul.f32 v10, v8;
	_ =	sdelay $0x1  }
0xe6: {  	[tilespmem:v11+s24+$0x0] =	vst.idx.msk $0xffff, v10  }
0xe7: {  	v10 =	vld.idx.msk [tilespmem:v18+s26+$0x0], $0xffff;
	_ =	sdelay $0x3  }
0xe8: {  	v11 =	vor.u32 $0x4, v9  }
0xe9: {  	v10 =	vadd.f32 v10, v25;
	_ =	sdelay $0x1  }
0xea: {  	v10 =	vmul.f32 v10, v8;
	_ =	sdelay $0x1  }
0xeb: {  	[tilespmem:v11+s24+$0x0] =	vst.idx.msk $0xffff, v10  }
0xec: {  	v10 =	vld.idx.msk [tilespmem:v21+s26+$0x0], $0xffff;
	_ =	sdelay $0x3  }
0xed: {  	v11 =	vor.u32 $0x5, v9  }
0xee: {  	v10 =	vadd.f32 v10, v28;
	_ =	sdelay $0x1  }
0xef: {  	v10 =	vmul.f32 v10, v8;
	_ =	sdelay $0x1  }
0xf0: {  	[tilespmem:v11+s24+$0x0] =	vst.idx.msk $0xffff, v10  }
0xf1: {  	v10 =	vld.idx.msk [tilespmem:v26+s26+$0x0], $0xffff;
	_ =	sdelay $0x3  }
0xf2: {  	v11 =	vor.u32 $0x6, v9  }
0xf3: {  	v10 =	vadd.f32 v10, v33;
	_ =	sdelay $0x1  }
0xf4: {  	v10 =	vmul.f32 v10, v8;
	_ =	sdelay $0x1  }
0xf5: {  	[tilespmem:v11+s24+$0x0] =	vst.idx.msk $0xffff, v10  }
0xf6: {  	v10 =	vld.idx.msk [tilespmem:v29+s26+$0x0], $0xffff;
	_ =	sdelay $0x3  }
0xf7: {  	v11 =	vor.u32 $0x7, v9  }
0xf8: {  	v10 =	vadd.f32 v10, v36;
	_ =	sdelay $0x1  }
0xf9: {  	v10 =	vmul.f32 v10, v8;
	_ =	sdelay $0x1  }
0xfa: {  	[tilespmem:v11+s24+$0x0] =	vst.idx.msk $0xffff, v10  }
0xfb: {  	v10 =	vld.idx.msk [tilespmem:v34+s26+$0x0], $0xffff;
	_ =	sdelay $0x3  }
0xfc: {  	v11 =	vor.u32 $0x8, v9  }
0xfd: {  	v10 =	vadd.f32 v10, v17;
	_ =	sdelay $0x1  }
0xfe: {  	v10 =	vmul.f32 v10, v8;
	_ =	sdelay $0x1  }
0xff: {  	[tilespmem:v11+s24+$0x0] =	vst.idx.msk $0xffff, v10  }
0x100: {  	v10 =	vld.idx.msk [tilespmem:v37+s26+$0x0], $0xffff;
	_ =	sdelay $0x3  }
0x101: {  	v11 =	vor.u32 $0x9, v9  }
0x102: {  	v10 =	vadd.f32 v10, v40;
	_ =	sdelay $0x1  }
0x103: {  	v10 =	vmul.f32 v10, v8;
	_ =	sdelay $0x1  }
0x104: {  	[tilespmem:v11+s24+$0x0] =	vst.idx.msk $0xffff, v10  }
0x105: {  	v10 =	vld.idx.msk [tilespmem:v39+s26+$0x0], $0xffff;
	_ =	sdelay $0x3  }
0x106: {  	v11 =	vor.u32 $0xA, v9  }
0x107: {  	v10 =	vadd.f32 v10, v30;
	_ =	sdelay $0x1  }
0x108: {  	v10 =	vmul.f32 v10, v8;
	_ =	sdelay $0x1  }
0x109: {  	[tilespmem:v11+s24+$0x0] =	vst.idx.msk $0xffff, v10  }
0x10a: {  	v10 =	vld.idx.msk [tilespmem:v23+s26+$0x0], $0xffff;
	_ =	sdelay $0x3  }
0x10b: {  	v11 =	vor.u32 $0xB, v9  }
0x10c: {  	v10 =	vadd.f32 v10, v35;
	_ =	sdelay $0x1  }
0x10d: {  	v10 =	vmul.f32 v10, v8;
	_ =	sdelay $0x1  }
0x10e: {  	[tilespmem:v11+s24+$0x0] =	vst.idx.msk $0xffff, v10  }
0x10f: {  	v10 =	vld.idx.msk [tilespmem:v42+s26+$0x0], $0xffff;
	_ =	sdelay $0x3  }
0x110: {  	v11 =	vor.u32 $0xC, v9  }
0x111: {  	v10 =	vadd.f32 v10, v20;
	_ =	sdelay $0x1  }
0x112: {  	v10 =	vmul.f32 v10, v8;
	_ =	sdelay $0x1  }
0x113: {  	[tilespmem:v11+s24+$0x0] =	vst.idx.msk $0xffff, v10  }
0x114: {  	v10 =	vld.idx.msk [tilespmem:v32+s26+$0x0], $0xffff;
	_ =	sdelay $0x3  }
0x115: {  	v11 =	vor.u32 $0xD, v9  }
0x116: {  	v10 =	vadd.f32 v10, v27;
	_ =	sdelay $0x1  }
0x117: {  	v10 =	vmul.f32 v10, v8;
	_ =	sdelay $0x1  }
0x118: {  	[tilespmem:v11+s24+$0x0] =	vst.idx.msk $0xffff, v10  }
0x119: {  	s19 =	simm.s32 $0x10;
	v10 =	vld.idx.msk [tilespmem:v38+s26+$0x0], $0xffff  }
.LBB2_6:
0x11a: {  	_ =	sdelay $0x1  }
0x11b: {  	p2 =	sne.s32 s19, $0x40;
	s20 =	smov.u32 s19;
	s19 =	sadd.s32 $0x10, s19  }
0x11c: {  	v11 =	vor.u32 $0xE, v9  }
0x11d: {  	v7 =	vadd.f32 v10, v7;
	_ =	sdelay $0x1  }
0x11e: {  	v7 =	vmul.f32 v7, v8;
	_ =	sdelay $0x1  }
0x11f: {  	[tilespmem:v11+s24+$0x0] =	vst.idx.msk $0xffff, v7  }
0x120: {  	v5 =	vld.idx.msk [tilespmem:v5+s26+$0x0], $0xffff;
	_ =	sdelay $0x4  }
0x121: {  	v36 =	vor.u32 s20, v0;
	v7 =	vor.u32 $0xF, v9  }
0x122: {  	v37 =	vshll.u32 v36, $0x4;
	v5 =	vadd.f32 v5, v6;
	v6 =	vor.u32 v3, v9  }
0x123: {  	v35 =	vor.u32 $0x1, v37  }
0x124: {  	v5 =	vmul.f32 v5, v8  }
0x125: {  	v31 =	vor.u32 $0x2, v37  }
0x126: {  	[tilespmem:v7+s24+$0x0] =	vst.idx.msk $0xffff, v5  }
0x127: {  	[tilespmem:v6+s24+$0x0] =	vst.idx.msk $0xffff, v8  }
0x128: {  	v5 =	vld.idx.msk [tilespmem:v37+s0+$0x0], $0xffff  }
0x129: {  	v6 =	vld.idx.msk [tilespmem:v37+s2+$0x0], $0xffff  }
0x12a: {  	v8 =	vld.idx.msk [tilespmem:v37+s3+$0x0], $0xffff  }
0x12b: {  	v7 =	vld.idx.msk [tilespmem:v35+s2+$0x0], $0xffff  }
0x12c: {  	v30 =	vor.u32 $0x3, v37;
	v9 =	vld.idx.msk [tilespmem:v31+s2+$0x0], $0xffff  }
0x12d: {  	v34 =	vld.idx.msk [tilespmem:v31+s3+$0x0], $0xffff  }
0x12e: {  	v38 =	vld.idx.msk [tilespmem:v35+s3+$0x0], $0xffff  }
0x12f: {  	v28 =	vor.u32 $0x4, v37;
	v10 =	vld.idx.msk [tilespmem:v31+s0+$0x0], $0xffff  }
0x130: {  	v6 =	vadd.f32 v8, v6;
	v11 =	vld.idx.msk [tilespmem:v35+s0+$0x0], $0xffff  }
0x131: {  	v26 =	vor.u32 $0x5, v37;
	v12 =	vld.idx.msk [tilespmem:v30+s2+$0x0], $0xffff  }
0x132: {  	v5 =	vmul.f32 v6, v5;
	v33 =	vld.idx.msk [tilespmem:v30+s3+$0x0], $0xffff  }
0x133: {  	v6 =	vadd.f32 v34, v9;
	v9 =	vld.idx.msk [tilespmem:v30+s0+$0x0], $0xffff  }
0x134: {  	v7 =	vadd.f32 v38, v7;
	v13 =	vld.idx.msk [tilespmem:v28+s0+$0x0], $0xffff  }
0x135: {  	v24 =	vor.u32 $0x6, v37;
	v6 =	vmul.f32 v6, v10;
	v32 =	vld.idx.msk [tilespmem:v28+s3+$0x0], $0xffff  }
0x136: {  	v7 =	vmul.f32 v7, v11;
	v10 =	vld.idx.msk [tilespmem:v28+s2+$0x0], $0xffff  }
0x137: {  	v22 =	vor.u32 $0x7, v37;
	v29 =	vld.idx.msk [tilespmem:v26+s3+$0x0], $0xffff  }
0x138: {  	v5 =	vadd.f32 v7, v5;
	v7 =	vadd.f32 v33, v12;
	v11 =	vld.idx.msk [tilespmem:v26+s2+$0x0], $0xffff  }
0x139: {  	v12 =	vld.idx.msk [tilespmem:v26+s0+$0x0], $0xffff  }
0x13a: {  	v5 =	vadd.f32 v6, v5;
	v6 =	vmul.f32 v7, v9;
	v7 =	vld.idx.msk [tilespmem:v24+s0+$0x0], $0xffff  }
0x13b: {  	v20 =	vor.u32 $0x8, v37;
	v27 =	vld.idx.msk [tilespmem:v24+s3+$0x0], $0xffff  }
0x13c: {  	v5 =	vadd.f32 v6, v5;
	v6 =	vadd.f32 v32, v10;
	v9 =	vld.idx.msk [tilespmem:v24+s2+$0x0], $0xffff  }
0x13d: {  	v18 =	vor.u32 $0x9, v37;
	v25 =	vld.idx.msk [tilespmem:v22+s3+$0x0], $0xffff  }
0x13e: {  	v6 =	vmul.f32 v6, v13;
	v10 =	vadd.f32 v29, v11;
	v11 =	vld.idx.msk [tilespmem:v22+s2+$0x0], $0xffff  }
0x13f: {  	v13 =	vld.idx.msk [tilespmem:v22+s0+$0x0], $0xffff  }
0x140: {  	v5 =	vadd.f32 v6, v5;
	v6 =	vmul.f32 v10, v12;
	v10 =	vld.idx.msk [tilespmem:v20+s0+$0x0], $0xffff  }
0x141: {  	v16 =	vor.u32 $0xA, v37;
	v23 =	vld.idx.msk [tilespmem:v20+s3+$0x0], $0xffff  }
0x142: {  	v5 =	vadd.f32 v6, v5;
	v6 =	vadd.f32 v27, v9;
	v9 =	vld.idx.msk [tilespmem:v20+s2+$0x0], $0xffff  }
0x143: {  	v14 =	vor.u32 $0xB, v37;
	v21 =	vld.idx.msk [tilespmem:v18+s3+$0x0], $0xffff  }
0x144: {  	v6 =	vmul.f32 v6, v7;
	v7 =	vadd.f32 v25, v11;
	v15 =	vld.idx.msk [tilespmem:v18+s2+$0x0], $0xffff  }
0x145: {  	v39 =	vld.idx.msk [tilespmem:v18+s0+$0x0], $0xffff  }
0x146: {  	v5 =	vadd.f32 v6, v5;
	v6 =	vmul.f32 v7, v13;
	v7 =	vld.idx.msk [tilespmem:v16+s0+$0x0], $0xffff  }
0x147: {  	v12 =	vor.u32 $0xC, v37;
	v19 =	vld.idx.msk [tilespmem:v16+s3+$0x0], $0xffff  }
0x148: {  	v5 =	vadd.f32 v6, v5;
	v6 =	vadd.f32 v23, v9;
	v9 =	vld.idx.msk [tilespmem:v16+s2+$0x0], $0xffff  }
0x149: {  	v11 =	vor.u32 $0xD, v37;
	v17 =	vld.idx.msk [tilespmem:v14+s3+$0x0], $0xffff  }
0x14a: {  	v6 =	vmul.f32 v6, v10;
	v10 =	vadd.f32 v21, v15;
	v40 =	vld.idx.msk [tilespmem:v14+s2+$0x0], $0xffff  }
0x14b: {  	v41 =	vld.idx.msk [tilespmem:v14+s0+$0x0], $0xffff  }
0x14c: {  	v5 =	vadd.f32 v6, v5;
	v6 =	vmul.f32 v10, v39;
	v39 =	vld.idx.msk [tilespmem:v12+s0+$0x0], $0xffff  }
0x14d: {  	v10 =	vor.u32 $0xE, v37;
	v15 =	vld.idx.msk [tilespmem:v12+s3+$0x0], $0xffff  }
0x14e: {  	v6 =	vadd.f32 v6, v5;
	v9 =	vadd.f32 v19, v9;
	v42 =	vld.idx.msk [tilespmem:v12+s2+$0x0], $0xffff  }
0x14f: {  	v5 =	vor.u32 $0xF, v37;
	v13 =	vld.idx.msk [tilespmem:v11+s3+$0x0], $0xffff  }
0x150: {  	v7 =	vmul.f32 v9, v7;
	v9 =	vadd.f32 v17, v40;
	v40 =	vld.idx.msk [tilespmem:v11+s2+$0x0], $0xffff  }
0x151: {  	v43 =	vld.idx.msk [tilespmem:v11+s0+$0x0], $0xffff  }
0x152: {  	v6 =	vadd.f32 v7, v6;
	v9 =	vmul.f32 v9, v41;
	v41 =	vld.idx.msk [tilespmem:v10+s0+$0x0], $0xffff  }
0x153: {  	v7 =	vld.idx.msk [tilespmem:v10+s3+$0x0], $0xffff  }
0x154: {  	v9 =	vadd.f32 v9, v6;
	v42 =	vadd.f32 v15, v42;
	v44 =	vld.idx.msk [tilespmem:v10+s2+$0x0], $0xffff  }
0x155: {  	v6 =	vld.idx.msk [tilespmem:v5+s3+$0x0], $0xffff  }
0x156: {  	v39 =	vmul.f32 v42, v39;
	v40 =	vadd.f32 v13, v40;
	v42 =	vld.idx.msk [tilespmem:v5+s2+$0x0], $0xffff;
	_ =	sdelay $0x1  }
0x157: {  	v9 =	vadd.f32 v39, v9;
	v39 =	vmul.f32 v40, v43;
	v40 =	vld.idx.msk [tilespmem:v5+s0+$0x0], $0xffff;
	_ =	sdelay $0x1  }
0x158: {  	v9 =	vadd.f32 v39, v9;
	v39 =	vadd.f32 v7, v44;
	_ =	sdelay $0x1  }
0x159: {  	v39 =	vmul.f32 v39, v41;
	v41 =	vadd.f32 v6, v42;
	_ =	sdelay $0x1  }
0x15a: {  	v9 =	vadd.f32 v39, v9;
	v39 =	vmul.f32 v41, v40;
	_ =	sdelay $0x1  }
0x15b: {  	v9 =	vadd.f32 v39, v9;
	_ =	sdelay $0x1  }
0x15c: {  	v9 =	vmul.f32 $2.500000000e-01, v9;
	_ =	sdelay $0x1  }
0x15d: {  	v9 =	vmul.f32 $1.442695020e+00, v9;
	_ =	sdelay $0x1  }
0x15e: {  	(erf) = vpow2.f32 v9;
	_ =	sdelay $0x1  }
0x15f: {  	v37 =	vld.idx.msk [tilespmem:v37+s26+$0x0], $0xffff;
	_ =	sdelay $0x4  }
0x160: {  	v9 =	vshll.u32 v36, $0x5  }
0x161: {  	v36 =	vadd.f32 v37, v8  }
0x162: {  	v8 =	vpop (erf)  }
0x163: {  	v36 =	vmul.f32 v8, v36;
	_ =	sdelay $0x1  }
0x164: {  	[tilespmem:v9+s24+$0x0] =	vst.idx.msk $0xffff, v36  }
0x165: {  	v35 =	vld.idx.msk [tilespmem:v35+s26+$0x0], $0xffff;
	_ =	sdelay $0x4  }
0x166: {  	v36 =	vor.u32 $0x1, v9  }
0x167: {  	v35 =	vadd.f32 v35, v38;
	_ =	sdelay $0x1  }
0x168: {  	v35 =	vmul.f32 v8, v35;
	_ =	sdelay $0x1  }
0x169: {  	[tilespmem:v36+s24+$0x0] =	vst.idx.msk $0xffff, v35  }
0x16a: {  	v31 =	vld.idx.msk [tilespmem:v31+s26+$0x0], $0xffff;
	_ =	sdelay $0x4  }
0x16b: {  	v35 =	vor.u32 $0x2, v9  }
0x16c: {  	v31 =	vadd.f32 v31, v34;
	_ =	sdelay $0x1  }
0x16d: {  	v31 =	vmul.f32 v31, v8;
	_ =	sdelay $0x1  }
0x16e: {  	[tilespmem:v35+s24+$0x0] =	vst.idx.msk $0xffff, v31  }
0x16f: {  	v30 =	vld.idx.msk [tilespmem:v30+s26+$0x0], $0xffff;
	_ =	sdelay $0x4  }
0x170: {  	v31 =	vor.u32 $0x3, v9  }
0x171: {  	v30 =	vadd.f32 v30, v33;
	_ =	sdelay $0x1  }
0x172: {  	v30 =	vmul.f32 v30, v8;
	_ =	sdelay $0x1  }
0x173: {  	[tilespmem:v31+s24+$0x0] =	vst.idx.msk $0xffff, v30  }
0x174: {  	v28 =	vld.idx.msk [tilespmem:v28+s26+$0x0], $0xffff;
	_ =	sdelay $0x4  }
0x175: {  	v30 =	vor.u32 $0x4, v9  }
0x176: {  	v28 =	vadd.f32 v28, v32;
	_ =	sdelay $0x1  }
0x177: {  	v28 =	vmul.f32 v28, v8;
	_ =	sdelay $0x1  }
0x178: {  	[tilespmem:v30+s24+$0x0] =	vst.idx.msk $0xffff, v28  }
0x179: {  	v26 =	vld.idx.msk [tilespmem:v26+s26+$0x0], $0xffff;
	_ =	sdelay $0x4  }
0x17a: {  	v28 =	vor.u32 $0x5, v9  }
0x17b: {  	v26 =	vadd.f32 v26, v29;
	_ =	sdelay $0x1  }
0x17c: {  	v26 =	vmul.f32 v26, v8;
	_ =	sdelay $0x1  }
0x17d: {  	[tilespmem:v28+s24+$0x0] =	vst.idx.msk $0xffff, v26  }
0x17e: {  	v24 =	vld.idx.msk [tilespmem:v24+s26+$0x0], $0xffff;
	_ =	sdelay $0x4  }
0x17f: {  	v26 =	vor.u32 $0x6, v9  }
0x180: {  	v24 =	vadd.f32 v24, v27;
	_ =	sdelay $0x1  }
0x181: {  	v24 =	vmul.f32 v24, v8;
	_ =	sdelay $0x1  }
0x182: {  	[tilespmem:v26+s24+$0x0] =	vst.idx.msk $0xffff, v24  }
0x183: {  	v22 =	vld.idx.msk [tilespmem:v22+s26+$0x0], $0xffff;
	_ =	sdelay $0x4  }
0x184: {  	v24 =	vor.u32 $0x7, v9  }
0x185: {  	v22 =	vadd.f32 v22, v25;
	_ =	sdelay $0x1  }
0x186: {  	v22 =	vmul.f32 v22, v8;
	_ =	sdelay $0x1  }
0x187: {  	[tilespmem:v24+s24+$0x0] =	vst.idx.msk $0xffff, v22  }
0x188: {  	v20 =	vld.idx.msk [tilespmem:v20+s26+$0x0], $0xffff;
	_ =	sdelay $0x4  }
0x189: {  	v22 =	vor.u32 $0x8, v9  }
0x18a: {  	v20 =	vadd.f32 v20, v23;
	_ =	sdelay $0x1  }
0x18b: {  	v20 =	vmul.f32 v20, v8;
	_ =	sdelay $0x1  }
0x18c: {  	[tilespmem:v22+s24+$0x0] =	vst.idx.msk $0xffff, v20  }
0x18d: {  	v18 =	vld.idx.msk [tilespmem:v18+s26+$0x0], $0xffff;
	_ =	sdelay $0x4  }
0x18e: {  	v20 =	vor.u32 $0x9, v9  }
0x18f: {  	v18 =	vadd.f32 v18, v21;
	_ =	sdelay $0x1  }
0x190: {  	v18 =	vmul.f32 v18, v8;
	_ =	sdelay $0x1  }
0x191: {  	[tilespmem:v20+s24+$0x0] =	vst.idx.msk $0xffff, v18  }
0x192: {  	v16 =	vld.idx.msk [tilespmem:v16+s26+$0x0], $0xffff;
	_ =	sdelay $0x4  }
0x193: {  	v18 =	vor.u32 $0xA, v9  }
0x194: {  	v16 =	vadd.f32 v16, v19;
	_ =	sdelay $0x1  }
0x195: {  	v16 =	vmul.f32 v16, v8;
	_ =	sdelay $0x1  }
0x196: {  	[tilespmem:v18+s24+$0x0] =	vst.idx.msk $0xffff, v16  }
0x197: {  	v14 =	vld.idx.msk [tilespmem:v14+s26+$0x0], $0xffff;
	_ =	sdelay $0x4  }
0x198: {  	v16 =	vor.u32 $0xB, v9  }
0x199: {  	v14 =	vadd.f32 v14, v17;
	_ =	sdelay $0x1  }
0x19a: {  	v14 =	vmul.f32 v14, v8;
	_ =	sdelay $0x1  }
0x19b: {  	[tilespmem:v16+s24+$0x0] =	vst.idx.msk $0xffff, v14  }
0x19c: {  	v12 =	vld.idx.msk [tilespmem:v12+s26+$0x0], $0xffff;
	_ =	sdelay $0x4  }
0x19d: {  	v14 =	vor.u32 $0xC, v9  }
0x19e: {  	v12 =	vadd.f32 v12, v15;
	_ =	sdelay $0x1  }
0x19f: {  	v12 =	vmul.f32 v12, v8;
	_ =	sdelay $0x1  }
0x1a0: {  	[tilespmem:v14+s24+$0x0] =	vst.idx.msk $0xffff, v12  }
0x1a1: {  	v11 =	vld.idx.msk [tilespmem:v11+s26+$0x0], $0xffff;
	_ =	sdelay $0x4  }
0x1a2: {  	v12 =	vor.u32 $0xD, v9  }
0x1a3: {  	v11 =	vadd.f32 v11, v13  }
.Ltmp1:
0x1a4: {  	(pc) =	sbr.rel @p2 .LBB2_6-.Ltmp1, $3  }
0x1a5: {  	v11 =	vmul.f32 v11, v8;
	_ =	sdelay $0x1  }
0x1a6: {  	[tilespmem:v12+s24+$0x0] =	vst.idx.msk $0xffff, v11  }
0x1a7: {  	v10 =	vld.idx.msk [tilespmem:v10+s26+$0x0], $0xffff  }
0x1a8: {  	_ =	sdelay $0x2  }
0x1a9: {  	v11 =	vor.u32 $0xE, v9  }
0x1aa: {  	v7 =	vadd.f32 v10, v7;
	_ =	sdelay $0x1  }
0x1ab: {  	v7 =	vmul.f32 v7, v8;
	_ =	sdelay $0x1  }
0x1ac: {  	[tilespmem:v11+s24+$0x0] =	vst.idx.msk $0xffff, v7  }
0x1ad: {  	v5 =	vld.idx.msk [tilespmem:v5+s26+$0x0], $0xffff;
	_ =	sdelay $0x3  }
0x1ae: {  	v7 =	vor.u32 $0xF, v9  }
0x1af: {  	v5 =	vadd.f32 v5, v6;
	v6 =	vor.u32 v3, v9;
	_ =	sdelay $0x1  }
0x1b0: {  	v5 =	vmul.f32 v5, v8;
	_ =	sdelay $0x1  }
0x1b1: {  	[tilespmem:v7+s24+$0x0] =	vst.idx.msk $0xffff, v5  }
0x1b2: {  	s19 =	simm.s32 $0x18920;
	[tilespmem:v6+s24+$0x0] =	vst.idx.msk $0xffff, v8  }
0x1b3: {  	[spmem:s1] =	stream.indirect.scatter.add.f32 [tilespmem:s24], [sflag:$0x5], $0x20, s19, s30, $0xb8;
	[tilespmem:$0x1BC60] =	vst v63  }
0x1b4: {  	_ =	swait.ge [sflag:s11], $0xA00  }
0x1b5: {  	[sflag:s11] =	ssyncset.done $0x0  }
0x1b6: {  	[sflag:s11] =	ssyncadd.s32 $0xFFFFF600  }
0x1b7: {  	_ =	swait.ge [sflag:s29], $0x50  }
0x1b8: {  	[sflag:s29] =	ssyncset.done $0x0  }
0x1b9: {  	[sflag:s29] =	ssyncadd.s32 $0xFFFFFFB0  }
0x1ba: {  	_ =	swait.ge [sflag:s29], $0x50  }
0x1bb: {  	[sflag:s29] =	ssyncset.done $0x0  }
0x1bc: {  	[sflag:s29] =	ssyncadd.s32 $0xFFFFFFB0  }
0x1bd: {  	v5 =	vld [tilespmem:$0x186A0]  }
0x1be: {  	v6 =	vld [tilespmem:$0x18740]  }
0x1bf: {  	v7 =	vld [tilespmem:$0x18740]  }
0x1c0: {  	s20 =	rddreg [dreg:$0x10];
	v8 =	vld [tilespmem:$0x186B0]  }
0x1c1: {  	s19 =	sadd.s32 s28, s20;
	v9 =	vld [tilespmem:$0x18750]  }
0x1c2: {  	s19 =	sshll.u32 s19, $0x2  }
0x1c3: {  	s19 =	sadd.s32 s31, s19  }
0x1c4: {  	v5 =	vshll.u32 v5, $0x2;
	[tilespmem:$0x18920] =	vst v7;
	v7 =	vadd.s32 s19, v2  }
0x1c5: {  	v6 =	vshll.u32 v6, $0x2;
	v8 =	vshll.u32 v8, $0x2;
	v5 =	vadd.s32 v4, v5;
	[tilespmem:$0x189C0] =	vst v7  }
0x1c6: {  	v7 =	vadd.s32 v4, v8;
	v8 =	vshll.u32 v9, $0x2;
	[tilespmem:$0x187E0] =	vst v5;
	v5 =	vadd.s32 v4, v6;
	v6 =	vld [tilespmem:$0x18750]  }
0x1c7: {  	[tilespmem:$0x187F0] =	vst v7;
	v7 =	vadd.s32 v4, v8;
	v8 =	vld [tilespmem:$0x18760]  }
0x1c8: {  	[tilespmem:$0x18880] =	vst v5;
	v5 =	vld [tilespmem:$0x186C0]  }
0x1c9: {  	[tilespmem:$0x18890] =	vst v7;
	v7 =	vld [tilespmem:$0x186D0]  }
0x1ca: {  	v10 =	vld [tilespmem:$0x18760]  }
0x1cb: {  	s20 =	sadd.s32 $0x40, s19;
	v9 =	vld [tilespmem:$0x18770];
	[tilespmem:$0x18930] =	vst v6  }
0x1cc: {  	s21 =	sadd.s32 $0x80, s19;
	v6 =	vadd.s32 s20, v2;
	[tilespmem:$0x18940] =	vst v8  }
0x1cd: {  	v8 =	vadd.s32 s21, v2;
	v5 =	vshll.u32 v5, $0x2;
	[tilespmem:$0x189D0] =	vst v6  }
0x1ce: {  	v7 =	vshll.u32 v7, $0x2;
	[tilespmem:$0x189E0] =	vst v8;
	v5 =	vadd.s32 v4, v5  }
0x1cf: {  	v6 =	vshll.u32 v10, $0x2;
	v10 =	vld [tilespmem:$0x18780];
	v7 =	vadd.s32 v4, v7;
	[tilespmem:$0x18800] =	vst v5  }
0x1d0: {  	v8 =	vshll.u32 v9, $0x2;
	v5 =	vadd.s32 v4, v6;
	v6 =	vld [tilespmem:$0x18770];
	[tilespmem:$0x18810] =	vst v7  }
0x1d1: {  	v7 =	vadd.s32 v4, v8;
	[tilespmem:$0x188A0] =	vst v5;
	v5 =	vld [tilespmem:$0x186E0]  }
0x1d2: {  	[tilespmem:$0x188B0] =	vst v7;
	v7 =	vld [tilespmem:$0x18780];
	_ =	sdelay $0x1  }
0x1d3: {  	s22 =	sadd.s32 $0xC0, s19  }
0x1d4: {  	[tilespmem:$0x18950] =	vst v6;
	v6 =	vadd.s32 s22, v2  }
0x1d5: {  	v5 =	vshll.u32 v5, $0x2;
	[tilespmem:$0x189F0] =	vst v6  }
0x1d6: {  	v6 =	vshll.u32 v10, $0x2;
	[tilespmem:$0x18960] =	vst v7;
	v5 =	vadd.s32 v4, v5  }
0x1d7: {  	s19 =	sadd.s32 $0x100, s19;
	[tilespmem:$0x18820] =	vst v5;
	v5 =	vadd.s32 v4, v6  }
0x1d8: {  	[tilespmem:$0x188C0] =	vst v5;
	v5 =	vadd.s32 s19, v2  }
0x1d9: {  	s21 =	simm.s32 $0x18880;
	[tilespmem:$0x18A00] =	vst v5  }
0x1da: {  	[tilespmem:s0], [sflag:$0x3] =	stream.indirect.gather [hbm4b:s4+s30], $0x10, s21, s30, $0xb8;
	[tilespmem:$0x1BC60] =	vst v63  }
0x1db: {  	s19 =	rddreg [dreg:$0x11]  }
0x1dc: {  	[tilespmem:s2], [sflag:$0x3] =	stream.indirect.gather [hbm4b:s7+s30], $0x10, s23, s30, $0xb8;
	[tilespmem:$0x1BC60] =	vst v63  }
0x1dd: {  	s19 =	sadd.s32 @!p1 s28, s19  }
0x1de: {  	[tilespmem:s26], [sflag:$0x3] =	stream.indirect.gather [hbm4b:s5+s30], $0x10, s23, s30, $0xb8;
	[tilespmem:$0x1BC60] =	vst v63  }
0x1df: {  	s22 =	simm.s32 $0x189C0;
	s19 =	sshrl.u32 @!p1 s19, $0x3  }
0x1e0: {  	[tilespmem:s3], [sflag:$0x3] =	stream.indirect.gather [hbm4b:s6+s30], $0x10, s22, s30, $0xb8;
	[tilespmem:$0x1BC60] =	vst v63  }
0x1e1: {  	s21 =	simm.s32 @!p1 $0x0;
	s20 =	sadd.s32 @!p1 s8, s19;
	s22 =	simm.s32 @!p1 $0x186A0  }
0x1e2: {  	[tilespmem:s22], [sflag:$0x1] =	stream.linear.gather @!p1 [hbm4b:s20+s21], $0x50, $0x38;
	[tilespmem:$0x1BC60] =	vst v63  }
0x1e3: {  	s19 =	sadd.s32 @!p1 s9, s19;
	s20 =	simm.s32 @!p1 $0x18740  }
0x1e4: {  	[tilespmem:s20], [sflag:$0x1] =	stream.linear.gather @!p1 [hbm4b:s19+s21], $0x50, $0x38;
	[tilespmem:$0x1BC60] =	vst v63  }
0x1e5: {  	_ =	swait.ge [sflag:s16], $0x500  }
0x1e6: {  	[sflag:s16] =	ssyncset.done $0x0  }
0x1e7: {  	[sflag:s16] =	ssyncadd.s32 $0xFFFFFB00  }
0x1e8: {  	_ =	swait.ge [sflag:s16], $0x500  }
0x1e9: {  	[sflag:s16] =	ssyncset.done $0x0  }
0x1ea: {  	s28 =	simm.s32 $0x0;
	[sflag:s16] =	ssyncadd.s32 $0xFFFFFB00  }
0x1eb: {  	v8 =	vor.u32 s28, v0;
	_ =	swait.ge [sflag:s16], $0x500  }
0x1ec: {  	v9 =	vshll.u32 v8, $0x4;
	[sflag:s16] =	ssyncset.done $0x0  }
0x1ed: {  	[sflag:s16] =	ssyncadd.s32 $0xFFFFFB00  }
0x1ee: {  	_ =	swait.ge [sflag:s16], $0x500  }
0x1ef: {  	v10 =	vor.u32 $0x1, v9;
	[sflag:s16] =	ssyncset.done $0x0  }
0x1f0: {  	v11 =	vor.u32 $0x2, v9;
	[sflag:s16] =	ssyncadd.s32 $0xFFFFFB00  }
0x1f1: {  	v5 =	vld.idx.msk [tilespmem:v9+s12+$0x0], $0xffff  }
0x1f2: {  	v6 =	vld.idx.msk [tilespmem:v9+s14+$0x0], $0xffff  }
0x1f3: {  	v12 =	vld.idx.msk [tilespmem:v9+s17+$0x0], $0xffff  }
0x1f4: {  	v7 =	vld.idx.msk [tilespmem:v10+s14+$0x0], $0xffff  }
0x1f5: {  	v14 =	vor.u32 $0x3, v9;
	v13 =	vld.idx.msk [tilespmem:v11+s14+$0x0], $0xffff  }
0x1f6: {  	v15 =	vld.idx.msk [tilespmem:v11+s17+$0x0], $0xffff  }
0x1f7: {  	v16 =	vld.idx.msk [tilespmem:v10+s17+$0x0], $0xffff  }
0x1f8: {  	v18 =	vor.u32 $0x4, v9;
	v17 =	vld.idx.msk [tilespmem:v11+s12+$0x0], $0xffff  }
0x1f9: {  	v19 =	vld.idx.msk [tilespmem:v10+s12+$0x0], $0xffff  }
0x1fa: {  	v20 =	vld.idx.msk [tilespmem:v14+s14+$0x0], $0xffff  }
0x1fb: {  	v21 =	vor.u32 $0x5, v9;
	v22 =	vld.idx.msk [tilespmem:v14+s17+$0x0], $0xffff  }
0x1fc: {  	v23 =	vld.idx.msk [tilespmem:v14+s12+$0x0], $0xffff  }
0x1fd: {  	v24 =	vld.idx.msk [tilespmem:v18+s12+$0x0], $0xffff  }
0x1fe: {  	v26 =	vor.u32 $0x6, v9;
	v25 =	vld.idx.msk [tilespmem:v18+s17+$0x0], $0xffff  }
0x1ff: {  	v27 =	vld.idx.msk [tilespmem:v18+s14+$0x0], $0xffff  }
0x200: {  	v28 =	vld.idx.msk [tilespmem:v21+s17+$0x0], $0xffff  }
0x201: {  	v29 =	vor.u32 $0x7, v9;
	v30 =	vld.idx.msk [tilespmem:v21+s14+$0x0], $0xffff  }
0x202: {  	v31 =	vld.idx.msk [tilespmem:v21+s12+$0x0], $0xffff  }
0x203: {  	v32 =	vld.idx.msk [tilespmem:v26+s12+$0x0], $0xffff  }
0x204: {  	v34 =	vor.u32 $0x8, v9;
	v33 =	vld.idx.msk [tilespmem:v26+s17+$0x0], $0xffff  }
0x205: {  	v35 =	vld.idx.msk [tilespmem:v26+s14+$0x0], $0xffff  }
0x206: {  	v37 =	vor.u32 $0x9, v9;
	v36 =	vld.idx.msk [tilespmem:v29+s17+$0x0], $0xffff  }
0x207: {  	v38 =	vld.idx.msk [tilespmem:v29+s14+$0x0], $0xffff;
	v6 =	vadd.f32 v12, v6;
	v7 =	vadd.f32 v16, v7  }
0x208: {  	v39 =	vor.u32 $0xA, v9;
	v55 =	vld.idx.msk [tilespmem:v29+s12+$0x0], $0xffff  }
0x209: {  	v56 =	vld.idx.msk [tilespmem:v34+s12+$0x0], $0xffff;
	v5 =	vmul.f32 v6, v5;
	v6 =	vadd.f32 v15, v13;
	v7 =	vmul.f32 v7, v19  }
0x20a: {  	v57 =	vld.idx.msk [tilespmem:v34+s14+$0x0], $0xffff  }
0x20b: {  	v40 =	vld.idx.msk [tilespmem:v37+s17+$0x0], $0xffff;
	v6 =	vmul.f32 v6, v17;
	v5 =	vadd.f32 v7, v5;
	v7 =	vadd.f32 v22, v20  }
0x20c: {  	v42 =	vor.u32 $0xC, v9;
	v58 =	vld.idx.msk [tilespmem:v37+s14+$0x0], $0xffff  }
0x20d: {  	v41 =	vld.idx.msk [tilespmem:v37+s12+$0x0], $0xffff;
	v5 =	vadd.f32 v6, v5;
	v6 =	vmul.f32 v7, v23;
	v7 =	vadd.f32 v25, v27  }
0x20e: {  	v59 =	vld.idx.msk [tilespmem:v39+s12+$0x0], $0xffff  }
0x20f: {  	v60 =	vld.idx.msk [tilespmem:v39+s14+$0x0], $0xffff;
	v5 =	vadd.f32 v6, v5;
	v6 =	vmul.f32 v7, v24;
	v7 =	vadd.f32 v28, v30  }
0x210: {  	v17 =	vld.idx.msk [tilespmem:v34+s17+$0x0], $0xffff;
	v23 =	vor.u32 $0xB, v9  }
0x211: {  	v44 =	vld.idx.msk [tilespmem:v42+s12+$0x0], $0xffff;
	v5 =	vadd.f32 v6, v5;
	v6 =	vmul.f32 v7, v31;
	v7 =	vadd.f32 v33, v35  }
0x212: {  	v45 =	vld.idx.msk [tilespmem:v42+s14+$0x0], $0xffff  }
0x213: {  	v20 =	vld.idx.msk [tilespmem:v42+s17+$0x0], $0xffff;
	v5 =	vadd.f32 v6, v5;
	v6 =	vmul.f32 v7, v32;
	v32 =	vor.u32 $0xD, v9  }
0x214: {  	v38 =	vadd.f32 v36, v38;
	v30 =	vld.idx.msk [tilespmem:v39+s17+$0x0], $0xffff  }
0x215: {  	v61 =	vadd.f32 v17, v57;
	v35 =	vld.idx.msk [tilespmem:v23+s17+$0x0], $0xffff  }
0x216: {  	v43 =	vld.idx.msk [tilespmem:v23+s12+$0x0], $0xffff;
	v5 =	vadd.f32 v6, v5;
	v6 =	vmul.f32 v38, v55;
	v38 =	vor.u32 $0xE, v9  }
0x217: {  	v7 =	vld.idx.msk [tilespmem:v23+s14+$0x0], $0xffff  }
0x218: {  	v62 =	vadd.f32 v40, v58;
	v13 =	vmul.f32 v61, v56;
	v6 =	vadd.f32 v6, v5;
	v27 =	vld.idx.msk [tilespmem:v32+s17+$0x0], $0xffff  }
0x219: {  	v5 =	vor.u32 $0xF, v9;
	v46 =	vld.idx.msk [tilespmem:v32+s14+$0x0], $0xffff  }
0x21a: {  	v63 =	vmul.f32 v62, v41;
	v47 =	vadd.f32 v30, v60;
	v48 =	vld.idx.msk [tilespmem:v32+s12+$0x0], $0xffff;
	v6 =	vadd.f32 v13, v6  }
0x21b: {  	v49 =	vld.idx.msk [tilespmem:v38+s12+$0x0], $0xffff  }
0x21c: {  	v50 =	vmul.f32 v47, v59;
	v51 =	vadd.f32 v35, v7;
	v7 =	vld.idx.msk [tilespmem:v38+s17+$0x0], $0xffff;
	v6 =	vadd.f32 v63, v6  }
0x21d: {  	v52 =	vld.idx.msk [tilespmem:v38+s14+$0x0], $0xffff  }
0x21e: {  	v53 =	vadd.f32 v20, v45;
	v19 =	vmul.f32 v51, v43;
	v54 =	vld.idx.msk [tilespmem:v5+s14+$0x0], $0xffff;
	v13 =	vadd.f32 v50, v6  }
0x21f: {  	v6 =	vld.idx.msk [tilespmem:v5+s17+$0x0], $0xffff  }
0x220: {  	v55 =	vmul.f32 v53, v44;
	v56 =	vadd.f32 v27, v46;
	v13 =	vadd.f32 v19, v13  }
0x221: {  	v57 =	vld.idx.msk [tilespmem:v5+s12+$0x0], $0xffff  }
0x222: {  	v58 =	vmul.f32 v56, v48;
	v24 =	vadd.f32 v7, v52;
	v13 =	vadd.f32 v55, v13;
	_ =	sdelay $0x1  }
0x223: {  	v59 =	vmul.f32 v24, v49;
	v60 =	vadd.f32 v6, v54;
	v13 =	vadd.f32 v58, v13;
	_ =	sdelay $0x1  }
0x224: {  	v61 =	vmul.f32 v60, v57;
	v13 =	vadd.f32 v59, v13;
	_ =	sdelay $0x1  }
0x225: {  	v13 =	vadd.f32 v61, v13;
	_ =	sdelay $0x1  }
0x226: {  	v13 =	vmul.f32 $2.500000000e-01, v13;
	_ =	sdelay $0x1  }
0x227: {  	v13 =	vmul.f32 $1.442695020e+00, v13;
	_ =	sdelay $0x1  }
0x228: {  	(erf) = vpow2.f32 v13;
	_ =	sdelay $0x2  }
0x229: {  	v62 =	vld.idx.msk [tilespmem:v9+s15+$0x0], $0xffff;
	_ =	sdelay $0x3  }
0x22a: {  	v9 =	vshll.u32 v8, $0x5  }
0x22b: {  	v12 =	vadd.f32 v62, v12  }
0x22c: {  	v8 =	vpop (erf)  }
0x22d: {  	v12 =	vmul.f32 v8, v12;
	_ =	sdelay $0x1  }
0x22e: {  	[tilespmem:v9+s24+$0x0] =	vst.idx.msk $0xffff, v12  }
0x22f: {  	v10 =	vld.idx.msk [tilespmem:v10+s15+$0x0], $0xffff;
	_ =	sdelay $0x3  }
0x230: {  	v63 =	vor.u32 $0x1, v9  }
0x231: {  	v10 =	vadd.f32 v10, v16;
	_ =	sdelay $0x1  }
0x232: {  	v10 =	vmul.f32 v8, v10;
	_ =	sdelay $0x1  }
0x233: {  	[tilespmem:v63+s24+$0x0] =	vst.idx.msk $0xffff, v10  }
0x234: {  	v10 =	vld.idx.msk [tilespmem:v11+s15+$0x0], $0xffff;
	_ =	sdelay $0x3  }
0x235: {  	v11 =	vor.u32 $0x2, v9  }
0x236: {  	v10 =	vadd.f32 v10, v15;
	_ =	sdelay $0x1  }
0x237: {  	v10 =	vmul.f32 v10, v8;
	_ =	sdelay $0x1  }
0x238: {  	[tilespmem:v11+s24+$0x0] =	vst.idx.msk $0xffff, v10  }
0x239: {  	v10 =	vld.idx.msk [tilespmem:v14+s15+$0x0], $0xffff;
	_ =	sdelay $0x3  }
0x23a: {  	v11 =	vor.u32 $0x3, v9  }
0x23b: {  	v10 =	vadd.f32 v10, v22;
	_ =	sdelay $0x1  }
0x23c: {  	v10 =	vmul.f32 v10, v8;
	_ =	sdelay $0x1  }
0x23d: {  	[tilespmem:v11+s24+$0x0] =	vst.idx.msk $0xffff, v10  }
0x23e: {  	v10 =	vld.idx.msk [tilespmem:v18+s15+$0x0], $0xffff;
	_ =	sdelay $0x3  }
0x23f: {  	v11 =	vor.u32 $0x4, v9  }
0x240: {  	v10 =	vadd.f32 v10, v25;
	_ =	sdelay $0x1  }
0x241: {  	v10 =	vmul.f32 v10, v8;
	_ =	sdelay $0x1  }
0x242: {  	[tilespmem:v11+s24+$0x0] =	vst.idx.msk $0xffff, v10  }
0x243: {  	v10 =	vld.idx.msk [tilespmem:v21+s15+$0x0], $0xffff;
	_ =	sdelay $0x3  }
0x244: {  	v11 =	vor.u32 $0x5, v9  }
0x245: {  	v10 =	vadd.f32 v10, v28;
	_ =	sdelay $0x1  }
0x246: {  	v10 =	vmul.f32 v10, v8;
	_ =	sdelay $0x1  }
0x247: {  	[tilespmem:v11+s24+$0x0] =	vst.idx.msk $0xffff, v10  }
0x248: {  	v10 =	vld.idx.msk [tilespmem:v26+s15+$0x0], $0xffff;
	_ =	sdelay $0x3  }
0x249: {  	v11 =	vor.u32 $0x6, v9  }
0x24a: {  	v10 =	vadd.f32 v10, v33;
	_ =	sdelay $0x1  }
0x24b: {  	v10 =	vmul.f32 v10, v8;
	_ =	sdelay $0x1  }
0x24c: {  	[tilespmem:v11+s24+$0x0] =	vst.idx.msk $0xffff, v10  }
0x24d: {  	v10 =	vld.idx.msk [tilespmem:v29+s15+$0x0], $0xffff;
	_ =	sdelay $0x3  }
0x24e: {  	v11 =	vor.u32 $0x7, v9  }
0x24f: {  	v10 =	vadd.f32 v10, v36;
	_ =	sdelay $0x1  }
0x250: {  	v10 =	vmul.f32 v10, v8;
	_ =	sdelay $0x1  }
0x251: {  	[tilespmem:v11+s24+$0x0] =	vst.idx.msk $0xffff, v10  }
0x252: {  	v10 =	vld.idx.msk [tilespmem:v34+s15+$0x0], $0xffff;
	_ =	sdelay $0x3  }
0x253: {  	v11 =	vor.u32 $0x8, v9  }
0x254: {  	v10 =	vadd.f32 v10, v17;
	_ =	sdelay $0x1  }
0x255: {  	v10 =	vmul.f32 v10, v8;
	_ =	sdelay $0x1  }
0x256: {  	[tilespmem:v11+s24+$0x0] =	vst.idx.msk $0xffff, v10  }
0x257: {  	v10 =	vld.idx.msk [tilespmem:v37+s15+$0x0], $0xffff;
	_ =	sdelay $0x3  }
0x258: {  	v11 =	vor.u32 $0x9, v9  }
0x259: {  	v10 =	vadd.f32 v10, v40;
	_ =	sdelay $0x1  }
0x25a: {  	v10 =	vmul.f32 v10, v8;
	_ =	sdelay $0x1  }
0x25b: {  	[tilespmem:v11+s24+$0x0] =	vst.idx.msk $0xffff, v10  }
0x25c: {  	v10 =	vld.idx.msk [tilespmem:v39+s15+$0x0], $0xffff;
	_ =	sdelay $0x3  }
0x25d: {  	v11 =	vor.u32 $0xA, v9  }
0x25e: {  	v10 =	vadd.f32 v10, v30;
	_ =	sdelay $0x1  }
0x25f: {  	v10 =	vmul.f32 v10, v8;
	_ =	sdelay $0x1  }
0x260: {  	[tilespmem:v11+s24+$0x0] =	vst.idx.msk $0xffff, v10  }
0x261: {  	v10 =	vld.idx.msk [tilespmem:v23+s15+$0x0], $0xffff;
	_ =	sdelay $0x3  }
0x262: {  	v11 =	vor.u32 $0xB, v9  }
0x263: {  	v10 =	vadd.f32 v10, v35;
	_ =	sdelay $0x1  }
0x264: {  	v10 =	vmul.f32 v10, v8;
	_ =	sdelay $0x1  }
0x265: {  	[tilespmem:v11+s24+$0x0] =	vst.idx.msk $0xffff, v10  }
0x266: {  	v10 =	vld.idx.msk [tilespmem:v42+s15+$0x0], $0xffff;
	_ =	sdelay $0x3  }
0x267: {  	v11 =	vor.u32 $0xC, v9  }
0x268: {  	v10 =	vadd.f32 v10, v20;
	_ =	sdelay $0x1  }
0x269: {  	v10 =	vmul.f32 v10, v8;
	_ =	sdelay $0x1  }
0x26a: {  	[tilespmem:v11+s24+$0x0] =	vst.idx.msk $0xffff, v10  }
0x26b: {  	v10 =	vld.idx.msk [tilespmem:v32+s15+$0x0], $0xffff;
	_ =	sdelay $0x3  }
0x26c: {  	v11 =	vor.u32 $0xD, v9  }
0x26d: {  	v10 =	vadd.f32 v10, v27;
	_ =	sdelay $0x1  }
0x26e: {  	v10 =	vmul.f32 v10, v8;
	_ =	sdelay $0x1  }
0x26f: {  	[tilespmem:v11+s24+$0x0] =	vst.idx.msk $0xffff, v10  }
0x270: {  	s19 =	simm.s32 $0x10;
	v10 =	vld.idx.msk [tilespmem:v38+s15+$0x0], $0xffff  }
.LBB2_8:
0x271: {  	_ =	sdelay $0x1  }
0x272: {  	p1 =	sne.s32 s19, $0x40;
	s20 =	smov.u32 s19;
	s19 =	sadd.s32 $0x10, s19  }
0x273: {  	v11 =	vor.u32 $0xE, v9  }
0x274: {  	v7 =	vadd.f32 v10, v7;
	_ =	sdelay $0x1  }
0x275: {  	v7 =	vmul.f32 v7, v8;
	_ =	sdelay $0x1  }
0x276: {  	[tilespmem:v11+s24+$0x0] =	vst.idx.msk $0xffff, v7  }
0x277: {  	v5 =	vld.idx.msk [tilespmem:v5+s15+$0x0], $0xffff;
	_ =	sdelay $0x4  }
0x278: {  	v36 =	vor.u32 s20, v0;
	v7 =	vor.u32 $0xF, v9  }
0x279: {  	v37 =	vshll.u32 v36, $0x4;
	v5 =	vadd.f32 v5, v6;
	v6 =	vor.u32 v3, v9  }
0x27a: {  	v35 =	vor.u32 $0x1, v37  }
0x27b: {  	v5 =	vmul.f32 v5, v8  }
0x27c: {  	v31 =	vor.u32 $0x2, v37  }
0x27d: {  	[tilespmem:v7+s24+$0x0] =	vst.idx.msk $0xffff, v5  }
0x27e: {  	[tilespmem:v6+s24+$0x0] =	vst.idx.msk $0xffff, v8  }
0x27f: {  	v5 =	vld.idx.msk [tilespmem:v37+s12+$0x0], $0xffff  }
0x280: {  	v6 =	vld.idx.msk [tilespmem:v37+s14+$0x0], $0xffff  }
0x281: {  	v8 =	vld.idx.msk [tilespmem:v37+s17+$0x0], $0xffff  }
0x282: {  	v7 =	vld.idx.msk [tilespmem:v35+s14+$0x0], $0xffff  }
0x283: {  	v30 =	vor.u32 $0x3, v37;
	v9 =	vld.idx.msk [tilespmem:v31+s14+$0x0], $0xffff  }
0x284: {  	v34 =	vld.idx.msk [tilespmem:v31+s17+$0x0], $0xffff  }
0x285: {  	v38 =	vld.idx.msk [tilespmem:v35+s17+$0x0], $0xffff  }
0x286: {  	v28 =	vor.u32 $0x4, v37;
	v10 =	vld.idx.msk [tilespmem:v31+s12+$0x0], $0xffff  }
0x287: {  	v6 =	vadd.f32 v8, v6;
	v11 =	vld.idx.msk [tilespmem:v35+s12+$0x0], $0xffff  }
0x288: {  	v26 =	vor.u32 $0x5, v37;
	v12 =	vld.idx.msk [tilespmem:v30+s14+$0x0], $0xffff  }
0x289: {  	v5 =	vmul.f32 v6, v5;
	v33 =	vld.idx.msk [tilespmem:v30+s17+$0x0], $0xffff  }
0x28a: {  	v6 =	vadd.f32 v34, v9;
	v9 =	vld.idx.msk [tilespmem:v30+s12+$0x0], $0xffff  }
0x28b: {  	v7 =	vadd.f32 v38, v7;
	v13 =	vld.idx.msk [tilespmem:v28+s12+$0x0], $0xffff  }
0x28c: {  	v24 =	vor.u32 $0x6, v37;
	v6 =	vmul.f32 v6, v10;
	v32 =	vld.idx.msk [tilespmem:v28+s17+$0x0], $0xffff  }
0x28d: {  	v7 =	vmul.f32 v7, v11;
	v10 =	vld.idx.msk [tilespmem:v28+s14+$0x0], $0xffff  }
0x28e: {  	v22 =	vor.u32 $0x7, v37;
	v29 =	vld.idx.msk [tilespmem:v26+s17+$0x0], $0xffff  }
0x28f: {  	v5 =	vadd.f32 v7, v5;
	v7 =	vadd.f32 v33, v12;
	v11 =	vld.idx.msk [tilespmem:v26+s14+$0x0], $0xffff  }
0x290: {  	v12 =	vld.idx.msk [tilespmem:v26+s12+$0x0], $0xffff  }
0x291: {  	v5 =	vadd.f32 v6, v5;
	v6 =	vmul.f32 v7, v9;
	v7 =	vld.idx.msk [tilespmem:v24+s12+$0x0], $0xffff  }
0x292: {  	v20 =	vor.u32 $0x8, v37;
	v27 =	vld.idx.msk [tilespmem:v24+s17+$0x0], $0xffff  }
0x293: {  	v5 =	vadd.f32 v6, v5;
	v6 =	vadd.f32 v32, v10;
	v9 =	vld.idx.msk [tilespmem:v24+s14+$0x0], $0xffff  }
0x294: {  	v18 =	vor.u32 $0x9, v37;
	v25 =	vld.idx.msk [tilespmem:v22+s17+$0x0], $0xffff  }
0x295: {  	v6 =	vmul.f32 v6, v13;
	v10 =	vadd.f32 v29, v11;
	v11 =	vld.idx.msk [tilespmem:v22+s14+$0x0], $0xffff  }
0x296: {  	v13 =	vld.idx.msk [tilespmem:v22+s12+$0x0], $0xffff  }
0x297: {  	v5 =	vadd.f32 v6, v5;
	v6 =	vmul.f32 v10, v12;
	v10 =	vld.idx.msk [tilespmem:v20+s12+$0x0], $0xffff  }
0x298: {  	v16 =	vor.u32 $0xA, v37;
	v23 =	vld.idx.msk [tilespmem:v20+s17+$0x0], $0xffff  }
0x299: {  	v5 =	vadd.f32 v6, v5;
	v6 =	vadd.f32 v27, v9;
	v9 =	vld.idx.msk [tilespmem:v20+s14+$0x0], $0xffff  }
0x29a: {  	v14 =	vor.u32 $0xB, v37;
	v21 =	vld.idx.msk [tilespmem:v18+s17+$0x0], $0xffff  }
0x29b: {  	v6 =	vmul.f32 v6, v7;
	v7 =	vadd.f32 v25, v11;
	v15 =	vld.idx.msk [tilespmem:v18+s14+$0x0], $0xffff  }
0x29c: {  	v39 =	vld.idx.msk [tilespmem:v18+s12+$0x0], $0xffff  }
0x29d: {  	v5 =	vadd.f32 v6, v5;
	v6 =	vmul.f32 v7, v13;
	v7 =	vld.idx.msk [tilespmem:v16+s12+$0x0], $0xffff  }
0x29e: {  	v12 =	vor.u32 $0xC, v37;
	v19 =	vld.idx.msk [tilespmem:v16+s17+$0x0], $0xffff  }
0x29f: {  	v5 =	vadd.f32 v6, v5;
	v6 =	vadd.f32 v23, v9;
	v9 =	vld.idx.msk [tilespmem:v16+s14+$0x0], $0xffff  }
0x2a0: {  	v11 =	vor.u32 $0xD, v37;
	v17 =	vld.idx.msk [tilespmem:v14+s17+$0x0], $0xffff  }
0x2a1: {  	v6 =	vmul.f32 v6, v10;
	v10 =	vadd.f32 v21, v15;
	v40 =	vld.idx.msk [tilespmem:v14+s14+$0x0], $0xffff  }
0x2a2: {  	v41 =	vld.idx.msk [tilespmem:v14+s12+$0x0], $0xffff  }
0x2a3: {  	v5 =	vadd.f32 v6, v5;
	v6 =	vmul.f32 v10, v39;
	v39 =	vld.idx.msk [tilespmem:v12+s12+$0x0], $0xffff  }
0x2a4: {  	v10 =	vor.u32 $0xE, v37;
	v15 =	vld.idx.msk [tilespmem:v12+s17+$0x0], $0xffff  }
0x2a5: {  	v6 =	vadd.f32 v6, v5;
	v9 =	vadd.f32 v19, v9;
	v42 =	vld.idx.msk [tilespmem:v12+s14+$0x0], $0xffff  }
0x2a6: {  	v5 =	vor.u32 $0xF, v37;
	v13 =	vld.idx.msk [tilespmem:v11+s17+$0x0], $0xffff  }
0x2a7: {  	v7 =	vmul.f32 v9, v7;
	v9 =	vadd.f32 v17, v40;
	v40 =	vld.idx.msk [tilespmem:v11+s14+$0x0], $0xffff  }
0x2a8: {  	v43 =	vld.idx.msk [tilespmem:v11+s12+$0x0], $0xffff  }
0x2a9: {  	v6 =	vadd.f32 v7, v6;
	v9 =	vmul.f32 v9, v41;
	v41 =	vld.idx.msk [tilespmem:v10+s12+$0x0], $0xffff  }
0x2aa: {  	v7 =	vld.idx.msk [tilespmem:v10+s17+$0x0], $0xffff  }
0x2ab: {  	v9 =	vadd.f32 v9, v6;
	v42 =	vadd.f32 v15, v42;
	v44 =	vld.idx.msk [tilespmem:v10+s14+$0x0], $0xffff  }
0x2ac: {  	v6 =	vld.idx.msk [tilespmem:v5+s17+$0x0], $0xffff  }
0x2ad: {  	v39 =	vmul.f32 v42, v39;
	v40 =	vadd.f32 v13, v40;
	v42 =	vld.idx.msk [tilespmem:v5+s14+$0x0], $0xffff;
	_ =	sdelay $0x1  }
0x2ae: {  	v9 =	vadd.f32 v39, v9;
	v39 =	vmul.f32 v40, v43;
	v40 =	vld.idx.msk [tilespmem:v5+s12+$0x0], $0xffff;
	_ =	sdelay $0x1  }
0x2af: {  	v9 =	vadd.f32 v39, v9;
	v39 =	vadd.f32 v7, v44;
	_ =	sdelay $0x1  }
0x2b0: {  	v39 =	vmul.f32 v39, v41;
	v41 =	vadd.f32 v6, v42;
	_ =	sdelay $0x1  }
0x2b1: {  	v9 =	vadd.f32 v39, v9;
	v39 =	vmul.f32 v41, v40;
	_ =	sdelay $0x1  }
0x2b2: {  	v9 =	vadd.f32 v39, v9;
	_ =	sdelay $0x1  }
0x2b3: {  	v9 =	vmul.f32 $2.500000000e-01, v9;
	_ =	sdelay $0x1  }
0x2b4: {  	v9 =	vmul.f32 $1.442695020e+00, v9;
	_ =	sdelay $0x1  }
0x2b5: {  	(erf) = vpow2.f32 v9;
	_ =	sdelay $0x1  }
0x2b6: {  	v37 =	vld.idx.msk [tilespmem:v37+s15+$0x0], $0xffff;
	_ =	sdelay $0x4  }
0x2b7: {  	v9 =	vshll.u32 v36, $0x5  }
0x2b8: {  	v36 =	vadd.f32 v37, v8  }
0x2b9: {  	v8 =	vpop (erf)  }
0x2ba: {  	v36 =	vmul.f32 v8, v36;
	_ =	sdelay $0x1  }
0x2bb: {  	[tilespmem:v9+s24+$0x0] =	vst.idx.msk $0xffff, v36  }
0x2bc: {  	v35 =	vld.idx.msk [tilespmem:v35+s15+$0x0], $0xffff;
	_ =	sdelay $0x4  }
0x2bd: {  	v36 =	vor.u32 $0x1, v9  }
0x2be: {  	v35 =	vadd.f32 v35, v38;
	_ =	sdelay $0x1  }
0x2bf: {  	v35 =	vmul.f32 v8, v35;
	_ =	sdelay $0x1  }
0x2c0: {  	[tilespmem:v36+s24+$0x0] =	vst.idx.msk $0xffff, v35  }
0x2c1: {  	v31 =	vld.idx.msk [tilespmem:v31+s15+$0x0], $0xffff;
	_ =	sdelay $0x4  }
0x2c2: {  	v35 =	vor.u32 $0x2, v9  }
0x2c3: {  	v31 =	vadd.f32 v31, v34;
	_ =	sdelay $0x1  }
0x2c4: {  	v31 =	vmul.f32 v31, v8;
	_ =	sdelay $0x1  }
0x2c5: {  	[tilespmem:v35+s24+$0x0] =	vst.idx.msk $0xffff, v31  }
0x2c6: {  	v30 =	vld.idx.msk [tilespmem:v30+s15+$0x0], $0xffff;
	_ =	sdelay $0x4  }
0x2c7: {  	v31 =	vor.u32 $0x3, v9  }
0x2c8: {  	v30 =	vadd.f32 v30, v33;
	_ =	sdelay $0x1  }
0x2c9: {  	v30 =	vmul.f32 v30, v8;
	_ =	sdelay $0x1  }
0x2ca: {  	[tilespmem:v31+s24+$0x0] =	vst.idx.msk $0xffff, v30  }
0x2cb: {  	v28 =	vld.idx.msk [tilespmem:v28+s15+$0x0], $0xffff;
	_ =	sdelay $0x4  }
0x2cc: {  	v30 =	vor.u32 $0x4, v9  }
0x2cd: {  	v28 =	vadd.f32 v28, v32;
	_ =	sdelay $0x1  }
0x2ce: {  	v28 =	vmul.f32 v28, v8;
	_ =	sdelay $0x1  }
0x2cf: {  	[tilespmem:v30+s24+$0x0] =	vst.idx.msk $0xffff, v28  }
0x2d0: {  	v26 =	vld.idx.msk [tilespmem:v26+s15+$0x0], $0xffff;
	_ =	sdelay $0x4  }
0x2d1: {  	v28 =	vor.u32 $0x5, v9  }
0x2d2: {  	v26 =	vadd.f32 v26, v29;
	_ =	sdelay $0x1  }
0x2d3: {  	v26 =	vmul.f32 v26, v8;
	_ =	sdelay $0x1  }
0x2d4: {  	[tilespmem:v28+s24+$0x0] =	vst.idx.msk $0xffff, v26  }
0x2d5: {  	v24 =	vld.idx.msk [tilespmem:v24+s15+$0x0], $0xffff;
	_ =	sdelay $0x4  }
0x2d6: {  	v26 =	vor.u32 $0x6, v9  }
0x2d7: {  	v24 =	vadd.f32 v24, v27;
	_ =	sdelay $0x1  }
0x2d8: {  	v24 =	vmul.f32 v24, v8;
	_ =	sdelay $0x1  }
0x2d9: {  	[tilespmem:v26+s24+$0x0] =	vst.idx.msk $0xffff, v24  }
0x2da: {  	v22 =	vld.idx.msk [tilespmem:v22+s15+$0x0], $0xffff;
	_ =	sdelay $0x4  }
0x2db: {  	v24 =	vor.u32 $0x7, v9  }
0x2dc: {  	v22 =	vadd.f32 v22, v25;
	_ =	sdelay $0x1  }
0x2dd: {  	v22 =	vmul.f32 v22, v8;
	_ =	sdelay $0x1  }
0x2de: {  	[tilespmem:v24+s24+$0x0] =	vst.idx.msk $0xffff, v22  }
0x2df: {  	v20 =	vld.idx.msk [tilespmem:v20+s15+$0x0], $0xffff;
	_ =	sdelay $0x4  }
0x2e0: {  	v22 =	vor.u32 $0x8, v9  }
0x2e1: {  	v20 =	vadd.f32 v20, v23;
	_ =	sdelay $0x1  }
0x2e2: {  	v20 =	vmul.f32 v20, v8;
	_ =	sdelay $0x1  }
0x2e3: {  	[tilespmem:v22+s24+$0x0] =	vst.idx.msk $0xffff, v20  }
0x2e4: {  	v18 =	vld.idx.msk [tilespmem:v18+s15+$0x0], $0xffff;
	_ =	sdelay $0x4  }
0x2e5: {  	v20 =	vor.u32 $0x9, v9  }
0x2e6: {  	v18 =	vadd.f32 v18, v21;
	_ =	sdelay $0x1  }
0x2e7: {  	v18 =	vmul.f32 v18, v8;
	_ =	sdelay $0x1  }
0x2e8: {  	[tilespmem:v20+s24+$0x0] =	vst.idx.msk $0xffff, v18  }
0x2e9: {  	v16 =	vld.idx.msk [tilespmem:v16+s15+$0x0], $0xffff;
	_ =	sdelay $0x4  }
0x2ea: {  	v18 =	vor.u32 $0xA, v9  }
0x2eb: {  	v16 =	vadd.f32 v16, v19;
	_ =	sdelay $0x1  }
0x2ec: {  	v16 =	vmul.f32 v16, v8;
	_ =	sdelay $0x1  }
0x2ed: {  	[tilespmem:v18+s24+$0x0] =	vst.idx.msk $0xffff, v16  }
0x2ee: {  	v14 =	vld.idx.msk [tilespmem:v14+s15+$0x0], $0xffff;
	_ =	sdelay $0x4  }
0x2ef: {  	v16 =	vor.u32 $0xB, v9  }
0x2f0: {  	v14 =	vadd.f32 v14, v17;
	_ =	sdelay $0x1  }
0x2f1: {  	v14 =	vmul.f32 v14, v8;
	_ =	sdelay $0x1  }
0x2f2: {  	[tilespmem:v16+s24+$0x0] =	vst.idx.msk $0xffff, v14  }
0x2f3: {  	v12 =	vld.idx.msk [tilespmem:v12+s15+$0x0], $0xffff;
	_ =	sdelay $0x4  }
0x2f4: {  	v14 =	vor.u32 $0xC, v9  }
0x2f5: {  	v12 =	vadd.f32 v12, v15;
	_ =	sdelay $0x1  }
0x2f6: {  	v12 =	vmul.f32 v12, v8;
	_ =	sdelay $0x1  }
0x2f7: {  	[tilespmem:v14+s24+$0x0] =	vst.idx.msk $0xffff, v12  }
0x2f8: {  	v11 =	vld.idx.msk [tilespmem:v11+s15+$0x0], $0xffff;
	_ =	sdelay $0x4  }
0x2f9: {  	v12 =	vor.u32 $0xD, v9  }
0x2fa: {  	v11 =	vadd.f32 v11, v13  }
.Ltmp2:
0x2fb: {  	(pc) =	sbr.rel @p1 .LBB2_8-.Ltmp2, $3  }
0x2fc: {  	v11 =	vmul.f32 v11, v8;
	_ =	sdelay $0x1  }
0x2fd: {  	[tilespmem:v12+s24+$0x0] =	vst.idx.msk $0xffff, v11  }
0x2fe: {  	v10 =	vld.idx.msk [tilespmem:v10+s15+$0x0], $0xffff  }
0x2ff: {  	_ =	sdelay $0x2  }
0x300: {  	v11 =	vor.u32 $0xE, v9  }
0x301: {  	v7 =	vadd.f32 v10, v7;
	_ =	sdelay $0x1  }
0x302: {  	v7 =	vmul.f32 v7, v8;
	_ =	sdelay $0x1  }
0x303: {  	[tilespmem:v11+s24+$0x0] =	vst.idx.msk $0xffff, v7  }
0x304: {  	v5 =	vld.idx.msk [tilespmem:v5+s15+$0x0], $0xffff;
	_ =	sdelay $0x3  }
0x305: {  	v7 =	vor.u32 $0xF, v9  }
0x306: {  	v5 =	vadd.f32 v5, v6;
	v6 =	vor.u32 v3, v9;
	_ =	sdelay $0x1  }
0x307: {  	v5 =	vmul.f32 v5, v8  }
0x308: {  	s25 =	sadd.s32 $0x1, s25  }
0x309: {  	p1 =	sne.s32 s25, $0x138;
	[tilespmem:v7+s24+$0x0] =	vst.idx.msk $0xffff, v5  }
.Ltmp3:
0x30a: {  	s19 =	simm.s32 $0x18970;
	[tilespmem:v6+s24+$0x0] =	vst.idx.msk $0xffff, v8;
	(pc) =	sbr.rel @p1 .LBB2_5-.Ltmp3, $4  }
0x30b: {  	[spmem:s1] =	stream.indirect.scatter.add.f32 [tilespmem:s24], [sflag:$0x5], $0x20, s19, s30, $0xb8;
	[tilespmem:$0x1BC60] =	vst v63  }
0x30c: {  	_ =	swait.ge [sflag:s11], $0xA00  }
0x30d: {  	[sflag:s11] =	ssyncset.done $0x0  }
0x30e: {  	[sflag:s11] =	ssyncadd.s32 $0xFFFFF600  }
0x30f: {  	_ =	swait.ge [sflag:s18], $0x500  }
0x310: {  	[sflag:s18] =	ssyncset.done $0x0  }
0x311: {  	[sflag:s18] =	ssyncadd.s32 $0xFFFFFB00  }
0x312: {  	_ =	swait.ge [sflag:s18], $0x500  }
0x313: {  	[sflag:s18] =	ssyncset.done $0x0  }
0x314: {  	s19 =	simm.s32 $0x0;
	[sflag:s18] =	ssyncadd.s32 $0xFFFFFB00  }
0x315: {  	v7 =	vor.u32 s19, v0;
	_ =	swait.ge [sflag:s18], $0x500  }
0x316: {  	v8 =	vshll.u32 v7, $0x4;
	[sflag:s18] =	ssyncset.done $0x0  }
0x317: {  	[sflag:s18] =	ssyncadd.s32 $0xFFFFFB00  }
0x318: {  	_ =	swait.ge [sflag:s18], $0x500  }
0x319: {  	v9 =	vor.u32 $0x1, v8;
	[sflag:s18] =	ssyncset.done $0x0  }
0x31a: {  	v10 =	vor.u32 $0x2, v8;
	[sflag:s18] =	ssyncadd.s32 $0xFFFFFB00  }
0x31b: {  	v4 =	vld.idx.msk [tilespmem:v8+s0+$0x0], $0xffff  }
0x31c: {  	v5 =	vld.idx.msk [tilespmem:v8+s2+$0x0], $0xffff  }
0x31d: {  	v11 =	vld.idx.msk [tilespmem:v8+s3+$0x0], $0xffff  }
0x31e: {  	v6 =	vld.idx.msk [tilespmem:v9+s2+$0x0], $0xffff  }
0x31f: {  	v13 =	vor.u32 $0x3, v8;
	v12 =	vld.idx.msk [tilespmem:v10+s2+$0x0], $0xffff  }
0x320: {  	v14 =	vld.idx.msk [tilespmem:v10+s3+$0x0], $0xffff  }
0x321: {  	v15 =	vld.idx.msk [tilespmem:v9+s3+$0x0], $0xffff  }
0x322: {  	v17 =	vor.u32 $0x4, v8;
	v16 =	vld.idx.msk [tilespmem:v10+s0+$0x0], $0xffff  }
0x323: {  	v18 =	vld.idx.msk [tilespmem:v9+s0+$0x0], $0xffff  }
0x324: {  	v19 =	vld.idx.msk [tilespmem:v13+s2+$0x0], $0xffff  }
0x325: {  	v20 =	vor.u32 $0x5, v8;
	v21 =	vld.idx.msk [tilespmem:v13+s3+$0x0], $0xffff  }
0x326: {  	v22 =	vld.idx.msk [tilespmem:v13+s0+$0x0], $0xffff  }
0x327: {  	v23 =	vld.idx.msk [tilespmem:v17+s0+$0x0], $0xffff  }
0x328: {  	v25 =	vor.u32 $0x6, v8;
	v24 =	vld.idx.msk [tilespmem:v17+s3+$0x0], $0xffff  }
0x329: {  	v26 =	vld.idx.msk [tilespmem:v17+s2+$0x0], $0xffff  }
0x32a: {  	v27 =	vld.idx.msk [tilespmem:v20+s3+$0x0], $0xffff  }
0x32b: {  	v28 =	vor.u32 $0x7, v8;
	v29 =	vld.idx.msk [tilespmem:v20+s2+$0x0], $0xffff  }
0x32c: {  	v30 =	vld.idx.msk [tilespmem:v20+s0+$0x0], $0xffff  }
0x32d: {  	v31 =	vld.idx.msk [tilespmem:v25+s0+$0x0], $0xffff  }
0x32e: {  	v33 =	vor.u32 $0x8, v8;
	v32 =	vld.idx.msk [tilespmem:v25+s3+$0x0], $0xffff  }
0x32f: {  	v34 =	vld.idx.msk [tilespmem:v25+s2+$0x0], $0xffff  }
0x330: {  	v36 =	vor.u32 $0x9, v8;
	v35 =	vld.idx.msk [tilespmem:v28+s3+$0x0], $0xffff  }
0x331: {  	v37 =	vld.idx.msk [tilespmem:v28+s2+$0x0], $0xffff;
	v5 =	vadd.f32 v11, v5;
	v6 =	vadd.f32 v15, v6  }
0x332: {  	v38 =	vor.u32 $0xA, v8;
	v56 =	vld.idx.msk [tilespmem:v28+s0+$0x0], $0xffff  }
0x333: {  	v57 =	vld.idx.msk [tilespmem:v33+s0+$0x0], $0xffff;
	v4 =	vmul.f32 v5, v4;
	v5 =	vadd.f32 v14, v12;
	v6 =	vmul.f32 v6, v18  }
0x334: {  	v58 =	vld.idx.msk [tilespmem:v33+s2+$0x0], $0xffff  }
0x335: {  	v39 =	vld.idx.msk [tilespmem:v36+s3+$0x0], $0xffff;
	v5 =	vmul.f32 v5, v16;
	v4 =	vadd.f32 v6, v4;
	v6 =	vadd.f32 v21, v19  }
0x336: {  	v41 =	vor.u32 $0xC, v8;
	v59 =	vld.idx.msk [tilespmem:v36+s2+$0x0], $0xffff  }
0x337: {  	v40 =	vld.idx.msk [tilespmem:v36+s0+$0x0], $0xffff;
	v4 =	vadd.f32 v5, v4;
	v5 =	vmul.f32 v6, v22;
	v6 =	vadd.f32 v24, v26  }
0x338: {  	v60 =	vld.idx.msk [tilespmem:v38+s0+$0x0], $0xffff  }
0x339: {  	v61 =	vld.idx.msk [tilespmem:v38+s2+$0x0], $0xffff;
	v4 =	vadd.f32 v5, v4;
	v5 =	vmul.f32 v6, v23;
	v6 =	vadd.f32 v27, v29  }
0x33a: {  	v16 =	vld.idx.msk [tilespmem:v33+s3+$0x0], $0xffff;
	v22 =	vor.u32 $0xB, v8  }
0x33b: {  	v43 =	vld.idx.msk [tilespmem:v41+s0+$0x0], $0xffff;
	v4 =	vadd.f32 v5, v4;
	v5 =	vmul.f32 v6, v30;
	v6 =	vadd.f32 v32, v34  }
0x33c: {  	v44 =	vld.idx.msk [tilespmem:v41+s2+$0x0], $0xffff  }
0x33d: {  	v19 =	vld.idx.msk [tilespmem:v41+s3+$0x0], $0xffff;
	v4 =	vadd.f32 v5, v4;
	v5 =	vmul.f32 v6, v31;
	v31 =	vor.u32 $0xD, v8  }
0x33e: {  	v37 =	vadd.f32 v35, v37;
	v29 =	vld.idx.msk [tilespmem:v38+s3+$0x0], $0xffff  }
0x33f: {  	v62 =	vadd.f32 v16, v58;
	v34 =	vld.idx.msk [tilespmem:v22+s3+$0x0], $0xffff  }
0x340: {  	v42 =	vld.idx.msk [tilespmem:v22+s0+$0x0], $0xffff;
	v4 =	vadd.f32 v5, v4;
	v5 =	vmul.f32 v37, v56;
	v37 =	vor.u32 $0xE, v8  }
0x341: {  	v6 =	vld.idx.msk [tilespmem:v22+s2+$0x0], $0xffff  }
0x342: {  	v63 =	vadd.f32 v39, v59;
	v12 =	vmul.f32 v62, v57;
	v5 =	vadd.f32 v5, v4;
	v26 =	vld.idx.msk [tilespmem:v31+s3+$0x0], $0xffff  }
0x343: {  	v4 =	vor.u32 $0xF, v8;
	v45 =	vld.idx.msk [tilespmem:v31+s2+$0x0], $0xffff  }
0x344: {  	v47 =	vmul.f32 v63, v40;
	v48 =	vadd.f32 v29, v61;
	v49 =	vld.idx.msk [tilespmem:v31+s0+$0x0], $0xffff;
	v5 =	vadd.f32 v12, v5  }
0x345: {  	v50 =	vld.idx.msk [tilespmem:v37+s0+$0x0], $0xffff  }
0x346: {  	v51 =	vmul.f32 v48, v60;
	v52 =	vadd.f32 v34, v6;
	v6 =	vld.idx.msk [tilespmem:v37+s3+$0x0], $0xffff;
	v5 =	vadd.f32 v47, v5  }
0x347: {  	v53 =	vld.idx.msk [tilespmem:v37+s2+$0x0], $0xffff  }
0x348: {  	v54 =	vadd.f32 v19, v44;
	v18 =	vmul.f32 v52, v42;
	v55 =	vld.idx.msk [tilespmem:v4+s2+$0x0], $0xffff;
	v12 =	vadd.f32 v51, v5  }
0x349: {  	v5 =	vld.idx.msk [tilespmem:v4+s3+$0x0], $0xffff  }
0x34a: {  	v56 =	vmul.f32 v54, v43;
	v57 =	vadd.f32 v26, v45;
	v12 =	vadd.f32 v18, v12  }
0x34b: {  	v58 =	vld.idx.msk [tilespmem:v4+s0+$0x0], $0xffff  }
0x34c: {  	v59 =	vmul.f32 v57, v49;
	v23 =	vadd.f32 v6, v53;
	v12 =	vadd.f32 v56, v12;
	_ =	sdelay $0x1  }
0x34d: {  	v60 =	vmul.f32 v23, v50;
	v61 =	vadd.f32 v5, v55;
	v12 =	vadd.f32 v59, v12;
	_ =	sdelay $0x1  }
0x34e: {  	v62 =	vmul.f32 v61, v58;
	v12 =	vadd.f32 v60, v12;
	_ =	sdelay $0x1  }
0x34f: {  	v12 =	vadd.f32 v62, v12;
	_ =	sdelay $0x1  }
0x350: {  	v12 =	vmul.f32 $2.500000000e-01, v12;
	_ =	sdelay $0x1  }
0x351: {  	v12 =	vmul.f32 $1.442695020e+00, v12;
	_ =	sdelay $0x1  }
0x352: {  	(erf) = vpow2.f32 v12;
	_ =	sdelay $0x2  }
0x353: {  	v63 =	vld.idx.msk [tilespmem:v8+s26+$0x0], $0xffff;
	_ =	sdelay $0x3  }
0x354: {  	v8 =	vshll.u32 v7, $0x5  }
0x355: {  	v11 =	vadd.f32 v63, v11  }
0x356: {  	v7 =	vpop (erf)  }
0x357: {  	v11 =	vmul.f32 v7, v11;
	_ =	sdelay $0x1  }
0x358: {  	[tilespmem:v8+s24+$0x0] =	vst.idx.msk $0xffff, v11  }
0x359: {  	v9 =	vld.idx.msk [tilespmem:v9+s26+$0x0], $0xffff;
	_ =	sdelay $0x3  }
0x35a: {  	v11 =	vor.u32 $0x1, v8  }
0x35b: {  	v9 =	vadd.f32 v9, v15;
	_ =	sdelay $0x1  }
0x35c: {  	v9 =	vmul.f32 v7, v9;
	_ =	sdelay $0x1  }
0x35d: {  	[tilespmem:v11+s24+$0x0] =	vst.idx.msk $0xffff, v9  }
0x35e: {  	v9 =	vld.idx.msk [tilespmem:v10+s26+$0x0], $0xffff;
	_ =	sdelay $0x3  }
0x35f: {  	v10 =	vor.u32 $0x2, v8  }
0x360: {  	v9 =	vadd.f32 v9, v14;
	_ =	sdelay $0x1  }
0x361: {  	v9 =	vmul.f32 v9, v7;
	_ =	sdelay $0x1  }
0x362: {  	[tilespmem:v10+s24+$0x0] =	vst.idx.msk $0xffff, v9  }
0x363: {  	v9 =	vld.idx.msk [tilespmem:v13+s26+$0x0], $0xffff;
	_ =	sdelay $0x3  }
0x364: {  	v10 =	vor.u32 $0x3, v8  }
0x365: {  	v9 =	vadd.f32 v9, v21;
	_ =	sdelay $0x1  }
0x366: {  	v9 =	vmul.f32 v9, v7;
	_ =	sdelay $0x1  }
0x367: {  	[tilespmem:v10+s24+$0x0] =	vst.idx.msk $0xffff, v9  }
0x368: {  	v9 =	vld.idx.msk [tilespmem:v17+s26+$0x0], $0xffff;
	_ =	sdelay $0x3  }
0x369: {  	v10 =	vor.u32 $0x4, v8  }
0x36a: {  	v9 =	vadd.f32 v9, v24;
	_ =	sdelay $0x1  }
0x36b: {  	v9 =	vmul.f32 v9, v7;
	_ =	sdelay $0x1  }
0x36c: {  	[tilespmem:v10+s24+$0x0] =	vst.idx.msk $0xffff, v9  }
0x36d: {  	v9 =	vld.idx.msk [tilespmem:v20+s26+$0x0], $0xffff;
	_ =	sdelay $0x3  }
0x36e: {  	v10 =	vor.u32 $0x5, v8  }
0x36f: {  	v9 =	vadd.f32 v9, v27;
	_ =	sdelay $0x1  }
0x370: {  	v9 =	vmul.f32 v9, v7;
	_ =	sdelay $0x1  }
0x371: {  	[tilespmem:v10+s24+$0x0] =	vst.idx.msk $0xffff, v9  }
0x372: {  	v9 =	vld.idx.msk [tilespmem:v25+s26+$0x0], $0xffff;
	_ =	sdelay $0x3  }
0x373: {  	v10 =	vor.u32 $0x6, v8  }
0x374: {  	v9 =	vadd.f32 v9, v32;
	_ =	sdelay $0x1  }
0x375: {  	v9 =	vmul.f32 v9, v7;
	_ =	sdelay $0x1  }
0x376: {  	[tilespmem:v10+s24+$0x0] =	vst.idx.msk $0xffff, v9  }
0x377: {  	v9 =	vld.idx.msk [tilespmem:v28+s26+$0x0], $0xffff;
	_ =	sdelay $0x3  }
0x378: {  	v10 =	vor.u32 $0x7, v8  }
0x379: {  	v9 =	vadd.f32 v9, v35;
	_ =	sdelay $0x1  }
0x37a: {  	v9 =	vmul.f32 v9, v7;
	_ =	sdelay $0x1  }
0x37b: {  	[tilespmem:v10+s24+$0x0] =	vst.idx.msk $0xffff, v9  }
0x37c: {  	v9 =	vld.idx.msk [tilespmem:v33+s26+$0x0], $0xffff;
	_ =	sdelay $0x3  }
0x37d: {  	v10 =	vor.u32 $0x8, v8  }
0x37e: {  	v9 =	vadd.f32 v9, v16;
	_ =	sdelay $0x1  }
0x37f: {  	v9 =	vmul.f32 v9, v7;
	_ =	sdelay $0x1  }
0x380: {  	[tilespmem:v10+s24+$0x0] =	vst.idx.msk $0xffff, v9  }
0x381: {  	v9 =	vld.idx.msk [tilespmem:v36+s26+$0x0], $0xffff;
	_ =	sdelay $0x3  }
0x382: {  	v10 =	vor.u32 $0x9, v8  }
0x383: {  	v9 =	vadd.f32 v9, v39;
	_ =	sdelay $0x1  }
0x384: {  	v9 =	vmul.f32 v9, v7;
	_ =	sdelay $0x1  }
0x385: {  	[tilespmem:v10+s24+$0x0] =	vst.idx.msk $0xffff, v9  }
0x386: {  	v9 =	vld.idx.msk [tilespmem:v38+s26+$0x0], $0xffff;
	_ =	sdelay $0x3  }
0x387: {  	v10 =	vor.u32 $0xA, v8  }
0x388: {  	v9 =	vadd.f32 v9, v29;
	_ =	sdelay $0x1  }
0x389: {  	v9 =	vmul.f32 v9, v7;
	_ =	sdelay $0x1  }
0x38a: {  	[tilespmem:v10+s24+$0x0] =	vst.idx.msk $0xffff, v9  }
0x38b: {  	v9 =	vld.idx.msk [tilespmem:v22+s26+$0x0], $0xffff;
	_ =	sdelay $0x3  }
0x38c: {  	v10 =	vor.u32 $0xB, v8  }
0x38d: {  	v9 =	vadd.f32 v9, v34;
	_ =	sdelay $0x1  }
0x38e: {  	v9 =	vmul.f32 v9, v7;
	_ =	sdelay $0x1  }
0x38f: {  	[tilespmem:v10+s24+$0x0] =	vst.idx.msk $0xffff, v9  }
0x390: {  	v9 =	vld.idx.msk [tilespmem:v41+s26+$0x0], $0xffff;
	_ =	sdelay $0x3  }
0x391: {  	v10 =	vor.u32 $0xC, v8  }
0x392: {  	v9 =	vadd.f32 v9, v19;
	_ =	sdelay $0x1  }
0x393: {  	v9 =	vmul.f32 v9, v7;
	_ =	sdelay $0x1  }
0x394: {  	[tilespmem:v10+s24+$0x0] =	vst.idx.msk $0xffff, v9  }
0x395: {  	v9 =	vld.idx.msk [tilespmem:v31+s26+$0x0], $0xffff;
	_ =	sdelay $0x3  }
0x396: {  	v10 =	vor.u32 $0xD, v8  }
0x397: {  	v9 =	vadd.f32 v9, v26;
	_ =	sdelay $0x1  }
0x398: {  	v9 =	vmul.f32 v9, v7;
	_ =	sdelay $0x1  }
0x399: {  	[tilespmem:v10+s24+$0x0] =	vst.idx.msk $0xffff, v9  }
0x39a: {  	s19 =	simm.s32 $0x10;
	v9 =	vld.idx.msk [tilespmem:v37+s26+$0x0], $0xffff  }
.LBB2_11:
0x39b: {  	_ =	sdelay $0x1  }
0x39c: {  	p1 =	sne.s32 s19, $0x40;
	s20 =	smov.u32 s19;
	s19 =	sadd.s32 $0x10, s19  }
0x39d: {  	v10 =	vor.u32 $0xE, v8  }
0x39e: {  	v6 =	vadd.f32 v9, v6;
	_ =	sdelay $0x1  }
0x39f: {  	v6 =	vmul.f32 v6, v7;
	_ =	sdelay $0x1  }
0x3a0: {  	[tilespmem:v10+s24+$0x0] =	vst.idx.msk $0xffff, v6  }
0x3a1: {  	v4 =	vld.idx.msk [tilespmem:v4+s26+$0x0], $0xffff;
	_ =	sdelay $0x4  }
0x3a2: {  	v35 =	vor.u32 s20, v0;
	v6 =	vor.u32 $0xF, v8  }
0x3a3: {  	v36 =	vshll.u32 v35, $0x4;
	v4 =	vadd.f32 v4, v5;
	v5 =	vor.u32 v3, v8  }
0x3a4: {  	v34 =	vor.u32 $0x1, v36  }
0x3a5: {  	v4 =	vmul.f32 v4, v7  }
0x3a6: {  	v30 =	vor.u32 $0x2, v36  }
0x3a7: {  	[tilespmem:v6+s24+$0x0] =	vst.idx.msk $0xffff, v4  }
0x3a8: {  	[tilespmem:v5+s24+$0x0] =	vst.idx.msk $0xffff, v7  }
0x3a9: {  	v4 =	vld.idx.msk [tilespmem:v36+s0+$0x0], $0xffff  }
0x3aa: {  	v5 =	vld.idx.msk [tilespmem:v36+s2+$0x0], $0xffff  }
0x3ab: {  	v7 =	vld.idx.msk [tilespmem:v36+s3+$0x0], $0xffff  }
0x3ac: {  	v6 =	vld.idx.msk [tilespmem:v34+s2+$0x0], $0xffff  }
0x3ad: {  	v29 =	vor.u32 $0x3, v36;
	v8 =	vld.idx.msk [tilespmem:v30+s2+$0x0], $0xffff  }
0x3ae: {  	v33 =	vld.idx.msk [tilespmem:v30+s3+$0x0], $0xffff  }
0x3af: {  	v37 =	vld.idx.msk [tilespmem:v34+s3+$0x0], $0xffff  }
0x3b0: {  	v27 =	vor.u32 $0x4, v36;
	v9 =	vld.idx.msk [tilespmem:v30+s0+$0x0], $0xffff  }
0x3b1: {  	v5 =	vadd.f32 v7, v5;
	v10 =	vld.idx.msk [tilespmem:v34+s0+$0x0], $0xffff  }
0x3b2: {  	v25 =	vor.u32 $0x5, v36;
	v11 =	vld.idx.msk [tilespmem:v29+s2+$0x0], $0xffff  }
0x3b3: {  	v4 =	vmul.f32 v5, v4;
	v32 =	vld.idx.msk [tilespmem:v29+s3+$0x0], $0xffff  }
0x3b4: {  	v5 =	vadd.f32 v33, v8;
	v8 =	vld.idx.msk [tilespmem:v29+s0+$0x0], $0xffff  }
0x3b5: {  	v6 =	vadd.f32 v37, v6;
	v12 =	vld.idx.msk [tilespmem:v27+s0+$0x0], $0xffff  }
0x3b6: {  	v23 =	vor.u32 $0x6, v36;
	v5 =	vmul.f32 v5, v9;
	v31 =	vld.idx.msk [tilespmem:v27+s3+$0x0], $0xffff  }
0x3b7: {  	v6 =	vmul.f32 v6, v10;
	v9 =	vld.idx.msk [tilespmem:v27+s2+$0x0], $0xffff  }
0x3b8: {  	v21 =	vor.u32 $0x7, v36;
	v28 =	vld.idx.msk [tilespmem:v25+s3+$0x0], $0xffff  }
0x3b9: {  	v4 =	vadd.f32 v6, v4;
	v6 =	vadd.f32 v32, v11;
	v10 =	vld.idx.msk [tilespmem:v25+s2+$0x0], $0xffff  }
0x3ba: {  	v11 =	vld.idx.msk [tilespmem:v25+s0+$0x0], $0xffff  }
0x3bb: {  	v4 =	vadd.f32 v5, v4;
	v5 =	vmul.f32 v6, v8;
	v6 =	vld.idx.msk [tilespmem:v23+s0+$0x0], $0xffff  }
0x3bc: {  	v19 =	vor.u32 $0x8, v36;
	v26 =	vld.idx.msk [tilespmem:v23+s3+$0x0], $0xffff  }
0x3bd: {  	v4 =	vadd.f32 v5, v4;
	v5 =	vadd.f32 v31, v9;
	v8 =	vld.idx.msk [tilespmem:v23+s2+$0x0], $0xffff  }
0x3be: {  	v17 =	vor.u32 $0x9, v36;
	v24 =	vld.idx.msk [tilespmem:v21+s3+$0x0], $0xffff  }
0x3bf: {  	v5 =	vmul.f32 v5, v12;
	v9 =	vadd.f32 v28, v10;
	v10 =	vld.idx.msk [tilespmem:v21+s2+$0x0], $0xffff  }
0x3c0: {  	v12 =	vld.idx.msk [tilespmem:v21+s0+$0x0], $0xffff  }
0x3c1: {  	v4 =	vadd.f32 v5, v4;
	v5 =	vmul.f32 v9, v11;
	v9 =	vld.idx.msk [tilespmem:v19+s0+$0x0], $0xffff  }
0x3c2: {  	v15 =	vor.u32 $0xA, v36;
	v22 =	vld.idx.msk [tilespmem:v19+s3+$0x0], $0xffff  }
0x3c3: {  	v4 =	vadd.f32 v5, v4;
	v5 =	vadd.f32 v26, v8;
	v8 =	vld.idx.msk [tilespmem:v19+s2+$0x0], $0xffff  }
0x3c4: {  	v13 =	vor.u32 $0xB, v36;
	v20 =	vld.idx.msk [tilespmem:v17+s3+$0x0], $0xffff  }
0x3c5: {  	v5 =	vmul.f32 v5, v6;
	v6 =	vadd.f32 v24, v10;
	v14 =	vld.idx.msk [tilespmem:v17+s2+$0x0], $0xffff  }
0x3c6: {  	v38 =	vld.idx.msk [tilespmem:v17+s0+$0x0], $0xffff  }
0x3c7: {  	v4 =	vadd.f32 v5, v4;
	v5 =	vmul.f32 v6, v12;
	v6 =	vld.idx.msk [tilespmem:v15+s0+$0x0], $0xffff  }
0x3c8: {  	v11 =	vor.u32 $0xC, v36;
	v18 =	vld.idx.msk [tilespmem:v15+s3+$0x0], $0xffff  }
0x3c9: {  	v4 =	vadd.f32 v5, v4;
	v5 =	vadd.f32 v22, v8;
	v8 =	vld.idx.msk [tilespmem:v15+s2+$0x0], $0xffff  }
0x3ca: {  	v10 =	vor.u32 $0xD, v36;
	v16 =	vld.idx.msk [tilespmem:v13+s3+$0x0], $0xffff  }
0x3cb: {  	v5 =	vmul.f32 v5, v9;
	v9 =	vadd.f32 v20, v14;
	v39 =	vld.idx.msk [tilespmem:v13+s2+$0x0], $0xffff  }
0x3cc: {  	v40 =	vld.idx.msk [tilespmem:v13+s0+$0x0], $0xffff  }
0x3cd: {  	v4 =	vadd.f32 v5, v4;
	v5 =	vmul.f32 v9, v38;
	v38 =	vld.idx.msk [tilespmem:v11+s0+$0x0], $0xffff  }
0x3ce: {  	v9 =	vor.u32 $0xE, v36;
	v14 =	vld.idx.msk [tilespmem:v11+s3+$0x0], $0xffff  }
0x3cf: {  	v5 =	vadd.f32 v5, v4;
	v8 =	vadd.f32 v18, v8;
	v41 =	vld.idx.msk [tilespmem:v11+s2+$0x0], $0xffff  }
0x3d0: {  	v4 =	vor.u32 $0xF, v36;
	v12 =	vld.idx.msk [tilespmem:v10+s3+$0x0], $0xffff  }
0x3d1: {  	v6 =	vmul.f32 v8, v6;
	v8 =	vadd.f32 v16, v39;
	v39 =	vld.idx.msk [tilespmem:v10+s2+$0x0], $0xffff  }
0x3d2: {  	v42 =	vld.idx.msk [tilespmem:v10+s0+$0x0], $0xffff  }
0x3d3: {  	v5 =	vadd.f32 v6, v5;
	v8 =	vmul.f32 v8, v40;
	v40 =	vld.idx.msk [tilespmem:v9+s0+$0x0], $0xffff  }
0x3d4: {  	v6 =	vld.idx.msk [tilespmem:v9+s3+$0x0], $0xffff  }
0x3d5: {  	v8 =	vadd.f32 v8, v5;
	v41 =	vadd.f32 v14, v41;
	v43 =	vld.idx.msk [tilespmem:v9+s2+$0x0], $0xffff  }
0x3d6: {  	v5 =	vld.idx.msk [tilespmem:v4+s3+$0x0], $0xffff  }
0x3d7: {  	v38 =	vmul.f32 v41, v38;
	v39 =	vadd.f32 v12, v39;
	v41 =	vld.idx.msk [tilespmem:v4+s2+$0x0], $0xffff;
	_ =	sdelay $0x1  }
0x3d8: {  	v8 =	vadd.f32 v38, v8;
	v38 =	vmul.f32 v39, v42;
	v39 =	vld.idx.msk [tilespmem:v4+s0+$0x0], $0xffff;
	_ =	sdelay $0x1  }
0x3d9: {  	v8 =	vadd.f32 v38, v8;
	v38 =	vadd.f32 v6, v43;
	_ =	sdelay $0x1  }
0x3da: {  	v38 =	vmul.f32 v38, v40;
	v40 =	vadd.f32 v5, v41;
	_ =	sdelay $0x1  }
0x3db: {  	v8 =	vadd.f32 v38, v8;
	v38 =	vmul.f32 v40, v39;
	_ =	sdelay $0x1  }
0x3dc: {  	v8 =	vadd.f32 v38, v8;
	_ =	sdelay $0x1  }
0x3dd: {  	v8 =	vmul.f32 $2.500000000e-01, v8;
	_ =	sdelay $0x1  }
0x3de: {  	v8 =	vmul.f32 $1.442695020e+00, v8;
	_ =	sdelay $0x1  }
0x3df: {  	(erf) = vpow2.f32 v8;
	_ =	sdelay $0x1  }
0x3e0: {  	v36 =	vld.idx.msk [tilespmem:v36+s26+$0x0], $0xffff;
	_ =	sdelay $0x4  }
0x3e1: {  	v8 =	vshll.u32 v35, $0x5  }
0x3e2: {  	v35 =	vadd.f32 v36, v7  }
0x3e3: {  	v7 =	vpop (erf)  }
0x3e4: {  	v35 =	vmul.f32 v7, v35;
	_ =	sdelay $0x1  }
0x3e5: {  	[tilespmem:v8+s24+$0x0] =	vst.idx.msk $0xffff, v35  }
0x3e6: {  	v34 =	vld.idx.msk [tilespmem:v34+s26+$0x0], $0xffff;
	_ =	sdelay $0x4  }
0x3e7: {  	v35 =	vor.u32 $0x1, v8  }
0x3e8: {  	v34 =	vadd.f32 v34, v37;
	_ =	sdelay $0x1  }
0x3e9: {  	v34 =	vmul.f32 v7, v34;
	_ =	sdelay $0x1  }
0x3ea: {  	[tilespmem:v35+s24+$0x0] =	vst.idx.msk $0xffff, v34  }
0x3eb: {  	v30 =	vld.idx.msk [tilespmem:v30+s26+$0x0], $0xffff;
	_ =	sdelay $0x4  }
0x3ec: {  	v34 =	vor.u32 $0x2, v8  }
0x3ed: {  	v30 =	vadd.f32 v30, v33;
	_ =	sdelay $0x1  }
0x3ee: {  	v30 =	vmul.f32 v30, v7;
	_ =	sdelay $0x1  }
0x3ef: {  	[tilespmem:v34+s24+$0x0] =	vst.idx.msk $0xffff, v30  }
0x3f0: {  	v29 =	vld.idx.msk [tilespmem:v29+s26+$0x0], $0xffff;
	_ =	sdelay $0x4  }
0x3f1: {  	v30 =	vor.u32 $0x3, v8  }
0x3f2: {  	v29 =	vadd.f32 v29, v32;
	_ =	sdelay $0x1  }
0x3f3: {  	v29 =	vmul.f32 v29, v7;
	_ =	sdelay $0x1  }
0x3f4: {  	[tilespmem:v30+s24+$0x0] =	vst.idx.msk $0xffff, v29  }
0x3f5: {  	v27 =	vld.idx.msk [tilespmem:v27+s26+$0x0], $0xffff;
	_ =	sdelay $0x4  }
0x3f6: {  	v29 =	vor.u32 $0x4, v8  }
0x3f7: {  	v27 =	vadd.f32 v27, v31;
	_ =	sdelay $0x1  }
0x3f8: {  	v27 =	vmul.f32 v27, v7;
	_ =	sdelay $0x1  }
0x3f9: {  	[tilespmem:v29+s24+$0x0] =	vst.idx.msk $0xffff, v27  }
0x3fa: {  	v25 =	vld.idx.msk [tilespmem:v25+s26+$0x0], $0xffff;
	_ =	sdelay $0x4  }
0x3fb: {  	v27 =	vor.u32 $0x5, v8  }
0x3fc: {  	v25 =	vadd.f32 v25, v28;
	_ =	sdelay $0x1  }
0x3fd: {  	v25 =	vmul.f32 v25, v7;
	_ =	sdelay $0x1  }
0x3fe: {  	[tilespmem:v27+s24+$0x0] =	vst.idx.msk $0xffff, v25  }
0x3ff: {  	v23 =	vld.idx.msk [tilespmem:v23+s26+$0x0], $0xffff;
	_ =	sdelay $0x4  }
0x400: {  	v25 =	vor.u32 $0x6, v8  }
0x401: {  	v23 =	vadd.f32 v23, v26;
	_ =	sdelay $0x1  }
0x402: {  	v23 =	vmul.f32 v23, v7;
	_ =	sdelay $0x1  }
0x403: {  	[tilespmem:v25+s24+$0x0] =	vst.idx.msk $0xffff, v23  }
0x404: {  	v21 =	vld.idx.msk [tilespmem:v21+s26+$0x0], $0xffff;
	_ =	sdelay $0x4  }
0x405: {  	v23 =	vor.u32 $0x7, v8  }
0x406: {  	v21 =	vadd.f32 v21, v24;
	_ =	sdelay $0x1  }
0x407: {  	v21 =	vmul.f32 v21, v7;
	_ =	sdelay $0x1  }
0x408: {  	[tilespmem:v23+s24+$0x0] =	vst.idx.msk $0xffff, v21  }
0x409: {  	v19 =	vld.idx.msk [tilespmem:v19+s26+$0x0], $0xffff;
	_ =	sdelay $0x4  }
0x40a: {  	v21 =	vor.u32 $0x8, v8  }
0x40b: {  	v19 =	vadd.f32 v19, v22;
	_ =	sdelay $0x1  }
0x40c: {  	v19 =	vmul.f32 v19, v7;
	_ =	sdelay $0x1  }
0x40d: {  	[tilespmem:v21+s24+$0x0] =	vst.idx.msk $0xffff, v19  }
0x40e: {  	v17 =	vld.idx.msk [tilespmem:v17+s26+$0x0], $0xffff;
	_ =	sdelay $0x4  }
0x40f: {  	v19 =	vor.u32 $0x9, v8  }
0x410: {  	v17 =	vadd.f32 v17, v20;
	_ =	sdelay $0x1  }
0x411: {  	v17 =	vmul.f32 v17, v7;
	_ =	sdelay $0x1  }
0x412: {  	[tilespmem:v19+s24+$0x0] =	vst.idx.msk $0xffff, v17  }
0x413: {  	v15 =	vld.idx.msk [tilespmem:v15+s26+$0x0], $0xffff;
	_ =	sdelay $0x4  }
0x414: {  	v17 =	vor.u32 $0xA, v8  }
0x415: {  	v15 =	vadd.f32 v15, v18;
	_ =	sdelay $0x1  }
0x416: {  	v15 =	vmul.f32 v15, v7;
	_ =	sdelay $0x1  }
0x417: {  	[tilespmem:v17+s24+$0x0] =	vst.idx.msk $0xffff, v15  }
0x418: {  	v13 =	vld.idx.msk [tilespmem:v13+s26+$0x0], $0xffff;
	_ =	sdelay $0x4  }
0x419: {  	v15 =	vor.u32 $0xB, v8  }
0x41a: {  	v13 =	vadd.f32 v13, v16;
	_ =	sdelay $0x1  }
0x41b: {  	v13 =	vmul.f32 v13, v7;
	_ =	sdelay $0x1  }
0x41c: {  	[tilespmem:v15+s24+$0x0] =	vst.idx.msk $0xffff, v13  }
0x41d: {  	v11 =	vld.idx.msk [tilespmem:v11+s26+$0x0], $0xffff;
	_ =	sdelay $0x4  }
0x41e: {  	v13 =	vor.u32 $0xC, v8  }
0x41f: {  	v11 =	vadd.f32 v11, v14;
	_ =	sdelay $0x1  }
0x420: {  	v11 =	vmul.f32 v11, v7;
	_ =	sdelay $0x1  }
0x421: {  	[tilespmem:v13+s24+$0x0] =	vst.idx.msk $0xffff, v11  }
0x422: {  	v10 =	vld.idx.msk [tilespmem:v10+s26+$0x0], $0xffff;
	_ =	sdelay $0x4  }
0x423: {  	v11 =	vor.u32 $0xD, v8  }
0x424: {  	v10 =	vadd.f32 v10, v12  }
.Ltmp4:
0x425: {  	(pc) =	sbr.rel @p1 .LBB2_11-.Ltmp4, $3  }
0x426: {  	v10 =	vmul.f32 v10, v7;
	_ =	sdelay $0x1  }
0x427: {  	[tilespmem:v11+s24+$0x0] =	vst.idx.msk $0xffff, v10  }
0x428: {  	v9 =	vld.idx.msk [tilespmem:v9+s26+$0x0], $0xffff  }
0x429: {  	_ =	sdelay $0x2  }
0x42a: {  	v10 =	vor.u32 $0xE, v8  }
0x42b: {  	v6 =	vadd.f32 v9, v6;
	_ =	sdelay $0x1  }
0x42c: {  	v6 =	vmul.f32 v6, v7;
	_ =	sdelay $0x1  }
0x42d: {  	[tilespmem:v10+s24+$0x0] =	vst.idx.msk $0xffff, v6  }
0x42e: {  	v4 =	vld.idx.msk [tilespmem:v4+s26+$0x0], $0xffff;
	_ =	sdelay $0x3  }
0x42f: {  	v63 =	vor.u32 $0xF, v8  }
0x430: {  	v3 =	vor.u32 v3, v8;
	v4 =	vadd.f32 v4, v5;
	_ =	sdelay $0x1  }
0x431: {  	v4 =	vmul.f32 v4, v7;
	_ =	sdelay $0x1  }
0x432: {  	[tilespmem:v63+s24+$0x0] =	vst.idx.msk $0xffff, v4  }
0x433: {  	s19 =	simm.s32 $0x18920;
	[tilespmem:v3+s24+$0x0] =	vst.idx.msk $0xffff, v7  }
0x434: {  	[spmem:s1] =	stream.indirect.scatter.add.f32 [tilespmem:s24], [sflag:$0x5], $0x20, s19, s30, $0xb8;
	[tilespmem:$0x1BC60] =	vst v63  }
0x435: {  	_ =	swait.ge [sflag:s11], $0xA00  }
0x436: {  	s19 =	sshll.u32 @!p0 s31, $0x1;
	s20 =	rddreg [dreg:$0x4];
	[sflag:s11] =	ssyncset.done $0x0  }
0x437: {  	s19 =	sor.u32 @!p0 s20, s19;
	[sflag:s11] =	ssyncadd.s32 $0xFFFFF600  }
0x438: {  	s19 =	smul.u32 @!p0 $0x30D40, s19;
	[bflag:$0x0] =	sbarrier.arrive $0xFFFF  }
0x439: {  	s31 =	sadd.s32 $0x1, s31;
	s20 =	rddreg [dreg:$0x6]  }
0x43a: {  	s21 =	rddreg [dreg:$0x13];
	s19 =	sadd.s32 @!p0 s20, s19;
	s20 =	simm.s32 @!p0 $0x1C05  }
0x43b: {  	[hbm:s19], [sflag:s20] =	dma.local @!p0 [spmem:s21], $0x30D40  }
0x43c: {  	p1 =	sne.s32 s31, $0x4;
	s19 =	simm.s32 @!p0 $0x5  }
.Ltmp5:
0x43d: {  	_ =	swait.ge @!p0 [sflag:s19], $0x30D40;
	(pc) =	sbr.rel @p1 .LBB2_2-.Ltmp5, $3  }
0x43e: {  	[sflag:s19] =	ssyncset.done @!p0 $0x0  }
0x43f: {  	[sflag:s19] =	ssyncadd.s32 @!p0 $0xFFFCF2C0  }
0x440: {  	[bflag:$0x0] =	sbarrier.arrive $0xFFFF;
	_ =	sdelay $0x1  }
0x441: {  	s19 =	rddreg [dreg:$0x3]  }
0x442: {  	s20 =	rddreg [dreg:$0x12];
	s19 =	sadd.s32 $0x1, s19  }
0x443: {  	p1 =	sne.s32 s19, s20  }
.Ltmp6:
0x444: {  	_ = 	snop;
	(pc) =	sbr.rel @p1 .LBB2_1-.Ltmp6, $1  }
0x445: {  	_ =	sdelay $0x3  }
0x446: {  	_ =	sfence.sel $0x180000  }
0x447: {  	[bflag:$0x0] =	sbarrier.arrive $0xFFFF  }
0x448: {  	_ =	strace $0x90000047  }
0x449: {  	[bflag:$0x2] =	sbarrier.arrive $0xFFFF  }
0x44a: {  	s0 =	rddreg [dreg:$0x2]  }
0x44b: {  	s0 =	sadd.s32 @!p0 $0x100000, s0  }
0x44c: {  	[sflag:s0] =	ssyncadd.tile.s32 @!p0 $0x1;
	_ =	shalt  }
.Lfunc_end2:
_tile_overlayer_lowered:
.L_overlay_start_2:
0x44d: {  	(tag) =	ssettag $0x2  }
0x44e: {  	s0 =	rddreg [dreg:$0x0];
	s2 =	stileid.u32  }
0x44f: {  	s1 =	rddreg [dreg:$0x1];
	p0 =	sne.s32 s2, $0x0  }
0x450: {  	s3 =	rddreg [dreg:$0x2];
	[bflag:$0x3] =	sbarrier.arrive $0xFFFF;
	s2 =	simm.s32 @!p0 $0x1C05  }
0x451: {  	[timem:s3], [sflag:s2] =	dma.local @!p0 [hbm:s0], s1  }
0x452: {  	s0 =	simm.s32 @!p0 $0x5  }
0x453: {  	_ =	swait.ge @!p0 [sflag:s0], s1  }
0x454: {  	s1 =	ssub.s32 @!p0 $0x0, s1;
	[sflag:s0] =	ssyncset.done @!p0 $0x0  }
0x455: {  	[sflag:s0] =	ssyncadd.s32 @!p0 s1  }
0x456: {  	[bflag:$0x3] =	sbarrier.arrive $0xFFFF  }
0x457: {  	_ =	shalt  }

// kernel: scatter_offload_async_start.1
scs
__scs_entry_jumppad:
0x0: {  	(pc) =	sbr.rel $0x88, $3  }
0x1: {  	(tag) =	ssettag $0x0;
	lr =	simm.s32 $0x1  }
0x2: {  	[smem:$0x3F82] =	sst lr;
	_ =	strace $0xD0000000  }
0x3: {  	_ = 	snop  }
0x4: {  	_ = 	snop  }
0x5: {  	_ = 	snop  }
0x6: {  	_ = 	snop  }
0x7: {  	_ = 	snop  }
__scs_overlays_trampoline_lowered:
0x8: {  	[smem:$0x3F91] =	sst s0  }
0x9: {  	[smem:$0x3F92] =	sst s1  }
0xa: {  	[smem:$0x3F93] =	sst s2  }
0xb: {  	[smem:$0x3F94] =	sst s3  }
0xc: {  	[smem:$0x3F95] =	sst s4  }
0xd: {  	[smem:$0x3F96] =	sst s5  }
0xe: {  	[smem:$0x3F97] =	sst s6  }
0xf: {  	[smem:$0x3F98] =	sst s7  }
0x10: {  	[smem:$0x3F99] =	sst s8  }
0x11: {  	[smem:$0x3F9A] =	sst s9;
	s0 =	simm.s32 @!p0 $0x0  }
0x12: {  	s1 =	sld [smem:$0x3F80];
	s0 =	simm.s32 @p0 $0x1  }
0x13: {  	[smem:$0x3F9B] =	sst s0;
	s0 =	simm.s32 @!p1 $0x0  }
0x14: {  	s2 =	sld [smem:$0x3F7F];
	s0 =	simm.s32 @p1 $0x1  }
0x15: {  	[smem:$0x3F9C] =	sst s0;
	s0 =	simm.s32 @!p2 $0x0  }
0x16: {  	s3 =	sld [smem:$0x3FDB];
	s0 =	simm.s32 @p2 $0x1  }
0x17: {  	s4 =	simm.s32 $0x1BF5;
	[smem:$0x3F9E] =	sst s0  }
0x18: {  	s0 =	sld [smem:$0x3F81];
	_ =	swait.ge [sflag:s4], $0x0  }
0x19: {  	s7 =	sld [smem:$0x3F82]  }
0x1a: {  	s8 =	sadd.s32 $0xFFFFE003, lr  }
0x1b: {  	s9 =	sadd.s32 $0xFFFFFEF7, lr;
	s5 =	simm.s32 $0xFFFFFFFF;
	p2 =	slt.u32 s8, $0xFFFFF086  }
0x1c: {  	p1 =	slt.u32 s9, $0xF7A;
	s5 =	simm.s32 @!p2 $0x0  }
0x1d: {  	s5 =	simm.s32 @p1 $0x1;
	p0 =	seq.s32 s7, s2  }
0x1e: {  	s7 =	smul.u32 @!p0 $0xF7A, s2;
	p2 =	seq.s32 @!p0 s5, $0x0  }
0x1f: {  	s9 =	smul.u32 $0xF7A, s1;
	s8 =	simm.s32 @!p0 $0x1BF5;
	p2 =	por !p2, p0  }
0x20: {  	[sflag:s8] =	ssyncset.s32 @!p0 $0xFFFFF086;
	s6 =	sadd.s32 @!p0 s3, s7;
	s7 =	simm.s32 @!p0 $0x108  }
0x21: {  	s3 =	sadd.s32 s3, s9;
	s6 =	sadd.s32 @!p0 $0x88, s6;
	s7 =	simm.s32 @p2 $0x1082  }
0x22: {  	[simem:s7], [sflag:s8] =	dma.local @!p0 [hbm:s6], $0xF7A  }
0x23: {  	s9 =	sor.u32 $0xD0000000, s2;
	s6 =	simm.s32 $0x108;
	_ =	swait.ge @!p0 [sflag:s8], $0x0  }
0x24: {  	s3 =	sadd.s32 $0x88, s3;
	s6 =	simm.s32 @!p1 $0x1082;
	[sflag:s4] =	ssyncset.s32 $0xFFFFF086  }
0x25: {  	[simem:s6], [sflag:s4] =	dma.local [hbm:s3], $0xF7A  }
0x26: {  	[smem:$0x3F82] =	sst s1;
	(tag) =	ssettag s2;
	_ =	strace s9  }
0x27: {  	s1 =	sld [smem:$0x3F92]  }
0x28: {  	s2 =	sld [smem:$0x3F93]  }
0x29: {  	s4 =	sld [smem:$0x3F95]  }
0x2a: {  	p0 =	seq.s32 s5, $0x0;
	s5 =	sld [smem:$0x3F96]  }
0x2b: {  	s6 =	sld [smem:$0x3F97]  }
0x2c: {  	s7 =	sld [smem:$0x3F98]  }
0x2d: {  	s3 =	simm.s32 $0x108;
	s8 =	sld [smem:$0x3F99]  }
0x2e: {  	s3 =	simm.s32 @!p0 $0x1082;
	s9 =	sld [smem:$0x3F9A]  }
0x2f: {  	lr =	sadd.s32 s0, s3;
	s0 =	sld [smem:$0x3F91]  }
0x30: {  	s3 =	sld [smem:$0x3F94]  }
0x31: {  	[smem:$0x3F9D] =	sst s10  }
0x32: {  	s10 =	sld [smem:$0x3F9B];
	_ =	sdelay $0x3  }
0x33: {  	p0 =	seq.s32 s10, $0x1;
	s10 =	sld [smem:$0x3F9D];
	_ =	sdelay $0x3  }
0x34: {  	[smem:$0x3F9D] =	sst s10  }
0x35: {  	s10 =	sld [smem:$0x3F9C];
	_ =	sdelay $0x3  }
0x36: {  	p1 =	seq.s32 s10, $0x1;
	s10 =	sld [smem:$0x3F9D];
	_ =	sdelay $0x3  }
0x37: {  	[smem:$0x3F9D] =	sst s10  }
0x38: {  	s10 =	sld [smem:$0x3F9E]  }
0x39: {  	_ = 	snop;
	(pc) =	sbr.ind lr, $3  }
0x3a: {  	_ = 	snop  }
0x3b: {  	_ = 	snop  }
0x3c: {  	p2 =	seq.s32 s10, $0x1;
	s10 =	sld [smem:$0x3F9D]  }
0x3d: {  	_ =	shalt  }
0x3e: {  	_ =	shalt  }
0x3f: {  	_ =	shalt  }
0x40: {  	_ =	shalt  }
0x41: {  	_ =	shalt  }
0x42: {  	_ =	shalt  }
0x43: {  	_ =	shalt  }
0x44: {  	_ =	shalt  }
0x45: {  	_ =	shalt  }
0x46: {  	_ =	shalt  }
0x47: {  	_ =	shalt  }
0x48: {  	_ =	shalt  }
0x49: {  	_ =	shalt  }
0x4a: {  	_ =	shalt  }
0x4b: {  	_ =	shalt  }
0x4c: {  	_ =	shalt  }
0x4d: {  	_ =	shalt  }
0x4e: {  	_ =	shalt  }
0x4f: {  	_ =	shalt  }
0x50: {  	_ =	shalt  }
0x51: {  	_ =	shalt  }
0x52: {  	_ =	shalt  }
0x53: {  	_ =	shalt  }
0x54: {  	_ =	shalt  }
0x55: {  	_ =	shalt  }
0x56: {  	_ =	shalt  }
0x57: {  	_ =	shalt  }
0x58: {  	_ =	shalt  }
0x59: {  	_ =	shalt  }
0x5a: {  	_ =	shalt  }
0x5b: {  	_ =	shalt  }
0x5c: {  	_ =	shalt  }
0x5d: {  	_ =	shalt  }
0x5e: {  	_ =	shalt  }
0x5f: {  	_ =	shalt  }
0x60: {  	_ =	shalt  }
0x61: {  	_ =	shalt  }
0x62: {  	_ =	shalt  }
0x63: {  	_ =	shalt  }
0x64: {  	_ =	shalt  }
0x65: {  	_ =	shalt  }
0x66: {  	_ =	shalt  }
0x67: {  	_ =	shalt  }
0x68: {  	_ =	shalt  }
0x69: {  	_ =	shalt  }
0x6a: {  	_ =	shalt  }
0x6b: {  	_ =	shalt  }
0x6c: {  	_ =	shalt  }
0x6d: {  	_ =	shalt  }
0x6e: {  	_ =	shalt  }
0x6f: {  	_ =	shalt  }
0x70: {  	_ =	shalt  }
0x71: {  	_ =	shalt  }
0x72: {  	_ =	shalt  }
0x73: {  	_ =	shalt  }
0x74: {  	_ =	shalt  }
0x75: {  	_ =	shalt  }
0x76: {  	_ =	shalt  }
0x77: {  	_ =	shalt  }
0x78: {  	_ =	shalt  }
0x79: {  	_ =	shalt  }
0x7a: {  	_ =	shalt  }
0x7b: {  	_ =	shalt  }
0x7c: {  	_ =	shalt  }
0x7d: {  	_ =	shalt  }
0x7e: {  	_ =	shalt  }
0x7f: {  	_ =	shalt  }
0x80: {  	_ =	shalt  }
0x81: {  	_ =	shalt  }
0x82: {  	_ =	shalt  }
0x83: {  	_ =	shalt  }
0x84: {  	_ =	shalt  }
0x85: {  	_ =	shalt  }
0x86: {  	_ =	shalt  }
0x87: {  	_ =	shalt  }
.Lfunc_end0:
.L_simem_size_0:
called_computation.1_lowered:
.L_overlay_start_0:
0x88: {  	s0 =	sld [smem:$0x3FD9]  }
0x89: {  	s1 =	sld [smem:$0x3FFE];
	_ =	sdelay $0x3  }
0x8a: {  	s0 =	sadd.s32 s1, s0  }
0x8b: {  	[smem:$0x3FA9] =	sst s0  }
0x8c: {  	_ = 	snop  }
0x8d: {  	(tm) =	ssettm $0x1  }
0x8e: {  	s15 =	sld [smem:$0x3FFB];
	_ =	sdelay $0x3  }
0x8f: {  	_ =	strace s15  }
0x90: {  	s0 =	sld [smem:$0x3FFC];
	_ =	sdelay $0x3  }
0x91: {  	_ =	strace s0  }
0x92: {  	s0 =	sld [smem:$0x3FFD];
	_ =	sdelay $0x3  }
0x93: {  	_ =	strace s0  }
0x94: {  	_ =	strace $0x8FFFFFFF  }
0x95: {  	s16 =	sld [smem:$0x3FDB];
	_ =	sdelay $0x1  }
0x96: {  	s17 =	simm.s32 $_scs_section_size  }
0x97: {  	s2 =	simm.s32 $_size__tile_overlayer_lowered;
	s3 =	simm.s32 $_tile_overlayer_lowered  }
0x98: {  	s20 =	simm.s32 $0x1BFF;
	s19 =	sshll.u32 s3, $0x1;
	s0 =	sadd.s32 s17, s16  }
0x99: {  	s4 =	simm.s32 $0x0;
	s18 =	sshll.u32 s2, $0x1;
	s2 =	sadd.s32 s19, s0  }
0x9a: {  	[timem:s4], [sflag:s20] =	dma.local [hbm:s2], s18  }
0x9b: {  	_ =	swait.ge [sflag:s20], s18  }
0x9c: {  	s1 =	ssub.s32 $0x0, s18;
	[sflag:s20] =	ssyncset.done $0x0  }
0x9d: {  	[sflag:s20] =	ssyncadd.s32 s1;
	_ =	sdelay $0x1  }
0x9e: {  	s21 =	simm.s32 $0x1B8B  }
0x9f: {  	_ =	swait.ge [sflag:s21], $0x1  }
0xa0: {  	[sflag:s21] =	ssyncset.done $0x0  }
0xa1: {  	s23 =	simm.s32 $0x1B8E;
	s22 =	sld [smem:$0x3FFE];
	[sflag:s21] =	ssyncadd.s32 $0xFFFFFFFF  }
0xa2: {  	s24 =	simm.s32 $execute0_lowered;
	[smem:$0x3FD2] =	sst s23  }
0xa3: {  	s2 =	sshll.u32 s24, $0x1;
	_ =	strace $0x8000004C;
	[dreg:$0x1] =	wrdreg $0xFFFFFFFF  }
0xa4: {  	s25 =	simm.s32 $_size_execute0_lowered;
	s0 =	sadd.s32 s0, s2;
	[dreg:$0x0] =	wrdreg $0x0  }
0xa5: {  	s2 =	sshll.u32 s25, $0x1;
	[dreg:$0x2] =	wrdreg s0  }
0xa6: {  	[dreg:$0x3] =	wrdreg s2  }
0xa7: {  	[dreg:$0x4] =	wrdreg $0xC0  }
0xa8: {  	_ =	task [dreg:s4], $0x5FFFF  }
0xa9: {  	[dreg:$0x1] =	wrdreg $0xFFFFFFFF  }
0xaa: {  	[dreg:$0x0] =	wrdreg $0x60  }
0xab: {  	[dreg:$0x2] =	wrdreg s22  }
0xac: {  	[dreg:$0x3] =	wrdreg $0xA  }
0xad: {  	_ =	task.clear_ibuf [dreg:s4], $0x4FFFF;
	_ =	strace $0x9000004C  }
0xae: {  	s26 =	simm.s32 $0xA;
	_ =	strace $0x8000004E  }
0xaf: {  	_ =	swait.ge [sflag:s26], $0x1  }
0xb0: {  	[sflag:s26] =	ssyncadd.s32 $0xFFFFFFFF  }
0xb1: {  	_ =	strace $0x9000004E  }
0xb2: {  	_ =	sfence  }
0xb3: {  	s28 =	sld [smem:$0x0];
	_ =	sdelay $0x1  }
0xb4: {  	s29 =	srdreg.scid  }
0xb5: {  	s30 =	sshll.u32 s29, $0xD;
	s31 =	sshrl.u32 s29, $0x2  }
0xb6: {  	s1 =	sand.u32 $0x1, s29;
	s2 =	sand.u32 $0x4000, s30;
	s0 =	sadd.s32 s31, s28  }
0xb7: {  	s1 =	sor.u32 s2, s1;
	s0 =	sshll.u32 s0, $0x11  }
0xb8: {  	s0 =	sor.u32 s0, s1  }
0xb9: {  	s0 =	sadd.s32 $0x8F2B, s0  }
0xba: {  	[sflag:s0] =	ssyncadd.remote.s32 $0x1  }
0xbb: {  	_ =	sfence.sel $0xFFFF  }
0xbc: {  	[dreg:$0x0] =	wrdreg $0xFFFFFFFF;
	(pc) =	sbr.abs _section_cstart, $3  }
0xbd: {  	[dreg:$0x1] =	wrdreg $0xFFFFFFFF  }
0xbe: {  	_ =	task.clear_ibuf [dreg:s4], $0x2FFFF;
	_ =	strace $0x9FFFFFFF  }
0xbf: {  	(tm) =	ssettm $0x7FFFFFFF  }
tec
execute0_lowered:
.L_overlay_start_1:
0x0: {  	(tag) =	ssettag $0x1  }
0x1: {  	s0 =	rddreg [dreg:$0x0];
	_ =	strace $0x8000004D;
	s1 =	simm.s32 $0x1  }
0x2: {  	s8 =	simm.s32 $0x88;
	v0 =	vimm.s32 $0x0;
	[sflag:s1] =	ssyncpa.u1 $0x0  }
0x3: {  	[tilespmem:s8+$0x30] =	vst v0  }
0x4: {  	s1 =	sadd.s32 $0x400, s0;
	s3 =	sadd.s32 $0x3A0800, s0;
	[tilespmem:s8+$0x20] =	vst v0  }
0x5: {  	s4 =	sadd.s32 $0xC3C00, s0;
	s5 =	sadd.s32 $0x3A2200, s0;
	s0 =	simm.s32 $0x40;
	[tilespmem:s8+$0x10] =	vst v0  }
.LBB2_1:
0x6: {  	s0 =	sadd.s32 $0x40, s0  }
0x7: {  	[tilespmem:s8+$0x0] =	vst v0;
	s8 =	sadd.s32 $0x40, s8;
	p0 =	slt.u32 s0, $0x5040  }
.Ltmp0:
0x8: {  	(pc) =	sbr.rel @p0 .LBB2_1-.Ltmp0, $4  }
0x9: {  	_ = 	snop  }
0xa: {  	[tilespmem:s8+$0x30] =	vst v0  }
0xb: {  	[tilespmem:s8+$0x20] =	vst v0  }
0xc: {  	[tilespmem:s8+$0x10] =	vst v0  }
0xd: {  	s9 =	stileid.u32  }
0xe: {  	s0 =	smul.u32 $0x9, s9  }
0xf: {  	s2 =	smin.u32 s9, $0xD  }
0x10: {  	s0 =	sadd.s32 s2, s0  }
0x11: {  	p0 =	slt.u32 s9, $0xD;
	s6 =	smul.u32 $0x140, s0;
	s0 =	simm.s32 $0xC80  }
0x12: {  	s0 =	simm.s32 @!p0 $0xB40  }
0x13: {  	s0 =	sadd.s32 s0, s6  }
0x14: {  	s7 =	smin.u32 s0, $0xC350  }
0x15: {  	s0 =	ssub.s32 s7, s6  }
0x16: {  	p0 =	sgt.s32 s0, $0x0  }
0x17: {  	s0 =	simm.s32 @!p0 $0x0  }
0x18: {  	s29 =	simm.s32 $0x2;
	s10 =	simm.s32 $0x7;
	s28 =	smul.u32 $0xCCCD, s0  }
0x19: {  	s31 =	simm.s32 $0x8;
	s11 =	simm.s32 $0x1;
	s15 =	simm.s32 $0x0  }
0x1a: {  	p1 =	por $0x0, $0x0;
	s16 =	simm.s32 $0xA;
	s2 =	sshrl.u32 s28, $0x18  }
0x1b: {  	s20 =	simm.s32 $0x0;
	s17 =	simm.s32 $0x0;
	s30 =	smul.u32 $0x140, s2  }
.Ltmp1:
0x1c: {  	[tilespmem:s8+$0x0] =	vst v0;
	v0 =	vimm.s32 $0xFFFFFFFF;
	s19 =	simm.s32 $0x0;
	[sflag:s29] =	ssyncpa.u1 $0x0;
	(pc) =	sbr.rel .LBB2_3-.Ltmp1, $4  }
0x1d: {  	[tilespmem:$0xA108] =	vst v0;
	[sflag:s10] =	ssyncpa.u1 $0x0;
	p0 =	sne.s32 s0, s30;
	s0 =	simm.s32 $0x1  }
0x1e: {  	s10 =	simm.s32 $0x9;
	[sflag:s31] =	ssyncpa.u1 $0x0;
	s0 =	simm.s32 @!p0 $0x0  }
0x1f: {  	s13 =	sshll.u32 s9, $0x7;
	[sflag:s10] =	ssyncpa.u1 $0x0;
	s12 =	sadd.s32 s2, s0  }
0x20: {  	v0 =	vlaneseq.u32;
	s18 =	smov.u32 s6;
	p0 =	por $0x1, $0x1;
	s14 =	sadd.s32 $0x1, s12  }
.LBB2_24:
0x21: {  	s0 =	sshrl.u32 s29, $0x2  }
.LBB2_26:
0x22: {  	_ =	swait.ge [sflag:s16], s0  }
0x23: {  	s31 =	ssub.s32 $0x0, s0;
	v1 =	vmov s22;
	vm0 =	veq.s32 v0, $0x0;
	[sflag:s16] =	ssyncset.done $0x0  }
0x24: {  	vm15 =	veq.s32 v0, $0x2;
	v1 =	vsel vm0, s28, v1;
	[sflag:s16] =	ssyncadd.s32 s31  }
0x25: {  	v1 =	vsel vm15, s20, v1;
	[sflag:s16] =	ssyncpa.u1 $0x1  }
0x26: {  	[tilespmem:$0xA108] =	vst v1  }
.LBB2_27:
0x27: {  	s0 =	sadd.s32 $0x140, s18  }
0x28: {  	s2 =	smov.u32 s6;
	p2 =	slt.s32 s0, s7  }
0x29: {  	s2 =	smov.u32 @p2 s0;
	p2 =	sne.s32 s19, s14  }
.Ltmp2:
0x2a: {  	_ = 	snop;
	(pc) =	sbr.rel @!p2 .LBB2_28-.Ltmp2, $4  }
0x2b: {  	_ = 	snop  }
0x2c: {  	s20 =	smov.u32 s17  }
0x2d: {  	s31 =	sadd.s32 $0x1, s19;
	s17 =	smov.u32 s18;
	p0 =	por !p0, !p0  }
0x2e: {  	p1 =	por !p1, !p1;
	s19 =	smov.u32 s31;
	s18 =	smov.u32 s2  }
.LBB2_3:
0x2f: {  	p2 =	sge.u32 s19, s12  }
0x30: {  	s0 =	smulhi.u32 @!p2 $0xAAAAAAAB, s19  }
0x31: {  	s2 =	smov.u32 s18;
	p3 =	sgt.s32 @!p2 s18, $0xC210  }
0x32: {  	s8 =	sshra.s32 @!p2 s18, $0x1F;
	p3 =	por !p3, p2;
	s0 =	sshrl.u32 @!p2 s0, $0x1  }
0x33: {  	s8 =	sand.u32 @!p2 s8, s18;
	s2 =	simm.s32 @p3 $0xC210;
	s0 =	smul.u32 @!p2 $0x3, s0  }
0x34: {  	s2 =	ssub.s32 @!p2 s2, s8  }
0x35: {  	s22 =	sadd.s32 $0xFFFFFFFF, s19;
	s2 =	sadd.s32 @!p2 $0xFFFF3DF0, s2;
	s0 =	ssub.s32 @!p2 s19, s0  }
0x36: {  	s8 =	sshll.u32 @!p2 s2, $0x2;
	p3 =	sgt.s32 @!p2 s2, $0x13F;
	s0 =	smul.u32 @!p2 $0x500, s0  }
0x37: {  	s21 =	sand.u32 @!p2 $0x7, s18;
	s2 =	ssub.s32 @!p2 $0x500, s8;
	p3 =	por !p3, p2  }
0x38: {  	s8 =	sshrl.u32 @!p2 s18, $0x3;
	s2 =	sshrl.u32 @!p2 s2, $0x2;
	s0 =	sshrl.u32 @!p2 s0, $0x2  }
0x39: {  	s8 =	sadd.s32 @!p2 s5, s8;
	s2 =	simm.s32 @!p3 $0x0;
	s0 =	sadd.s32 @!p2 $0xA938, s0  }
0x3a: {  	[tilespmem:s0], [sflag:$0x8] =	stream.linear.gather @!p2 [hbm4b:s8+s21], s2, $0x38;
	[tilespmem:$0x1EF78] =	vst v63  }
0x3b: {  	p2 =	sge.u32 s22, s12  }
0x3c: {  	p3 =	sgt.s32 @!p2 s17, $0xC210  }
0x3d: {  	s0 =	smov.u32 s17;
	s2 =	sshra.s32 @!p2 s17, $0x1F;
	p3 =	por !p3, p2  }
0x3e: {  	s2 =	sand.u32 @!p2 s2, s17;
	s0 =	simm.s32 @p3 $0xC210  }
0x3f: {  	s0 =	ssub.s32 @!p2 s0, s2  }
0x40: {  	s0 =	sadd.s32 @!p2 $0xFFFF3DF0, s0  }
0x41: {  	s2 =	sshll.u32 @!p2 s0, $0x2  }
0x42: {  	p3 =	sgt.s32 @!p2 s0, $0x13F;
	s0 =	ssub.s32 @!p2 $0x500, s2  }
0x43: {  	p3 =	por !p3, p2;
	s0 =	sshrl.u32 @!p2 s0, $0x2  }
0x44: {  	s8 =	simm.s32 @!p2 $0x8;
	s2 =	sand.u32 @!p2 $0x1, s22;
	s0 =	simm.s32 @!p3 $0x0  }
0x45: {  	s2 =	smul.u32 @!p2 $0x500, s2;
	_ =	swait.ge @!p2 [sflag:s8], s0  }
0x46: {  	s21 =	ssub.s32 @!p2 $0x0, s0;
	[sflag:s8] =	ssyncset.done @!p2 $0x0  }
0x47: {  	s2 =	sshrl.u32 @!p2 s2, $0x2;
	[sflag:s8] =	ssyncadd.s32 @!p2 s21;
	s8 =	sshrl.u32 @!p2 s17, $0x3  }
0x48: {  	s2 =	sadd.s32 @!p2 $0xACF8, s2;
	s21 =	sand.u32 @!p2 $0x7, s17;
	s8 =	sadd.s32 @!p2 s3, s8  }
0x49: {  	[tilespmem:s2], [sflag:$0x9] =	stream.linear.gather @!p2 [hbm4b:s8+s21], s0, $0x38;
	[tilespmem:$0x1EF78] =	vst v63  }
0x4a: {  	s21 =	ssub.s32 @!p2 $0xC350, s17  }
0x4b: {  	p3 =	slt.s32 @!p2 s21, $0x1  }
0x4c: {  	p3 =	por p2, p3  }
.Ltmp3:
0x4d: {  	_ = 	snop;
	(pc) =	sbr.rel @p3 .LBB2_9-.Ltmp3, $1  }
0x4e: {  	_ =	sdelay $0x3  }
0x4f: {  	s0 =	smulhi.u32 $0xAAAAAAAB, s22;
	_ =	sdelay $0x1  }
0x50: {  	s0 =	sshrl.u32 s0, $0x1  }
0x51: {  	s0 =	smul.u32 $0x3, s0;
	_ =	sdelay $0x1  }
0x52: {  	s0 =	ssub.s32 s22, s0  }
0x53: {  	s2 =	simm.s32 $0x1;
	s0 =	smul.u32 $0x500, s0  }
.Ltmp4:
0x54: {  	s2 =	simm.s32 @!p0 $0x0;
	(pc) =	sbr.rel .LBB2_6-.Ltmp4, $4  }
0x55: {  	s2 =	smul.u32 $0x28000, s2  }
0x56: {  	p3 =	slt.s32 @!p2 s21, $0x140;
	s0 =	sshrl.u32 s0, $0x2  }
0x57: {  	p2 =	por !p3, p2;
	s2 =	sshrl.u32 s2, $0x2;
	s0 =	sadd.s32 $0xA938, s0  }
0x58: {  	s23 =	simm.s32 $0x0;
	s21 =	simm.s32 @p2 $0x140;
	s22 =	sadd.s32 $0xAF78, s2;
	v1 =	vmov s0  }
.LBB2_5:
0x59: {  	p2 =	sge.s32 s23, s21  }
.Ltmp5:
0x5a: {  	_ = 	snop;
	(pc) =	sbr.rel @p2 .LBB2_9-.Ltmp5, $2  }
0x5b: {  	_ =	sdelay $0x2  }
0x5c: {  	s22 =	sadd.s32 $0x800, s22  }
.LBB2_6:
0x5d: {  	p2 =	sle.s32 s21, s23  }
.Ltmp6:
0x5e: {  	_ = 	snop;
	(pc) =	sbr.rel @p2 .LBB2_5-.Ltmp6, $2  }
0x5f: {  	_ =	sdelay $0x2  }
0x60: {  	s24 =	smov.u32 s23;
	s23 =	sadd.s32 $0x10, s23  }
0x61: {  	s0 =	ssub.s32 s21, s24  }
0x62: {  	p2 =	slt.s32 s0, $0x10  }
0x63: {  	s0 =	simm.s32 @!p2 $0x10  }
0x64: {  	v2 =	vmov s0  }
0x65: {  	vm0 =	vgt.s32 v2, v0;
	_ =	sdelay $0x5  }
0x66: {  	v2 =	vld.idx.msk [tilespmem:v1+s24+$0x0 ss:$0x1], vm0;
	_ =	sdelay $0x2  }
0x67: {  	p2 =	slt.s32 s23, s21;
	s0 =	smov.u32 s21  }
0x68: {  	s2 =	smov.u32 s22;
	s25 =	simm.s32 $0x0;
	s0 =	smov.u32 @p2 s23  }
.LBB2_8:
0x69: {  	(v2sf) =	vpush v2, s25;
	_ =	sdelay $0xc  }
0x6a: {  	s25 =	sadd.s32 $0x1, s25  }
0x6b: {  	s31 =	sadd.s32 s25, s24  }
0x6c: {  	p2 =	slt.s32 s31, s0;
	s8 =	spop (v2sf)  }
.Ltmp7:
0x6d: {  	s8 =	sshll.u32 s8, $0x4;
	(pc) =	sbr.rel @p2 .LBB2_8-.Ltmp7, $4  }
0x6e: {  	s8 =	sand.u32 $0x1FFFFFF0, s8  }
0x6f: {  	s8 =	sadd.s32 s4, s8  }
0x70: {  	[tilespmem:s2], [sflag:$0x7] =	stream.linear.gather [hbm4b:s8+s15], $0x40, $0x38;
	[tilespmem:$0x1EF78] =	vst v63  }
0x71: {  	s2 =	sadd.s32 $0x80, s2  }
.Ltmp8:
0x72: {  	_ = 	snop;
	(pc) =	sbr.rel .LBB2_5-.Ltmp8, $1  }
0x73: {  	_ =	sdelay $0x3  }
.LBB2_9:
0x74: {  	p2 =	slt.u32 s19, $0x2  }
.Ltmp9:
0x75: {  	_ = 	snop;
	(pc) =	sbr.rel @p2 .LBB2_27-.Ltmp9, $1  }
0x76: {  	_ =	sdelay $0x3  }
0x77: {  	p2 =	sgt.s32 s20, $0xC210;
	s0 =	smov.u32 s20  }
0x78: {  	s2 =	sshra.s32 s20, $0x1F;
	s8 =	ssub.s32 $0xC350, s20;
	s0 =	simm.s32 @!p2 $0xC210  }
0x79: {  	s2 =	sand.u32 s2, s20;
	p2 =	slt.s32 s8, $0x140;
	s21 =	smov.u32 s8  }
0x7a: {  	s0 =	ssub.s32 s0, s2;
	s21 =	simm.s32 @!p2 $0x140  }
0x7b: {  	s0 =	sadd.s32 $0xFFFF3DF0, s0;
	s26 =	sshll.u32 s21, $0x6  }
0x7c: {  	s9 =	simm.s32 $0x7;
	s29 =	sshll.u32 s0, $0x2;
	s2 =	sand.u32 $0x3FFFFFC0, s26  }
0x7d: {  	p2 =	sgt.s32 s0, $0x13F;
	s30 =	ssub.s32 $0x500, s29;
	_ =	swait.ge [sflag:s9], s2  }
0x7e: {  	s2 =	ssub.s32 $0x0, s2;
	[sflag:s9] =	ssyncset.done $0x0;
	s0 =	sshrl.u32 s30, $0x2  }
0x7f: {  	[sflag:s9] =	ssyncadd.s32 s2;
	s0 =	simm.s32 @p2 $0x0  }
0x80: {  	_ =	swait.ge [sflag:s10], s0  }
0x81: {  	s0 =	ssub.s32 $0x0, s0;
	[sflag:s10] =	ssyncset.done $0x0  }
0x82: {  	[sflag:s10] =	ssyncadd.s32 s0  }
0x83: {  	v1 =	vld [tilespmem:$0xA108];
	_ =	sdelay $0x4  }
0x84: {  	(v2sf) =	vpush v1, $0x0  }
0x85: {  	(v2sf) =	vpush v1, $0x1  }
0x86: {  	(v2sf) =	vpush v1, $0x2;
	_ =	sdelay $0x3  }
0x87: {  	s0 =	sadd.s32 $0x140, s20  }
0x88: {  	p2 =	slt.s32 s7, s0  }
0x89: {  	s0 =	smov.u32 @p2 s7;
	p2 =	sgt.s32 s8, $0x0  }
0x8a: {  	s24 =	ssub.s32 s0, s20;
	s8 =	simm.s32 @!p2 $0x0  }
0x8b: {  	p2 =	slt.s32 s8, s24  }
0x8c: {  	s24 =	smov.u32 @p2 s8  }
0x8d: {  	s23 =	simm.s32 $0x1;
	p2 =	slt.s32 s24, $0x1  }
.Ltmp10:
0x8e: {  	s23 =	simm.s32 @!p1 $0x0;
	(pc) =	sbr.rel @p2 .LBB2_14-.Ltmp10, $4  }
0x8f: {  	s31 =	smul.u32 $0x500, s23  }
0x90: {  	s25 =	spop (v2sf)  }
0x91: {  	s0 =	sshrl.u32 s31, $0x2;
	s28 =	spop (v2sf)  }
0x92: {  	s21 =	sadd.s32 $0xACF8, s0;
	s20 =	spop (v2sf)  }
0x93: {  	s0 =	smin.u32 s24, $0x10  }
0x94: {  	v1 =	vmov s0  }
0x95: {  	p3 =	sgt.s32 s24, $0x10;
	vm1 =	vgt.u32 v1, v0  }
.Ltmp11:
0x96: {  	_ = 	snop;
	(pc) =	sbr.rel @!p3 .LBB2_13-.Ltmp11, $2  }
0x97: {  	_ =	sdelay $0x2  }
0x98: {  	s26 =	simm.s32 $0x10;
	s29 =	sadd.s32 $0xFFFFFFF0, s24;
	s22 =	smov.u32 s21;
	vm0 =	vmmov vm1  }
.LBB2_12:
0x99: {  	s0 =	smin.u32 s29, $0x10;
	s26 =	sadd.s32 $0x10, s26;
	v1 =	vld.msk [tilespmem:s22+$0x0 ss:$0x1], vm1  }
0x9a: {  	v2 =	vmov s0;
	p3 =	slt.s32 s26, s24  }
0x9b: {  	vm1 =	vgt.u32 v2, v0  }
.Ltmp12:
0x9c: {  	(pc) =	sbr.rel @p3 .LBB2_12-.Ltmp12, $3  }
0x9d: {  	_ =	sdelay $0x1  }
0x9e: {  	v1 =	vshll.u32 v1, $0x4  }
0x9f: {  	s29 =	sadd.s32 $0xFFFFFFF0, s29;
	[tilespmem:s22+$0x0] =	vst.msk vm0, v1;
	s22 =	sadd.s32 $0x10, s22;
	vm0 =	vmmov vm1  }
.LBB2_13:
0xa0: {  	_ =	sdelay $0x4  }
0xa1: {  	v1 =	vld.msk [tilespmem:s22+$0x0 ss:$0x1], vm1;
	_ =	sdelay $0x4  }
0xa2: {  	v1 =	vshll.u32 v1, $0x4  }
0xa3: {  	[tilespmem:s22+$0x0] =	vst.msk vm0, v1  }
.LBB2_14:
0xa4: {  	s0 =	sand.u32 $0x1, s19  }
0xa5: {  	s0 =	smul.u32 $0x140, s0  }
0xa6: {  	p3 =	sne.s32 s28, $0xFFFFFFFF  }
0xa7: {  	v1 =	vld.msk @!p3 [tilespmem:s0+$0xACF8], $0x1;
	_ =	sdelay $0x4  }
0xa8: {  	(v2sf) =	vpush @!p3 v1, $0x0;
	_ =	sdelay $0xc  }
.Ltmp13:
0xa9: {  	_ = 	snop;
	(pc) =	sbr.rel @p2 .LBB2_25-.Ltmp13, $4  }
0xaa: {  	_ = 	snop  }
0xab: {  	s26 =	spop @!p3 (v2sf)  }
0xac: {  	s20 =	simm.s32 @!p3 $0x0;
	s22 =	smov.u32 s26  }
0xad: {  	[sflag:s16] =	ssyncpa.u1 $0x0;
	s26 =	smov.u32 @p3 s25;
	s22 =	smov.u32 @p3 s28  }
0xae: {  	v1 =	vld.msk [tilespmem:s21+$0x0], $0x1;
	_ =	sdelay $0x4  }
0xaf: {  	(v2sf) =	vpush v1, $0x0;
	_ =	sdelay $0xe  }
0xb0: {  	s0 =	smul.u32 $0x28000, s23;
	s30 =	spop (v2sf)  }
0xb1: {  	s24 =	ssub.s32 $0x0, s24;
	p2 =	seq.s32 s26, s30  }
0xb2: {  	s28 =	sadd.s32 $0x1, s24;
	s0 =	sshrl.u32 s0, $0x2;
	p3 =	sgt.s32 @!p2 s26, $0x0  }
0xb3: {  	s23 =	sadd.s32 $0xAF98, s0;
	s0 =	smov.u32 s26;
	p3 =	por !p3, p2  }
0xb4: {  	s0 =	simm.s32 @p3 $0x0;
	p3 =	seq.s32 s28, $0x0  }
.Ltmp14:
0xb5: {  	_ = 	snop;
	(pc) =	sbr.rel @p3 .LBB2_17-.Ltmp14, $4  }
0xb6: {  	_ = 	snop  }
0xb7: {  	s25 =	simm.s32 $0x0;
	s31 =	simm.s32 @!p2 $0x1;
	s2 =	smin.u32 @!p2 s0, $0xFF8  }
0xb8: {  	s29 =	sadd.s32 $0x1, s21;
	s31 =	smov.u32 @p2 s25;
	s8 =	sand.u32 @!p2 $0xFF8, s2  }
0xb9: {  	s0 =	simm.s32 @!p2 $0x50C8;
	s2 =	sand.u32 @!p2 $0x7, s2;
	s8 =	sadd.s32 @!p2 s1, s8  }
.LBB2_16:
0xba: {  	s9 =	smov.u32 s31  }
0xbb: {  	[tilespmem:s0], [sflag:$0x2] =	stream.linear.gather @!p2 [hbm4b:s8+s2], $0x40, $0x38;
	[tilespmem:$0x1EF78] =	vst v63  }
0xbc: {  	s28 =	sadd.s32 $0x1, s28;
	s2 =	smov.u32 s30;
	v1 =	vld.msk [tilespmem:s29+$0x0], $0x1  }
0xbd: {  	p3 =	seq.s32 s28, $0x0;
	_ =	sdelay $0x3  }
0xbe: {  	(v2sf) =	vpush v1, $0x0;
	_ =	sdelay $0xe  }
0xbf: {  	s30 =	spop (v2sf)  }
0xc0: {  	p2 =	seq.s32 s2, s30  }
0xc1: {  	p4 =	sgt.s32 @!p2 s2, $0x0;
	s0 =	sshll.u32 @!p2 s31, $0x8;
	s31 =	sadd.s32 @!p2 $0x1, s31  }
.Ltmp15:
0xc2: {  	p4 =	por !p4, p2;
	s0 =	sshra.s32 @!p2 s0, $0x2;
	(pc) =	sbr.rel @!p3 .LBB2_16-.Ltmp15, $4  }
0xc3: {  	s31 =	smov.u32 @p2 s9;
	s2 =	simm.s32 @p4 $0x0;
	s0 =	sadd.s32 @!p2 $0x50C8, s0  }
0xc4: {  	s2 =	smin.u32 @!p2 s2, $0xFF8  }
0xc5: {  	s8 =	sand.u32 @!p2 $0xFF8, s2;
	s2 =	sand.u32 @!p2 $0x7, s2  }
0xc6: {  	s29 =	sadd.s32 $0x1, s29;
	s8 =	sadd.s32 @!p2 s1, s8  }
.LBB2_17:
0xc7: {  	[tilespmem:s0], [sflag:$0x2] =	stream.linear.gather @!p2 [hbm4b:s8+s2], $0x40, $0x38;
	[tilespmem:$0x1EF78] =	vst v63  }
.Ltmp16:
0xc8: {  	s30 =	sshll.u32 s31, $0x6;
	(pc) =	sbr.rel .LBB2_18-.Ltmp16, $4  }
0xc9: {  	s31 =	simm.s32 $0x2;
	s0 =	sand.u32 $0x3FFFFFC0, s30  }
0xca: {  	_ =	swait.ge [sflag:s31], s0  }
0xcb: {  	s0 =	ssub.s32 $0x0, s0;
	[sflag:s31] =	ssyncset.done $0x0  }
0xcc: {  	s29 =	simm.s32 $0x0;
	[sflag:s31] =	ssyncadd.s32 s0  }
.LBB2_19:
0xcd: {  	v1 =	vld [tilespmem:s23+$0xFFFFFFE0];
	_ =	sdelay $0x4  }
0xce: {  	[tilespmem:s30+$0x88] =	vst.add.f32.msk $0xffff, v1  }
0xcf: {  	v1 =	vld [tilespmem:s23+$0xFFFFFFF0];
	_ =	sdelay $0x4  }
0xd0: {  	[tilespmem:s30+$0x98] =	vst.add.f32.msk $0xffff, v1  }
0xd1: {  	v1 =	vld [tilespmem:s23+$0x0];
	_ =	sdelay $0x4  }
0xd2: {  	[tilespmem:s30+$0xA8] =	vst.add.f32.msk $0xffff, v1  }
0xd3: {  	v1 =	vld [tilespmem:s23+$0x10];
	_ =	sdelay $0x4  }
0xd4: {  	[tilespmem:s30+$0xB8] =	vst.add.f32.msk $0xffff, v1  }
.LBB2_23:
0xd5: {  	s24 =	sadd.s32 $0x1, s24  }
0xd6: {  	p2 =	seq.s32 s24, $0x0  }
.Ltmp17:
0xd7: {  	_ = 	snop;
	(pc) =	sbr.rel @p2 .LBB2_24-.Ltmp17, $2  }
0xd8: {  	_ =	sdelay $0x2  }
0xd9: {  	s23 =	sadd.s32 $0x80, s23;
	s21 =	sadd.s32 $0x1, s21;
	s26 =	smov.u32 s28  }
.LBB2_18:
0xda: {  	v1 =	vld.msk [tilespmem:s21+$0x0], $0x1;
	_ =	sdelay $0x4  }
0xdb: {  	(v2sf) =	vpush v1, $0x0;
	_ =	sdelay $0xe  }
0xdc: {  	s28 =	spop (v2sf)  }
0xdd: {  	p2 =	sne.s32 s26, s28  }
.Ltmp18:
0xde: {  	_ = 	snop;
	(pc) =	sbr.rel @!p2 .LBB2_19-.Ltmp18, $3  }
0xdf: {  	_ =	sdelay $0x1  }
0xe0: {  	s0 =	sshll.u32 s20, $0x8  }
0xe1: {  	s30 =	sshra.s32 s0, $0x2  }
0xe2: {  	p2 =	seq.s32 s26, s22  }
.Ltmp19:
0xe3: {  	_ = 	snop;
	(pc) =	sbr.rel @!p2 .LBB2_21-.Ltmp19, $1  }
0xe4: {  	_ =	sdelay $0x3  }
.Ltmp20:
0xe5: {  	s0 =	sadd.s32 $0x88, s30;
	(pc) =	sbr.rel .LBB2_22-.Ltmp20, $4  }
0xe6: {  	[spmem:s13] =	stream.linear.scatter [tilespmem:s0], [sflag:$0x1], $0x40, $0x38;
	[tilespmem:$0x1EF78] =	vst v63  }
0xe7: {  	_ =	swait.ge [sflag:s11], $0x40  }
0xe8: {  	[sflag:s11] =	ssyncset.done $0x0  }
0xe9: {  	[sflag:s11] =	ssyncadd.s32 $0xFFFFFFC0  }
.LBB2_21:
0xea: {  	s0 =	sshll.u32 s25, $0x8  }
0xeb: {  	s0 =	sshra.s32 s0, $0x2  }
0xec: {  	v1 =	vld [tilespmem:s0+$0x50C8];
	_ =	sdelay $0x4  }
0xed: {  	[tilespmem:s30+$0x88] =	vst.add.f32.msk $0xffff, v1  }
0xee: {  	v1 =	vld [tilespmem:s0+$0x50D8];
	_ =	sdelay $0x4  }
0xef: {  	[tilespmem:s30+$0x98] =	vst.add.f32.msk $0xffff, v1  }
0xf0: {  	v1 =	vld [tilespmem:s0+$0x50E8];
	_ =	sdelay $0x4  }
0xf1: {  	[tilespmem:s30+$0xA8] =	vst.add.f32.msk $0xffff, v1  }
0xf2: {  	v1 =	vld [tilespmem:s0+$0x50F8];
	_ =	sdelay $0x2  }
0xf3: {  	p2 =	sgt.u32 s26, $0xFF8  }
0xf4: {  	s0 =	sand.u32 @!p2 $0xFF8, s26  }
0xf5: {  	s2 =	sadd.s32 $0x88, s30;
	s8 =	sand.u32 @!p2 $0x7, s26;
	s0 =	sadd.s32 @!p2 s1, s0;
	[tilespmem:s30+$0xB8] =	vst.add.f32.msk $0xffff, v1  }
0xf6: {  	[hbm4b:s0+s8] =	stream.linear.scatter @!p2 [tilespmem:s2], [sflag:$0xA], $0x40, $0x38;
	[tilespmem:$0x1EF78] =	vst v63  }
0xf7: {  	s0 =	simm.s32 $0x0  }
0xf8: {  	s0 =	simm.s32 @!p2 $0x100  }
0xf9: {  	s29 =	sadd.s32 s0, s29  }
.LBB2_22:
0xfa: {  	s0 =	sadd.s32 $0x1, s20  }
0xfb: {  	s2 =	smulhi.u32 $0xCCCCCCCD, s0;
	_ =	sdelay $0x1  }
0xfc: {  	v1 =	vld [tilespmem:s23+$0xFFFFFFE0];
	s2 =	sshrl.u32 s2, $0x8  }
0xfd: {  	s2 =	smul.u32 $0x140, s2;
	_ =	sdelay $0x1  }
0xfe: {  	s20 =	ssub.s32 s0, s2  }
0xff: {  	s0 =	sshll.u32 s20, $0x6  }
0x100: {  	[tilespmem:s0+$0x88] =	vst v1  }
0x101: {  	v1 =	vld [tilespmem:s23+$0xFFFFFFF0];
	_ =	sdelay $0x4  }
0x102: {  	[tilespmem:s0+$0x98] =	vst v1  }
0x103: {  	v1 =	vld [tilespmem:s23+$0x0];
	_ =	sdelay $0x4  }
0x104: {  	[tilespmem:s0+$0xA8] =	vst v1  }
0x105: {  	v1 =	vld [tilespmem:s23+$0x10]  }
.Ltmp21:
0x106: {  	_ = 	snop;
	(pc) =	sbr.rel .LBB2_23-.Ltmp21, $2  }
0x107: {  	_ =	sdelay $0x2  }
0x108: {  	s25 =	sadd.s32 $0x1, s25;
	[tilespmem:s0+$0xB8] =	vst v1  }
.LBB2_25:
.Ltmp22:
0x109: {  	(pc) =	sbr.rel .LBB2_26-.Ltmp22, $4  }
0x10a: {  	_ = 	snop  }
0x10b: {  	s0 =	simm.s32 $0x2  }
0x10c: {  	_ =	swait.ge [sflag:s0], $0x0  }
0x10d: {  	s28 =	smov.u32 s26;
	[sflag:s0] =	ssyncset.done $0x0;
	s0 =	simm.s32 $0x0  }
.LBB2_28:
0x10e: {  	_ =	sfence.sel $0x180000  }
0x10f: {  	s0 =	simm.s32 $0x7;
	[bflag:$0x0] =	sbarrier.arrive $0xFFFF  }
0x110: {  	s25 =	simm.s32 $0x8;
	[sflag:s0] =	ssyncpa.u1 $0x1  }
0x111: {  	s26 =	simm.s32 $0x9;
	[sflag:s25] =	ssyncpa.u1 $0x1  }
0x112: {  	s28 =	simm.s32 $0x2;
	[sflag:s26] =	ssyncpa.u1 $0x1  }
0x113: {  	[sflag:s28] =	ssyncpa.u1 $0x1  }
0x114: {  	v0 =	vld [tilespmem:$0xA108];
	_ =	sdelay $0x4  }
0x115: {  	(v2sf) =	vpush v0, $0x0  }
0x116: {  	(v2sf) =	vpush v0, $0x1;
	_ =	sdelay $0x1  }
0x117: {  	(v2sf) =	vpush v0, $0x2;
	_ =	sdelay $0xb  }
0x118: {  	s0 =	spop (v2sf)  }
0x119: {  	s2 =	spop (v2sf)  }
0x11a: {  	s3 =	smov.u32 s0;
	p0 =	sne.s32 s0, s2  }
0x11b: {  	s4 =	spop (v2sf);
	s3 =	simm.s32 @!p0 $0xFFFFFFFF  }
0x11c: {  	v2 =	vimm.s32 $0x1;
	v3 =	vlaneseq.u32;
	p0 =	seq.s32 s4, $0xFFFFFFFF;
	v1 =	vmov s3  }
0x11d: {  	s7 =	stileid.u32;
	v0 =	vperm.xlane v0, v2;
	p1 =	sne.s32 @!p0 s0, s2;
	v1 =	vperm.xlane v1, v3  }
0x11e: {  	vm0 =	vcmask $0x3F04;
	s6 =	simm.s32 $0xA108;
	s0 =	simm.s32 @!p0 $0x1;
	p1 =	por !p1, p0  }
0x11f: {  	s3 =	sshll.u32 s7, $0x1;
	s2 =	sshll.u32 @!p0 s4, $0x8;
	s0 =	simm.s32 @p1 $0x0;
	v0 =	vsel vm0, v1, v0  }
0x120: {  	s5 =	sor.u32 $0x800, s3;
	s2 =	sshra.s32 @!p0 s2, $0x2;
	s0 =	sor.u32 @!p0 s0, s3;
	[tilespmem:$0xA108] =	vst v0  }
0x121: {  	[spmem:s5] =	stream.linear.scatter [tilespmem:s6], [sflag:$0x1], $0x2, $0x38;
	[tilespmem:$0x1EF78] =	vst v63  }
0x122: {  	s2 =	sadd.s32 @!p0 $0x88, s2;
	s0 =	sshll.u32 @!p0 s0, $0x6  }
0x123: {  	[spmem:s0] =	stream.linear.scatter @!p0 [tilespmem:s2], [sflag:$0x1], $0x40, $0x38;
	[tilespmem:$0x1EF78] =	vst v63  }
0x124: {  	s2 =	simm.s32 @!p0 $0x42  }
0x125: {  	s0 =	simm.s32 $0x1;
	s2 =	simm.s32 @p0 $0x2  }
0x126: {  	_ =	swait.ge [sflag:s0], s2  }
0x127: {  	s2 =	ssub.s32 $0x0, s2;
	[sflag:s0] =	ssyncset.done $0x0  }
0x128: {  	[sflag:s0] =	ssyncadd.s32 s2  }
0x129: {  	_ =	sfence.stream.spmem  }
0x12a: {  	s29 =	simm.s32 $0x3;
	[bflag:$0x0] =	sbarrier.arrive $0xFFFF  }
0x12b: {  	s30 =	simm.s32 $0x4;
	[sflag:s29] =	ssyncpa.u1 $0x1  }
0x12c: {  	s31 =	simm.s32 $0x3C;
	[sflag:s30] =	ssyncpa.u1 $0x1  }
0x12d: {  	p0 =	sne.s32 s7, $0x0;
	[sflag:s31] =	ssyncpa.u1 $0x1  }
0x12e: {  	_ =	sfence @p0  }
0x12f: {  	[sflag:s0] =	ssyncpa.u1 @p0 $0x1  }
0x130: {  	_ =	strace @p0 $0x9000004D  }
0x131: {  	[bflag:$0x2] =	sbarrier.arrive @p0 $0xFFFF  }
0x132: {  	_ =	shalt @p0  }
.LBB2_29:
0x133: {  	_ =	sfence.stream.spmem;
	s0 =	simm.s32 $0x5  }
0x134: {  	s2 =	simm.s32 $0x800;
	s3 =	simm.s32 $0xA118;
	[sflag:s0] =	ssyncpa.u1 $0x0  }
0x135: {  	[tilespmem:s3], [sflag:$0x5] =	stream.linear.gather [spmem:s2], $0x20, $0x38;
	[tilespmem:$0x1EF78] =	vst v63  }
0x136: {  	s30 =	simm.s32 $0xA138;
	s2 =	simm.s32 $0x0  }
0x137: {  	[tilespmem:s30], [sflag:$0x5] =	stream.linear.gather [spmem:s2], $0x800, $0x38;
	[tilespmem:$0x1EF78] =	vst v63  }
.Ltmp23:
0x138: {  	_ = 	snop;
	(pc) =	sbr.rel .LBB2_30-.Ltmp23, $4  }
0x139: {  	_ =	swait.ge [sflag:s0], $0x820  }
0x13a: {  	[sflag:s0] =	ssyncset.done $0x0  }
0x13b: {  	s31 =	simm.s32 $0x6;
	[sflag:s0] =	ssyncadd.s32 $0xFFFFF7E0  }
0x13c: {  	s3 =	simm.s32 $0x0;
	[sflag:s31] =	ssyncpa.u1 $0x0  }
.LBB2_36:
0x13d: {  	p0 =	slt.u32 s4, $0xFF9  }
0x13e: {  	s0 =	sand.u32 @p0 $0xFF8, s4  }
0x13f: {  	s4 =	sand.u32 @p0 $0x7, s4;
	s5 =	simm.s32 @p0 $0xA0C8;
	s0 =	sadd.s32 @p0 s1, s0  }
0x140: {  	[tilespmem:s5], [sflag:$0x6] =	stream.linear.gather @p0 [hbm4b:s0+s4], $0x40, $0x38;
	[tilespmem:$0x1EF78] =	vst v63  }
0x141: {  	s0 =	simm.s32 @p0 $0x6  }
0x142: {  	_ =	swait.ge @p0 [sflag:s0], $0x40  }
0x143: {  	[sflag:s0] =	ssyncset.done @p0 $0x0  }
0x144: {  	[sflag:s0] =	ssyncadd.s32 @p0 $0xFFFFFFC0  }
0x145: {  	v1 =	vld @p0 [tilespmem:$0xA0C8];
	_ =	sdelay $0x2  }
0x146: {  	s0 =	sshll.u32 @p0 s3, $0x8  }
0x147: {  	s4 =	sshrl.u32 @p0 s0, $0x2  }
0x148: {  	[tilespmem:s4+$0xA138] =	vst.add.f32.msk @p0 $0xffff, v1  }
0x149: {  	v1 =	vld @p0 [tilespmem:$0xA0D8];
	_ =	sdelay $0x4  }
0x14a: {  	[tilespmem:s4+$0xA148] =	vst.add.f32.msk @p0 $0xffff, v1  }
0x14b: {  	v1 =	vld @p0 [tilespmem:$0xA0E8];
	_ =	sdelay $0x4  }
0x14c: {  	[tilespmem:s4+$0xA158] =	vst.add.f32.msk @p0 $0xffff, v1  }
0x14d: {  	v1 =	vld @p0 [tilespmem:$0xA0F8];
	_ =	sdelay $0x3  }
0x14e: {  	s5 =	sshll.u32 @!p0 s3, $0x8  }
0x14f: {  	s5 =	smov.u32 @p0 s0;
	[tilespmem:s4+$0xA168] =	vst.add.f32.msk @p0 $0xffff, v1  }
0x150: {  	s0 =	sshrl.u32 s5, $0x2;
	[tilespmem:s2+$0xA118] =	vst.msk $0x1, v0  }
0x151: {  	v0 =	vld [tilespmem:s0+$0xA138];
	_ =	sdelay $0x2  }
0x152: {  	s31 =	sshll.u32 s2, $0x8  }
0x153: {  	s4 =	sshra.s32 s31, $0x2  }
0x154: {  	[tilespmem:s4+$0xA138] =	vst v0  }
0x155: {  	v0 =	vld [tilespmem:s0+$0xA148];
	_ =	sdelay $0x4  }
0x156: {  	[tilespmem:s4+$0xA148] =	vst v0  }
0x157: {  	v0 =	vld [tilespmem:s0+$0xA158];
	_ =	sdelay $0x4  }
0x158: {  	[tilespmem:s4+$0xA158] =	vst v0  }
0x159: {  	v0 =	vld [tilespmem:s0+$0xA168];
	_ =	sdelay $0x4  }
0x15a: {  	s2 =	sadd.s32 $0x1, s2;
	[tilespmem:s4+$0xA168] =	vst v0  }
.LBB2_37:
0x15b: {  	s3 =	sadd.s32 $0x1, s3  }
0x15c: {  	p0 =	sne.s32 s3, $0x20  }
.Ltmp24:
0x15d: {  	_ = 	snop;
	(pc) =	sbr.rel @!p0 .LBB2_38-.Ltmp24, $1  }
0x15e: {  	_ =	sdelay $0x3  }
.LBB2_30:
0x15f: {  	v0 =	vld.msk [tilespmem:s3+$0xA118], $0x1;
	_ =	sdelay $0x4  }
0x160: {  	(v2sf) =	vpush v0, $0x0;
	_ =	sdelay $0xe  }
0x161: {  	s4 =	spop (v2sf)  }
0x162: {  	p0 =	seq.s32 s4, $0xFFFFFFFF  }
.Ltmp25:
0x163: {  	_ = 	snop;
	(pc) =	sbr.rel @p0 .LBB2_37-.Ltmp25, $1  }
0x164: {  	_ =	sdelay $0x3  }
0x165: {  	p0 =	slt.s32 s2, $0x1  }
.Ltmp26:
0x166: {  	_ = 	snop;
	(pc) =	sbr.rel @p0 .LBB2_36-.Ltmp26, $1  }
0x167: {  	_ =	sdelay $0x3  }
0x168: {  	s5 =	simm.s32 $0xA118;
	p0 =	por $0x0, $0x0  }
0x169: {  	v1 =	vld.msk @!p0 [tilespmem:s5+$0x0], $0x1;
	_ =	sdelay $0x4  }
0x16a: {  	(v2sf) =	vpush @!p0 v1, $0x0;
	_ =	sdelay $0xd  }
0x16b: {  	p2 =	sne.s32 s2, $0x1  }
.Ltmp27:
0x16c: {  	s0 =	spop @!p0 (v2sf);
	(pc) =	sbr.rel @!p2 .LBB2_34-.Ltmp27, $4  }
0x16d: {  	p1 =	seq.s32 @!p0 s4, s0  }
0x16e: {  	s6 =	simm.s32 $0x0;
	p1 =	por !p1, p0  }
0x16f: {  	s0 =	simm.s32 $0xFFFFFFFF;
	s6 =	simm.s32 @p1 $0xFFFFFFFF  }
0x170: {  	s7 =	simm.s32 $0x1;
	s6 =	smov.u32 @p0 s0  }
.LBB2_33:
0x171: {  	s0 =	smov.u32 s6;
	p0 =	sne.s32 s6, $0xFFFFFFFF  }
0x172: {  	s5 =	sadd.s32 $0x1, s5;
	s6 =	smov.u32 s7;
	s7 =	sadd.s32 $0x1, s7  }
0x173: {  	p1 =	sne.s32 s2, s7;
	v1 =	vld.msk @!p0 [tilespmem:s5+$0x0], $0x1;
	_ =	sdelay $0x4  }
0x174: {  	(v2sf) =	vpush @!p0 v1, $0x0;
	_ =	sdelay $0xe  }
.Ltmp28:
0x175: {  	s8 =	spop @!p0 (v2sf);
	(pc) =	sbr.rel @p1 .LBB2_33-.Ltmp28, $4  }
0x176: {  	p2 =	seq.s32 @!p0 s4, s8  }
0x177: {  	p2 =	por !p2, p0  }
0x178: {  	s6 =	simm.s32 @p2 $0xFFFFFFFF  }
0x179: {  	s6 =	smov.u32 @p0 s0  }
.LBB2_34:
0x17a: {  	p0 =	seq.s32 s6, $0xFFFFFFFF  }
.Ltmp29:
0x17b: {  	_ = 	snop;
	(pc) =	sbr.rel @p0 .LBB2_36-.Ltmp29, $1  }
0x17c: {  	_ =	sdelay $0x3  }
0x17d: {  	s0 =	sshll.u32 s3, $0x6  }
0x17e: {  	s0 =	sand.u32 $0x3FFFFFC0, s0  }
0x17f: {  	v0 =	vld [tilespmem:s0+$0xA138];
	_ =	sdelay $0x2  }
0x180: {  	s4 =	sshll.u32 s6, $0x8  }
0x181: {  	s4 =	sshra.s32 s4, $0x2  }
0x182: {  	[tilespmem:s4+$0xA138] =	vst.add.f32.msk $0xffff, v0  }
0x183: {  	v0 =	vld [tilespmem:s0+$0xA148];
	_ =	sdelay $0x4  }
0x184: {  	[tilespmem:s4+$0xA148] =	vst.add.f32.msk $0xffff, v0  }
0x185: {  	v0 =	vld [tilespmem:s0+$0xA158];
	_ =	sdelay $0x4  }
0x186: {  	[tilespmem:s4+$0xA158] =	vst.add.f32.msk $0xffff, v0  }
0x187: {  	v0 =	vld [tilespmem:s0+$0xA168]  }
.Ltmp30:
0x188: {  	_ = 	snop;
	(pc) =	sbr.rel .LBB2_37-.Ltmp30, $2  }
0x189: {  	_ =	sdelay $0x2  }
0x18a: {  	[tilespmem:s4+$0xA168] =	vst.add.f32.msk $0xffff, v0  }
.LBB2_38:
0x18b: {  	p0 =	slt.s32 s2, $0x1  }
.Ltmp31:
0x18c: {  	_ = 	snop;
	(pc) =	sbr.rel @p0 .LBB2_42-.Ltmp31, $3  }
0x18d: {  	_ =	sdelay $0x1  }
0x18e: {  	s0 =	simm.s32 $0x6  }
0x18f: {  	s3 =	simm.s32 $0x0;
	[sflag:s0] =	ssyncpa.u1 $0x1  }
0x190: {  	s0 =	simm.s32 $0xA118  }
0x191: {  	v0 =	vld.msk [tilespmem:s0+$0x0], $0x1;
	_ =	sdelay $0x4  }
0x192: {  	(v2sf) =	vpush v0, $0x0;
	_ =	sdelay $0xe  }
0x193: {  	s2 =	sadd.s32 $0xFFFFFFFF, s2;
	s0 =	spop (v2sf)  }
0x194: {  	p1 =	sne.s32 s2, $0x0;
	p0 =	sgt.u32 s0, $0xFF8  }
.Ltmp32:
0x195: {  	s5 =	sand.u32 @!p0 $0xFF8, s0;
	(pc) =	sbr.rel @!p1 .LBB2_41-.Ltmp32, $4  }
0x196: {  	s4 =	simm.s32 $0xA138;
	s0 =	sand.u32 @!p0 $0x7, s0;
	s5 =	sadd.s32 @!p0 s1, s5  }
0x197: {  	[hbm4b:s5+s0] =	stream.linear.scatter @!p0 [tilespmem:s4], [sflag:$0x5], $0x40, $0x38;
	[tilespmem:$0x1EF78] =	vst v63  }
0x198: {  	s0 =	simm.s32 $0x0  }
0x199: {  	s5 =	simm.s32 $0xA119;
	s0 =	simm.s32 @!p0 $0x100  }
.LBB2_40:
0x19a: {  	v0 =	vld.msk [tilespmem:s5+$0x0], $0x1;
	s2 =	sadd.s32 $0xFFFFFFFF, s2;
	s3 =	sadd.s32 s3, s0  }
0x19b: {  	p0 =	sne.s32 s2, $0x0;
	_ =	sdelay $0x3  }
0x19c: {  	(v2sf) =	vpush v0, $0x0;
	_ =	sdelay $0xe  }
.Ltmp33:
0x19d: {  	s6 =	spop (v2sf);
	(pc) =	sbr.rel @p0 .LBB2_40-.Ltmp33, $4  }
0x19e: {  	s0 =	simm.s32 $0x0;
	p1 =	sgt.u32 s6, $0xFF8  }
0x19f: {  	s4 =	sadd.s32 $0x40, s4;
	s0 =	simm.s32 @!p1 $0x100;
	s7 =	sand.u32 @!p1 $0xFF8, s6  }
0x1a0: {  	s5 =	sadd.s32 $0x1, s5;
	s6 =	sand.u32 @!p1 $0x7, s6;
	s7 =	sadd.s32 @!p1 s1, s7  }
0x1a1: {  	[hbm4b:s7+s6] =	stream.linear.scatter @!p1 [tilespmem:s4], [sflag:$0x5], $0x40, $0x38;
	[tilespmem:$0x1EF78] =	vst v63  }
.LBB2_41:
0x1a2: {  	s0 =	sadd.s32 s3, s0  }
0x1a3: {  	s3 =	sshrl.u32 s0, $0x2  }
.LBB2_42:
0x1a4: {  	s0 =	simm.s32 $0x5  }
0x1a5: {  	_ =	swait.ge [sflag:s0], s3  }
0x1a6: {  	s1 =	ssub.s32 $0x0, s3;
	[sflag:s0] =	ssyncset.done $0x0  }
0x1a7: {  	[sflag:s0] =	ssyncadd.s32 s1  }
0x1a8: {  	[sflag:s0] =	ssyncpa.u1 $0x1  }
0x1a9: {  	s30 =	simm.s32 $0x1;
	_ =	sfence  }
0x1aa: {  	[sflag:s30] =	ssyncpa.u1 $0x1  }
0x1ab: {  	_ =	strace $0x9000004D  }
0x1ac: {  	[bflag:$0x2] =	sbarrier.arrive $0xFFFF  }
0x1ad: {  	s31 =	rddreg [dreg:$0x1]  }
0x1ae: {  	s0 =	sadd.s32 $0x100000, s31  }
0x1af: {  	[sflag:s0] =	ssyncadd.tile.s32 $0x1;
	_ =	shalt  }
.Lfunc_end2:
_tile_overlayer_lowered:
.L_overlay_start_2:
0x1b0: {  	(tag) =	ssettag $0x2  }
0x1b1: {  	s0 =	rddreg [dreg:$0x0];
	s2 =	stileid.u32  }
0x1b2: {  	s1 =	rddreg [dreg:$0x1];
	p0 =	sne.s32 s2, $0x0  }
0x1b3: {  	s3 =	rddreg [dreg:$0x2];
	[bflag:$0x3] =	sbarrier.arrive $0xFFFF;
	s2 =	simm.s32 @!p0 $0x1C01  }
0x1b4: {  	[timem:s3], [sflag:s2] =	dma.local @!p0 [hbm:s0], s1  }
0x1b5: {  	s0 =	simm.s32 @!p0 $0x1  }
0x1b6: {  	_ =	swait.ge @!p0 [sflag:s0], s1  }
0x1b7: {  	s1 =	ssub.s32 @!p0 $0x0, s1;
	[sflag:s0] =	ssyncset.done @!p0 $0x0  }
0x1b8: {  	[sflag:s0] =	ssyncadd.s32 @!p0 s1  }
0x1b9: {  	[bflag:$0x3] =	sbarrier.arrive $0xFFFF  }
0x1ba: {  	_ =	shalt  }

// kernel: scatter_offload_async_start
scs
__scs_entry_jumppad:
0x0: {  	(pc) =	sbr.rel $0x88, $3  }
0x1: {  	(tag) =	ssettag $0x0;
	lr =	simm.s32 $0x1  }
0x2: {  	[smem:$0x3F82] =	sst lr;
	_ =	strace $0xD0000000  }
0x3: {  	_ = 	snop  }
0x4: {  	_ = 	snop  }
0x5: {  	_ = 	snop  }
0x6: {  	_ = 	snop  }
0x7: {  	_ = 	snop  }
__scs_overlays_trampoline_lowered:
0x8: {  	[smem:$0x3F91] =	sst s0  }
0x9: {  	[smem:$0x3F92] =	sst s1  }
0xa: {  	[smem:$0x3F93] =	sst s2  }
0xb: {  	[smem:$0x3F94] =	sst s3  }
0xc: {  	[smem:$0x3F95] =	sst s4  }
0xd: {  	[smem:$0x3F96] =	sst s5  }
0xe: {  	[smem:$0x3F97] =	sst s6  }
0xf: {  	[smem:$0x3F98] =	sst s7  }
0x10: {  	[smem:$0x3F99] =	sst s8  }
0x11: {  	[smem:$0x3F9A] =	sst s9;
	s0 =	simm.s32 @!p0 $0x0  }
0x12: {  	s1 =	sld [smem:$0x3F80];
	s0 =	simm.s32 @p0 $0x1  }
0x13: {  	[smem:$0x3F9B] =	sst s0;
	s0 =	simm.s32 @!p1 $0x0  }
0x14: {  	s2 =	sld [smem:$0x3F7F];
	s0 =	simm.s32 @p1 $0x1  }
0x15: {  	[smem:$0x3F9C] =	sst s0;
	s0 =	simm.s32 @!p2 $0x0  }
0x16: {  	s3 =	sld [smem:$0x3FDB];
	s0 =	simm.s32 @p2 $0x1  }
0x17: {  	s4 =	simm.s32 $0x1BF5;
	[smem:$0x3F9E] =	sst s0  }
0x18: {  	s0 =	sld [smem:$0x3F81];
	_ =	swait.ge [sflag:s4], $0x0  }
0x19: {  	s7 =	sld [smem:$0x3F82]  }
0x1a: {  	s8 =	sadd.s32 $0xFFFFE003, lr  }
0x1b: {  	s9 =	sadd.s32 $0xFFFFFEF7, lr;
	s5 =	simm.s32 $0xFFFFFFFF;
	p2 =	slt.u32 s8, $0xFFFFF086  }
0x1c: {  	p1 =	slt.u32 s9, $0xF7A;
	s5 =	simm.s32 @!p2 $0x0  }
0x1d: {  	s5 =	simm.s32 @p1 $0x1;
	p0 =	seq.s32 s7, s2  }
0x1e: {  	s7 =	smul.u32 @!p0 $0xF7A, s2;
	p2 =	seq.s32 @!p0 s5, $0x0  }
0x1f: {  	s9 =	smul.u32 $0xF7A, s1;
	s8 =	simm.s32 @!p0 $0x1BF5;
	p2 =	por !p2, p0  }
0x20: {  	[sflag:s8] =	ssyncset.s32 @!p0 $0xFFFFF086;
	s6 =	sadd.s32 @!p0 s3, s7;
	s7 =	simm.s32 @!p0 $0x108  }
0x21: {  	s3 =	sadd.s32 s3, s9;
	s6 =	sadd.s32 @!p0 $0x88, s6;
	s7 =	simm.s32 @p2 $0x1082  }
0x22: {  	[simem:s7], [sflag:s8] =	dma.local @!p0 [hbm:s6], $0xF7A  }
0x23: {  	s9 =	sor.u32 $0xD0000000, s2;
	s6 =	simm.s32 $0x108;
	_ =	swait.ge @!p0 [sflag:s8], $0x0  }
0x24: {  	s3 =	sadd.s32 $0x88, s3;
	s6 =	simm.s32 @!p1 $0x1082;
	[sflag:s4] =	ssyncset.s32 $0xFFFFF086  }
0x25: {  	[simem:s6], [sflag:s4] =	dma.local [hbm:s3], $0xF7A  }
0x26: {  	[smem:$0x3F82] =	sst s1;
	(tag) =	ssettag s2;
	_ =	strace s9  }
0x27: {  	s1 =	sld [smem:$0x3F92]  }
0x28: {  	s2 =	sld [smem:$0x3F93]  }
0x29: {  	s4 =	sld [smem:$0x3F95]  }
0x2a: {  	p0 =	seq.s32 s5, $0x0;
	s5 =	sld [smem:$0x3F96]  }
0x2b: {  	s6 =	sld [smem:$0x3F97]  }
0x2c: {  	s7 =	sld [smem:$0x3F98]  }
0x2d: {  	s3 =	simm.s32 $0x108;
	s8 =	sld [smem:$0x3F99]  }
0x2e: {  	s3 =	simm.s32 @!p0 $0x1082;
	s9 =	sld [smem:$0x3F9A]  }
0x2f: {  	lr =	sadd.s32 s0, s3;
	s0 =	sld [smem:$0x3F91]  }
0x30: {  	s3 =	sld [smem:$0x3F94]  }
0x31: {  	[smem:$0x3F9D] =	sst s10  }
0x32: {  	s10 =	sld [smem:$0x3F9B];
	_ =	sdelay $0x3  }
0x33: {  	p0 =	seq.s32 s10, $0x1;
	s10 =	sld [smem:$0x3F9D];
	_ =	sdelay $0x3  }
0x34: {  	[smem:$0x3F9D] =	sst s10  }
0x35: {  	s10 =	sld [smem:$0x3F9C];
	_ =	sdelay $0x3  }
0x36: {  	p1 =	seq.s32 s10, $0x1;
	s10 =	sld [smem:$0x3F9D];
	_ =	sdelay $0x3  }
0x37: {  	[smem:$0x3F9D] =	sst s10  }
0x38: {  	s10 =	sld [smem:$0x3F9E]  }
0x39: {  	_ = 	snop;
	(pc) =	sbr.ind lr, $3  }
0x3a: {  	_ = 	snop  }
0x3b: {  	_ = 	snop  }
0x3c: {  	p2 =	seq.s32 s10, $0x1;
	s10 =	sld [smem:$0x3F9D]  }
0x3d: {  	_ =	shalt  }
0x3e: {  	_ =	shalt  }
0x3f: {  	_ =	shalt  }
0x40: {  	_ =	shalt  }
0x41: {  	_ =	shalt  }
0x42: {  	_ =	shalt  }
0x43: {  	_ =	shalt  }
0x44: {  	_ =	shalt  }
0x45: {  	_ =	shalt  }
0x46: {  	_ =	shalt  }
0x47: {  	_ =	shalt  }
0x48: {  	_ =	shalt  }
0x49: {  	_ =	shalt  }
0x4a: {  	_ =	shalt  }
0x4b: {  	_ =	shalt  }
0x4c: {  	_ =	shalt  }
0x4d: {  	_ =	shalt  }
0x4e: {  	_ =	shalt  }
0x4f: {  	_ =	shalt  }
0x50: {  	_ =	shalt  }
0x51: {  	_ =	shalt  }
0x52: {  	_ =	shalt  }
0x53: {  	_ =	shalt  }
0x54: {  	_ =	shalt  }
0x55: {  	_ =	shalt  }
0x56: {  	_ =	shalt  }
0x57: {  	_ =	shalt  }
0x58: {  	_ =	shalt  }
0x59: {  	_ =	shalt  }
0x5a: {  	_ =	shalt  }
0x5b: {  	_ =	shalt  }
0x5c: {  	_ =	shalt  }
0x5d: {  	_ =	shalt  }
0x5e: {  	_ =	shalt  }
0x5f: {  	_ =	shalt  }
0x60: {  	_ =	shalt  }
0x61: {  	_ =	shalt  }
0x62: {  	_ =	shalt  }
0x63: {  	_ =	shalt  }
0x64: {  	_ =	shalt  }
0x65: {  	_ =	shalt  }
0x66: {  	_ =	shalt  }
0x67: {  	_ =	shalt  }
0x68: {  	_ =	shalt  }
0x69: {  	_ =	shalt  }
0x6a: {  	_ =	shalt  }
0x6b: {  	_ =	shalt  }
0x6c: {  	_ =	shalt  }
0x6d: {  	_ =	shalt  }
0x6e: {  	_ =	shalt  }
0x6f: {  	_ =	shalt  }
0x70: {  	_ =	shalt  }
0x71: {  	_ =	shalt  }
0x72: {  	_ =	shalt  }
0x73: {  	_ =	shalt  }
0x74: {  	_ =	shalt  }
0x75: {  	_ =	shalt  }
0x76: {  	_ =	shalt  }
0x77: {  	_ =	shalt  }
0x78: {  	_ =	shalt  }
0x79: {  	_ =	shalt  }
0x7a: {  	_ =	shalt  }
0x7b: {  	_ =	shalt  }
0x7c: {  	_ =	shalt  }
0x7d: {  	_ =	shalt  }
0x7e: {  	_ =	shalt  }
0x7f: {  	_ =	shalt  }
0x80: {  	_ =	shalt  }
0x81: {  	_ =	shalt  }
0x82: {  	_ =	shalt  }
0x83: {  	_ =	shalt  }
0x84: {  	_ =	shalt  }
0x85: {  	_ =	shalt  }
0x86: {  	_ =	shalt  }
0x87: {  	_ =	shalt  }
.Lfunc_end0:
.L_simem_size_0:
called_computation_lowered:
.L_overlay_start_0:
0x88: {  	s0 =	sld [smem:$0x3FD9]  }
0x89: {  	s1 =	sld [smem:$0x3FFE];
	_ =	sdelay $0x3  }
0x8a: {  	s0 =	sadd.s32 s1, s0  }
0x8b: {  	[smem:$0x3FA9] =	sst s0  }
0x8c: {  	_ = 	snop  }
0x8d: {  	s0 =	sld [smem:$0x3FD0];
	_ =	sdelay $0x2  }
0x8e: {  	s13 =	simm.s32 $0xB;
	s2 =	simm.s32 $0x10  }
0x8f: {  	[smem:s2], [sflag:s13] =	dma.local [hbm:s0], $0x1  }
0x90: {  	_ =	swait.eq [sflag:s13], $0x1  }
0x91: {  	[sflag:s13] =	ssyncset.done $0x0  }
0x92: {  	[sflag:s13] =	ssyncadd.s32 $0xFFFFFFFF  }
0x93: {  	s14 =	sld [smem:$0x10];
	(tm) =	ssettm $0x1  }
0x94: {  	s15 =	sld [smem:$0x3FFB];
	_ =	sdelay $0x3  }
0x95: {  	_ =	strace s15  }
0x96: {  	s1 =	sld [smem:$0x3FFC];
	_ =	sdelay $0x3  }
0x97: {  	_ =	strace s1  }
0x98: {  	s1 =	sld [smem:$0x3FFD];
	_ =	sdelay $0x3  }
0x99: {  	_ =	strace s1  }
0x9a: {  	_ =	strace $0x8FFFFFFF  }
0x9b: {  	s16 =	sld [smem:$0x3FDB];
	_ =	sdelay $0x1  }
0x9c: {  	s17 =	simm.s32 $_scs_section_size  }
0x9d: {  	s3 =	simm.s32 $_size__tile_overlayer_lowered;
	s4 =	simm.s32 $_tile_overlayer_lowered  }
0x9e: {  	s20 =	simm.s32 $0x1BFF;
	s19 =	sshll.u32 s4, $0x1;
	s1 =	sadd.s32 s17, s16  }
0x9f: {  	s5 =	simm.s32 $0x0;
	s18 =	sshll.u32 s3, $0x1;
	s3 =	sadd.s32 s19, s1  }
0xa0: {  	[timem:s5], [sflag:s20] =	dma.local [hbm:s3], s18  }
0xa1: {  	_ =	swait.ge [sflag:s20], s18  }
0xa2: {  	s2 =	ssub.s32 $0x0, s18;
	[sflag:s20] =	ssyncset.done $0x0  }
0xa3: {  	[sflag:s20] =	ssyncadd.s32 s2;
	_ =	sdelay $0x1  }
0xa4: {  	s21 =	simm.s32 $0x1B8B  }
0xa5: {  	_ =	swait.ge [sflag:s21], $0x1  }
0xa6: {  	[sflag:s21] =	ssyncset.done $0x0  }
0xa7: {  	s23 =	simm.s32 $0x1B8E;
	s22 =	sld [smem:$0x3FFE];
	[sflag:s21] =	ssyncadd.s32 $0xFFFFFFFF  }
0xa8: {  	s24 =	simm.s32 $execute0_lowered;
	[smem:$0x3FD2] =	sst s23  }
0xa9: {  	s3 =	sshll.u32 s24, $0x1;
	_ =	strace $0x80000049;
	[dreg:$0x1] =	wrdreg $0xFFFFFFFF  }
0xaa: {  	s25 =	simm.s32 $_size_execute0_lowered;
	s1 =	sadd.s32 s1, s3;
	[dreg:$0x0] =	wrdreg $0x0  }
0xab: {  	s3 =	sshll.u32 s25, $0x1;
	[dreg:$0x2] =	wrdreg s1  }
0xac: {  	[dreg:$0x3] =	wrdreg s3  }
0xad: {  	[dreg:$0x4] =	wrdreg $0xC0  }
0xae: {  	_ =	task [dreg:s5], $0x5FFFF  }
0xaf: {  	[dreg:$0x1] =	wrdreg $0xFFFFFFFF  }
0xb0: {  	[dreg:$0x0] =	wrdreg $0x60  }
0xb1: {  	[dreg:$0x2] =	wrdreg s14  }
0xb2: {  	[dreg:$0x3] =	wrdreg s22  }
0xb3: {  	[dreg:$0x4] =	wrdreg $0x9  }
0xb4: {  	_ =	task.clear_ibuf [dreg:s5], $0x5FFFF;
	_ =	strace $0x90000049  }
0xb5: {  	s26 =	simm.s32 $0x9;
	_ =	strace $0x8000004B  }
0xb6: {  	_ =	swait.ge [sflag:s26], $0x1  }
0xb7: {  	[sflag:s26] =	ssyncadd.s32 $0xFFFFFFFF  }
0xb8: {  	_ =	strace $0x9000004B  }
0xb9: {  	_ =	sfence  }
0xba: {  	s28 =	sld [smem:$0x0];
	_ =	sdelay $0x1  }
0xbb: {  	s29 =	srdreg.scid  }
0xbc: {  	s30 =	sshll.u32 s29, $0xD;
	s31 =	sshrl.u32 s29, $0x2  }
0xbd: {  	s2 =	sand.u32 $0x4000, s30;
	s1 =	sand.u32 $0x1, s29;
	s0 =	sadd.s32 s31, s28  }
0xbe: {  	s1 =	sor.u32 s2, s1;
	s0 =	sshll.u32 s0, $0x11  }
0xbf: {  	s0 =	sor.u32 s0, s1  }
0xc0: {  	s0 =	sadd.s32 $0x8F2B, s0  }
0xc1: {  	[sflag:s0] =	ssyncadd.remote.s32 $0x1  }
0xc2: {  	_ =	sfence.sel $0xFFFF  }
0xc3: {  	[dreg:$0x0] =	wrdreg $0xFFFFFFFF;
	(pc) =	sbr.abs _section_cstart, $3  }
0xc4: {  	[dreg:$0x1] =	wrdreg $0xFFFFFFFF  }
0xc5: {  	_ =	task.clear_ibuf [dreg:s5], $0x2FFFF;
	_ =	strace $0x9FFFFFFF  }
0xc6: {  	(tm) =	ssettm $0x7FFFFFFF  }
0xc7: {  	_ =	shalt  }
tec
execute0_lowered:
.L_overlay_start_1:
0x0: {  	(tag) =	ssettag $0x1  }
0x1: {  	s1 =	rddreg [dreg:$0x0];
	s6 =	stileid.u32  }
0x2: {  	s0 =	rddreg [dreg:$0x1];
	_ =	strace $0x8000004A;
	s2 =	smin.u32 s6, $0x9  }
0x3: {  	s9 =	simm.s32 $0x1;
	p0 =	slt.u32 s6, $0x9;
	s2 =	sadd.s32 s6, s2  }
0x4: {  	v1 =	vimm.s32 $0xFFFFFFFF;
	[sflag:s9] =	ssyncpa.u1 $0x0;
	s3 =	smul.u32 $0x7D0, s2;
	s2 =	simm.s32 $0xFA0  }
0x5: {  	[tilespmem:$0x10] =	vst v1;
	s2 =	simm.s32 @!p0 $0x7D0  }
0x6: {  	v0 =	vimm.f32 $0.0e+00;
	[tilespmem:$0x20] =	vst v1;
	s2 =	sadd.s32 s2, s3  }
0x7: {  	[tilespmem:$0x30] =	vst v0;
	s4 =	smin.u32 s2, $0xC350  }
0x8: {  	[tilespmem:$0x40] =	vst v0;
	s2 =	ssub.s32 s4, s3  }
0x9: {  	[tilespmem:$0x50] =	vst v0;
	p0 =	sgt.s32 s2, $0x0  }
0xa: {  	[tilespmem:$0x60] =	vst v1;
	s2 =	simm.s32 @!p0 $0x0  }
0xb: {  	s7 =	simm.s32 $0x2;
	s8 =	simm.s32 $0x8;
	[tilespmem:$0x70] =	vst v1;
	s5 =	sand.u32 $0xFFF0, s2  }
0xc: {  	s31 =	simm.s32 $0x9;
	s16 =	simm.s32 $0x0;
	[tilespmem:$0x80] =	vst v1;
	s5 =	sshrl.u32 s5, $0x4  }
0xd: {  	s17 =	simm.s32 $0xF0;
	s18 =	simm.s32 $0xFFFFFFFF;
	v1 =	vimm.s32 $0x0;
	[tilespmem:$0xB0] =	vst v0;
	s5 =	smul.u32 $0x1063, s5  }
0xe: {  	s19 =	simm.s32 $0xFFFFF160;
	s20 =	simm.s32 $0xFFFFFFFE;
	s21 =	simm.s32 $0xF;
	[tilespmem:$0x90] =	vst v1  }
0xf: {  	[tilespmem:$0xA0] =	vst v1;
	[sflag:s7] =	ssyncpa.u1 $0x0;
	s7 =	simm.s32 $0x7;
	s10 =	sshrl.u32 s5, $0x13  }
0x10: {  	s25 =	simm.s32 $0x0;
	[sflag:s7] =	ssyncpa.u1 $0x0;
	s11 =	smul.u32 $0x7D0, s10  }
0x11: {  	s24 =	simm.s32 $0x0;
	s14 =	sshllo.u32 s6, $0x1;
	[sflag:s8] =	ssyncpa.u1 $0x0  }
.Ltmp0:
0x12: {  	s23 =	smov.u32 s3;
	p0 =	sne.s32 s2, s11;
	(pc) =	sbr.rel .LBB2_1-.Ltmp0, $4  }
0x13: {  	s5 =	sadd.s32 $0x3A3C00, s0;
	s0 =	sadd.s32 $0x3A5600, s0;
	s9 =	simm.s32 @!p0 $0x0  }
0x14: {  	[sflag:s31] =	ssyncpa.u1 $0x0;
	[dreg:$0x3] =	wrdreg s0;
	s9 =	sadd.s32 s10, s9  }
0x15: {  	vm0 =	vmmov $0xffff;
	v2 =	vlaneseq.u32;
	p0 =	por $0x0, $0x0;
	s10 =	sshll.u32 s6, $0x1;
	s11 =	sadd.s32 $0x1, s9  }
0x16: {  	vm1 =	vmxor vm1, vm1;
	vm2 =	vmmov $0x1;
	vm3 =	vcmask $0x3F3C;
	s12 =	sadd.s32 $0x2, s9;
	s13 =	sor.u32 $0x81, s10;
	s15 =	sor.u32 $0x80, s10  }
.LBB2_9:
0x17: {  	p1 =	slt.u32 s24, $0x3  }
0x18: {  	s0 =	simm.s32 @!p1 $0x2  }
0x19: {  	_ =	swait.ge @!p1 [sflag:s0], $0x7D0  }
0x1a: {  	[sflag:s0] =	ssyncset.done @!p1 $0x0  }
0x1b: {  	[sflag:s0] =	ssyncadd.s32 @!p1 $0xFFFFF830;
	s0 =	simm.s32 @!p1 $0x9  }
0x1c: {  	_ =	swait.ge @!p1 [sflag:s0], $0x10  }
0x1d: {  	[sflag:s0] =	ssyncset.done @!p1 $0x0  }
0x1e: {  	[sflag:s0] =	ssyncadd.s32 @!p1 $0xFFFFFFF0;
	p1 =	sne.s32 s24, s12  }
.Ltmp1:
0x1f: {  	s2 =	sadd.s32 $0x7D0, s23;
	(pc) =	sbr.rel @!p1 .LBB2_10-.Ltmp1, $4  }
0x20: {  	s6 =	smov.u32 s3;
	s31 =	sadd.s32 $0x1, s24;
	s17 =	sadd.s32 $0x7D0, s17  }
0x21: {  	s18 =	sadd.s32 $0x1, s18;
	s25 =	smov.u32 s23;
	p2 =	slt.s32 s2, s4  }
0x22: {  	p0 =	por !p0, !p0;
	s19 =	sadd.s32 $0x7D0, s19;
	s6 =	smov.u32 @p2 s2  }
0x23: {  	s20 =	sadd.s32 $0x1, s20;
	s23 =	smov.u32 s6;
	s24 =	smov.u32 s31  }
.LBB2_1:
0x24: {  	p1 =	sge.u32 s24, s9  }
0x25: {  	s0 =	smulhi.u32 @!p1 $0xAAAAAAAB, s24;
	_ =	sdelay $0x1  }
0x26: {  	s0 =	sshrl.u32 @!p1 s0, $0x1  }
0x27: {  	s0 =	smul.u32 @!p1 $0x3, s0;
	_ =	sdelay $0x1  }
0x28: {  	s0 =	ssub.s32 @!p1 s24, s0  }
0x29: {  	s0 =	smul.u32 @!p1 $0x1F40, s0;
	_ =	sdelay $0x1  }
0x2a: {  	s2 =	sshrl.u32 @!p1 s23, $0x3;
	s0 =	sshrl.u32 @!p1 s0, $0x2  }
0x2b: {  	s22 =	sand.u32 @!p1 $0x7, s23;
	s2 =	sadd.s32 @!p1 s5, s2;
	s0 =	sadd.s32 @!p1 $0x100, s0  }
0x2c: {  	[tilespmem:s0], [sflag:$0x7] =	stream.linear.gather @!p1 [hbm4b:s2+s22], $0x7D0, $0x38;
	[tilespmem:$0x4770] =	vst v63  }
0x2d: {  	s0 =	sadd.s32 $0xFFFFFFFF, s24  }
0x2e: {  	p1 =	sge.u32 s0, s9  }
.Ltmp2:
0x2f: {  	_ = 	snop;
	(pc) =	sbr.rel @p1 .LBB2_5-.Ltmp2, $1  }
0x30: {  	_ =	sdelay $0x3  }
0x31: {  	s2 =	smulhi.u32 $0xAAAAAAAB, s0;
	_ =	sdelay $0x1  }
0x32: {  	s2 =	sshrl.u32 s2, $0x1  }
0x33: {  	s2 =	smul.u32 $0x3, s2;
	_ =	sdelay $0x1  }
0x34: {  	s2 =	ssub.s32 s0, s2  }
0x35: {  	s2 =	smul.u32 $0x1F40, s2  }
0x36: {  	_ =	swait.ge [sflag:s7], $0x7D0  }
0x37: {  	[sflag:s7] =	ssyncset.done $0x0;
	s2 =	sshrl.u32 s2, $0x2  }
0x38: {  	[sflag:s7] =	ssyncadd.s32 $0xFFFFF830;
	(ifvalue) =	ssetifvalue $0xFFFFFFFF;
	v3 =	vld.msk [tilespmem:s2+$0x100 ss:$0x1], $0xffff;
	_ =	sdelay $0x2  }
0x39: {  	s30 =	smulhi.u32 $0xAAAAAAAB, s18;
	p1 =	sne.s32 s24, $0x1  }
0x3a: {  	v4 =	vimm.s32 @!p1 $0x0  }
0x3b: {  	s2 =	sshrl.u32 s30, $0x1;
	v4 =	vperm.xlane @!p1 v3, v4  }
0x3c: {  	s22 =	sshll.u32 s24, $0x4;
	s2 =	smul.u32 $0xFFFFA240, s2;
	vm4 =	vlt.u32 v3, $0x100  }
0x3d: {  	s22 =	sand.u32 $0x10, s22;
	v3 =	vnsel vm4, $0xFFFFFFFE, v3;
	vm4 =	vlt.u32 @!p1 v4, $0x100  }
0x3e: {  	s2 =	sshra.s32 s2, $0x2;
	[tilespmem:s22+$0x60] =	vst v3;
	v3 =	vnsel @!p1 vm4, $0xFFFFFFFE, v4  }
0x3f: {  	s28 =	sadd.s32 s2, s17;
	[tilespmem:$0x80] =	vst @!p1 v3  }
0x40: {  	v3 =	vld.msk [tilespmem:s28+$0x0 ss:$0x1], $0xffff;
	_ =	sdelay $0x4  }
0x41: {  	(xrf1) =	vunique.msk.u32 $0xffff, v3;
	_ =	sdelay $0xd  }
0x42: {  	v4 =	vimm.s32 $0xFFFFFFFF;
	v5, _, _ =	vpop (xrf1)  }
0x43: {  	vm5 =	vne.s32 v3, v4;
	vm4 =	veq.s32 v5, v2  }
0x44: {  	vm6 =	vlt.u32 v3, $0x100;
	vm4 =	vmand vm5, vm4  }
0x45: {  	vm4 =	vmand vm6, vm4  }
0x46: {  	v4 =	vnsel vm4, $0xFFFFFFFF, v3  }
0x47: {  	s31 =	sand.u32 $0x1, s0  }
0x48: {  	s0 =	simm.s32 $0x7D0;
	p1 =	seq.s32 s31, $0x1  }
0x49: {  	s0 =	simm.s32 @!p1 $0x0  }
0x4a: {  	s26 =	sadd.s32 $0x2030, s0;
	(ifvalue) =	ssetifvalue $0xFFFFFFFF  }
0x4b: {  	v3 =	vperm.xlane v3, v1;
	[tilespmem:s26], [sflag:$0x8] =	stream.indirect_vreg.gather [hbm4b:s1+s16], $0x1, v4, vm0, $0x4038;
	v4 =	vnsel vm6, $0xFFFFFFFE, v4;
	[tilespmem:$0x4770] =	vst v63  }
0x4c: {  	s2 =	simm.s32 $0x0;
	s22 =	sadd.s32 $0xFFFFFFF0, s28;
	[tilespmem:s28+$0x0] =	vst v4  }
.LBB2_3:
0x4d: {  	v4 =	vld.msk [tilespmem:s22+$0x0 ss:$0x1], $0xffff;
	s2 =	sadd.s32 $0x10, s2;
	v5 =	vmov v3;
	s28 =	smov.u32 s22  }
0x4e: {  	p1 =	slt.u32 s2, $0x7C0;
	_ =	sdelay $0x4  }
0x4f: {  	v3 =	vperm.xlane v4, v1;
	(xrf1) =	vunique.msk.u32 $0xffff, v4;
	_ =	sdelay $0xd  }
0x50: {  	v6, _, _ =	vpop (xrf1)  }
0x51: {  	vm5 =	vne.s32 v4, v5;
	vm4 =	veq.s32 v6, v2  }
0x52: {  	vm6 =	vlt.u32 v4, $0x100;
	vm4 =	vmand vm5, vm4  }
0x53: {  	vm4 =	vmand vm6, vm4  }
0x54: {  	v4 =	vnsel vm4, $0xFFFFFFFF, v4  }
.Ltmp3:
0x55: {  	v5 =	vnsel vm6, $0xFFFFFFFE, v4;
	(pc) =	sbr.rel @p1 .LBB2_3-.Ltmp3, $3  }
0x56: {  	_ =	sdelay $0x1  }
0x57: {  	s22 =	sadd.s32 $0xFFFFFFF0, s22;
	s26 =	sadd.s32 $0xFFFFFFF0, s26;
	(ifvalue) =	ssetifvalue $0xFFFFFFFF  }
0x58: {  	[tilespmem:s26], [sflag:$0x8] =	stream.indirect_vreg.gather [hbm4b:s1+s16], $0x1, v4, vm0, $0x4038;
	[tilespmem:s28+$0x0] =	vst v5  }
0x59: {  	s2 =	sshrl.u32 s25, $0x3;
	s6 =	rddreg [dreg:$0x3]  }
0x5a: {  	s0 =	sadd.s32 $0x2810, s0;
	s2 =	sadd.s32 s6, s2  }
0x5b: {  	[tilespmem:s0], [sflag:$0x8] =	stream.linear.gather [hbm:s2], $0x7D0, $0x38;
	[tilespmem:$0x4770] =	vst v63  }
.LBB2_5:
0x5c: {  	p1 =	slt.u32 s24, $0x2  }
0x5d: {  	p2 =	sge.u32 @!p1 s24, s12  }
0x5e: {  	p1 =	por p1, p2  }
.Ltmp4:
0x5f: {  	_ = 	snop;
	(pc) =	sbr.rel @p1 .LBB2_9-.Ltmp4, $1  }
0x60: {  	_ =	sdelay $0x3  }
0x61: {  	s0 =	sadd.s32 $0xFFFFFFFE, s24  }
0x62: {  	s2 =	smulhi.u32 $0xAAAAAAAB, s0;
	_ =	sdelay $0x1  }
0x63: {  	s2 =	sshrl.u32 s2, $0x1  }
0x64: {  	s2 =	smul.u32 $0x3, s2;
	_ =	sdelay $0x1  }
0x65: {  	s0 =	ssub.s32 s0, s2  }
0x66: {  	_ =	swait.ge [sflag:s8], $0xFA0;
	s0 =	smul.u32 $0x7D0, s0  }
0x67: {  	p1 =	sne.s32 s24, s11;
	[sflag:s8] =	ssyncset.done $0x0  }
0x68: {  	[sflag:s8] =	ssyncadd.s32 $0xFFFFF060;
	s2 =	sadd.s32 @!p1 $0x8CF, s0  }
0x69: {  	[spmem:s13] =	stream.linear.scatter @!p1 [tilespmem:s2], [sflag:$0x1], $0x1, $0x38;
	[tilespmem:$0x4770] =	vst v63  }
0x6a: {  	s2 =	simm.s32 @!p1 $0x1  }
0x6b: {  	_ =	swait.ge @!p1 [sflag:s2], $0x1  }
0x6c: {  	s22 =	sshll.u32 s24, $0x4;
	[sflag:s2] =	ssyncset.done @!p1 $0x0  }
0x6d: {  	s25 =	sand.u32 $0x10, s22;
	[sflag:s2] =	ssyncadd.s32 @!p1 $0xFFFFFFFF  }
0x6e: {  	s2 =	sxor.u32 $0x10, s25;
	v4 =	vld [tilespmem:s25+$0x10]  }
0x6f: {  	v5 =	vld [tilespmem:s2+$0x60]  }
0x70: {  	v3 =	vld [tilespmem:$0x80];
	_ =	sdelay $0x2  }
0x71: {  	(v2sf) =	vpush v4, $0x0  }
0x72: {  	(v2sf) =	vpush v5, $0x0  }
0x73: {  	(v2sf) =	vpush v3, $0x0;
	_ =	sdelay $0xc  }
0x74: {  	s6 =	spop (v2sf)  }
0x75: {  	s28 =	spop (v2sf)  }
0x76: {  	s26 =	spop (v2sf)  }
0x77: {  	p2 =	seq.s32 s6, s28;
	p3 =	seq.s32 s26, s6  }
0x78: {  	p3 =	por p2, p3  }
0x79: {  	s6 =	sand.u32 $0x1, s24;
	v4 =	vpsel p3, $0xFFFFFFFF, v4  }
0x7a: {  	s28 =	smul.u32 $0x7D0, s6;
	[tilespmem:s25+$0x10] =	vst.msk $0x1, v4  }
0x7b: {  	v4 =	vld [tilespmem:$0x30]  }
0x7c: {  	v5 =	vld [tilespmem:s28+$0x2810]  }
0x7d: {  	v6 =	vld [tilespmem:s25+$0x40];
	_ =	sdelay $0x3  }
0x7e: {  	vm4 =	vmmov vm1;
	v5 =	vadd.f32 v5, v4  }
0x7f: {  	vm5 =	vmmov vm2;
	vm4 =	vmmov @p2 vm2;
	v4 =	vadd.f32 v6, v4  }
0x80: {  	s22 =	sshll.u32 s6, $0x4;
	vm5 =	vmmov @p3 vm1;
	[tilespmem:s28+$0x2810] =	vst.msk vm4, v5  }
0x81: {  	[tilespmem:s22+$0x4750] =	vst.msk vm5, v4  }
0x82: {  	v4 =	vld [tilespmem:s28+$0x2030];
	_ =	sdelay $0x3  }
0x83: {  	v5 =	vimm.f32 $0.0e+00  }
0x84: {  	v4 =	vshift.insert v4, v5, s21  }
0x85: {  	s29 =	sor.u32 $0x40, s2  }
0x86: {  	[tilespmem:s29+$0x0] =	vst.msk $0x1, v4  }
0x87: {  	[tilespmem:s28+$0x203F] =	vst.msk $0x1, v5  }
0x88: {  	v4 =	vld [tilespmem:s0+$0x8C0];
	_ =	sdelay $0x1  }
0x89: {  	s29 =	smulhi.u32 $0xAAAAAAAB, s20;
	s0 =	simm.s32 $0x1  }
0x8a: {  	s0 =	simm.s32 @!p0 $0x0  }
0x8b: {  	s29 =	sshrl.u32 s29, $0x1;
	s0 =	smul.u32 $0x1F40, s0  }
0x8c: {  	s29 =	smul.u32 $0xFFFFA240, s29;
	v4 =	vshift.insert v4, v1, s21  }
0x8d: {  	s0 =	sshrl.u32 s0, $0x2  }
0x8e: {  	s29 =	sshra.s32 s29, $0x2;
	s30 =	sadd.s32 $0x2810, s0;
	[tilespmem:s2+$0x10] =	vst.msk $0x1, v4  }
0x8f: {  	s6 =	sadd.s32 s29, s19;
	v6 =	vld [tilespmem:s30+$0x0]  }
0x90: {  	v7 =	vld [tilespmem:s6+$0x0];
	_ =	sdelay $0x3  }
0x91: {  	v5 =	vadd.f32 v6, v5  }
0x92: {  	vm4 =	vne.s32 v7, $0xFFFFFFFF  }
0x93: {  	(xrf2) =	vadd.seg.scan.f32 vm4, v5;
	_ =	sdelay $0x3  }
0x94: {  	s31 =	sadd.s32 $0x1870, s0;
	v5 =	vperm.xlane v4, v1  }
0x95: {  	v6 =	vld [tilespmem:s31+$0x0]  }
0x96: {  	vm5 =	veq.s32 v7, v3;
	vm6 =	veq.s32 v7, v5  }
0x97: {  	vm7 =	vgt.u32 v7, $0xFFFFFFFD;
	vm6 =	vmor vm6, vm5  }
0x98: {  	vm6 =	vmor vm6, vm7  }
0x99: {  	v9 =	vld [tilespmem:$0xA0];
	v7 =	vsel vm6, $0xFFFFFFFF, v7  }
0x9a: {  	v10 =	vld [tilespmem:$0x90];
	v6 =	vsel vm5, $0x0, v6;
	v8, _, _ =	vpop (xrf2)  }
0x9b: {  	v6 =	vadd.f32 v8, v6  }
0x9c: {  	s0 =	sadd.s32 $0x37B0, s0  }
0x9d: {  	vm4 =	vmand vm4, vm3;
	[tilespmem:s0+$0x0] =	vst v6;
	(ifvalue) =	ssetifvalue $0xFFFFFFFF  }
0x9e: {  	vm6 =	veq.s32 v9, $0x1;
	[hbm4b:s1+s16] =	stream.indirect_vreg.scatter [tilespmem:s0], [sflag:$0x2], $0x1, v7, vm0, $0x4038;
	v7 =	vsel vm4, $0x0, v8;
	[tilespmem:$0x4770] =	vst v63  }
0x9f: {  	s29 =	sadd.s32 $0x4750, s22;
	s22 =	sadd.s32 $0x10, s6;
	s2 =	simm.s32 $0x0;
	vm4 =	vmor vm6, vm5;
	v6 =	vsel vm5, v8, v10;
	v7 =	vshift.insert v7, v0, s21  }
.LBB2_7:
0xa0: {  	v8 =	vld [tilespmem:s22+$0x0];
	s30 =	sadd.s32 $0x10, s30  }
0xa1: {  	s31 =	sadd.s32 $0x10, s31;
	v9 =	vld [tilespmem:s30+$0x0]  }
0xa2: {  	s2 =	sadd.s32 $0x10, s2;
	v10 =	vld [tilespmem:s31+$0x0]  }
0xa3: {  	p2 =	slt.u32 s2, $0x7C0;
	_ =	sdelay $0x2  }
0xa4: {  	v7 =	vadd.f32 v9, v7  }
0xa5: {  	vm5 =	vne.s32 v8, $0xFFFFFFFF  }
0xa6: {  	vm6 =	vmand vm5, vm3;
	(xrf2) =	vadd.seg.scan.f32 vm5, v7;
	_ =	sdelay $0x5  }
0xa7: {  	vm7 =	veq.s32 v8, v5;
	vm5 =	veq.s32 v8, v3  }
0xa8: {  	vm8 =	vgt.u32 v8, $0xFFFFFFFD;
	vm4 =	vmor vm4, vm5;
	vm7 =	vmor vm7, vm5  }
0xa9: {  	vm7 =	vmor vm7, vm8  }
0xaa: {  	v8 =	vsel vm7, $0xFFFFFFFF, v8  }
.Ltmp5:
0xab: {  	v7 =	vsel vm5, $0x0, v10;
	v9, _, _ =	vpop (xrf2);
	(pc) =	sbr.rel @p2 .LBB2_7-.Ltmp5, $4  }
0xac: {  	v6 =	vsel vm5, v9, v6;
	v10 =	vadd.f32 v9, v7;
	v7 =	vsel vm6, $0x0, v9  }
0xad: {  	s0 =	sadd.s32 $0x10, s0;
	v7 =	vshift.insert v7, v0, s21  }
0xae: {  	s22 =	sadd.s32 $0x10, s22;
	[tilespmem:s0+$0x0] =	vst v10;
	(ifvalue) =	ssetifvalue $0xFFFFFFFF  }
0xaf: {  	[hbm4b:s1+s16] =	stream.indirect_vreg.scatter [tilespmem:s0], [sflag:$0x2], $0x1, v8, vm0, $0x4038;
	[tilespmem:$0x4770] =	vst v63  }
0xb0: {  	v3 =	vld [tilespmem:s28+$0x3F70];
	_ =	sdelay $0x4  }
0xb1: {  	v3 =	vshift.insert v3, v0, s21  }
0xb2: {  	s0 =	simm.s32 $0x30  }
0xb3: {  	[tilespmem:s0+$0x0] =	vst.msk $0x1, v3  }
0xb4: {  	v3 =	vsel vm4, $0x1, v1;
	[tilespmem:$0x90] =	vst v6  }
0xb5: {  	s0 =	sadd.s32 @!p1 $0x3F7F, s28;
	[tilespmem:$0xA0] =	vst v3  }
0xb6: {  	[spmem:s14] =	stream.linear.scatter @!p1 [tilespmem:s0], [sflag:$0x1], $0x1, $0x38;
	[tilespmem:$0x4770] =	vst v63  }
0xb7: {  	s0 =	simm.s32 @!p1 $0x1  }
0xb8: {  	v3 =	vmctz.xlane @!p1 vm4;
	_ =	swait.ge @!p1 [sflag:s0], $0x1  }
0xb9: {  	(v2sf) =	vpush @!p1 v4, $0x0  }
0xba: {  	(v2sf) =	vpush @!p1 v3, $0x0;
	_ =	sdelay $0xd  }
0xbb: {  	s2 =	spop @!p1 (v2sf)  }
0xbc: {  	s6 =	spop @!p1 (v2sf)  }
0xbd: {  	p2 =	sne.s32 @!p1 s26, s2;
	p3 =	slt.s32 @!p1 s6, $0xF  }
0xbe: {  	[sflag:s0] =	ssyncset.done @!p1 $0x0;
	p2 =	por p2, p1;
	p3 =	por !p3, p1  }
0xbf: {  	[sflag:s0] =	ssyncadd.s32 @!p1 $0xFFFFFFFF;
	v3 =	vimm.s32 @!p2 $0xFFFFFFFF;
	s6 =	simm.s32 @p3 $0xF  }
0xc0: {  	[tilespmem:$0x80] =	vst @!p2 v3;
	s2 =	sadd.s32 @!p1 $0x90, s6  }
0xc1: {  	[spmem:s10] =	stream.linear.scatter @!p1 [tilespmem:s2], [sflag:$0x1], $0x1, $0x38;
	[tilespmem:$0x4770] =	vst v63  }
0xc2: {  	_ =	swait.ge @!p1 [sflag:s0], $0x1  }
0xc3: {  	[sflag:s0] =	ssyncset.done @!p1 $0x0  }
0xc4: {  	s2 =	simm.s32 @!p1 $0x80;
	[sflag:s0] =	ssyncadd.s32 @!p1 $0xFFFFFFFF  }
0xc5: {  	[spmem:s15] =	stream.linear.scatter @!p1 [tilespmem:s2], [sflag:$0x1], $0x1, $0x38;
	[tilespmem:$0x4770] =	vst v63  }
0xc6: {  	_ =	swait.ge @!p1 [sflag:s0], $0x1  }
0xc7: {  	[sflag:s0] =	ssyncset.done @!p1 $0x0  }
0xc8: {  	[sflag:s0] =	ssyncadd.s32 @!p1 $0xFFFFFFFF;
	(ifvalue) =	ssetifvalue $0xFFFFFFFF;
	v3 =	vld [tilespmem:s25+$0x10];
	_ =	sdelay $0x3  }
.Ltmp6:
0xc9: {  	_ = 	snop;
	(pc) =	sbr.rel .LBB2_9-.Ltmp6, $3  }
0xca: {  	_ =	sdelay $0x1  }
0xcb: {  	(ifvalue) =	ssetifvalue $0xFFFFFFFF  }
0xcc: {  	[hbm4b:s1+s16] =	stream.indirect_vreg.scatter [tilespmem:s29], [sflag:$0x9], $0x1, v3, vm0, $0x4038;
	[tilespmem:$0x4770] =	vst v63  }
.LBB2_10:
0xcd: {  	_ =	sfence.sel $0x180000  }
0xce: {  	s0 =	simm.s32 $0x7;
	[bflag:$0x0] =	sbarrier.arrive $0xFFFF  }
0xcf: {  	s26 =	simm.s32 $0x8;
	[sflag:s0] =	ssyncpa.u1 $0x1  }
0xd0: {  	s28 =	simm.s32 $0x9;
	[sflag:s26] =	ssyncpa.u1 $0x1  }
0xd1: {  	[sflag:s28] =	ssyncpa.u1 $0x1  }
0xd2: {  	_ =	sfence.stream.spmem  }
0xd3: {  	s29 =	simm.s32 $0x3;
	[bflag:$0x0] =	sbarrier.arrive $0xFFFF  }
0xd4: {  	s30 =	simm.s32 $0x4;
	[sflag:s29] =	ssyncpa.u1 $0x1  }
0xd5: {  	s31 =	simm.s32 $0x3C;
	s2 =	stileid.u32;
	[sflag:s30] =	ssyncpa.u1 $0x1  }
0xd6: {  	p0 =	sne.s32 s2, $0x0;
	[sflag:s31] =	ssyncpa.u1 $0x1  }
0xd7: {  	s0 =	simm.s32 @p0 $0x1;
	_ =	sfence @p0  }
0xd8: {  	[sflag:s0] =	ssyncpa.u1 @p0 $0x1;
	s0 =	simm.s32 @p0 $0x2  }
0xd9: {  	[sflag:s0] =	ssyncpa.u1 @p0 $0x1  }
0xda: {  	_ =	strace @p0 $0x9000004A  }
0xdb: {  	[bflag:$0x2] =	sbarrier.arrive @p0 $0xFFFF  }
0xdc: {  	_ =	shalt @p0  }
.LBB2_11:
0xdd: {  	_ =	sfence.stream.spmem;
	s0 =	simm.s32 $0x5  }
0xde: {  	s2 =	simm.s32 $0x80;
	s3 =	simm.s32 $0xC0;
	[sflag:s0] =	ssyncpa.u1 $0x0  }
0xdf: {  	[tilespmem:s3], [sflag:$0x5] =	stream.linear.gather [spmem:s2], $0x20, $0x38;
	[tilespmem:$0x4770] =	vst v63  }
0xe0: {  	s2 =	simm.s32 $0x0;
	s3 =	simm.s32 $0xE0  }
0xe1: {  	[tilespmem:s3], [sflag:$0x5] =	stream.linear.gather [spmem:s2], $0x20, $0x38;
	[tilespmem:$0x4770] =	vst v63  }
.Ltmp7:
0xe2: {  	_ = 	snop;
	(pc) =	sbr.rel .LBB2_12-.Ltmp7, $4  }
0xe3: {  	_ =	swait.ge [sflag:s0], $0x40  }
0xe4: {  	[sflag:s0] =	ssyncset.done $0x0  }
0xe5: {  	s31 =	simm.s32 $0x6;
	[sflag:s0] =	ssyncadd.s32 $0xFFFFFFC0  }
0xe6: {  	s4 =	simm.s32 $0x0;
	[sflag:s31] =	ssyncpa.u1 $0x0  }
.LBB2_17:
0xe7: {  	p0 =	sgt.u32 s5, $0xFF  }
0xe8: {  	s0 =	sshrl.u32 @!p0 s5, $0x3  }
0xe9: {  	s5 =	sand.u32 @!p0 $0x7, s5;
	s6 =	simm.s32 @!p0 $0xB0;
	s0 =	sadd.s32 @!p0 s1, s0  }
0xea: {  	[tilespmem:s6], [sflag:$0x6] =	stream.linear.gather @!p0 [hbm4b:s0+s5], $0x1, $0x38;
	[tilespmem:$0x4770] =	vst v63  }
0xeb: {  	s0 =	simm.s32 @!p0 $0x6  }
0xec: {  	_ =	swait.ge @!p0 [sflag:s0], $0x1  }
0xed: {  	[sflag:s0] =	ssyncset.done @!p0 $0x0  }
0xee: {  	[sflag:s0] =	ssyncadd.s32 @!p0 $0xFFFFFFFF  }
0xef: {  	v2 =	vmov @!p0 s4;
	v1 =	vld.msk @!p0 [tilespmem:$0xB0], $0x1;
	_ =	sdelay $0x3  }
0xf0: {  	s0 =	simm.s32 @!p0 $0xE0  }
0xf1: {  	[tilespmem:v2+s0+$0x0], v1 =	vst.idx.ret.add.f32.msk @!p0 $0x1, v1  }
0xf2: {  	[tilespmem:s2+$0xC0] =	vst.msk $0x1, v0  }
0xf3: {  	v0 =	vld.msk [tilespmem:s4+$0xE0], $0x1;
	_ =	sdelay $0x4  }
0xf4: {  	[tilespmem:s2+$0xE0] =	vst.msk $0x1, v0;
	s2 =	sadd.s32 $0x1, s2  }
.LBB2_19:
0xf5: {  	s4 =	sadd.s32 $0x1, s4  }
0xf6: {  	p0 =	sne.s32 s4, $0x20  }
.Ltmp8:
0xf7: {  	_ = 	snop;
	(pc) =	sbr.rel @!p0 .LBB2_20-.Ltmp8, $1  }
0xf8: {  	_ =	sdelay $0x3  }
.LBB2_12:
0xf9: {  	v0 =	vld.msk [tilespmem:s4+$0xC0], $0x1;
	_ =	sdelay $0x4  }
0xfa: {  	(v2sf) =	vpush v0, $0x0;
	_ =	sdelay $0xe  }
0xfb: {  	s5 =	spop (v2sf)  }
0xfc: {  	p0 =	seq.s32 s5, $0xFFFFFFFF  }
.Ltmp9:
0xfd: {  	_ = 	snop;
	(pc) =	sbr.rel @p0 .LBB2_19-.Ltmp9, $1  }
0xfe: {  	_ =	sdelay $0x3  }
0xff: {  	p0 =	slt.s32 s2, $0x1  }
.Ltmp10:
0x100: {  	_ = 	snop;
	(pc) =	sbr.rel @p0 .LBB2_17-.Ltmp10, $1  }
0x101: {  	_ =	sdelay $0x3  }
0x102: {  	s0 =	simm.s32 $0xC0;
	p0 =	por $0x0, $0x0  }
0x103: {  	v1 =	vld.msk @!p0 [tilespmem:s0+$0x0], $0x1;
	_ =	sdelay $0x4  }
0x104: {  	(v2sf) =	vpush @!p0 v1, $0x0;
	_ =	sdelay $0xd  }
0x105: {  	p2 =	sne.s32 s2, $0x1  }
.Ltmp11:
0x106: {  	s6 =	spop @!p0 (v2sf);
	(pc) =	sbr.rel @!p2 .LBB2_16-.Ltmp11, $4  }
0x107: {  	p1 =	seq.s32 @!p0 s5, s6  }
0x108: {  	s6 =	simm.s32 $0x0;
	p1 =	por !p1, p0  }
0x109: {  	s8 =	simm.s32 $0xFFFFFFFF;
	s6 =	simm.s32 @p1 $0xFFFFFFFF  }
0x10a: {  	s7 =	simm.s32 $0x1;
	s6 =	smov.u32 @p0 s8  }
.LBB2_15:
0x10b: {  	s8 =	smov.u32 s6;
	p0 =	sne.s32 s6, $0xFFFFFFFF  }
0x10c: {  	s0 =	sadd.s32 $0x1, s0;
	s6 =	smov.u32 s7;
	s7 =	sadd.s32 $0x1, s7  }
0x10d: {  	p1 =	sne.s32 s2, s7;
	v1 =	vld.msk @!p0 [tilespmem:s0+$0x0], $0x1;
	_ =	sdelay $0x4  }
0x10e: {  	(v2sf) =	vpush @!p0 v1, $0x0;
	_ =	sdelay $0xe  }
.Ltmp12:
0x10f: {  	s9 =	spop @!p0 (v2sf);
	(pc) =	sbr.rel @p1 .LBB2_15-.Ltmp12, $4  }
0x110: {  	p2 =	seq.s32 @!p0 s5, s9  }
0x111: {  	p2 =	por !p2, p0  }
0x112: {  	s6 =	simm.s32 @p2 $0xFFFFFFFF  }
0x113: {  	s6 =	smov.u32 @p0 s8  }
.LBB2_16:
0x114: {  	p0 =	sne.s32 s6, $0xFFFFFFFF  }
.Ltmp13:
0x115: {  	_ = 	snop;
	(pc) =	sbr.rel @!p0 .LBB2_17-.Ltmp13, $1  }
0x116: {  	_ =	sdelay $0x3  }
0x117: {  	v0 =	vld.msk [tilespmem:s4+$0xE0], $0x1;
	v1 =	vmov s6  }
.Ltmp14:
0x118: {  	_ = 	snop;
	(pc) =	sbr.rel .LBB2_19-.Ltmp14, $2  }
0x119: {  	_ =	sdelay $0x2  }
0x11a: {  	[tilespmem:v1+s3+$0x0], v0 =	vst.idx.ret.add.f32.msk $0x1, v0  }
.LBB2_20:
0x11b: {  	p0 =	slt.s32 s2, $0x1  }
.Ltmp15:
0x11c: {  	_ = 	snop;
	(pc) =	sbr.rel @p0 .LBB2_24-.Ltmp15, $3  }
0x11d: {  	_ =	sdelay $0x1  }
0x11e: {  	s0 =	simm.s32 $0x6  }
0x11f: {  	s3 =	simm.s32 $0x0;
	[sflag:s0] =	ssyncpa.u1 $0x1  }
0x120: {  	s0 =	simm.s32 $0xC0  }
0x121: {  	v0 =	vld.msk [tilespmem:s0+$0x0], $0x1;
	_ =	sdelay $0x4  }
0x122: {  	(v2sf) =	vpush v0, $0x0;
	_ =	sdelay $0xe  }
0x123: {  	s2 =	sadd.s32 $0xFFFFFFFF, s2;
	s4 =	spop (v2sf)  }
0x124: {  	p1 =	sne.s32 s2, $0x0;
	p0 =	sgt.u32 s4, $0xFF  }
.Ltmp16:
0x125: {  	s5 =	sshrl.u32 @!p0 s4, $0x3;
	(pc) =	sbr.rel @!p1 .LBB2_23-.Ltmp16, $4  }
0x126: {  	s0 =	simm.s32 $0xE0;
	s4 =	sand.u32 @!p0 $0x7, s4;
	s5 =	sadd.s32 @!p0 s1, s5  }
0x127: {  	[hbm4b:s5+s4] =	stream.linear.scatter @!p0 [tilespmem:s0], [sflag:$0x5], $0x1, $0x38;
	[tilespmem:$0x4770] =	vst v63  }
0x128: {  	s5 =	simm.s32 $0x0  }
0x129: {  	s4 =	simm.s32 $0xC1;
	s5 =	simm.s32 @!p0 $0x4  }
.LBB2_22:
0x12a: {  	v0 =	vld.msk [tilespmem:s4+$0x0], $0x1;
	s2 =	sadd.s32 $0xFFFFFFFF, s2;
	s3 =	sadd.s32 s3, s5  }
0x12b: {  	p0 =	sne.s32 s2, $0x0;
	_ =	sdelay $0x3  }
0x12c: {  	(v2sf) =	vpush v0, $0x0;
	_ =	sdelay $0xe  }
.Ltmp17:
0x12d: {  	s6 =	spop (v2sf);
	(pc) =	sbr.rel @p0 .LBB2_22-.Ltmp17, $4  }
0x12e: {  	s5 =	simm.s32 $0x0;
	p1 =	sgt.u32 s6, $0xFF  }
0x12f: {  	s0 =	sadd.s32 $0x1, s0;
	s5 =	simm.s32 @!p1 $0x4;
	s7 =	sshrl.u32 @!p1 s6, $0x3  }
0x130: {  	s4 =	sadd.s32 $0x1, s4;
	s6 =	sand.u32 @!p1 $0x7, s6;
	s7 =	sadd.s32 @!p1 s1, s7  }
0x131: {  	[hbm4b:s7+s6] =	stream.linear.scatter @!p1 [tilespmem:s0], [sflag:$0x5], $0x1, $0x38;
	[tilespmem:$0x4770] =	vst v63  }
.LBB2_23:
0x132: {  	s0 =	sadd.s32 s3, s5  }
0x133: {  	s3 =	sshrl.u32 s0, $0x2  }
.LBB2_24:
0x134: {  	s0 =	simm.s32 $0x5  }
0x135: {  	_ =	swait.ge [sflag:s0], s3  }
0x136: {  	s1 =	ssub.s32 $0x0, s3;
	[sflag:s0] =	ssyncset.done $0x0  }
0x137: {  	[sflag:s0] =	ssyncadd.s32 s1  }
0x138: {  	[sflag:s0] =	ssyncpa.u1 $0x1  }
0x139: {  	s29 =	simm.s32 $0x1;
	_ =	sfence  }
0x13a: {  	s30 =	simm.s32 $0x2;
	[sflag:s29] =	ssyncpa.u1 $0x1  }
0x13b: {  	[sflag:s30] =	ssyncpa.u1 $0x1  }
0x13c: {  	_ =	strace $0x9000004A  }
0x13d: {  	[bflag:$0x2] =	sbarrier.arrive $0xFFFF  }
0x13e: {  	s31 =	rddreg [dreg:$0x2]  }
0x13f: {  	s0 =	sadd.s32 $0x100000, s31  }
0x140: {  	[sflag:s0] =	ssyncadd.tile.s32 $0x1;
	_ =	shalt  }
.Lfunc_end2:
_tile_overlayer_lowered:
.L_overlay_start_2:
0x141: {  	(tag) =	ssettag $0x2  }
0x142: {  	s0 =	rddreg [dreg:$0x0];
	s2 =	stileid.u32  }
0x143: {  	s1 =	rddreg [dreg:$0x1];
	p0 =	sne.s32 s2, $0x0  }
0x144: {  	s3 =	rddreg [dreg:$0x2];
	[bflag:$0x3] =	sbarrier.arrive $0xFFFF;
	s2 =	simm.s32 @!p0 $0x1C01  }
0x145: {  	[timem:s3], [sflag:s2] =	dma.local @!p0 [hbm:s0], s1  }
0x146: {  	s0 =	simm.s32 @!p0 $0x1  }
0x147: {  	_ =	swait.ge @!p0 [sflag:s0], s1  }
0x148: {  	s1 =	ssub.s32 @!p0 $0x0, s1;
	[sflag:s0] =	ssyncset.done @!p0 $0x0  }
0x149: {  	[sflag:s0] =	ssyncadd.s32 @!p0 s1  }
0x14a: {  	[bflag:$0x3] =	sbarrier.arrive $0xFFFF  }
0x14b: {  	_ =	shalt  }

</sc_bundles>
